<compile_context>
chip_gen: v7x
topology: tpu7x:2x2x1
jax: 0.10.2.dev20260603
libtpu: 0.0.44.dev20260713+nightly
codegen_flags: <defaults>
</compile_context>

<pallas_src>
import functools

import jax
import jax.numpy as jnp
from jax import lax
from jax.experimental import pallas as pl
from jax.experimental.pallas import tpu as pltpu
from jax.experimental.pallas import tpu_sc as plsc



def _sc_gather(table, idx):
    V, D = table.shape
    Btot = idx.shape[0]
    info = plsc.get_sparse_core_info()
    NC_, NS, L = info.num_cores, info.num_subcores, info.num_lanes
    NW = NC_ * NS
    assert D % L == 0 and Btot % (8 * NW) == 0
    b_per_w = Btot // NW
    CH = 256
    while b_per_w % CH != 0:
        CH //= 2
    n_chunks = b_per_w // CH
    mesh = plsc.VectorSubcoreMesh(core_axis_name="c", subcore_axis_name="s")

    @functools.partial(
        pl.kernel, mesh=mesh,
        compiler_params=pltpu.CompilerParams(use_tc_tiling_on_sc=False),
        out_type=jax.ShapeDtypeStruct((Btot, D), table.dtype),
        scratch_types=[
            pltpu.VMEM((b_per_w,), jnp.int32),
            pltpu.VMEM((CH, D), table.dtype),
            pltpu.VMEM((CH, D), table.dtype),
            pltpu.SemaphoreType.DMA,
            pltpu.SemaphoreType.DMA,
            pltpu.SemaphoreType.DMA,
            pltpu.SemaphoreType.DMA,
        ],
    )
    def k(table_hbm, idx_hbm, out_hbm, idx_v, buf0, buf1, sg0, sg1, sw0, sw1):
        wid = lax.axis_index("s") * NC_ + lax.axis_index("c")
        base = wid * b_per_w
        pltpu.sync_copy(idx_hbm.at[pl.ds(base, b_per_w)], idx_v)
        bufs = (buf0, buf1)
        gsems = (sg0, sg1)
        wsems = (sw0, sw1)

        def gather_start(g, slot):
            pltpu.async_copy(
                table_hbm.at[idx_v.at[pl.ds(g * CH, CH)]], bufs[slot], gsems[slot])

        def write_start(g, slot):
            pltpu.async_copy(
                bufs[slot], out_hbm.at[pl.ds(base + g * CH, CH)], wsems[slot])

        gather_start(0, 0)

        def body(i, carry):
            for b in (0, 1):
                g = 2 * i + b
                nslot = 1 - b
                pltpu.make_async_copy(
                    table_hbm.at[idx_v.at[pl.ds(g * CH, CH)]], bufs[b], gsems[b]
                ).wait()

                @pl.when(g + 1 < n_chunks)
                def _():
                    @pl.when(g >= 1)
                    def _():
                        pltpu.make_async_copy(
                            bufs[nslot],
                            out_hbm.at[pl.ds(base + (g - 1) * CH, CH)],
                            wsems[nslot],
                        ).wait()
                    gather_start(g + 1, nslot)

                write_start(g, b)
            return carry

        lax.fori_loop(0, n_chunks // 2, body, 0)
        pltpu.make_async_copy(
            bufs[(n_chunks - 1) % 2],
            out_hbm.at[pl.ds(base + (n_chunks - 1) * CH, CH)],
            wsems[(n_chunks - 1) % 2],
        ).wait()

        @pl.when(n_chunks >= 2)
        def _():
            pltpu.make_async_copy(
                bufs[(n_chunks - 2) % 2],
                out_hbm.at[pl.ds(base + (n_chunks - 2) * CH, CH)],
                wsems[(n_chunks - 2) % 2],
            ).wait()

    return k(table, idx)



def _prep_body(inp_ref, pts_ref, ind_ref, tab_ref, idx_ref, *, n, kk):
    r = inp_ref.shape[0]
    tab_ref[...] = jnp.concatenate(
        [inp_ref[...], pts_ref[...],
         jnp.zeros((r, 128 - inp_ref.shape[1] - pts_ref.shape[1]),
                   jnp.float32)], axis=1)
    gi = pl.program_id(0)
    ir = ind_ref.shape[0]
    e = ((gi * ir + lax.broadcasted_iota(jnp.int32, (ir, 128), 0)) * 128
         + lax.broadcasted_iota(jnp.int32, (ir, 128), 1))
    idx_ref[...] = ind_ref[...] + (e // (n * kk)) * n


def _prep(inp_flat, pts_flat, ind2, n, kk):
    R = inp_flat.shape[0]
    steps = 8
    rb = R // steps
    ib = ind2.shape[0] // steps
    body = functools.partial(_prep_body, n=n, kk=kk)
    return pl.pallas_call(
        body,
        grid=(steps,),
        in_specs=[
            pl.BlockSpec((rb, inp_flat.shape[1]), lambda i: (i, 0)),
            pl.BlockSpec((rb, pts_flat.shape[1]), lambda i: (i, 0)),
            pl.BlockSpec((ib, 128), lambda i: (i, 0)),
        ],
        out_specs=[
            pl.BlockSpec((rb, 128), lambda i: (i, 0)),
            pl.BlockSpec((ib, 128), lambda i: (i, 0)),
        ],
        out_shape=[
            jax.ShapeDtypeStruct((R, 128), jnp.float32),
            jax.ShapeDtypeStruct((ind2.shape[0], 128), jnp.int32),
        ],
    )(inp_flat, pts_flat, ind2)



def _tc_body(g_ref, next_ref, a1_ref, c1_ref, w2_ref, b2_ref, w3_ref, b3_ref,
             wf_ref, bias_ref, rep_ref, out_ref, v_ref, *, mt, kk, c_in):
    G = g_ref[...]
    feat = G[:, :c_in]
    ptsp = G[:, c_in:c_in + 16]

    a1 = a1_ref[...]
    r = jnp.dot(next_ref[...].astype(jnp.bfloat16), a1,
                preferred_element_type=jnp.float32)
    h1 = jnp.dot(ptsp.astype(jnp.bfloat16), a1,
                 preferred_element_type=jnp.float32)
    h1 = h1.reshape(mt, kk, 32) - r[:, None, :] + c1_ref[...][None, None, :]
    h1 = jnp.maximum(h1.reshape(mt * kk, 32), 0.0)
    h2 = jnp.maximum(
        jnp.dot(h1, w2_ref[...], preferred_element_type=jnp.float32)
        + b2_ref[...][None, :], 0.0)
    d = jnp.maximum(
        jnp.dot(h2, w3_ref[...], preferred_element_type=jnp.float32)
        + b3_ref[...][None, :], 0.0)

    PG = 16
    rows = mt * kk
    bd_w = PG * 16
    dt = jnp.dot(d.astype(jnp.bfloat16), rep_ref[...],
                 preferred_element_type=jnp.float32)
    ri = lax.broadcasted_iota(jnp.int32, (rows, bd_w), 0)
    li = lax.broadcasted_iota(jnp.int32, (rows, bd_w), 1)
    msk = (li % PG) == ((ri // kk) % PG)
    dbd = jnp.where(msk, dt, 0.0).astype(jnp.bfloat16)
    featb = feat.astype(jnp.bfloat16)
    grp = PG * kk
    for g in range(mt // PG):
        dg = lax.slice(dbd, (g * grp, 0), ((g + 1) * grp, bd_w))
        fg = lax.slice(featb, (g * grp, 0), ((g + 1) * grp, c_in))
        vg = lax.dot_general(
            dg, fg, (((0,), (0,)), ((), ())),
            preferred_element_type=jnp.float32)
        for n in range(16):
            v_ref[pl.ds(g * PG, PG), pl.ds(n * c_in, c_in)] = (
                lax.slice(vg, (n * PG, 0), ((n + 1) * PG, c_in)))
    out_ref[...] = (
        jnp.dot(v_ref[...].astype(jnp.bfloat16), wf_ref[...],
                preferred_element_type=jnp.float32)
        + bias_ref[...][None, :])


def _tc_compute(gathered, next_pad, a1_pad, c1, w2t, b2, w3t, b3, wflat, bias,
                rep, mt, kk, c_in, c_out):
    G = gathered.shape[0] // kk
    n_tiles = G // mt
    grid = (n_tiles,)
    body = functools.partial(_tc_body, mt=mt, kk=kk, c_in=c_in)
    return pl.pallas_call(
        body,
        grid=grid,
        in_specs=[
            pl.BlockSpec((mt * kk, 128), lambda i: (i, 0)),
            pl.BlockSpec((mt, 16), lambda i: (i, 0)),
            pl.BlockSpec((16, 32), lambda i: (0, 0)),
            pl.BlockSpec((32,), lambda i: (0,)),
            pl.BlockSpec((32, 16), lambda i: (0, 0)),
            pl.BlockSpec((16,), lambda i: (0,)),
            pl.BlockSpec((16, 16), lambda i: (0, 0)),
            pl.BlockSpec((16,), lambda i: (0,)),
            pl.BlockSpec((16 * c_in, c_out), lambda i: (0, 0)),
            pl.BlockSpec((c_out,), lambda i: (0,)),
            pl.BlockSpec((16, 256), lambda i: (0, 0)),
        ],
        out_specs=pl.BlockSpec((mt, c_out), lambda i: (i, 0)),
        out_shape=jax.ShapeDtypeStruct((G, c_out), jnp.float32),
        scratch_shapes=[pltpu.VMEM((mt, 16 * c_in), jnp.float32)],
    )(gathered, next_pad, a1_pad, c1, w2t, b2, w3t, b3, wflat, bias, rep)



def kernel(inp, points, next_pts, indices_, K, weight, bias, centers,
           w1, b1, w2, b2, w3, b3):
    B, N, C_IN = inp.shape
    KK = indices_.shape[2]
    DIM = points.shape[2]
    NC = centers.shape[1]
    C_OUT = weight.shape[2]

    inp_flat = inp.reshape(B * N, C_IN)
    pts_flat = points.reshape(B * N, DIM)
    ind2 = indices_.astype(jnp.int32).reshape(B * N * KK // 128, 128)
    table, idx2 = _prep(inp_flat, pts_flat, ind2, N, KK)
    idx = idx2.reshape(-1)

    next_pad = jnp.pad(next_pts.reshape(B * N, DIM), ((0, 0), (0, 16 - DIM)))

    a1 = w1.reshape(2 * NC, DIM, NC).sum(axis=2).T
    a1_pad = jnp.pad(a1, ((0, 16 - DIM), (0, 0)))
    c1 = b1 - w1 @ centers.reshape(DIM * NC)
    wflat = weight.transpose(1, 0, 2).reshape(NC * C_IN, C_OUT) / KK
    rep = (jnp.arange(256)[None, :] // 16 ==
           jnp.arange(16)[:, None]).astype(jnp.bfloat16)

    NCHUNK = 8
    pts_per_chunk = (B * N) // NCHUNK
    rows_per_chunk = pts_per_chunk * KK
    outs = []
    for c in range(NCHUNK):
        idx_c = lax.slice(idx, (c * rows_per_chunk,), ((c + 1) * rows_per_chunk,))
        next_c = lax.slice(next_pad, (c * pts_per_chunk, 0),
                           ((c + 1) * pts_per_chunk, 16))
        gath_c = _sc_gather(table, idx_c)
        outs.append(_tc_compute(gath_c, next_c, a1_pad.astype(jnp.bfloat16),
                                c1, w2.T, b2, w3.T, b3,
                                wflat.astype(jnp.bfloat16), bias, rep,
                                mt=256, kk=KK, c_in=C_IN, c_out=C_OUT))
    out = jnp.concatenate(outs, axis=0)
    return out.reshape(B, N, C_OUT)

# --- scband reference (transcript-rebuilt; emitter-appended) ---
"""Pipeline reference for scband-pt-conv-10505490006249 (READ-ONLY COPY).

The authoritative reference and input builder live on the scoring server;
editing this copy changes nothing except your own understanding.
"""

import jax, jax.numpy as jnp
import numpy as np

B, N, KNN, C_IN, C_OUT, NC, DIM = 4, 8192, 16, 64, 64, 16, 3


def _make_centers():
    rng = np.random.RandomState(0)
    center = np.zeros((DIM, NC), dtype=np.float32)
    for i in range(NC):
        c = rng.rand(DIM) * 2 - 1
        while (c ** 2).sum() > 1:
            c = rng.rand(DIM) * 2 - 1
        center[:, i] = c
    return jnp.asarray(center)


def _linear(key, out_f, in_f):
    b = 1.0 / np.sqrt(in_f)
    kw, kb = jax.random.split(key)
    W = jax.random.uniform(kw, (out_f, in_f), minval=-b, maxval=b, dtype=jnp.float32)
    bb = jax.random.uniform(kb, (out_f,), minval=-b, maxval=b, dtype=jnp.float32)
    return W, bb


def setup_inputs(seed: int = 0) -> dict:
    key = jax.random.key(seed)
    ks = jax.random.split(key, 8)
    inp = jax.random.normal(ks[0], (B, N, C_IN), dtype=jnp.float32)
    points = jax.random.uniform(ks[1], (B, N, DIM), dtype=jnp.float32)
    next_pts = jax.random.uniform(ks[2], (B, N, DIM), dtype=jnp.float32)
    indices_ = jax.random.randint(ks[3], (B, N, KNN), 0, N).astype(jnp.int64)
    bound = np.sqrt(3.0) * np.sqrt(2.0 / (C_IN + C_OUT))
    weight = jax.random.uniform(ks[4], (C_IN, NC, C_OUT), minval=-bound, maxval=bound, dtype=jnp.float32)
    bias = jnp.zeros((C_OUT,), dtype=jnp.float32)
    centers = _make_centers()
    w1, b1 = _linear(ks[5], 2 * NC, DIM * NC)
    w2, b2 = _linear(ks[6], NC, 2 * NC)
    w3, b3 = _linear(ks[7], NC, NC)
    return {"inp": inp, "points": points, "next_pts": next_pts, "indices_": indices_, "K": KNN,
            "weight": weight, "bias": bias, "centers": centers,
            "w1": w1, "b1": b1, "w2": w2, "b2": b2, "w3": w3, "b3": b3}


def reference(inp, points, next_pts, indices_, K, weight, bias, centers, w1, b1, w2, b2, w3, b3):
    batch_size = inp.shape[0]
    n_pts = inp.shape[1]
    offs = jnp.arange(batch_size, dtype=indices_.dtype) * n_pts
    idx = indices_ + offs[:, None, None]                     # [B, M, K]
    features = inp.reshape(-1, inp.shape[2])[idx]            # [B, M, K, C]  (gather)
    pts = points.reshape(-1, points.shape[2])[idx]           # [B, M, K, DIM]
    pts = pts - next_pts[:, :, None, :]
    dists = pts[..., None] - centers                         # [B, M, K, DIM, NC]
    dists = dists.reshape(dists.shape[0], dists.shape[1], dists.shape[2], -1)
    dists = jax.nn.relu(dists @ w1.T + b1)
    dists = jax.nn.relu(dists @ w2.T + b2)
    dists = jax.nn.relu(dists @ w3.T + b3)                   # [B, M, K, NC]
    fs = features.shape                                      # (B, M, K, C)
    f = jnp.swapaxes(features, 2, 3)                         # [B, M, C, K]
    f = f.reshape(-1, f.shape[2], f.shape[3])                # [B*M, C, K]
    d = dists.reshape(-1, dists.shape[2], dists.shape[3])    # [B*M, K, NC]
    f = jnp.einsum('bck,bkn->bcn', f, d)                     # bmm -> [B*M, C, NC]
    f = f.reshape(fs[0], fs[1], -1)                          # [B, M, C*NC]
    out = f @ weight.reshape(-1, weight.shape[2])            # [B, M, C_OUT]
    out = out / fs[2]
    out = out + bias
    return out

if __name__ == "__main__":
    import jax
    _d = setup_inputs()
    print(jax.jit(kernel)(*tuple(_d.values())))

</pallas_src>

<mosaic_0001>
#map = affine_map<(d0, d1) -> (0, 0)>
#map1 = affine_map<(d0, d1) -> (0)>
module attributes {stable_mosaic.version = 14 : i64} {
  func.func @k(%arg0: i32, %arg1: i32, %arg2: memref<32768x128xf32, #tpu.memory_space<hbm>>, %arg3: memref<65536xi32, #tpu.memory_space<hbm>>, %arg4: memref<65536x128xf32, #tpu.memory_space<hbm>>, %arg5: memref<2048xi32, #tpu.memory_space<vmem>>, %arg6: memref<256x128xf32, #tpu.memory_space<vmem>>, %arg7: memref<256x128xf32, #tpu.memory_space<vmem>>, %arg8: memref<!tpu.dma_semaphore, #tpu.memory_space<semaphore_mem>>, %arg9: memref<!tpu.dma_semaphore, #tpu.memory_space<semaphore_mem>>, %arg10: memref<!tpu.dma_semaphore, #tpu.memory_space<semaphore_mem>>, %arg11: memref<!tpu.dma_semaphore, #tpu.memory_space<semaphore_mem>>) attributes {dimension_semantics = [#tpu.dimension_semantics<core_parallel>, #tpu.dimension_semantics<subcore_parallel>], iteration_bounds = array<i64: 2, 16>, scalar_prefetch = 0 : i64, scratch_operands = 7 : i64, tpu.core_type = #tpu.core_type<sc_vector_subcore>, window_params = [{transform_indices = #map}, {transform_indices = #map1}, {transform_indices = #map}]} {
    %mul3A = arith.constant 2 : i32
    %mul3A_0 = arith.muli %arg1, %mul3A : i32
    %add3A = arith.addi %mul3A_0, %arg0 : i32
    %mul3A_1 = arith.constant 2048 : i32
    %mul3A_2 = arith.muli %add3A, %mul3A_1 : i32
    "tpu.region"() ({
      %run_scoped3A = tpu.sem_alloc : memref<!tpu.dma_semaphore, #tpu.memory_space<semaphore_mem>>
      %dma_start3A_23 = tpu.memref_slice %arg3[%mul3A_2] : memref<65536xi32, #tpu.memory_space<hbm>> -> memref<2048xi32, #tpu.memory_space<hbm>>
      %dma_start3A_24 = tpu.memref_slice %arg3[%mul3A_2] : memref<65536xi32, #tpu.memory_space<hbm>> -> memref<2048xi32, #tpu.memory_space<hbm>>
      tpu.enqueue_dma source(%dma_start3A_24 : memref<2048xi32, #tpu.memory_space<hbm>>) target(%arg5 : memref<2048xi32, #tpu.memory_space<vmem>>) target_semaphore(%run_scoped3A : memref<!tpu.dma_semaphore, #tpu.memory_space<semaphore_mem>>)
      %dma_wait3A_25 = tpu.memref_slice %arg3[%mul3A_2] : memref<65536xi32, #tpu.memory_space<hbm>> -> memref<2048xi32, #tpu.memory_space<hbm>>
      %dma_wait3A_26 = tpu.memref_slice %arg3[%mul3A_2] : memref<65536xi32, #tpu.memory_space<hbm>> -> memref<2048xi32, #tpu.memory_space<hbm>>
      tpu.wait_dma2 semaphore(%run_scoped3A : memref<!tpu.dma_semaphore, #tpu.memory_space<semaphore_mem>>) src(%dma_wait3A_26 : memref<2048xi32, #tpu.memory_space<hbm>>) dst(%arg5 : memref<2048xi32, #tpu.memory_space<vmem>>)
      tpu.yield
    }) : () -> ()
    %dma_start3A = arith.constant 0 : i32
    %dma_start3A_3 = tpu.memref_slice %arg5[%dma_start3A] : memref<2048xi32, #tpu.memory_space<vmem>> -> memref<256xi32, #tpu.memory_space<vmem>>
    %dma_start3A_4 = arith.constant 0 : i32
    %dma_start3A_5 = arith.constant 0 : i32
    %dma_start3A_6 = tpu.memref_slice %arg2[%dma_start3A_4, %dma_start3A_5] : memref<32768x128xf32, #tpu.memory_space<hbm>> -> memref<32768x128xf32, #tpu.memory_space<hbm>>
    tpu.enqueue_indirect_dma source(%dma_start3A_6 : memref<32768x128xf32, #tpu.memory_space<hbm>>) target(%arg6 : memref<256x128xf32, #tpu.memory_space<vmem>>) offsets(%dma_start3A_3 : memref<256xi32, #tpu.memory_space<vmem>>) semaphore(%arg8 : memref<!tpu.dma_semaphore, #tpu.memory_space<semaphore_mem>>)
    %scan3A = arith.constant 0 : i32
    %scan3A_7 = arith.constant 0 : i32
    %scan3A_8 = arith.constant 4 : i32
    %scan3A_9 = arith.addi %scan3A_7, %scan3A_8 : i32
    %scan3A_10 = arith.constant 1 : i32
    scf.for %scan3A_23 = %scan3A_7 to %scan3A_9 step %scan3A_10  : i32 {
      %mul3A_24 = arith.constant 2 : i32
      %mul3A_25 = arith.muli %mul3A_24, %scan3A_23 : i32
      %add3A_26 = arith.constant 0 : i32
      %add3A_27 = arith.addi %mul3A_25, %add3A_26 : i32
      %mul3A_28 = arith.constant 256 : i32
      %mul3A_29 = arith.muli %add3A_27, %mul3A_28 : i32
      %dma_wait3A_30 = tpu.memref_slice %arg5[%mul3A_29] : memref<2048xi32, #tpu.memory_space<vmem>> -> memref<256xi32, #tpu.memory_space<vmem>>
      %dma_wait3A_31 = arith.constant 0 : i32
      %dma_wait3A_32 = arith.constant 0 : i32
      %dma_wait3A_33 = tpu.memref_slice %arg2[%dma_wait3A_31, %dma_wait3A_32] : memref<32768x128xf32, #tpu.memory_space<hbm>> -> memref<32768x128xf32, #tpu.memory_space<hbm>>
      tpu.wait_indirect_dma semaphore(%arg8 : memref<!tpu.dma_semaphore, #tpu.memory_space<semaphore_mem>>) src(%dma_wait3A_33 : memref<32768x128xf32, #tpu.memory_space<hbm>>) dst(%arg6 : memref<256x128xf32, #tpu.memory_space<vmem>>)
      %add3A_34 = arith.constant 1 : i32
      %add3A_35 = arith.addi %add3A_27, %add3A_34 : i32
      %lt3A = arith.constant 8 : i32
      %lt3A_36 = arith.cmpi slt, %add3A_35, %lt3A : i32
      %convert_element_type3A = arith.extui %lt3A_36 : i1 to i32
      %cond3A = arith.constant 0 : i32
      %cond3A_37 = arith.cmpi ne, %convert_element_type3A, %cond3A : i32
      scf.if %cond3A_37 {
        %ge3A = arith.constant 1 : i32
        %ge3A_69 = arith.cmpi sge, %add3A_27, %ge3A : i32
        %convert_element_type3A_70 = arith.extui %ge3A_69 : i1 to i32
        %cond3A_71 = arith.constant 0 : i32
        %cond3A_72 = arith.cmpi ne, %convert_element_type3A_70, %cond3A_71 : i32
        scf.if %cond3A_72 {
          %sub3A = arith.constant 1 : i32
          %sub3A_81 = arith.subi %add3A_27, %sub3A : i32
          %mul3A_82 = arith.constant 256 : i32
          %mul3A_83 = arith.muli %sub3A_81, %mul3A_82 : i32
          %add3A_84 = arith.addi %mul3A_2, %mul3A_83 : i32
          %dma_wait3A_85 = arith.constant 0 : i32
          %dma_wait3A_86 = tpu.memref_slice %arg4[%add3A_84, %dma_wait3A_85] : memref<65536x128xf32, #tpu.memory_space<hbm>> -> memref<256x128xf32, #tpu.memory_space<hbm>>
          %dma_wait3A_87 = arith.constant 0 : i32
          %dma_wait3A_88 = tpu.memref_slice %arg4[%add3A_84, %dma_wait3A_87] : memref<65536x128xf32, #tpu.memory_space<hbm>> -> memref<256x128xf32, #tpu.memory_space<hbm>>
          tpu.wait_dma2 semaphore(%arg11 : memref<!tpu.dma_semaphore, #tpu.memory_space<semaphore_mem>>) src(%arg7 : memref<256x128xf32, #tpu.memory_space<vmem>>) dst(%dma_wait3A_88 : memref<256x128xf32, #tpu.memory_space<hbm>>)
        } else {
        }
        %add3A_73 = arith.constant 1 : i32
        %add3A_74 = arith.addi %add3A_27, %add3A_73 : i32
        %mul3A_75 = arith.constant 256 : i32
        %mul3A_76 = arith.muli %add3A_74, %mul3A_75 : i32
        %dma_start3A_77 = tpu.memref_slice %arg5[%mul3A_76] : memref<2048xi32, #tpu.memory_space<vmem>> -> memref<256xi32, #tpu.memory_space<vmem>>
        %dma_start3A_78 = arith.constant 0 : i32
        %dma_start3A_79 = arith.constant 0 : i32
        %dma_start3A_80 = tpu.memref_slice %arg2[%dma_start3A_78, %dma_start3A_79] : memref<32768x128xf32, #tpu.memory_space<hbm>> -> memref<32768x128xf32, #tpu.memory_space<hbm>>
        tpu.enqueue_indirect_dma source(%dma_start3A_80 : memref<32768x128xf32, #tpu.memory_space<hbm>>) target(%arg7 : memref<256x128xf32, #tpu.memory_space<vmem>>) offsets(%dma_start3A_77 : memref<256xi32, #tpu.memory_space<vmem>>) semaphore(%arg9 : memref<!tpu.dma_semaphore, #tpu.memory_space<semaphore_mem>>)
      } else {
      }
      %mul3A_38 = arith.constant 256 : i32
      %mul3A_39 = arith.muli %add3A_27, %mul3A_38 : i32
      %add3A_40 = arith.addi %mul3A_2, %mul3A_39 : i32
      %dma_start3A_41 = arith.constant 0 : i32
      %dma_start3A_42 = tpu.memref_slice %arg4[%add3A_40, %dma_start3A_41] : memref<65536x128xf32, #tpu.memory_space<hbm>> -> memref<256x128xf32, #tpu.memory_space<hbm>>
      %dma_start3A_43 = arith.constant 0 : i32
      %dma_start3A_44 = tpu.memref_slice %arg4[%add3A_40, %dma_start3A_43] : memref<65536x128xf32, #tpu.memory_space<hbm>> -> memref<256x128xf32, #tpu.memory_space<hbm>>
      tpu.enqueue_dma source(%arg6 : memref<256x128xf32, #tpu.memory_space<vmem>>) target(%dma_start3A_44 : memref<256x128xf32, #tpu.memory_space<hbm>>) target_semaphore(%arg10 : memref<!tpu.dma_semaphore, #tpu.memory_space<semaphore_mem>>)
      %mul3A_45 = arith.constant 2 : i32
      %mul3A_46 = arith.muli %mul3A_45, %scan3A_23 : i32
      %add3A_47 = arith.constant 1 : i32
      %add3A_48 = arith.addi %mul3A_46, %add3A_47 : i32
      %mul3A_49 = arith.constant 256 : i32
      %mul3A_50 = arith.muli %add3A_48, %mul3A_49 : i32
      %dma_wait3A_51 = tpu.memref_slice %arg5[%mul3A_50] : memref<2048xi32, #tpu.memory_space<vmem>> -> memref<256xi32, #tpu.memory_space<vmem>>
      %dma_wait3A_52 = arith.constant 0 : i32
      %dma_wait3A_53 = arith.constant 0 : i32
      %dma_wait3A_54 = tpu.memref_slice %arg2[%dma_wait3A_52, %dma_wait3A_53] : memref<32768x128xf32, #tpu.memory_space<hbm>> -> memref<32768x128xf32, #tpu.memory_space<hbm>>
      tpu.wait_indirect_dma semaphore(%arg9 : memref<!tpu.dma_semaphore, #tpu.memory_space<semaphore_mem>>) src(%dma_wait3A_54 : memref<32768x128xf32, #tpu.memory_space<hbm>>) dst(%arg7 : memref<256x128xf32, #tpu.memory_space<vmem>>)
      %add3A_55 = arith.constant 1 : i32
      %add3A_56 = arith.addi %add3A_48, %add3A_55 : i32
      %lt3A_57 = arith.constant 8 : i32
      %lt3A_58 = arith.cmpi slt, %add3A_56, %lt3A_57 : i32
      %convert_element_type3A_59 = arith.extui %lt3A_58 : i1 to i32
      %cond3A_60 = arith.constant 0 : i32
      %cond3A_61 = arith.cmpi ne, %convert_element_type3A_59, %cond3A_60 : i32
      scf.if %cond3A_61 {
        %ge3A = arith.constant 1 : i32
        %ge3A_69 = arith.cmpi sge, %add3A_48, %ge3A : i32
        %convert_element_type3A_70 = arith.extui %ge3A_69 : i1 to i32
        %cond3A_71 = arith.constant 0 : i32
        %cond3A_72 = arith.cmpi ne, %convert_element_type3A_70, %cond3A_71 : i32
        scf.if %cond3A_72 {
          %sub3A = arith.constant 1 : i32
          %sub3A_81 = arith.subi %add3A_48, %sub3A : i32
          %mul3A_82 = arith.constant 256 : i32
          %mul3A_83 = arith.muli %sub3A_81, %mul3A_82 : i32
          %add3A_84 = arith.addi %mul3A_2, %mul3A_83 : i32
          %dma_wait3A_85 = arith.constant 0 : i32
          %dma_wait3A_86 = tpu.memref_slice %arg4[%add3A_84, %dma_wait3A_85] : memref<65536x128xf32, #tpu.memory_space<hbm>> -> memref<256x128xf32, #tpu.memory_space<hbm>>
          %dma_wait3A_87 = arith.constant 0 : i32
          %dma_wait3A_88 = tpu.memref_slice %arg4[%add3A_84, %dma_wait3A_87] : memref<65536x128xf32, #tpu.memory_space<hbm>> -> memref<256x128xf32, #tpu.memory_space<hbm>>
          tpu.wait_dma2 semaphore(%arg10 : memref<!tpu.dma_semaphore, #tpu.memory_space<semaphore_mem>>) src(%arg6 : memref<256x128xf32, #tpu.memory_space<vmem>>) dst(%dma_wait3A_88 : memref<256x128xf32, #tpu.memory_space<hbm>>)
        } else {
        }
        %add3A_73 = arith.constant 1 : i32
        %add3A_74 = arith.addi %add3A_48, %add3A_73 : i32
        %mul3A_75 = arith.constant 256 : i32
        %mul3A_76 = arith.muli %add3A_74, %mul3A_75 : i32
        %dma_start3A_77 = tpu.memref_slice %arg5[%mul3A_76] : memref<2048xi32, #tpu.memory_space<vmem>> -> memref<256xi32, #tpu.memory_space<vmem>>
        %dma_start3A_78 = arith.constant 0 : i32
        %dma_start3A_79 = arith.constant 0 : i32
        %dma_start3A_80 = tpu.memref_slice %arg2[%dma_start3A_78, %dma_start3A_79] : memref<32768x128xf32, #tpu.memory_space<hbm>> -> memref<32768x128xf32, #tpu.memory_space<hbm>>
        tpu.enqueue_indirect_dma source(%dma_start3A_80 : memref<32768x128xf32, #tpu.memory_space<hbm>>) target(%arg6 : memref<256x128xf32, #tpu.memory_space<vmem>>) offsets(%dma_start3A_77 : memref<256xi32, #tpu.memory_space<vmem>>) semaphore(%arg8 : memref<!tpu.dma_semaphore, #tpu.memory_space<semaphore_mem>>)
      } else {
      }
      %mul3A_62 = arith.constant 256 : i32
      %mul3A_63 = arith.muli %add3A_48, %mul3A_62 : i32
      %add3A_64 = arith.addi %mul3A_2, %mul3A_63 : i32
      %dma_start3A_65 = arith.constant 0 : i32
      %dma_start3A_66 = tpu.memref_slice %arg4[%add3A_64, %dma_start3A_65] : memref<65536x128xf32, #tpu.memory_space<hbm>> -> memref<256x128xf32, #tpu.memory_space<hbm>>
      %dma_start3A_67 = arith.constant 0 : i32
      %dma_start3A_68 = tpu.memref_slice %arg4[%add3A_64, %dma_start3A_67] : memref<65536x128xf32, #tpu.memory_space<hbm>> -> memref<256x128xf32, #tpu.memory_space<hbm>>
      tpu.enqueue_dma source(%arg7 : memref<256x128xf32, #tpu.memory_space<vmem>>) target(%dma_start3A_68 : memref<256x128xf32, #tpu.memory_space<hbm>>) target_semaphore(%arg11 : memref<!tpu.dma_semaphore, #tpu.memory_space<semaphore_mem>>)
    }
    %scan3A_11 = arith.constant 4 : i32
    %add3A_12 = arith.constant 1792 : i32
    %add3A_13 = arith.addi %mul3A_2, %add3A_12 : i32
    %dma_wait3A = arith.constant 0 : i32
    %dma_wait3A_14 = tpu.memref_slice %arg4[%add3A_13, %dma_wait3A] : memref<65536x128xf32, #tpu.memory_space<hbm>> -> memref<256x128xf32, #tpu.memory_space<hbm>>
    %dma_wait3A_15 = arith.constant 0 : i32
    %dma_wait3A_16 = tpu.memref_slice %arg4[%add3A_13, %dma_wait3A_15] : memref<65536x128xf32, #tpu.memory_space<hbm>> -> memref<256x128xf32, #tpu.memory_space<hbm>>
    tpu.wait_dma2 semaphore(%arg11 : memref<!tpu.dma_semaphore, #tpu.memory_space<semaphore_mem>>) src(%arg7 : memref<256x128xf32, #tpu.memory_space<vmem>>) dst(%dma_wait3A_16 : memref<256x128xf32, #tpu.memory_space<hbm>>)
    %add3A_17 = arith.constant 1536 : i32
    %add3A_18 = arith.addi %mul3A_2, %add3A_17 : i32
    %dma_wait3A_19 = arith.constant 0 : i32
    %dma_wait3A_20 = tpu.memref_slice %arg4[%add3A_18, %dma_wait3A_19] : memref<65536x128xf32, #tpu.memory_space<hbm>> -> memref<256x128xf32, #tpu.memory_space<hbm>>
    %dma_wait3A_21 = arith.constant 0 : i32
    %dma_wait3A_22 = tpu.memref_slice %arg4[%add3A_18, %dma_wait3A_21] : memref<65536x128xf32, #tpu.memory_space<hbm>> -> memref<256x128xf32, #tpu.memory_space<hbm>>
    tpu.wait_dma2 semaphore(%arg10 : memref<!tpu.dma_semaphore, #tpu.memory_space<semaphore_mem>>) src(%arg6 : memref<256x128xf32, #tpu.memory_space<vmem>>) dst(%dma_wait3A_22 : memref<256x128xf32, #tpu.memory_space<hbm>>)
    return
  }
}

#map = affine_map<(d0, d1) -> (0, 0)>
#map1 = affine_map<(d0, d1) -> (0)>
module attributes {stable_mosaic.version = 14 : i64} {
  func.func @k(%arg0: i32, %arg1: i32, %arg2: memref<32768x128xf32, #tpu.memory_space<hbm>>, %arg3: memref<65536xi32, #tpu.memory_space<hbm>>, %arg4: memref<65536x128xf32, #tpu.memory_space<hbm>>, %arg5: memref<2048xi32, #tpu.memory_space<vmem>>, %arg6: memref<256x128xf32, #tpu.memory_space<vmem>>, %arg7: memref<256x128xf32, #tpu.memory_space<vmem>>, %arg8: memref<!tpu.dma_semaphore, #tpu.memory_space<semaphore_mem>>, %arg9: memref<!tpu.dma_semaphore, #tpu.memory_space<semaphore_mem>>, %arg10: memref<!tpu.dma_semaphore, #tpu.memory_space<semaphore_mem>>, %arg11: memref<!tpu.dma_semaphore, #tpu.memory_space<semaphore_mem>>) attributes {dimension_semantics = [#tpu.dimension_semantics<core_parallel>, #tpu.dimension_semantics<subcore_parallel>], iteration_bounds = array<i64: 2, 16>, scalar_prefetch = 0 : i64, scratch_operands = 7 : i64, tpu.core_type = #tpu.core_type<sc_vector_subcore>, window_params = [{transform_indices = #map}, {transform_indices = #map1}, {transform_indices = #map}]} {
    %mul3A = arith.constant 2 : i32
    %mul3A_0 = arith.muli %arg1, %mul3A : i32
    %add3A = arith.addi %mul3A_0, %arg0 : i32
    %mul3A_1 = arith.constant 2048 : i32
    %mul3A_2 = arith.muli %add3A, %mul3A_1 : i32
    "tpu.region"() ({
      %run_scoped3A = tpu.sem_alloc : memref<!tpu.dma_semaphore, #tpu.memory_space<semaphore_mem>>
      %dma_start3A_23 = tpu.memref_slice %arg3[%mul3A_2] : memref<65536xi32, #tpu.memory_space<hbm>> -> memref<2048xi32, #tpu.memory_space<hbm>>
      %dma_start3A_24 = tpu.memref_slice %arg3[%mul3A_2] : memref<65536xi32, #tpu.memory_space<hbm>> -> memref<2048xi32, #tpu.memory_space<hbm>>
      tpu.enqueue_dma source(%dma_start3A_24 : memref<2048xi32, #tpu.memory_space<hbm>>) target(%arg5 : memref<2048xi32, #tpu.memory_space<vmem>>) target_semaphore(%run_scoped3A : memref<!tpu.dma_semaphore, #tpu.memory_space<semaphore_mem>>)
      %dma_wait3A_25 = tpu.memref_slice %arg3[%mul3A_2] : memref<65536xi32, #tpu.memory_space<hbm>> -> memref<2048xi32, #tpu.memory_space<hbm>>
      %dma_wait3A_26 = tpu.memref_slice %arg3[%mul3A_2] : memref<65536xi32, #tpu.memory_space<hbm>> -> memref<2048xi32, #tpu.memory_space<hbm>>
      tpu.wait_dma2 semaphore(%run_scoped3A : memref<!tpu.dma_semaphore, #tpu.memory_space<semaphore_mem>>) src(%dma_wait3A_26 : memref<2048xi32, #tpu.memory_space<hbm>>) dst(%arg5 : memref<2048xi32, #tpu.memory_space<vmem>>)
      tpu.yield
    }) : () -> ()
    %dma_start3A = arith.constant 0 : i32
    %dma_start3A_3 = tpu.memref_slice %arg5[%dma_start3A] : memref<2048xi32, #tpu.memory_space<vmem>> -> memref<256xi32, #tpu.memory_space<vmem>>
    %dma_start3A_4 = arith.constant 0 : i32
    %dma_start3A_5 = arith.constant 0 : i32
    %dma_start3A_6 = tpu.memref_slice %arg2[%dma_start3A_4, %dma_start3A_5] : memref<32768x128xf32, #tpu.memory_space<hbm>> -> memref<32768x128xf32, #tpu.memory_space<hbm>>
    tpu.enqueue_indirect_dma source(%dma_start3A_6 : memref<32768x128xf32, #tpu.memory_space<hbm>>) target(%arg6 : memref<256x128xf32, #tpu.memory_space<vmem>>) offsets(%dma_start3A_3 : memref<256xi32, #tpu.memory_space<vmem>>) semaphore(%arg8 : memref<!tpu.dma_semaphore, #tpu.memory_space<semaphore_mem>>)
    %scan3A = arith.constant 0 : i32
    %scan3A_7 = arith.constant 0 : i32
    %scan3A_8 = arith.constant 4 : i32
    %scan3A_9 = arith.addi %scan3A_7, %scan3A_8 : i32
    %scan3A_10 = arith.constant 1 : i32
    scf.for %scan3A_23 = %scan3A_7 to %scan3A_9 step %scan3A_10  : i32 {
      %mul3A_24 = arith.constant 2 : i32
      %mul3A_25 = arith.muli %mul3A_24, %scan3A_23 : i32
      %add3A_26 = arith.constant 0 : i32
      %add3A_27 = arith.addi %mul3A_25, %add3A_26 : i32
      %mul3A_28 = arith.constant 256 : i32
      %mul3A_29 = arith.muli %add3A_27, %mul3A_28 : i32
      %dma_wait3A_30 = tpu.memref_slice %arg5[%mul3A_29] : memref<2048xi32, #tpu.memory_space<vmem>> -> memref<256xi32, #tpu.memory_space<vmem>>
      %dma_wait3A_31 = arith.constant 0 : i32
      %dma_wait3A_32 = arith.constant 0 : i32
      %dma_wait3A_33 = tpu.memref_slice %arg2[%dma_wait3A_31, %dma_wait3A_32] : memref<32768x128xf32, #tpu.memory_space<hbm>> -> memref<32768x128xf32, #tpu.memory_space<hbm>>
      tpu.wait_indirect_dma semaphore(%arg8 : memref<!tpu.dma_semaphore, #tpu.memory_space<semaphore_mem>>) src(%dma_wait3A_33 : memref<32768x128xf32, #tpu.memory_space<hbm>>) dst(%arg6 : memref<256x128xf32, #tpu.memory_space<vmem>>)
      %add3A_34 = arith.constant 1 : i32
      %add3A_35 = arith.addi %add3A_27, %add3A_34 : i32
      %lt3A = arith.constant 8 : i32
      %lt3A_36 = arith.cmpi slt, %add3A_35, %lt3A : i32
      %convert_element_type3A = arith.extui %lt3A_36 : i1 to i32
      %cond3A = arith.constant 0 : i32
      %cond3A_37 = arith.cmpi ne, %convert_element_type3A, %cond3A : i32
      scf.if %cond3A_37 {
        %ge3A = arith.constant 1 : i32
        %ge3A_69 = arith.cmpi sge, %add3A_27, %ge3A : i32
        %convert_element_type3A_70 = arith.extui %ge3A_69 : i1 to i32
        %cond3A_71 = arith.constant 0 : i32
        %cond3A_72 = arith.cmpi ne, %convert_element_type3A_70, %cond3A_71 : i32
        scf.if %cond3A_72 {
          %sub3A = arith.constant 1 : i32
          %sub3A_81 = arith.subi %add3A_27, %sub3A : i32
          %mul3A_82 = arith.constant 256 : i32
          %mul3A_83 = arith.muli %sub3A_81, %mul3A_82 : i32
          %add3A_84 = arith.addi %mul3A_2, %mul3A_83 : i32
          %dma_wait3A_85 = arith.constant 0 : i32
          %dma_wait3A_86 = tpu.memref_slice %arg4[%add3A_84, %dma_wait3A_85] : memref<65536x128xf32, #tpu.memory_space<hbm>> -> memref<256x128xf32, #tpu.memory_space<hbm>>
          %dma_wait3A_87 = arith.constant 0 : i32
          %dma_wait3A_88 = tpu.memref_slice %arg4[%add3A_84, %dma_wait3A_87] : memref<65536x128xf32, #tpu.memory_space<hbm>> -> memref<256x128xf32, #tpu.memory_space<hbm>>
          tpu.wait_dma2 semaphore(%arg11 : memref<!tpu.dma_semaphore, #tpu.memory_space<semaphore_mem>>) src(%arg7 : memref<256x128xf32, #tpu.memory_space<vmem>>) dst(%dma_wait3A_88 : memref<256x128xf32, #tpu.memory_space<hbm>>)
        } else {
        }
        %add3A_73 = arith.constant 1 : i32
        %add3A_74 = arith.addi %add3A_27, %add3A_73 : i32
        %mul3A_75 = arith.constant 256 : i32
        %mul3A_76 = arith.muli %add3A_74, %mul3A_75 : i32
        %dma_start3A_77 = tpu.memref_slice %arg5[%mul3A_76] : memref<2048xi32, #tpu.memory_space<vmem>> -> memref<256xi32, #tpu.memory_space<vmem>>
        %dma_start3A_78 = arith.constant 0 : i32
        %dma_start3A_79 = arith.constant 0 : i32
        %dma_start3A_80 = tpu.memref_slice %arg2[%dma_start3A_78, %dma_start3A_79] : memref<32768x128xf32, #tpu.memory_space<hbm>> -> memref<32768x128xf32, #tpu.memory_space<hbm>>
        tpu.enqueue_indirect_dma source(%dma_start3A_80 : memref<32768x128xf32, #tpu.memory_space<hbm>>) target(%arg7 : memref<256x128xf32, #tpu.memory_space<vmem>>) offsets(%dma_start3A_77 : memref<256xi32, #tpu.memory_space<vmem>>) semaphore(%arg9 : memref<!tpu.dma_semaphore, #tpu.memory_space<semaphore_mem>>)
      } else {
      }
      %mul3A_38 = arith.constant 256 : i32
      %mul3A_39 = arith.muli %add3A_27, %mul3A_38 : i32
      %add3A_40 = arith.addi %mul3A_2, %mul3A_39 : i32
      %dma_start3A_41 = arith.constant 0 : i32
      %dma_start3A_42 = tpu.memref_slice %arg4[%add3A_40, %dma_start3A_41] : memref<65536x128xf32, #tpu.memory_space<hbm>> -> memref<256x128xf32, #tpu.memory_space<hbm>>
      %dma_start3A_43 = arith.constant 0 : i32
      %dma_start3A_44 = tpu.memref_slice %arg4[%add3A_40, %dma_start3A_43] : memref<65536x128xf32, #tpu.memory_space<hbm>> -> memref<256x128xf32, #tpu.memory_space<hbm>>
      tpu.enqueue_dma source(%arg6 : memref<256x128xf32, #tpu.memory_space<vmem>>) target(%dma_start3A_44 : memref<256x128xf32, #tpu.memory_space<hbm>>) target_semaphore(%arg10 : memref<!tpu.dma_semaphore, #tpu.memory_space<semaphore_mem>>)
      %mul3A_45 = arith.constant 2 : i32
      %mul3A_46 = arith.muli %mul3A_45, %scan3A_23 : i32
      %add3A_47 = arith.constant 1 : i32
      %add3A_48 = arith.addi %mul3A_46, %add3A_47 : i32
      %mul3A_49 = arith.constant 256 : i32
      %mul3A_50 = arith.muli %add3A_48, %mul3A_49 : i32
      %dma_wait3A_51 = tpu.memref_slice %arg5[%mul3A_50] : memref<2048xi32, #tpu.memory_space<vmem>> -> memref<256xi32, #tpu.memory_space<vmem>>
      %dma_wait3A_52 = arith.constant 0 : i32
      %dma_wait3A_53 = arith.constant 0 : i32
      %dma_wait3A_54 = tpu.memref_slice %arg2[%dma_wait3A_52, %dma_wait3A_53] : memref<32768x128xf32, #tpu.memory_space<hbm>> -> memref<32768x128xf32, #tpu.memory_space<hbm>>
      tpu.wait_indirect_dma semaphore(%arg9 : memref<!tpu.dma_semaphore, #tpu.memory_space<semaphore_mem>>) src(%dma_wait3A_54 : memref<32768x128xf32, #tpu.memory_space<hbm>>) dst(%arg7 : memref<256x128xf32, #tpu.memory_space<vmem>>)
      %add3A_55 = arith.constant 1 : i32
      %add3A_56 = arith.addi %add3A_48, %add3A_55 : i32
      %lt3A_57 = arith.constant 8 : i32
      %lt3A_58 = arith.cmpi slt, %add3A_56, %lt3A_57 : i32
      %convert_element_type3A_59 = arith.extui %lt3A_58 : i1 to i32
      %cond3A_60 = arith.constant 0 : i32
      %cond3A_61 = arith.cmpi ne, %convert_element_type3A_59, %cond3A_60 : i32
      scf.if %cond3A_61 {
        %ge3A = arith.constant 1 : i32
        %ge3A_69 = arith.cmpi sge, %add3A_48, %ge3A : i32
        %convert_element_type3A_70 = arith.extui %ge3A_69 : i1 to i32
        %cond3A_71 = arith.constant 0 : i32
        %cond3A_72 = arith.cmpi ne, %convert_element_type3A_70, %cond3A_71 : i32
        scf.if %cond3A_72 {
          %sub3A = arith.constant 1 : i32
          %sub3A_81 = arith.subi %add3A_48, %sub3A : i32
          %mul3A_82 = arith.constant 256 : i32
          %mul3A_83 = arith.muli %sub3A_81, %mul3A_82 : i32
          %add3A_84 = arith.addi %mul3A_2, %mul3A_83 : i32
          %dma_wait3A_85 = arith.constant 0 : i32
          %dma_wait3A_86 = tpu.memref_slice %arg4[%add3A_84, %dma_wait3A_85] : memref<65536x128xf32, #tpu.memory_space<hbm>> -> memref<256x128xf32, #tpu.memory_space<hbm>>
          %dma_wait3A_87 = arith.constant 0 : i32
          %dma_wait3A_88 = tpu.memref_slice %arg4[%add3A_84, %dma_wait3A_87] : memref<65536x128xf32, #tpu.memory_space<hbm>> -> memref<256x128xf32, #tpu.memory_space<hbm>>
          tpu.wait_dma2 semaphore(%arg10 : memref<!tpu.dma_semaphore, #tpu.memory_space<semaphore_mem>>) src(%arg6 : memref<256x128xf32, #tpu.memory_space<vmem>>) dst(%dma_wait3A_88 : memref<256x128xf32, #tpu.memory_space<hbm>>)
        } else {
        }
        %add3A_73 = arith.constant 1 : i32
        %add3A_74 = arith.addi %add3A_48, %add3A_73 : i32
        %mul3A_75 = arith.constant 256 : i32
        %mul3A_76 = arith.muli %add3A_74, %mul3A_75 : i32
        %dma_start3A_77 = tpu.memref_slice %arg5[%mul3A_76] : memref<2048xi32, #tpu.memory_space<vmem>> -> memref<256xi32, #tpu.memory_space<vmem>>
        %dma_start3A_78 = arith.constant 0 : i32
        %dma_start3A_79 = arith.constant 0 : i32
        %dma_start3A_80 = tpu.memref_slice %arg2[%dma_start3A_78, %dma_start3A_79] : memref<32768x128xf32, #tpu.memory_space<hbm>> -> memref<32768x128xf32, #tpu.memory_space<hbm>>
        tpu.enqueue_indirect_dma source(%dma_start3A_80 : memref<32768x128xf32, #tpu.memory_space<hbm>>) target(%arg6 : memref<256x128xf32, #tpu.memory_space<vmem>>) offsets(%dma_start3A_77 : memref<256xi32, #tpu.memory_space<vmem>>) semaphore(%arg8 : memref<!tpu.dma_semaphore, #tpu.memory_space<semaphore_mem>>)
      } else {
      }
      %mul3A_62 = arith.constant 256 : i32
      %mul3A_63 = arith.muli %add3A_48, %mul3A_62 : i32
      %add3A_64 = arith.addi %mul3A_2, %mul3A_63 : i32
      %dma_start3A_65 = arith.constant 0 : i32
      %dma_start3A_66 = tpu.memref_slice %arg4[%add3A_64, %dma_start3A_65] : memref<65536x128xf32, #tpu.memory_space<hbm>> -> memref<256x128xf32, #tpu.memory_space<hbm>>
      %dma_start3A_67 = arith.constant 0 : i32
      %dma_start3A_68 = tpu.memref_slice %arg4[%add3A_64, %dma_start3A_67] : memref<65536x128xf32, #tpu.memory_space<hbm>> -> memref<256x128xf32, #tpu.memory_space<hbm>>
      tpu.enqueue_dma source(%arg7 : memref<256x128xf32, #tpu.memory_space<vmem>>) target(%dma_start3A_68 : memref<256x128xf32, #tpu.memory_space<hbm>>) target_semaphore(%arg11 : memref<!tpu.dma_semaphore, #tpu.memory_space<semaphore_mem>>)
    }
    %scan3A_11 = arith.constant 4 : i32
    %add3A_12 = arith.constant 1792 : i32
    %add3A_13 = arith.addi %mul3A_2, %add3A_12 : i32
    %dma_wait3A = arith.constant 0 : i32
    %dma_wait3A_14 = tpu.memref_slice %arg4[%add3A_13, %dma_wait3A] : memref<65536x128xf32, #tpu.memory_space<hbm>> -> memref<256x128xf32, #tpu.memory_space<hbm>>
    %dma_wait3A_15 = arith.constant 0 : i32
    %dma_wait3A_16 = tpu.memref_slice %arg4[%add3A_13, %dma_wait3A_15] : memref<65536x128xf32, #tpu.memory_space<hbm>> -> memref<256x128xf32, #tpu.memory_space<hbm>>
    tpu.wait_dma2 semaphore(%arg11 : memref<!tpu.dma_semaphore, #tpu.memory_space<semaphore_mem>>) src(%arg7 : memref<256x128xf32, #tpu.memory_space<vmem>>) dst(%dma_wait3A_16 : memref<256x128xf32, #tpu.memory_space<hbm>>)
    %add3A_17 = arith.constant 1536 : i32
    %add3A_18 = arith.addi %mul3A_2, %add3A_17 : i32
    %dma_wait3A_19 = arith.constant 0 : i32
    %dma_wait3A_20 = tpu.memref_slice %arg4[%add3A_18, %dma_wait3A_19] : memref<65536x128xf32, #tpu.memory_space<hbm>> -> memref<256x128xf32, #tpu.memory_space<hbm>>
    %dma_wait3A_21 = arith.constant 0 : i32
    %dma_wait3A_22 = tpu.memref_slice %arg4[%add3A_18, %dma_wait3A_21] : memref<65536x128xf32, #tpu.memory_space<hbm>> -> memref<256x128xf32, #tpu.memory_space<hbm>>
    tpu.wait_dma2 semaphore(%arg10 : memref<!tpu.dma_semaphore, #tpu.memory_space<semaphore_mem>>) src(%arg6 : memref<256x128xf32, #tpu.memory_space<vmem>>) dst(%dma_wait3A_22 : memref<256x128xf32, #tpu.memory_space<hbm>>)
    return
  }
}

#map = affine_map<(d0, d1) -> (0, 0)>
#map1 = affine_map<(d0, d1) -> (0)>
module attributes {stable_mosaic.version = 14 : i64} {
  func.func @k(%arg0: i32, %arg1: i32, %arg2: memref<32768x128xf32, #tpu.memory_space<hbm>>, %arg3: memref<65536xi32, #tpu.memory_space<hbm>>, %arg4: memref<65536x128xf32, #tpu.memory_space<hbm>>, %arg5: memref<2048xi32, #tpu.memory_space<vmem>>, %arg6: memref<256x128xf32, #tpu.memory_space<vmem>>, %arg7: memref<256x128xf32, #tpu.memory_space<vmem>>, %arg8: memref<!tpu.dma_semaphore, #tpu.memory_space<semaphore_mem>>, %arg9: memref<!tpu.dma_semaphore, #tpu.memory_space<semaphore_mem>>, %arg10: memref<!tpu.dma_semaphore, #tpu.memory_space<semaphore_mem>>, %arg11: memref<!tpu.dma_semaphore, #tpu.memory_space<semaphore_mem>>) attributes {dimension_semantics = [#tpu.dimension_semantics<core_parallel>, #tpu.dimension_semantics<subcore_parallel>], iteration_bounds = array<i64: 2, 16>, scalar_prefetch = 0 : i64, scratch_operands = 7 : i64, tpu.core_type = #tpu.core_type<sc_vector_subcore>, window_params = [{transform_indices = #map}, {transform_indices = #map1}, {transform_indices = #map}]} {
    %mul3A = arith.constant 2 : i32
    %mul3A_0 = arith.muli %arg1, %mul3A : i32
    %add3A = arith.addi %mul3A_0, %arg0 : i32
    %mul3A_1 = arith.constant 2048 : i32
    %mul3A_2 = arith.muli %add3A, %mul3A_1 : i32
    "tpu.region"() ({
      %run_scoped3A = tpu.sem_alloc : memref<!tpu.dma_semaphore, #tpu.memory_space<semaphore_mem>>
      %dma_start3A_23 = tpu.memref_slice %arg3[%mul3A_2] : memref<65536xi32, #tpu.memory_space<hbm>> -> memref<2048xi32, #tpu.memory_space<hbm>>
      %dma_start3A_24 = tpu.memref_slice %arg3[%mul3A_2] : memref<65536xi32, #tpu.memory_space<hbm>> -> memref<2048xi32, #tpu.memory_space<hbm>>
      tpu.enqueue_dma source(%dma_start3A_24 : memref<2048xi32, #tpu.memory_space<hbm>>) target(%arg5 : memref<2048xi32, #tpu.memory_space<vmem>>) target_semaphore(%run_scoped3A : memref<!tpu.dma_semaphore, #tpu.memory_space<semaphore_mem>>)
      %dma_wait3A_25 = tpu.memref_slice %arg3[%mul3A_2] : memref<65536xi32, #tpu.memory_space<hbm>> -> memref<2048xi32, #tpu.memory_space<hbm>>
      %dma_wait3A_26 = tpu.memref_slice %arg3[%mul3A_2] : memref<65536xi32, #tpu.memory_space<hbm>> -> memref<2048xi32, #tpu.memory_space<hbm>>
      tpu.wait_dma2 semaphore(%run_scoped3A : memref<!tpu.dma_semaphore, #tpu.memory_space<semaphore_mem>>) src(%dma_wait3A_26 : memref<2048xi32, #tpu.memory_space<hbm>>) dst(%arg5 : memref<2048xi32, #tpu.memory_space<vmem>>)
      tpu.yield
    }) : () -> ()
    %dma_start3A = arith.constant 0 : i32
    %dma_start3A_3 = tpu.memref_slice %arg5[%dma_start3A] : memref<2048xi32, #tpu.memory_space<vmem>> -> memref<256xi32, #tpu.memory_space<vmem>>
    %dma_start3A_4 = arith.constant 0 : i32
    %dma_start3A_5 = arith.constant 0 : i32
    %dma_start3A_6 = tpu.memref_slice %arg2[%dma_start3A_4, %dma_start3A_5] : memref<32768x128xf32, #tpu.memory_space<hbm>> -> memref<32768x128xf32, #tpu.memory_space<hbm>>
    tpu.enqueue_indirect_dma source(%dma_start3A_6 : memref<32768x128xf32, #tpu.memory_space<hbm>>) target(%arg6 : memref<256x128xf32, #tpu.memory_space<vmem>>) offsets(%dma_start3A_3 : memref<256xi32, #tpu.memory_space<vmem>>) semaphore(%arg8 : memref<!tpu.dma_semaphore, #tpu.memory_space<semaphore_mem>>)
    %scan3A = arith.constant 0 : i32
    %scan3A_7 = arith.constant 0 : i32
    %scan3A_8 = arith.constant 4 : i32
    %scan3A_9 = arith.addi %scan3A_7, %scan3A_8 : i32
    %scan3A_10 = arith.constant 1 : i32
    scf.for %scan3A_23 = %scan3A_7 to %scan3A_9 step %scan3A_10  : i32 {
      %mul3A_24 = arith.constant 2 : i32
      %mul3A_25 = arith.muli %mul3A_24, %scan3A_23 : i32
      %add3A_26 = arith.constant 0 : i32
      %add3A_27 = arith.addi %mul3A_25, %add3A_26 : i32
      %mul3A_28 = arith.constant 256 : i32
      %mul3A_29 = arith.muli %add3A_27, %mul3A_28 : i32
      %dma_wait3A_30 = tpu.memref_slice %arg5[%mul3A_29] : memref<2048xi32, #tpu.memory_space<vmem>> -> memref<256xi32, #tpu.memory_space<vmem>>
      %dma_wait3A_31 = arith.constant 0 : i32
      %dma_wait3A_32 = arith.constant 0 : i32
      %dma_wait3A_33 = tpu.memref_slice %arg2[%dma_wait3A_31, %dma_wait3A_32] : memref<32768x128xf32, #tpu.memory_space<hbm>> -> memref<32768x128xf32, #tpu.memory_space<hbm>>
      tpu.wait_indirect_dma semaphore(%arg8 : memref<!tpu.dma_semaphore, #tpu.memory_space<semaphore_mem>>) src(%dma_wait3A_33 : memref<32768x128xf32, #tpu.memory_space<hbm>>) dst(%arg6 : memref<256x128xf32, #tpu.memory_space<vmem>>)
      %add3A_34 = arith.constant 1 : i32
      %add3A_35 = arith.addi %add3A_27, %add3A_34 : i32
      %lt3A = arith.constant 8 : i32
      %lt3A_36 = arith.cmpi slt, %add3A_35, %lt3A : i32
      %convert_element_type3A = arith.extui %lt3A_36 : i1 to i32
      %cond3A = arith.constant 0 : i32
      %cond3A_37 = arith.cmpi ne, %convert_element_type3A, %cond3A : i32
      scf.if %cond3A_37 {
        %ge3A = arith.constant 1 : i32
        %ge3A_69 = arith.cmpi sge, %add3A_27, %ge3A : i32
        %convert_element_type3A_70 = arith.extui %ge3A_69 : i1 to i32
        %cond3A_71 = arith.constant 0 : i32
        %cond3A_72 = arith.cmpi ne, %convert_element_type3A_70, %cond3A_71 : i32
        scf.if %cond3A_72 {
          %sub3A = arith.constant 1 : i32
          %sub3A_81 = arith.subi %add3A_27, %sub3A : i32
          %mul3A_82 = arith.constant 256 : i32
          %mul3A_83 = arith.muli %sub3A_81, %mul3A_82 : i32
          %add3A_84 = arith.addi %mul3A_2, %mul3A_83 : i32
          %dma_wait3A_85 = arith.constant 0 : i32
          %dma_wait3A_86 = tpu.memref_slice %arg4[%add3A_84, %dma_wait3A_85] : memref<65536x128xf32, #tpu.memory_space<hbm>> -> memref<256x128xf32, #tpu.memory_space<hbm>>
          %dma_wait3A_87 = arith.constant 0 : i32
          %dma_wait3A_88 = tpu.memref_slice %arg4[%add3A_84, %dma_wait3A_87] : memref<65536x128xf32, #tpu.memory_space<hbm>> -> memref<256x128xf32, #tpu.memory_space<hbm>>
          tpu.wait_dma2 semaphore(%arg11 : memref<!tpu.dma_semaphore, #tpu.memory_space<semaphore_mem>>) src(%arg7 : memref<256x128xf32, #tpu.memory_space<vmem>>) dst(%dma_wait3A_88 : memref<256x128xf32, #tpu.memory_space<hbm>>)
        } else {
        }
        %add3A_73 = arith.constant 1 : i32
        %add3A_74 = arith.addi %add3A_27, %add3A_73 : i32
        %mul3A_75 = arith.constant 256 : i32
        %mul3A_76 = arith.muli %add3A_74, %mul3A_75 : i32
        %dma_start3A_77 = tpu.memref_slice %arg5[%mul3A_76] : memref<2048xi32, #tpu.memory_space<vmem>> -> memref<256xi32, #tpu.memory_space<vmem>>
        %dma_start3A_78 = arith.constant 0 : i32
        %dma_start3A_79 = arith.constant 0 : i32
        %dma_start3A_80 = tpu.memref_slice %arg2[%dma_start3A_78, %dma_start3A_79] : memref<32768x128xf32, #tpu.memory_space<hbm>> -> memref<32768x128xf32, #tpu.memory_space<hbm>>
        tpu.enqueue_indirect_dma source(%dma_start3A_80 : memref<32768x128xf32, #tpu.memory_space<hbm>>) target(%arg7 : memref<256x128xf32, #tpu.memory_space<vmem>>) offsets(%dma_start3A_77 : memref<256xi32, #tpu.memory_space<vmem>>) semaphore(%arg9 : memref<!tpu.dma_semaphore, #tpu.memory_space<semaphore_mem>>)
      } else {
      }
      %mul3A_38 = arith.constant 256 : i32
      %mul3A_39 = arith.muli %add3A_27, %mul3A_38 : i32
      %add3A_40 = arith.addi %mul3A_2, %mul3A_39 : i32
      %dma_start3A_41 = arith.constant 0 : i32
      %dma_start3A_42 = tpu.memref_slice %arg4[%add3A_40, %dma_start3A_41] : memref<65536x128xf32, #tpu.memory_space<hbm>> -> memref<256x128xf32, #tpu.memory_space<hbm>>
      %dma_start3A_43 = arith.constant 0 : i32
      %dma_start3A_44 = tpu.memref_slice %arg4[%add3A_40, %dma_start3A_43] : memref<65536x128xf32, #tpu.memory_space<hbm>> -> memref<256x128xf32, #tpu.memory_space<hbm>>
      tpu.enqueue_dma source(%arg6 : memref<256x128xf32, #tpu.memory_space<vmem>>) target(%dma_start3A_44 : memref<256x128xf32, #tpu.memory_space<hbm>>) target_semaphore(%arg10 : memref<!tpu.dma_semaphore, #tpu.memory_space<semaphore_mem>>)
      %mul3A_45 = arith.constant 2 : i32
      %mul3A_46 = arith.muli %mul3A_45, %scan3A_23 : i32
      %add3A_47 = arith.constant 1 : i32
      %add3A_48 = arith.addi %mul3A_46, %add3A_47 : i32
      %mul3A_49 = arith.constant 256 : i32
      %mul3A_50 = arith.muli %add3A_48, %mul3A_49 : i32
      %dma_wait3A_51 = tpu.memref_slice %arg5[%mul3A_50] : memref<2048xi32, #tpu.memory_space<vmem>> -> memref<256xi32, #tpu.memory_space<vmem>>
      %dma_wait3A_52 = arith.constant 0 : i32
      %dma_wait3A_53 = arith.constant 0 : i32
      %dma_wait3A_54 = tpu.memref_slice %arg2[%dma_wait3A_52, %dma_wait3A_53] : memref<32768x128xf32, #tpu.memory_space<hbm>> -> memref<32768x128xf32, #tpu.memory_space<hbm>>
      tpu.wait_indirect_dma semaphore(%arg9 : memref<!tpu.dma_semaphore, #tpu.memory_space<semaphore_mem>>) src(%dma_wait3A_54 : memref<32768x128xf32, #tpu.memory_space<hbm>>) dst(%arg7 : memref<256x128xf32, #tpu.memory_space<vmem>>)
      %add3A_55 = arith.constant 1 : i32
      %add3A_56 = arith.addi %add3A_48, %add3A_55 : i32
      %lt3A_57 = arith.constant 8 : i32
      %lt3A_58 = arith.cmpi slt, %add3A_56, %lt3A_57 : i32
      %convert_element_type3A_59 = arith.extui %lt3A_58 : i1 to i32
      %cond3A_60 = arith.constant 0 : i32
      %cond3A_61 = arith.cmpi ne, %convert_element_type3A_59, %cond3A_60 : i32
      scf.if %cond3A_61 {
        %ge3A = arith.constant 1 : i32
        %ge3A_69 = arith.cmpi sge, %add3A_48, %ge3A : i32
        %convert_element_type3A_70 = arith.extui %ge3A_69 : i1 to i32
        %cond3A_71 = arith.constant 0 : i32
        %cond3A_72 = arith.cmpi ne, %convert_element_type3A_70, %cond3A_71 : i32
        scf.if %cond3A_72 {
          %sub3A = arith.constant 1 : i32
          %sub3A_81 = arith.subi %add3A_48, %sub3A : i32
          %mul3A_82 = arith.constant 256 : i32
          %mul3A_83 = arith.muli %sub3A_81, %mul3A_82 : i32
          %add3A_84 = arith.addi %mul3A_2, %mul3A_83 : i32
          %dma_wait3A_85 = arith.constant 0 : i32
          %dma_wait3A_86 = tpu.memref_slice %arg4[%add3A_84, %dma_wait3A_85] : memref<65536x128xf32, #tpu.memory_space<hbm>> -> memref<256x128xf32, #tpu.memory_space<hbm>>
          %dma_wait3A_87 = arith.constant 0 : i32
          %dma_wait3A_88 = tpu.memref_slice %arg4[%add3A_84, %dma_wait3A_87] : memref<65536x128xf32, #tpu.memory_space<hbm>> -> memref<256x128xf32, #tpu.memory_space<hbm>>
          tpu.wait_dma2 semaphore(%arg10 : memref<!tpu.dma_semaphore, #tpu.memory_space<semaphore_mem>>) src(%arg6 : memref<256x128xf32, #tpu.memory_space<vmem>>) dst(%dma_wait3A_88 : memref<256x128xf32, #tpu.memory_space<hbm>>)
        } else {
        }
        %add3A_73 = arith.constant 1 : i32
        %add3A_74 = arith.addi %add3A_48, %add3A_73 : i32
        %mul3A_75 = arith.constant 256 : i32
        %mul3A_76 = arith.muli %add3A_74, %mul3A_75 : i32
        %dma_start3A_77 = tpu.memref_slice %arg5[%mul3A_76] : memref<2048xi32, #tpu.memory_space<vmem>> -> memref<256xi32, #tpu.memory_space<vmem>>
        %dma_start3A_78 = arith.constant 0 : i32
        %dma_start3A_79 = arith.constant 0 : i32
        %dma_start3A_80 = tpu.memref_slice %arg2[%dma_start3A_78, %dma_start3A_79] : memref<32768x128xf32, #tpu.memory_space<hbm>> -> memref<32768x128xf32, #tpu.memory_space<hbm>>
        tpu.enqueue_indirect_dma source(%dma_start3A_80 : memref<32768x128xf32, #tpu.memory_space<hbm>>) target(%arg6 : memref<256x128xf32, #tpu.memory_space<vmem>>) offsets(%dma_start3A_77 : memref<256xi32, #tpu.memory_space<vmem>>) semaphore(%arg8 : memref<!tpu.dma_semaphore, #tpu.memory_space<semaphore_mem>>)
      } else {
      }
      %mul3A_62 = arith.constant 256 : i32
      %mul3A_63 = arith.muli %add3A_48, %mul3A_62 : i32
      %add3A_64 = arith.addi %mul3A_2, %mul3A_63 : i32
      %dma_start3A_65 = arith.constant 0 : i32
      %dma_start3A_66 = tpu.memref_slice %arg4[%add3A_64, %dma_start3A_65] : memref<65536x128xf32, #tpu.memory_space<hbm>> -> memref<256x128xf32, #tpu.memory_space<hbm>>
      %dma_start3A_67 = arith.constant 0 : i32
      %dma_start3A_68 = tpu.memref_slice %arg4[%add3A_64, %dma_start3A_67] : memref<65536x128xf32, #tpu.memory_space<hbm>> -> memref<256x128xf32, #tpu.memory_space<hbm>>
      tpu.enqueue_dma source(%arg7 : memref<256x128xf32, #tpu.memory_space<vmem>>) target(%dma_start3A_68 : memref<256x128xf32, #tpu.memory_space<hbm>>) target_semaphore(%arg11 : memref<!tpu.dma_semaphore, #tpu.memory_space<semaphore_mem>>)
    }
    %scan3A_11 = arith.constant 4 : i32
    %add3A_12 = arith.constant 1792 : i32
    %add3A_13 = arith.addi %mul3A_2, %add3A_12 : i32
    %dma_wait3A = arith.constant 0 : i32
    %dma_wait3A_14 = tpu.memref_slice %arg4[%add3A_13, %dma_wait3A] : memref<65536x128xf32, #tpu.memory_space<hbm>> -> memref<256x128xf32, #tpu.memory_space<hbm>>
    %dma_wait3A_15 = arith.constant 0 : i32
    %dma_wait3A_16 = tpu.memref_slice %arg4[%add3A_13, %dma_wait3A_15] : memref<65536x128xf32, #tpu.memory_space<hbm>> -> memref<256x128xf32, #tpu.memory_space<hbm>>
    tpu.wait_dma2 semaphore(%arg11 : memref<!tpu.dma_semaphore, #tpu.memory_space<semaphore_mem>>) src(%arg7 : memref<256x128xf32, #tpu.memory_space<vmem>>) dst(%dma_wait3A_16 : memref<256x128xf32, #tpu.memory_space<hbm>>)
    %add3A_17 = arith.constant 1536 : i32
    %add3A_18 = arith.addi %mul3A_2, %add3A_17 : i32
    %dma_wait3A_19 = arith.constant 0 : i32
    %dma_wait3A_20 = tpu.memref_slice %arg4[%add3A_18, %dma_wait3A_19] : memref<65536x128xf32, #tpu.memory_space<hbm>> -> memref<256x128xf32, #tpu.memory_space<hbm>>
    %dma_wait3A_21 = arith.constant 0 : i32
    %dma_wait3A_22 = tpu.memref_slice %arg4[%add3A_18, %dma_wait3A_21] : memref<65536x128xf32, #tpu.memory_space<hbm>> -> memref<256x128xf32, #tpu.memory_space<hbm>>
    tpu.wait_dma2 semaphore(%arg10 : memref<!tpu.dma_semaphore, #tpu.memory_space<semaphore_mem>>) src(%arg6 : memref<256x128xf32, #tpu.memory_space<vmem>>) dst(%dma_wait3A_22 : memref<256x128xf32, #tpu.memory_space<hbm>>)
    return
  }
}

#map = affine_map<(d0, d1) -> (0, 0)>
#map1 = affine_map<(d0, d1) -> (0)>
module attributes {stable_mosaic.version = 14 : i64} {
  func.func @k(%arg0: i32, %arg1: i32, %arg2: memref<32768x128xf32, #tpu.memory_space<hbm>>, %arg3: memref<65536xi32, #tpu.memory_space<hbm>>, %arg4: memref<65536x128xf32, #tpu.memory_space<hbm>>, %arg5: memref<2048xi32, #tpu.memory_space<vmem>>, %arg6: memref<256x128xf32, #tpu.memory_space<vmem>>, %arg7: memref<256x128xf32, #tpu.memory_space<vmem>>, %arg8: memref<!tpu.dma_semaphore, #tpu.memory_space<semaphore_mem>>, %arg9: memref<!tpu.dma_semaphore, #tpu.memory_space<semaphore_mem>>, %arg10: memref<!tpu.dma_semaphore, #tpu.memory_space<semaphore_mem>>, %arg11: memref<!tpu.dma_semaphore, #tpu.memory_space<semaphore_mem>>) attributes {dimension_semantics = [#tpu.dimension_semantics<core_parallel>, #tpu.dimension_semantics<subcore_parallel>], iteration_bounds = array<i64: 2, 16>, scalar_prefetch = 0 : i64, scratch_operands = 7 : i64, tpu.core_type = #tpu.core_type<sc_vector_subcore>, window_params = [{transform_indices = #map}, {transform_indices = #map1}, {transform_indices = #map}]} {
    %mul3A = arith.constant 2 : i32
    %mul3A_0 = arith.muli %arg1, %mul3A : i32
    %add3A = arith.addi %mul3A_0, %arg0 : i32
    %mul3A_1 = arith.constant 2048 : i32
    %mul3A_2 = arith.muli %add3A, %mul3A_1 : i32
    "tpu.region"() ({
      %run_scoped3A = tpu.sem_alloc : memref<!tpu.dma_semaphore, #tpu.memory_space<semaphore_mem>>
      %dma_start3A_23 = tpu.memref_slice %arg3[%mul3A_2] : memref<65536xi32, #tpu.memory_space<hbm>> -> memref<2048xi32, #tpu.memory_space<hbm>>
      %dma_start3A_24 = tpu.memref_slice %arg3[%mul3A_2] : memref<65536xi32, #tpu.memory_space<hbm>> -> memref<2048xi32, #tpu.memory_space<hbm>>
      tpu.enqueue_dma source(%dma_start3A_24 : memref<2048xi32, #tpu.memory_space<hbm>>) target(%arg5 : memref<2048xi32, #tpu.memory_space<vmem>>) target_semaphore(%run_scoped3A : memref<!tpu.dma_semaphore, #tpu.memory_space<semaphore_mem>>)
      %dma_wait3A_25 = tpu.memref_slice %arg3[%mul3A_2] : memref<65536xi32, #tpu.memory_space<hbm>> -> memref<2048xi32, #tpu.memory_space<hbm>>
      %dma_wait3A_26 = tpu.memref_slice %arg3[%mul3A_2] : memref<65536xi32, #tpu.memory_space<hbm>> -> memref<2048xi32, #tpu.memory_space<hbm>>
      tpu.wait_dma2 semaphore(%run_scoped3A : memref<!tpu.dma_semaphore, #tpu.memory_space<semaphore_mem>>) src(%dma_wait3A_26 : memref<2048xi32, #tpu.memory_space<hbm>>) dst(%arg5 : memref<2048xi32, #tpu.memory_space<vmem>>)
      tpu.yield
    }) : () -> ()
    %dma_start3A = arith.constant 0 : i32
    %dma_start3A_3 = tpu.memref_slice %arg5[%dma_start3A] : memref<2048xi32, #tpu.memory_space<vmem>> -> memref<256xi32, #tpu.memory_space<vmem>>
    %dma_start3A_4 = arith.constant 0 : i32
    %dma_start3A_5 = arith.constant 0 : i32
    %dma_start3A_6 = tpu.memref_slice %arg2[%dma_start3A_4, %dma_start3A_5] : memref<32768x128xf32, #tpu.memory_space<hbm>> -> memref<32768x128xf32, #tpu.memory_space<hbm>>
    tpu.enqueue_indirect_dma source(%dma_start3A_6 : memref<32768x128xf32, #tpu.memory_space<hbm>>) target(%arg6 : memref<256x128xf32, #tpu.memory_space<vmem>>) offsets(%dma_start3A_3 : memref<256xi32, #tpu.memory_space<vmem>>) semaphore(%arg8 : memref<!tpu.dma_semaphore, #tpu.memory_space<semaphore_mem>>)
    %scan3A = arith.constant 0 : i32
    %scan3A_7 = arith.constant 0 : i32
    %scan3A_8 = arith.constant 4 : i32
    %scan3A_9 = arith.addi %scan3A_7, %scan3A_8 : i32
    %scan3A_10 = arith.constant 1 : i32
    scf.for %scan3A_23 = %scan3A_7 to %scan3A_9 step %scan3A_10  : i32 {
      %mul3A_24 = arith.constant 2 : i32
      %mul3A_25 = arith.muli %mul3A_24, %scan3A_23 : i32
      %add3A_26 = arith.constant 0 : i32
      %add3A_27 = arith.addi %mul3A_25, %add3A_26 : i32
      %mul3A_28 = arith.constant 256 : i32
      %mul3A_29 = arith.muli %add3A_27, %mul3A_28 : i32
      %dma_wait3A_30 = tpu.memref_slice %arg5[%mul3A_29] : memref<2048xi32, #tpu.memory_space<vmem>> -> memref<256xi32, #tpu.memory_space<vmem>>
      %dma_wait3A_31 = arith.constant 0 : i32
      %dma_wait3A_32 = arith.constant 0 : i32
      %dma_wait3A_33 = tpu.memref_slice %arg2[%dma_wait3A_31, %dma_wait3A_32] : memref<32768x128xf32, #tpu.memory_space<hbm>> -> memref<32768x128xf32, #tpu.memory_space<hbm>>
      tpu.wait_indirect_dma semaphore(%arg8 : memref<!tpu.dma_semaphore, #tpu.memory_space<semaphore_mem>>) src(%dma_wait3A_33 : memref<32768x128xf32, #tpu.memory_space<hbm>>) dst(%arg6 : memref<256x128xf32, #tpu.memory_space<vmem>>)
      %add3A_34 = arith.constant 1 : i32
      %add3A_35 = arith.addi %add3A_27, %add3A_34 : i32
      %lt3A = arith.constant 8 : i32
      %lt3A_36 = arith.cmpi slt, %add3A_35, %lt3A : i32
      %convert_element_type3A = arith.extui %lt3A_36 : i1 to i32
      %cond3A = arith.constant 0 : i32
      %cond3A_37 = arith.cmpi ne, %convert_element_type3A, %cond3A : i32
      scf.if %cond3A_37 {
        %ge3A = arith.constant 1 : i32
        %ge3A_69 = arith.cmpi sge, %add3A_27, %ge3A : i32
        %convert_element_type3A_70 = arith.extui %ge3A_69 : i1 to i32
        %cond3A_71 = arith.constant 0 : i32
        %cond3A_72 = arith.cmpi ne, %convert_element_type3A_70, %cond3A_71 : i32
        scf.if %cond3A_72 {
          %sub3A = arith.constant 1 : i32
          %sub3A_81 = arith.subi %add3A_27, %sub3A : i32
          %mul3A_82 = arith.constant 256 : i32
          %mul3A_83 = arith.muli %sub3A_81, %mul3A_82 : i32
          %add3A_84 = arith.addi %mul3A_2, %mul3A_83 : i32
          %dma_wait3A_85 = arith.constant 0 : i32
          %dma_wait3A_86 = tpu.memref_slice %arg4[%add3A_84, %dma_wait3A_85] : memref<65536x128xf32, #tpu.memory_space<hbm>> -> memref<256x128xf32, #tpu.memory_space<hbm>>
          %dma_wait3A_87 = arith.constant 0 : i32
          %dma_wait3A_88 = tpu.memref_slice %arg4[%add3A_84, %dma_wait3A_87] : memref<65536x128xf32, #tpu.memory_space<hbm>> -> memref<256x128xf32, #tpu.memory_space<hbm>>
          tpu.wait_dma2 semaphore(%arg11 : memref<!tpu.dma_semaphore, #tpu.memory_space<semaphore_mem>>) src(%arg7 : memref<256x128xf32, #tpu.memory_space<vmem>>) dst(%dma_wait3A_88 : memref<256x128xf32, #tpu.memory_space<hbm>>)
        } else {
        }
        %add3A_73 = arith.constant 1 : i32
        %add3A_74 = arith.addi %add3A_27, %add3A_73 : i32
        %mul3A_75 = arith.constant 256 : i32
        %mul3A_76 = arith.muli %add3A_74, %mul3A_75 : i32
        %dma_start3A_77 = tpu.memref_slice %arg5[%mul3A_76] : memref<2048xi32, #tpu.memory_space<vmem>> -> memref<256xi32, #tpu.memory_space<vmem>>
        %dma_start3A_78 = arith.constant 0 : i32
        %dma_start3A_79 = arith.constant 0 : i32
        %dma_start3A_80 = tpu.memref_slice %arg2[%dma_start3A_78, %dma_start3A_79] : memref<32768x128xf32, #tpu.memory_space<hbm>> -> memref<32768x128xf32, #tpu.memory_space<hbm>>
        tpu.enqueue_indirect_dma source(%dma_start3A_80 : memref<32768x128xf32, #tpu.memory_space<hbm>>) target(%arg7 : memref<256x128xf32, #tpu.memory_space<vmem>>) offsets(%dma_start3A_77 : memref<256xi32, #tpu.memory_space<vmem>>) semaphore(%arg9 : memref<!tpu.dma_semaphore, #tpu.memory_space<semaphore_mem>>)
      } else {
      }
      %mul3A_38 = arith.constant 256 : i32
      %mul3A_39 = arith.muli %add3A_27, %mul3A_38 : i32
      %add3A_40 = arith.addi %mul3A_2, %mul3A_39 : i32
      %dma_start3A_41 = arith.constant 0 : i32
      %dma_start3A_42 = tpu.memref_slice %arg4[%add3A_40, %dma_start3A_41] : memref<65536x128xf32, #tpu.memory_space<hbm>> -> memref<256x128xf32, #tpu.memory_space<hbm>>
      %dma_start3A_43 = arith.constant 0 : i32
      %dma_start3A_44 = tpu.memref_slice %arg4[%add3A_40, %dma_start3A_43] : memref<65536x128xf32, #tpu.memory_space<hbm>> -> memref<256x128xf32, #tpu.memory_space<hbm>>
      tpu.enqueue_dma source(%arg6 : memref<256x128xf32, #tpu.memory_space<vmem>>) target(%dma_start3A_44 : memref<256x128xf32, #tpu.memory_space<hbm>>) target_semaphore(%arg10 : memref<!tpu.dma_semaphore, #tpu.memory_space<semaphore_mem>>)
      %mul3A_45 = arith.constant 2 : i32
      %mul3A_46 = arith.muli %mul3A_45, %scan3A_23 : i32
      %add3A_47 = arith.constant 1 : i32
      %add3A_48 = arith.addi %mul3A_46, %add3A_47 : i32
      %mul3A_49 = arith.constant 256 : i32
      %mul3A_50 = arith.muli %add3A_48, %mul3A_49 : i32
      %dma_wait3A_51 = tpu.memref_slice %arg5[%mul3A_50] : memref<2048xi32, #tpu.memory_space<vmem>> -> memref<256xi32, #tpu.memory_space<vmem>>
      %dma_wait3A_52 = arith.constant 0 : i32
      %dma_wait3A_53 = arith.constant 0 : i32
      %dma_wait3A_54 = tpu.memref_slice %arg2[%dma_wait3A_52, %dma_wait3A_53] : memref<32768x128xf32, #tpu.memory_space<hbm>> -> memref<32768x128xf32, #tpu.memory_space<hbm>>
      tpu.wait_indirect_dma semaphore(%arg9 : memref<!tpu.dma_semaphore, #tpu.memory_space<semaphore_mem>>) src(%dma_wait3A_54 : memref<32768x128xf32, #tpu.memory_space<hbm>>) dst(%arg7 : memref<256x128xf32, #tpu.memory_space<vmem>>)
      %add3A_55 = arith.constant 1 : i32
      %add3A_56 = arith.addi %add3A_48, %add3A_55 : i32
      %lt3A_57 = arith.constant 8 : i32
      %lt3A_58 = arith.cmpi slt, %add3A_56, %lt3A_57 : i32
      %convert_element_type3A_59 = arith.extui %lt3A_58 : i1 to i32
      %cond3A_60 = arith.constant 0 : i32
      %cond3A_61 = arith.cmpi ne, %convert_element_type3A_59, %cond3A_60 : i32
      scf.if %cond3A_61 {
        %ge3A = arith.constant 1 : i32
        %ge3A_69 = arith.cmpi sge, %add3A_48, %ge3A : i32
        %convert_element_type3A_70 = arith.extui %ge3A_69 : i1 to i32
        %cond3A_71 = arith.constant 0 : i32
        %cond3A_72 = arith.cmpi ne, %convert_element_type3A_70, %cond3A_71 : i32
        scf.if %cond3A_72 {
          %sub3A = arith.constant 1 : i32
          %sub3A_81 = arith.subi %add3A_48, %sub3A : i32
          %mul3A_82 = arith.constant 256 : i32
          %mul3A_83 = arith.muli %sub3A_81, %mul3A_82 : i32
          %add3A_84 = arith.addi %mul3A_2, %mul3A_83 : i32
          %dma_wait3A_85 = arith.constant 0 : i32
          %dma_wait3A_86 = tpu.memref_slice %arg4[%add3A_84, %dma_wait3A_85] : memref<65536x128xf32, #tpu.memory_space<hbm>> -> memref<256x128xf32, #tpu.memory_space<hbm>>
          %dma_wait3A_87 = arith.constant 0 : i32
          %dma_wait3A_88 = tpu.memref_slice %arg4[%add3A_84, %dma_wait3A_87] : memref<65536x128xf32, #tpu.memory_space<hbm>> -> memref<256x128xf32, #tpu.memory_space<hbm>>
          tpu.wait_dma2 semaphore(%arg10 : memref<!tpu.dma_semaphore, #tpu.memory_space<semaphore_mem>>) src(%arg6 : memref<256x128xf32, #tpu.memory_space<vmem>>) dst(%dma_wait3A_88 : memref<256x128xf32, #tpu.memory_space<hbm>>)
        } else {
        }
        %add3A_73 = arith.constant 1 : i32
        %add3A_74 = arith.addi %add3A_48, %add3A_73 : i32
        %mul3A_75 = arith.constant 256 : i32
        %mul3A_76 = arith.muli %add3A_74, %mul3A_75 : i32
        %dma_start3A_77 = tpu.memref_slice %arg5[%mul3A_76] : memref<2048xi32, #tpu.memory_space<vmem>> -> memref<256xi32, #tpu.memory_space<vmem>>
        %dma_start3A_78 = arith.constant 0 : i32
        %dma_start3A_79 = arith.constant 0 : i32
        %dma_start3A_80 = tpu.memref_slice %arg2[%dma_start3A_78, %dma_start3A_79] : memref<32768x128xf32, #tpu.memory_space<hbm>> -> memref<32768x128xf32, #tpu.memory_space<hbm>>
        tpu.enqueue_indirect_dma source(%dma_start3A_80 : memref<32768x128xf32, #tpu.memory_space<hbm>>) target(%arg6 : memref<256x128xf32, #tpu.memory_space<vmem>>) offsets(%dma_start3A_77 : memref<256xi32, #tpu.memory_space<vmem>>) semaphore(%arg8 : memref<!tpu.dma_semaphore, #tpu.memory_space<semaphore_mem>>)
      } else {
      }
      %mul3A_62 = arith.constant 256 : i32
      %mul3A_63 = arith.muli %add3A_48, %mul3A_62 : i32
      %add3A_64 = arith.addi %mul3A_2, %mul3A_63 : i32
      %dma_start3A_65 = arith.constant 0 : i32
      %dma_start3A_66 = tpu.memref_slice %arg4[%add3A_64, %dma_start3A_65] : memref<65536x128xf32, #tpu.memory_space<hbm>> -> memref<256x128xf32, #tpu.memory_space<hbm>>
      %dma_start3A_67 = arith.constant 0 : i32
      %dma_start3A_68 = tpu.memref_slice %arg4[%add3A_64, %dma_start3A_67] : memref<65536x128xf32, #tpu.memory_space<hbm>> -> memref<256x128xf32, #tpu.memory_space<hbm>>
      tpu.enqueue_dma source(%arg7 : memref<256x128xf32, #tpu.memory_space<vmem>>) target(%dma_start3A_68 : memref<256x128xf32, #tpu.memory_space<hbm>>) target_semaphore(%arg11 : memref<!tpu.dma_semaphore, #tpu.memory_space<semaphore_mem>>)
    }
    %scan3A_11 = arith.constant 4 : i32
    %add3A_12 = arith.constant 1792 : i32
    %add3A_13 = arith.addi %mul3A_2, %add3A_12 : i32
    %dma_wait3A = arith.constant 0 : i32
    %dma_wait3A_14 = tpu.memref_slice %arg4[%add3A_13, %dma_wait3A] : memref<65536x128xf32, #tpu.memory_space<hbm>> -> memref<256x128xf32, #tpu.memory_space<hbm>>
    %dma_wait3A_15 = arith.constant 0 : i32
    %dma_wait3A_16 = tpu.memref_slice %arg4[%add3A_13, %dma_wait3A_15] : memref<65536x128xf32, #tpu.memory_space<hbm>> -> memref<256x128xf32, #tpu.memory_space<hbm>>
    tpu.wait_dma2 semaphore(%arg11 : memref<!tpu.dma_semaphore, #tpu.memory_space<semaphore_mem>>) src(%arg7 : memref<256x128xf32, #tpu.memory_space<vmem>>) dst(%dma_wait3A_16 : memref<256x128xf32, #tpu.memory_space<hbm>>)
    %add3A_17 = arith.constant 1536 : i32
    %add3A_18 = arith.addi %mul3A_2, %add3A_17 : i32
    %dma_wait3A_19 = arith.constant 0 : i32
    %dma_wait3A_20 = tpu.memref_slice %arg4[%add3A_18, %dma_wait3A_19] : memref<65536x128xf32, #tpu.memory_space<hbm>> -> memref<256x128xf32, #tpu.memory_space<hbm>>
    %dma_wait3A_21 = arith.constant 0 : i32
    %dma_wait3A_22 = tpu.memref_slice %arg4[%add3A_18, %dma_wait3A_21] : memref<65536x128xf32, #tpu.memory_space<hbm>> -> memref<256x128xf32, #tpu.memory_space<hbm>>
    tpu.wait_dma2 semaphore(%arg10 : memref<!tpu.dma_semaphore, #tpu.memory_space<semaphore_mem>>) src(%arg6 : memref<256x128xf32, #tpu.memory_space<vmem>>) dst(%dma_wait3A_22 : memref<256x128xf32, #tpu.memory_space<hbm>>)
    return
  }
}

#map = affine_map<(d0, d1) -> (0, 0)>
#map1 = affine_map<(d0, d1) -> (0)>
module attributes {stable_mosaic.version = 14 : i64} {
  func.func @k(%arg0: i32, %arg1: i32, %arg2: memref<32768x128xf32, #tpu.memory_space<hbm>>, %arg3: memref<65536xi32, #tpu.memory_space<hbm>>, %arg4: memref<65536x128xf32, #tpu.memory_space<hbm>>, %arg5: memref<2048xi32, #tpu.memory_space<vmem>>, %arg6: memref<256x128xf32, #tpu.memory_space<vmem>>, %arg7: memref<256x128xf32, #tpu.memory_space<vmem>>, %arg8: memref<!tpu.dma_semaphore, #tpu.memory_space<semaphore_mem>>, %arg9: memref<!tpu.dma_semaphore, #tpu.memory_space<semaphore_mem>>, %arg10: memref<!tpu.dma_semaphore, #tpu.memory_space<semaphore_mem>>, %arg11: memref<!tpu.dma_semaphore, #tpu.memory_space<semaphore_mem>>) attributes {dimension_semantics = [#tpu.dimension_semantics<core_parallel>, #tpu.dimension_semantics<subcore_parallel>], iteration_bounds = array<i64: 2, 16>, scalar_prefetch = 0 : i64, scratch_operands = 7 : i64, tpu.core_type = #tpu.core_type<sc_vector_subcore>, window_params = [{transform_indices = #map}, {transform_indices = #map1}, {transform_indices = #map}]} {
    %mul3A = arith.constant 2 : i32
    %mul3A_0 = arith.muli %arg1, %mul3A : i32
    %add3A = arith.addi %mul3A_0, %arg0 : i32
    %mul3A_1 = arith.constant 2048 : i32
    %mul3A_2 = arith.muli %add3A, %mul3A_1 : i32
    "tpu.region"() ({
      %run_scoped3A = tpu.sem_alloc : memref<!tpu.dma_semaphore, #tpu.memory_space<semaphore_mem>>
      %dma_start3A_23 = tpu.memref_slice %arg3[%mul3A_2] : memref<65536xi32, #tpu.memory_space<hbm>> -> memref<2048xi32, #tpu.memory_space<hbm>>
      %dma_start3A_24 = tpu.memref_slice %arg3[%mul3A_2] : memref<65536xi32, #tpu.memory_space<hbm>> -> memref<2048xi32, #tpu.memory_space<hbm>>
      tpu.enqueue_dma source(%dma_start3A_24 : memref<2048xi32, #tpu.memory_space<hbm>>) target(%arg5 : memref<2048xi32, #tpu.memory_space<vmem>>) target_semaphore(%run_scoped3A : memref<!tpu.dma_semaphore, #tpu.memory_space<semaphore_mem>>)
      %dma_wait3A_25 = tpu.memref_slice %arg3[%mul3A_2] : memref<65536xi32, #tpu.memory_space<hbm>> -> memref<2048xi32, #tpu.memory_space<hbm>>
      %dma_wait3A_26 = tpu.memref_slice %arg3[%mul3A_2] : memref<65536xi32, #tpu.memory_space<hbm>> -> memref<2048xi32, #tpu.memory_space<hbm>>
      tpu.wait_dma2 semaphore(%run_scoped3A : memref<!tpu.dma_semaphore, #tpu.memory_space<semaphore_mem>>) src(%dma_wait3A_26 : memref<2048xi32, #tpu.memory_space<hbm>>) dst(%arg5 : memref<2048xi32, #tpu.memory_space<vmem>>)
      tpu.yield
    }) : () -> ()
    %dma_start3A = arith.constant 0 : i32
    %dma_start3A_3 = tpu.memref_slice %arg5[%dma_start3A] : memref<2048xi32, #tpu.memory_space<vmem>> -> memref<256xi32, #tpu.memory_space<vmem>>
    %dma_start3A_4 = arith.constant 0 : i32
    %dma_start3A_5 = arith.constant 0 : i32
    %dma_start3A_6 = tpu.memref_slice %arg2[%dma_start3A_4, %dma_start3A_5] : memref<32768x128xf32, #tpu.memory_space<hbm>> -> memref<32768x128xf32, #tpu.memory_space<hbm>>
    tpu.enqueue_indirect_dma source(%dma_start3A_6 : memref<32768x128xf32, #tpu.memory_space<hbm>>) target(%arg6 : memref<256x128xf32, #tpu.memory_space<vmem>>) offsets(%dma_start3A_3 : memref<256xi32, #tpu.memory_space<vmem>>) semaphore(%arg8 : memref<!tpu.dma_semaphore, #tpu.memory_space<semaphore_mem>>)
    %scan3A = arith.constant 0 : i32
    %scan3A_7 = arith.constant 0 : i32
    %scan3A_8 = arith.constant 4 : i32
    %scan3A_9 = arith.addi %scan3A_7, %scan3A_8 : i32
    %scan3A_10 = arith.constant 1 : i32
    scf.for %scan3A_23 = %scan3A_7 to %scan3A_9 step %scan3A_10  : i32 {
      %mul3A_24 = arith.constant 2 : i32
      %mul3A_25 = arith.muli %mul3A_24, %scan3A_23 : i32
      %add3A_26 = arith.constant 0 : i32
      %add3A_27 = arith.addi %mul3A_25, %add3A_26 : i32
      %mul3A_28 = arith.constant 256 : i32
      %mul3A_29 = arith.muli %add3A_27, %mul3A_28 : i32
      %dma_wait3A_30 = tpu.memref_slice %arg5[%mul3A_29] : memref<2048xi32, #tpu.memory_space<vmem>> -> memref<256xi32, #tpu.memory_space<vmem>>
      %dma_wait3A_31 = arith.constant 0 : i32
      %dma_wait3A_32 = arith.constant 0 : i32
      %dma_wait3A_33 = tpu.memref_slice %arg2[%dma_wait3A_31, %dma_wait3A_32] : memref<32768x128xf32, #tpu.memory_space<hbm>> -> memref<32768x128xf32, #tpu.memory_space<hbm>>
      tpu.wait_indirect_dma semaphore(%arg8 : memref<!tpu.dma_semaphore, #tpu.memory_space<semaphore_mem>>) src(%dma_wait3A_33 : memref<32768x128xf32, #tpu.memory_space<hbm>>) dst(%arg6 : memref<256x128xf32, #tpu.memory_space<vmem>>)
      %add3A_34 = arith.constant 1 : i32
      %add3A_35 = arith.addi %add3A_27, %add3A_34 : i32
      %lt3A = arith.constant 8 : i32
      %lt3A_36 = arith.cmpi slt, %add3A_35, %lt3A : i32
      %convert_element_type3A = arith.extui %lt3A_36 : i1 to i32
      %cond3A = arith.constant 0 : i32
      %cond3A_37 = arith.cmpi ne, %convert_element_type3A, %cond3A : i32
      scf.if %cond3A_37 {
        %ge3A = arith.constant 1 : i32
        %ge3A_69 = arith.cmpi sge, %add3A_27, %ge3A : i32
        %convert_element_type3A_70 = arith.extui %ge3A_69 : i1 to i32
        %cond3A_71 = arith.constant 0 : i32
        %cond3A_72 = arith.cmpi ne, %convert_element_type3A_70, %cond3A_71 : i32
        scf.if %cond3A_72 {
          %sub3A = arith.constant 1 : i32
          %sub3A_81 = arith.subi %add3A_27, %sub3A : i32
          %mul3A_82 = arith.constant 256 : i32
          %mul3A_83 = arith.muli %sub3A_81, %mul3A_82 : i32
          %add3A_84 = arith.addi %mul3A_2, %mul3A_83 : i32
          %dma_wait3A_85 = arith.constant 0 : i32
          %dma_wait3A_86 = tpu.memref_slice %arg4[%add3A_84, %dma_wait3A_85] : memref<65536x128xf32, #tpu.memory_space<hbm>> -> memref<256x128xf32, #tpu.memory_space<hbm>>
          %dma_wait3A_87 = arith.constant 0 : i32
          %dma_wait3A_88 = tpu.memref_slice %arg4[%add3A_84, %dma_wait3A_87] : memref<65536x128xf32, #tpu.memory_space<hbm>> -> memref<256x128xf32, #tpu.memory_space<hbm>>
          tpu.wait_dma2 semaphore(%arg11 : memref<!tpu.dma_semaphore, #tpu.memory_space<semaphore_mem>>) src(%arg7 : memref<256x128xf32, #tpu.memory_space<vmem>>) dst(%dma_wait3A_88 : memref<256x128xf32, #tpu.memory_space<hbm>>)
        } else {
        }
        %add3A_73 = arith.constant 1 : i32
        %add3A_74 = arith.addi %add3A_27, %add3A_73 : i32
        %mul3A_75 = arith.constant 256 : i32
        %mul3A_76 = arith.muli %add3A_74, %mul3A_75 : i32
        %dma_start3A_77 = tpu.memref_slice %arg5[%mul3A_76] : memref<2048xi32, #tpu.memory_space<vmem>> -> memref<256xi32, #tpu.memory_space<vmem>>
        %dma_start3A_78 = arith.constant 0 : i32
        %dma_start3A_79 = arith.constant 0 : i32
        %dma_start3A_80 = tpu.memref_slice %arg2[%dma_start3A_78, %dma_start3A_79] : memref<32768x128xf32, #tpu.memory_space<hbm>> -> memref<32768x128xf32, #tpu.memory_space<hbm>>
        tpu.enqueue_indirect_dma source(%dma_start3A_80 : memref<32768x128xf32, #tpu.memory_space<hbm>>) target(%arg7 : memref<256x128xf32, #tpu.memory_space<vmem>>) offsets(%dma_start3A_77 : memref<256xi32, #tpu.memory_space<vmem>>) semaphore(%arg9 : memref<!tpu.dma_semaphore, #tpu.memory_space<semaphore_mem>>)
      } else {
      }
      %mul3A_38 = arith.constant 256 : i32
      %mul3A_39 = arith.muli %add3A_27, %mul3A_38 : i32
      %add3A_40 = arith.addi %mul3A_2, %mul3A_39 : i32
      %dma_start3A_41 = arith.constant 0 : i32
      %dma_start3A_42 = tpu.memref_slice %arg4[%add3A_40, %dma_start3A_41] : memref<65536x128xf32, #tpu.memory_space<hbm>> -> memref<256x128xf32, #tpu.memory_space<hbm>>
      %dma_start3A_43 = arith.constant 0 : i32
      %dma_start3A_44 = tpu.memref_slice %arg4[%add3A_40, %dma_start3A_43] : memref<65536x128xf32, #tpu.memory_space<hbm>> -> memref<256x128xf32, #tpu.memory_space<hbm>>
      tpu.enqueue_dma source(%arg6 : memref<256x128xf32, #tpu.memory_space<vmem>>) target(%dma_start3A_44 : memref<256x128xf32, #tpu.memory_space<hbm>>) target_semaphore(%arg10 : memref<!tpu.dma_semaphore, #tpu.memory_space<semaphore_mem>>)
      %mul3A_45 = arith.constant 2 : i32
      %mul3A_46 = arith.muli %mul3A_45, %scan3A_23 : i32
      %add3A_47 = arith.constant 1 : i32
      %add3A_48 = arith.addi %mul3A_46, %add3A_47 : i32
      %mul3A_49 = arith.constant 256 : i32
      %mul3A_50 = arith.muli %add3A_48, %mul3A_49 : i32
      %dma_wait3A_51 = tpu.memref_slice %arg5[%mul3A_50] : memref<2048xi32, #tpu.memory_space<vmem>> -> memref<256xi32, #tpu.memory_space<vmem>>
      %dma_wait3A_52 = arith.constant 0 : i32
      %dma_wait3A_53 = arith.constant 0 : i32
      %dma_wait3A_54 = tpu.memref_slice %arg2[%dma_wait3A_52, %dma_wait3A_53] : memref<32768x128xf32, #tpu.memory_space<hbm>> -> memref<32768x128xf32, #tpu.memory_space<hbm>>
      tpu.wait_indirect_dma semaphore(%arg9 : memref<!tpu.dma_semaphore, #tpu.memory_space<semaphore_mem>>) src(%dma_wait3A_54 : memref<32768x128xf32, #tpu.memory_space<hbm>>) dst(%arg7 : memref<256x128xf32, #tpu.memory_space<vmem>>)
      %add3A_55 = arith.constant 1 : i32
      %add3A_56 = arith.addi %add3A_48, %add3A_55 : i32
      %lt3A_57 = arith.constant 8 : i32
      %lt3A_58 = arith.cmpi slt, %add3A_56, %lt3A_57 : i32
      %convert_element_type3A_59 = arith.extui %lt3A_58 : i1 to i32
      %cond3A_60 = arith.constant 0 : i32
      %cond3A_61 = arith.cmpi ne, %convert_element_type3A_59, %cond3A_60 : i32
      scf.if %cond3A_61 {
        %ge3A = arith.constant 1 : i32
        %ge3A_69 = arith.cmpi sge, %add3A_48, %ge3A : i32
        %convert_element_type3A_70 = arith.extui %ge3A_69 : i1 to i32
        %cond3A_71 = arith.constant 0 : i32
        %cond3A_72 = arith.cmpi ne, %convert_element_type3A_70, %cond3A_71 : i32
        scf.if %cond3A_72 {
          %sub3A = arith.constant 1 : i32
          %sub3A_81 = arith.subi %add3A_48, %sub3A : i32
          %mul3A_82 = arith.constant 256 : i32
          %mul3A_83 = arith.muli %sub3A_81, %mul3A_82 : i32
          %add3A_84 = arith.addi %mul3A_2, %mul3A_83 : i32
          %dma_wait3A_85 = arith.constant 0 : i32
          %dma_wait3A_86 = tpu.memref_slice %arg4[%add3A_84, %dma_wait3A_85] : memref<65536x128xf32, #tpu.memory_space<hbm>> -> memref<256x128xf32, #tpu.memory_space<hbm>>
          %dma_wait3A_87 = arith.constant 0 : i32
          %dma_wait3A_88 = tpu.memref_slice %arg4[%add3A_84, %dma_wait3A_87] : memref<65536x128xf32, #tpu.memory_space<hbm>> -> memref<256x128xf32, #tpu.memory_space<hbm>>
          tpu.wait_dma2 semaphore(%arg10 : memref<!tpu.dma_semaphore, #tpu.memory_space<semaphore_mem>>) src(%arg6 : memref<256x128xf32, #tpu.memory_space<vmem>>) dst(%dma_wait3A_88 : memref<256x128xf32, #tpu.memory_space<hbm>>)
        } else {
        }
        %add3A_73 = arith.constant 1 : i32
        %add3A_74 = arith.addi %add3A_48, %add3A_73 : i32
        %mul3A_75 = arith.constant 256 : i32
        %mul3A_76 = arith.muli %add3A_74, %mul3A_75 : i32
        %dma_start3A_77 = tpu.memref_slice %arg5[%mul3A_76] : memref<2048xi32, #tpu.memory_space<vmem>> -> memref<256xi32, #tpu.memory_space<vmem>>
        %dma_start3A_78 = arith.constant 0 : i32
        %dma_start3A_79 = arith.constant 0 : i32
        %dma_start3A_80 = tpu.memref_slice %arg2[%dma_start3A_78, %dma_start3A_79] : memref<32768x128xf32, #tpu.memory_space<hbm>> -> memref<32768x128xf32, #tpu.memory_space<hbm>>
        tpu.enqueue_indirect_dma source(%dma_start3A_80 : memref<32768x128xf32, #tpu.memory_space<hbm>>) target(%arg6 : memref<256x128xf32, #tpu.memory_space<vmem>>) offsets(%dma_start3A_77 : memref<256xi32, #tpu.memory_space<vmem>>) semaphore(%arg8 : memref<!tpu.dma_semaphore, #tpu.memory_space<semaphore_mem>>)
      } else {
      }
      %mul3A_62 = arith.constant 256 : i32
      %mul3A_63 = arith.muli %add3A_48, %mul3A_62 : i32
      %add3A_64 = arith.addi %mul3A_2, %mul3A_63 : i32
      %dma_start3A_65 = arith.constant 0 : i32
      %dma_start3A_66 = tpu.memref_slice %arg4[%add3A_64, %dma_start3A_65] : memref<65536x128xf32, #tpu.memory_space<hbm>> -> memref<256x128xf32, #tpu.memory_space<hbm>>
      %dma_start3A_67 = arith.constant 0 : i32
      %dma_start3A_68 = tpu.memref_slice %arg4[%add3A_64, %dma_start3A_67] : memref<65536x128xf32, #tpu.memory_space<hbm>> -> memref<256x128xf32, #tpu.memory_space<hbm>>
      tpu.enqueue_dma source(%arg7 : memref<256x128xf32, #tpu.memory_space<vmem>>) target(%dma_start3A_68 : memref<256x128xf32, #tpu.memory_space<hbm>>) target_semaphore(%arg11 : memref<!tpu.dma_semaphore, #tpu.memory_space<semaphore_mem>>)
    }
    %scan3A_11 = arith.constant 4 : i32
    %add3A_12 = arith.constant 1792 : i32
    %add3A_13 = arith.addi %mul3A_2, %add3A_12 : i32
    %dma_wait3A = arith.constant 0 : i32
    %dma_wait3A_14 = tpu.memref_slice %arg4[%add3A_13, %dma_wait3A] : memref<65536x128xf32, #tpu.memory_space<hbm>> -> memref<256x128xf32, #tpu.memory_space<hbm>>
    %dma_wait3A_15 = arith.constant 0 : i32
    %dma_wait3A_16 = tpu.memref_slice %arg4[%add3A_13, %dma_wait3A_15] : memref<65536x128xf32, #tpu.memory_space<hbm>> -> memref<256x128xf32, #tpu.memory_space<hbm>>
    tpu.wait_dma2 semaphore(%arg11 : memref<!tpu.dma_semaphore, #tpu.memory_space<semaphore_mem>>) src(%arg7 : memref<256x128xf32, #tpu.memory_space<vmem>>) dst(%dma_wait3A_16 : memref<256x128xf32, #tpu.memory_space<hbm>>)
    %add3A_17 = arith.constant 1536 : i32
    %add3A_18 = arith.addi %mul3A_2, %add3A_17 : i32
    %dma_wait3A_19 = arith.constant 0 : i32
    %dma_wait3A_20 = tpu.memref_slice %arg4[%add3A_18, %dma_wait3A_19] : memref<65536x128xf32, #tpu.memory_space<hbm>> -> memref<256x128xf32, #tpu.memory_space<hbm>>
    %dma_wait3A_21 = arith.constant 0 : i32
    %dma_wait3A_22 = tpu.memref_slice %arg4[%add3A_18, %dma_wait3A_21] : memref<65536x128xf32, #tpu.memory_space<hbm>> -> memref<256x128xf32, #tpu.memory_space<hbm>>
    tpu.wait_dma2 semaphore(%arg10 : memref<!tpu.dma_semaphore, #tpu.memory_space<semaphore_mem>>) src(%arg6 : memref<256x128xf32, #tpu.memory_space<vmem>>) dst(%dma_wait3A_22 : memref<256x128xf32, #tpu.memory_space<hbm>>)
    return
  }
}

#map = affine_map<(d0, d1) -> (0, 0)>
#map1 = affine_map<(d0, d1) -> (0)>
module attributes {stable_mosaic.version = 14 : i64} {
  func.func @k(%arg0: i32, %arg1: i32, %arg2: memref<32768x128xf32, #tpu.memory_space<hbm>>, %arg3: memref<65536xi32, #tpu.memory_space<hbm>>, %arg4: memref<65536x128xf32, #tpu.memory_space<hbm>>, %arg5: memref<2048xi32, #tpu.memory_space<vmem>>, %arg6: memref<256x128xf32, #tpu.memory_space<vmem>>, %arg7: memref<256x128xf32, #tpu.memory_space<vmem>>, %arg8: memref<!tpu.dma_semaphore, #tpu.memory_space<semaphore_mem>>, %arg9: memref<!tpu.dma_semaphore, #tpu.memory_space<semaphore_mem>>, %arg10: memref<!tpu.dma_semaphore, #tpu.memory_space<semaphore_mem>>, %arg11: memref<!tpu.dma_semaphore, #tpu.memory_space<semaphore_mem>>) attributes {dimension_semantics = [#tpu.dimension_semantics<core_parallel>, #tpu.dimension_semantics<subcore_parallel>], iteration_bounds = array<i64: 2, 16>, scalar_prefetch = 0 : i64, scratch_operands = 7 : i64, tpu.core_type = #tpu.core_type<sc_vector_subcore>, window_params = [{transform_indices = #map}, {transform_indices = #map1}, {transform_indices = #map}]} {
    %mul3A = arith.constant 2 : i32
    %mul3A_0 = arith.muli %arg1, %mul3A : i32
    %add3A = arith.addi %mul3A_0, %arg0 : i32
    %mul3A_1 = arith.constant 2048 : i32
    %mul3A_2 = arith.muli %add3A, %mul3A_1 : i32
    "tpu.region"() ({
      %run_scoped3A = tpu.sem_alloc : memref<!tpu.dma_semaphore, #tpu.memory_space<semaphore_mem>>
      %dma_start3A_23 = tpu.memref_slice %arg3[%mul3A_2] : memref<65536xi32, #tpu.memory_space<hbm>> -> memref<2048xi32, #tpu.memory_space<hbm>>
      %dma_start3A_24 = tpu.memref_slice %arg3[%mul3A_2] : memref<65536xi32, #tpu.memory_space<hbm>> -> memref<2048xi32, #tpu.memory_space<hbm>>
      tpu.enqueue_dma source(%dma_start3A_24 : memref<2048xi32, #tpu.memory_space<hbm>>) target(%arg5 : memref<2048xi32, #tpu.memory_space<vmem>>) target_semaphore(%run_scoped3A : memref<!tpu.dma_semaphore, #tpu.memory_space<semaphore_mem>>)
      %dma_wait3A_25 = tpu.memref_slice %arg3[%mul3A_2] : memref<65536xi32, #tpu.memory_space<hbm>> -> memref<2048xi32, #tpu.memory_space<hbm>>
      %dma_wait3A_26 = tpu.memref_slice %arg3[%mul3A_2] : memref<65536xi32, #tpu.memory_space<hbm>> -> memref<2048xi32, #tpu.memory_space<hbm>>
      tpu.wait_dma2 semaphore(%run_scoped3A : memref<!tpu.dma_semaphore, #tpu.memory_space<semaphore_mem>>) src(%dma_wait3A_26 : memref<2048xi32, #tpu.memory_space<hbm>>) dst(%arg5 : memref<2048xi32, #tpu.memory_space<vmem>>)
      tpu.yield
    }) : () -> ()
    %dma_start3A = arith.constant 0 : i32
    %dma_start3A_3 = tpu.memref_slice %arg5[%dma_start3A] : memref<2048xi32, #tpu.memory_space<vmem>> -> memref<256xi32, #tpu.memory_space<vmem>>
    %dma_start3A_4 = arith.constant 0 : i32
    %dma_start3A_5 = arith.constant 0 : i32
    %dma_start3A_6 = tpu.memref_slice %arg2[%dma_start3A_4, %dma_start3A_5] : memref<32768x128xf32, #tpu.memory_space<hbm>> -> memref<32768x128xf32, #tpu.memory_space<hbm>>
    tpu.enqueue_indirect_dma source(%dma_start3A_6 : memref<32768x128xf32, #tpu.memory_space<hbm>>) target(%arg6 : memref<256x128xf32, #tpu.memory_space<vmem>>) offsets(%dma_start3A_3 : memref<256xi32, #tpu.memory_space<vmem>>) semaphore(%arg8 : memref<!tpu.dma_semaphore, #tpu.memory_space<semaphore_mem>>)
    %scan3A = arith.constant 0 : i32
    %scan3A_7 = arith.constant 0 : i32
    %scan3A_8 = arith.constant 4 : i32
    %scan3A_9 = arith.addi %scan3A_7, %scan3A_8 : i32
    %scan3A_10 = arith.constant 1 : i32
    scf.for %scan3A_23 = %scan3A_7 to %scan3A_9 step %scan3A_10  : i32 {
      %mul3A_24 = arith.constant 2 : i32
      %mul3A_25 = arith.muli %mul3A_24, %scan3A_23 : i32
      %add3A_26 = arith.constant 0 : i32
      %add3A_27 = arith.addi %mul3A_25, %add3A_26 : i32
      %mul3A_28 = arith.constant 256 : i32
      %mul3A_29 = arith.muli %add3A_27, %mul3A_28 : i32
      %dma_wait3A_30 = tpu.memref_slice %arg5[%mul3A_29] : memref<2048xi32, #tpu.memory_space<vmem>> -> memref<256xi32, #tpu.memory_space<vmem>>
      %dma_wait3A_31 = arith.constant 0 : i32
      %dma_wait3A_32 = arith.constant 0 : i32
      %dma_wait3A_33 = tpu.memref_slice %arg2[%dma_wait3A_31, %dma_wait3A_32] : memref<32768x128xf32, #tpu.memory_space<hbm>> -> memref<32768x128xf32, #tpu.memory_space<hbm>>
      tpu.wait_indirect_dma semaphore(%arg8 : memref<!tpu.dma_semaphore, #tpu.memory_space<semaphore_mem>>) src(%dma_wait3A_33 : memref<32768x128xf32, #tpu.memory_space<hbm>>) dst(%arg6 : memref<256x128xf32, #tpu.memory_space<vmem>>)
      %add3A_34 = arith.constant 1 : i32
      %add3A_35 = arith.addi %add3A_27, %add3A_34 : i32
      %lt3A = arith.constant 8 : i32
      %lt3A_36 = arith.cmpi slt, %add3A_35, %lt3A : i32
      %convert_element_type3A = arith.extui %lt3A_36 : i1 to i32
      %cond3A = arith.constant 0 : i32
      %cond3A_37 = arith.cmpi ne, %convert_element_type3A, %cond3A : i32
      scf.if %cond3A_37 {
        %ge3A = arith.constant 1 : i32
        %ge3A_69 = arith.cmpi sge, %add3A_27, %ge3A : i32
        %convert_element_type3A_70 = arith.extui %ge3A_69 : i1 to i32
        %cond3A_71 = arith.constant 0 : i32
        %cond3A_72 = arith.cmpi ne, %convert_element_type3A_70, %cond3A_71 : i32
        scf.if %cond3A_72 {
          %sub3A = arith.constant 1 : i32
          %sub3A_81 = arith.subi %add3A_27, %sub3A : i32
          %mul3A_82 = arith.constant 256 : i32
          %mul3A_83 = arith.muli %sub3A_81, %mul3A_82 : i32
          %add3A_84 = arith.addi %mul3A_2, %mul3A_83 : i32
          %dma_wait3A_85 = arith.constant 0 : i32
          %dma_wait3A_86 = tpu.memref_slice %arg4[%add3A_84, %dma_wait3A_85] : memref<65536x128xf32, #tpu.memory_space<hbm>> -> memref<256x128xf32, #tpu.memory_space<hbm>>
          %dma_wait3A_87 = arith.constant 0 : i32
          %dma_wait3A_88 = tpu.memref_slice %arg4[%add3A_84, %dma_wait3A_87] : memref<65536x128xf32, #tpu.memory_space<hbm>> -> memref<256x128xf32, #tpu.memory_space<hbm>>
          tpu.wait_dma2 semaphore(%arg11 : memref<!tpu.dma_semaphore, #tpu.memory_space<semaphore_mem>>) src(%arg7 : memref<256x128xf32, #tpu.memory_space<vmem>>) dst(%dma_wait3A_88 : memref<256x128xf32, #tpu.memory_space<hbm>>)
        } else {
        }
        %add3A_73 = arith.constant 1 : i32
        %add3A_74 = arith.addi %add3A_27, %add3A_73 : i32
        %mul3A_75 = arith.constant 256 : i32
        %mul3A_76 = arith.muli %add3A_74, %mul3A_75 : i32
        %dma_start3A_77 = tpu.memref_slice %arg5[%mul3A_76] : memref<2048xi32, #tpu.memory_space<vmem>> -> memref<256xi32, #tpu.memory_space<vmem>>
        %dma_start3A_78 = arith.constant 0 : i32
        %dma_start3A_79 = arith.constant 0 : i32
        %dma_start3A_80 = tpu.memref_slice %arg2[%dma_start3A_78, %dma_start3A_79] : memref<32768x128xf32, #tpu.memory_space<hbm>> -> memref<32768x128xf32, #tpu.memory_space<hbm>>
        tpu.enqueue_indirect_dma source(%dma_start3A_80 : memref<32768x128xf32, #tpu.memory_space<hbm>>) target(%arg7 : memref<256x128xf32, #tpu.memory_space<vmem>>) offsets(%dma_start3A_77 : memref<256xi32, #tpu.memory_space<vmem>>) semaphore(%arg9 : memref<!tpu.dma_semaphore, #tpu.memory_space<semaphore_mem>>)
      } else {
      }
      %mul3A_38 = arith.constant 256 : i32
      %mul3A_39 = arith.muli %add3A_27, %mul3A_38 : i32
      %add3A_40 = arith.addi %mul3A_2, %mul3A_39 : i32
      %dma_start3A_41 = arith.constant 0 : i32
      %dma_start3A_42 = tpu.memref_slice %arg4[%add3A_40, %dma_start3A_41] : memref<65536x128xf32, #tpu.memory_space<hbm>> -> memref<256x128xf32, #tpu.memory_space<hbm>>
      %dma_start3A_43 = arith.constant 0 : i32
      %dma_start3A_44 = tpu.memref_slice %arg4[%add3A_40, %dma_start3A_43] : memref<65536x128xf32, #tpu.memory_space<hbm>> -> memref<256x128xf32, #tpu.memory_space<hbm>>
      tpu.enqueue_dma source(%arg6 : memref<256x128xf32, #tpu.memory_space<vmem>>) target(%dma_start3A_44 : memref<256x128xf32, #tpu.memory_space<hbm>>) target_semaphore(%arg10 : memref<!tpu.dma_semaphore, #tpu.memory_space<semaphore_mem>>)
      %mul3A_45 = arith.constant 2 : i32
      %mul3A_46 = arith.muli %mul3A_45, %scan3A_23 : i32
      %add3A_47 = arith.constant 1 : i32
      %add3A_48 = arith.addi %mul3A_46, %add3A_47 : i32
      %mul3A_49 = arith.constant 256 : i32
      %mul3A_50 = arith.muli %add3A_48, %mul3A_49 : i32
      %dma_wait3A_51 = tpu.memref_slice %arg5[%mul3A_50] : memref<2048xi32, #tpu.memory_space<vmem>> -> memref<256xi32, #tpu.memory_space<vmem>>
      %dma_wait3A_52 = arith.constant 0 : i32
      %dma_wait3A_53 = arith.constant 0 : i32
      %dma_wait3A_54 = tpu.memref_slice %arg2[%dma_wait3A_52, %dma_wait3A_53] : memref<32768x128xf32, #tpu.memory_space<hbm>> -> memref<32768x128xf32, #tpu.memory_space<hbm>>
      tpu.wait_indirect_dma semaphore(%arg9 : memref<!tpu.dma_semaphore, #tpu.memory_space<semaphore_mem>>) src(%dma_wait3A_54 : memref<32768x128xf32, #tpu.memory_space<hbm>>) dst(%arg7 : memref<256x128xf32, #tpu.memory_space<vmem>>)
      %add3A_55 = arith.constant 1 : i32
      %add3A_56 = arith.addi %add3A_48, %add3A_55 : i32
      %lt3A_57 = arith.constant 8 : i32
      %lt3A_58 = arith.cmpi slt, %add3A_56, %lt3A_57 : i32
      %convert_element_type3A_59 = arith.extui %lt3A_58 : i1 to i32
      %cond3A_60 = arith.constant 0 : i32
      %cond3A_61 = arith.cmpi ne, %convert_element_type3A_59, %cond3A_60 : i32
      scf.if %cond3A_61 {
        %ge3A = arith.constant 1 : i32
        %ge3A_69 = arith.cmpi sge, %add3A_48, %ge3A : i32
        %convert_element_type3A_70 = arith.extui %ge3A_69 : i1 to i32
        %cond3A_71 = arith.constant 0 : i32
        %cond3A_72 = arith.cmpi ne, %convert_element_type3A_70, %cond3A_71 : i32
        scf.if %cond3A_72 {
          %sub3A = arith.constant 1 : i32
          %sub3A_81 = arith.subi %add3A_48, %sub3A : i32
          %mul3A_82 = arith.constant 256 : i32
          %mul3A_83 = arith.muli %sub3A_81, %mul3A_82 : i32
          %add3A_84 = arith.addi %mul3A_2, %mul3A_83 : i32
          %dma_wait3A_85 = arith.constant 0 : i32
          %dma_wait3A_86 = tpu.memref_slice %arg4[%add3A_84, %dma_wait3A_85] : memref<65536x128xf32, #tpu.memory_space<hbm>> -> memref<256x128xf32, #tpu.memory_space<hbm>>
          %dma_wait3A_87 = arith.constant 0 : i32
          %dma_wait3A_88 = tpu.memref_slice %arg4[%add3A_84, %dma_wait3A_87] : memref<65536x128xf32, #tpu.memory_space<hbm>> -> memref<256x128xf32, #tpu.memory_space<hbm>>
          tpu.wait_dma2 semaphore(%arg10 : memref<!tpu.dma_semaphore, #tpu.memory_space<semaphore_mem>>) src(%arg6 : memref<256x128xf32, #tpu.memory_space<vmem>>) dst(%dma_wait3A_88 : memref<256x128xf32, #tpu.memory_space<hbm>>)
        } else {
        }
        %add3A_73 = arith.constant 1 : i32
        %add3A_74 = arith.addi %add3A_48, %add3A_73 : i32
        %mul3A_75 = arith.constant 256 : i32
        %mul3A_76 = arith.muli %add3A_74, %mul3A_75 : i32
        %dma_start3A_77 = tpu.memref_slice %arg5[%mul3A_76] : memref<2048xi32, #tpu.memory_space<vmem>> -> memref<256xi32, #tpu.memory_space<vmem>>
        %dma_start3A_78 = arith.constant 0 : i32
        %dma_start3A_79 = arith.constant 0 : i32
        %dma_start3A_80 = tpu.memref_slice %arg2[%dma_start3A_78, %dma_start3A_79] : memref<32768x128xf32, #tpu.memory_space<hbm>> -> memref<32768x128xf32, #tpu.memory_space<hbm>>
        tpu.enqueue_indirect_dma source(%dma_start3A_80 : memref<32768x128xf32, #tpu.memory_space<hbm>>) target(%arg6 : memref<256x128xf32, #tpu.memory_space<vmem>>) offsets(%dma_start3A_77 : memref<256xi32, #tpu.memory_space<vmem>>) semaphore(%arg8 : memref<!tpu.dma_semaphore, #tpu.memory_space<semaphore_mem>>)
      } else {
      }
      %mul3A_62 = arith.constant 256 : i32
      %mul3A_63 = arith.muli %add3A_48, %mul3A_62 : i32
      %add3A_64 = arith.addi %mul3A_2, %mul3A_63 : i32
      %dma_start3A_65 = arith.constant 0 : i32
      %dma_start3A_66 = tpu.memref_slice %arg4[%add3A_64, %dma_start3A_65] : memref<65536x128xf32, #tpu.memory_space<hbm>> -> memref<256x128xf32, #tpu.memory_space<hbm>>
      %dma_start3A_67 = arith.constant 0 : i32
      %dma_start3A_68 = tpu.memref_slice %arg4[%add3A_64, %dma_start3A_67] : memref<65536x128xf32, #tpu.memory_space<hbm>> -> memref<256x128xf32, #tpu.memory_space<hbm>>
      tpu.enqueue_dma source(%arg7 : memref<256x128xf32, #tpu.memory_space<vmem>>) target(%dma_start3A_68 : memref<256x128xf32, #tpu.memory_space<hbm>>) target_semaphore(%arg11 : memref<!tpu.dma_semaphore, #tpu.memory_space<semaphore_mem>>)
    }
    %scan3A_11 = arith.constant 4 : i32
    %add3A_12 = arith.constant 1792 : i32
    %add3A_13 = arith.addi %mul3A_2, %add3A_12 : i32
    %dma_wait3A = arith.constant 0 : i32
    %dma_wait3A_14 = tpu.memref_slice %arg4[%add3A_13, %dma_wait3A] : memref<65536x128xf32, #tpu.memory_space<hbm>> -> memref<256x128xf32, #tpu.memory_space<hbm>>
    %dma_wait3A_15 = arith.constant 0 : i32
    %dma_wait3A_16 = tpu.memref_slice %arg4[%add3A_13, %dma_wait3A_15] : memref<65536x128xf32, #tpu.memory_space<hbm>> -> memref<256x128xf32, #tpu.memory_space<hbm>>
    tpu.wait_dma2 semaphore(%arg11 : memref<!tpu.dma_semaphore, #tpu.memory_space<semaphore_mem>>) src(%arg7 : memref<256x128xf32, #tpu.memory_space<vmem>>) dst(%dma_wait3A_16 : memref<256x128xf32, #tpu.memory_space<hbm>>)
    %add3A_17 = arith.constant 1536 : i32
    %add3A_18 = arith.addi %mul3A_2, %add3A_17 : i32
    %dma_wait3A_19 = arith.constant 0 : i32
    %dma_wait3A_20 = tpu.memref_slice %arg4[%add3A_18, %dma_wait3A_19] : memref<65536x128xf32, #tpu.memory_space<hbm>> -> memref<256x128xf32, #tpu.memory_space<hbm>>
    %dma_wait3A_21 = arith.constant 0 : i32
    %dma_wait3A_22 = tpu.memref_slice %arg4[%add3A_18, %dma_wait3A_21] : memref<65536x128xf32, #tpu.memory_space<hbm>> -> memref<256x128xf32, #tpu.memory_space<hbm>>
    tpu.wait_dma2 semaphore(%arg10 : memref<!tpu.dma_semaphore, #tpu.memory_space<semaphore_mem>>) src(%arg6 : memref<256x128xf32, #tpu.memory_space<vmem>>) dst(%dma_wait3A_22 : memref<256x128xf32, #tpu.memory_space<hbm>>)
    return
  }
}

#map = affine_map<(d0, d1) -> (0, 0)>
#map1 = affine_map<(d0, d1) -> (0)>
module attributes {stable_mosaic.version = 14 : i64} {
  func.func @k(%arg0: i32, %arg1: i32, %arg2: memref<32768x128xf32, #tpu.memory_space<hbm>>, %arg3: memref<65536xi32, #tpu.memory_space<hbm>>, %arg4: memref<65536x128xf32, #tpu.memory_space<hbm>>, %arg5: memref<2048xi32, #tpu.memory_space<vmem>>, %arg6: memref<256x128xf32, #tpu.memory_space<vmem>>, %arg7: memref<256x128xf32, #tpu.memory_space<vmem>>, %arg8: memref<!tpu.dma_semaphore, #tpu.memory_space<semaphore_mem>>, %arg9: memref<!tpu.dma_semaphore, #tpu.memory_space<semaphore_mem>>, %arg10: memref<!tpu.dma_semaphore, #tpu.memory_space<semaphore_mem>>, %arg11: memref<!tpu.dma_semaphore, #tpu.memory_space<semaphore_mem>>) attributes {dimension_semantics = [#tpu.dimension_semantics<core_parallel>, #tpu.dimension_semantics<subcore_parallel>], iteration_bounds = array<i64: 2, 16>, scalar_prefetch = 0 : i64, scratch_operands = 7 : i64, tpu.core_type = #tpu.core_type<sc_vector_subcore>, window_params = [{transform_indices = #map}, {transform_indices = #map1}, {transform_indices = #map}]} {
    %mul3A = arith.constant 2 : i32
    %mul3A_0 = arith.muli %arg1, %mul3A : i32
    %add3A = arith.addi %mul3A_0, %arg0 : i32
    %mul3A_1 = arith.constant 2048 : i32
    %mul3A_2 = arith.muli %add3A, %mul3A_1 : i32
    "tpu.region"() ({
      %run_scoped3A = tpu.sem_alloc : memref<!tpu.dma_semaphore, #tpu.memory_space<semaphore_mem>>
      %dma_start3A_23 = tpu.memref_slice %arg3[%mul3A_2] : memref<65536xi32, #tpu.memory_space<hbm>> -> memref<2048xi32, #tpu.memory_space<hbm>>
      %dma_start3A_24 = tpu.memref_slice %arg3[%mul3A_2] : memref<65536xi32, #tpu.memory_space<hbm>> -> memref<2048xi32, #tpu.memory_space<hbm>>
      tpu.enqueue_dma source(%dma_start3A_24 : memref<2048xi32, #tpu.memory_space<hbm>>) target(%arg5 : memref<2048xi32, #tpu.memory_space<vmem>>) target_semaphore(%run_scoped3A : memref<!tpu.dma_semaphore, #tpu.memory_space<semaphore_mem>>)
      %dma_wait3A_25 = tpu.memref_slice %arg3[%mul3A_2] : memref<65536xi32, #tpu.memory_space<hbm>> -> memref<2048xi32, #tpu.memory_space<hbm>>
      %dma_wait3A_26 = tpu.memref_slice %arg3[%mul3A_2] : memref<65536xi32, #tpu.memory_space<hbm>> -> memref<2048xi32, #tpu.memory_space<hbm>>
      tpu.wait_dma2 semaphore(%run_scoped3A : memref<!tpu.dma_semaphore, #tpu.memory_space<semaphore_mem>>) src(%dma_wait3A_26 : memref<2048xi32, #tpu.memory_space<hbm>>) dst(%arg5 : memref<2048xi32, #tpu.memory_space<vmem>>)
      tpu.yield
    }) : () -> ()
    %dma_start3A = arith.constant 0 : i32
    %dma_start3A_3 = tpu.memref_slice %arg5[%dma_start3A] : memref<2048xi32, #tpu.memory_space<vmem>> -> memref<256xi32, #tpu.memory_space<vmem>>
    %dma_start3A_4 = arith.constant 0 : i32
    %dma_start3A_5 = arith.constant 0 : i32
    %dma_start3A_6 = tpu.memref_slice %arg2[%dma_start3A_4, %dma_start3A_5] : memref<32768x128xf32, #tpu.memory_space<hbm>> -> memref<32768x128xf32, #tpu.memory_space<hbm>>
    tpu.enqueue_indirect_dma source(%dma_start3A_6 : memref<32768x128xf32, #tpu.memory_space<hbm>>) target(%arg6 : memref<256x128xf32, #tpu.memory_space<vmem>>) offsets(%dma_start3A_3 : memref<256xi32, #tpu.memory_space<vmem>>) semaphore(%arg8 : memref<!tpu.dma_semaphore, #tpu.memory_space<semaphore_mem>>)
    %scan3A = arith.constant 0 : i32
    %scan3A_7 = arith.constant 0 : i32
    %scan3A_8 = arith.constant 4 : i32
    %scan3A_9 = arith.addi %scan3A_7, %scan3A_8 : i32
    %scan3A_10 = arith.constant 1 : i32
    scf.for %scan3A_23 = %scan3A_7 to %scan3A_9 step %scan3A_10  : i32 {
      %mul3A_24 = arith.constant 2 : i32
      %mul3A_25 = arith.muli %mul3A_24, %scan3A_23 : i32
      %add3A_26 = arith.constant 0 : i32
      %add3A_27 = arith.addi %mul3A_25, %add3A_26 : i32
      %mul3A_28 = arith.constant 256 : i32
      %mul3A_29 = arith.muli %add3A_27, %mul3A_28 : i32
      %dma_wait3A_30 = tpu.memref_slice %arg5[%mul3A_29] : memref<2048xi32, #tpu.memory_space<vmem>> -> memref<256xi32, #tpu.memory_space<vmem>>
      %dma_wait3A_31 = arith.constant 0 : i32
      %dma_wait3A_32 = arith.constant 0 : i32
      %dma_wait3A_33 = tpu.memref_slice %arg2[%dma_wait3A_31, %dma_wait3A_32] : memref<32768x128xf32, #tpu.memory_space<hbm>> -> memref<32768x128xf32, #tpu.memory_space<hbm>>
      tpu.wait_indirect_dma semaphore(%arg8 : memref<!tpu.dma_semaphore, #tpu.memory_space<semaphore_mem>>) src(%dma_wait3A_33 : memref<32768x128xf32, #tpu.memory_space<hbm>>) dst(%arg6 : memref<256x128xf32, #tpu.memory_space<vmem>>)
      %add3A_34 = arith.constant 1 : i32
      %add3A_35 = arith.addi %add3A_27, %add3A_34 : i32
      %lt3A = arith.constant 8 : i32
      %lt3A_36 = arith.cmpi slt, %add3A_35, %lt3A : i32
      %convert_element_type3A = arith.extui %lt3A_36 : i1 to i32
      %cond3A = arith.constant 0 : i32
      %cond3A_37 = arith.cmpi ne, %convert_element_type3A, %cond3A : i32
      scf.if %cond3A_37 {
        %ge3A = arith.constant 1 : i32
        %ge3A_69 = arith.cmpi sge, %add3A_27, %ge3A : i32
        %convert_element_type3A_70 = arith.extui %ge3A_69 : i1 to i32
        %cond3A_71 = arith.constant 0 : i32
        %cond3A_72 = arith.cmpi ne, %convert_element_type3A_70, %cond3A_71 : i32
        scf.if %cond3A_72 {
          %sub3A = arith.constant 1 : i32
          %sub3A_81 = arith.subi %add3A_27, %sub3A : i32
          %mul3A_82 = arith.constant 256 : i32
          %mul3A_83 = arith.muli %sub3A_81, %mul3A_82 : i32
          %add3A_84 = arith.addi %mul3A_2, %mul3A_83 : i32
          %dma_wait3A_85 = arith.constant 0 : i32
          %dma_wait3A_86 = tpu.memref_slice %arg4[%add3A_84, %dma_wait3A_85] : memref<65536x128xf32, #tpu.memory_space<hbm>> -> memref<256x128xf32, #tpu.memory_space<hbm>>
          %dma_wait3A_87 = arith.constant 0 : i32
          %dma_wait3A_88 = tpu.memref_slice %arg4[%add3A_84, %dma_wait3A_87] : memref<65536x128xf32, #tpu.memory_space<hbm>> -> memref<256x128xf32, #tpu.memory_space<hbm>>
          tpu.wait_dma2 semaphore(%arg11 : memref<!tpu.dma_semaphore, #tpu.memory_space<semaphore_mem>>) src(%arg7 : memref<256x128xf32, #tpu.memory_space<vmem>>) dst(%dma_wait3A_88 : memref<256x128xf32, #tpu.memory_space<hbm>>)
        } else {
        }
        %add3A_73 = arith.constant 1 : i32
        %add3A_74 = arith.addi %add3A_27, %add3A_73 : i32
        %mul3A_75 = arith.constant 256 : i32
        %mul3A_76 = arith.muli %add3A_74, %mul3A_75 : i32
        %dma_start3A_77 = tpu.memref_slice %arg5[%mul3A_76] : memref<2048xi32, #tpu.memory_space<vmem>> -> memref<256xi32, #tpu.memory_space<vmem>>
        %dma_start3A_78 = arith.constant 0 : i32
        %dma_start3A_79 = arith.constant 0 : i32
        %dma_start3A_80 = tpu.memref_slice %arg2[%dma_start3A_78, %dma_start3A_79] : memref<32768x128xf32, #tpu.memory_space<hbm>> -> memref<32768x128xf32, #tpu.memory_space<hbm>>
        tpu.enqueue_indirect_dma source(%dma_start3A_80 : memref<32768x128xf32, #tpu.memory_space<hbm>>) target(%arg7 : memref<256x128xf32, #tpu.memory_space<vmem>>) offsets(%dma_start3A_77 : memref<256xi32, #tpu.memory_space<vmem>>) semaphore(%arg9 : memref<!tpu.dma_semaphore, #tpu.memory_space<semaphore_mem>>)
      } else {
      }
      %mul3A_38 = arith.constant 256 : i32
      %mul3A_39 = arith.muli %add3A_27, %mul3A_38 : i32
      %add3A_40 = arith.addi %mul3A_2, %mul3A_39 : i32
      %dma_start3A_41 = arith.constant 0 : i32
      %dma_start3A_42 = tpu.memref_slice %arg4[%add3A_40, %dma_start3A_41] : memref<65536x128xf32, #tpu.memory_space<hbm>> -> memref<256x128xf32, #tpu.memory_space<hbm>>
      %dma_start3A_43 = arith.constant 0 : i32
      %dma_start3A_44 = tpu.memref_slice %arg4[%add3A_40, %dma_start3A_43] : memref<65536x128xf32, #tpu.memory_space<hbm>> -> memref<256x128xf32, #tpu.memory_space<hbm>>
      tpu.enqueue_dma source(%arg6 : memref<256x128xf32, #tpu.memory_space<vmem>>) target(%dma_start3A_44 : memref<256x128xf32, #tpu.memory_space<hbm>>) target_semaphore(%arg10 : memref<!tpu.dma_semaphore, #tpu.memory_space<semaphore_mem>>)
      %mul3A_45 = arith.constant 2 : i32
      %mul3A_46 = arith.muli %mul3A_45, %scan3A_23 : i32
      %add3A_47 = arith.constant 1 : i32
      %add3A_48 = arith.addi %mul3A_46, %add3A_47 : i32
      %mul3A_49 = arith.constant 256 : i32
      %mul3A_50 = arith.muli %add3A_48, %mul3A_49 : i32
      %dma_wait3A_51 = tpu.memref_slice %arg5[%mul3A_50] : memref<2048xi32, #tpu.memory_space<vmem>> -> memref<256xi32, #tpu.memory_space<vmem>>
      %dma_wait3A_52 = arith.constant 0 : i32
      %dma_wait3A_53 = arith.constant 0 : i32
      %dma_wait3A_54 = tpu.memref_slice %arg2[%dma_wait3A_52, %dma_wait3A_53] : memref<32768x128xf32, #tpu.memory_space<hbm>> -> memref<32768x128xf32, #tpu.memory_space<hbm>>
      tpu.wait_indirect_dma semaphore(%arg9 : memref<!tpu.dma_semaphore, #tpu.memory_space<semaphore_mem>>) src(%dma_wait3A_54 : memref<32768x128xf32, #tpu.memory_space<hbm>>) dst(%arg7 : memref<256x128xf32, #tpu.memory_space<vmem>>)
      %add3A_55 = arith.constant 1 : i32
      %add3A_56 = arith.addi %add3A_48, %add3A_55 : i32
      %lt3A_57 = arith.constant 8 : i32
      %lt3A_58 = arith.cmpi slt, %add3A_56, %lt3A_57 : i32
      %convert_element_type3A_59 = arith.extui %lt3A_58 : i1 to i32
      %cond3A_60 = arith.constant 0 : i32
      %cond3A_61 = arith.cmpi ne, %convert_element_type3A_59, %cond3A_60 : i32
      scf.if %cond3A_61 {
        %ge3A = arith.constant 1 : i32
        %ge3A_69 = arith.cmpi sge, %add3A_48, %ge3A : i32
        %convert_element_type3A_70 = arith.extui %ge3A_69 : i1 to i32
        %cond3A_71 = arith.constant 0 : i32
        %cond3A_72 = arith.cmpi ne, %convert_element_type3A_70, %cond3A_71 : i32
        scf.if %cond3A_72 {
          %sub3A = arith.constant 1 : i32
          %sub3A_81 = arith.subi %add3A_48, %sub3A : i32
          %mul3A_82 = arith.constant 256 : i32
          %mul3A_83 = arith.muli %sub3A_81, %mul3A_82 : i32
          %add3A_84 = arith.addi %mul3A_2, %mul3A_83 : i32
          %dma_wait3A_85 = arith.constant 0 : i32
          %dma_wait3A_86 = tpu.memref_slice %arg4[%add3A_84, %dma_wait3A_85] : memref<65536x128xf32, #tpu.memory_space<hbm>> -> memref<256x128xf32, #tpu.memory_space<hbm>>
          %dma_wait3A_87 = arith.constant 0 : i32
          %dma_wait3A_88 = tpu.memref_slice %arg4[%add3A_84, %dma_wait3A_87] : memref<65536x128xf32, #tpu.memory_space<hbm>> -> memref<256x128xf32, #tpu.memory_space<hbm>>
          tpu.wait_dma2 semaphore(%arg10 : memref<!tpu.dma_semaphore, #tpu.memory_space<semaphore_mem>>) src(%arg6 : memref<256x128xf32, #tpu.memory_space<vmem>>) dst(%dma_wait3A_88 : memref<256x128xf32, #tpu.memory_space<hbm>>)
        } else {
        }
        %add3A_73 = arith.constant 1 : i32
        %add3A_74 = arith.addi %add3A_48, %add3A_73 : i32
        %mul3A_75 = arith.constant 256 : i32
        %mul3A_76 = arith.muli %add3A_74, %mul3A_75 : i32
        %dma_start3A_77 = tpu.memref_slice %arg5[%mul3A_76] : memref<2048xi32, #tpu.memory_space<vmem>> -> memref<256xi32, #tpu.memory_space<vmem>>
        %dma_start3A_78 = arith.constant 0 : i32
        %dma_start3A_79 = arith.constant 0 : i32
        %dma_start3A_80 = tpu.memref_slice %arg2[%dma_start3A_78, %dma_start3A_79] : memref<32768x128xf32, #tpu.memory_space<hbm>> -> memref<32768x128xf32, #tpu.memory_space<hbm>>
        tpu.enqueue_indirect_dma source(%dma_start3A_80 : memref<32768x128xf32, #tpu.memory_space<hbm>>) target(%arg6 : memref<256x128xf32, #tpu.memory_space<vmem>>) offsets(%dma_start3A_77 : memref<256xi32, #tpu.memory_space<vmem>>) semaphore(%arg8 : memref<!tpu.dma_semaphore, #tpu.memory_space<semaphore_mem>>)
      } else {
      }
      %mul3A_62 = arith.constant 256 : i32
      %mul3A_63 = arith.muli %add3A_48, %mul3A_62 : i32
      %add3A_64 = arith.addi %mul3A_2, %mul3A_63 : i32
      %dma_start3A_65 = arith.constant 0 : i32
      %dma_start3A_66 = tpu.memref_slice %arg4[%add3A_64, %dma_start3A_65] : memref<65536x128xf32, #tpu.memory_space<hbm>> -> memref<256x128xf32, #tpu.memory_space<hbm>>
      %dma_start3A_67 = arith.constant 0 : i32
      %dma_start3A_68 = tpu.memref_slice %arg4[%add3A_64, %dma_start3A_67] : memref<65536x128xf32, #tpu.memory_space<hbm>> -> memref<256x128xf32, #tpu.memory_space<hbm>>
      tpu.enqueue_dma source(%arg7 : memref<256x128xf32, #tpu.memory_space<vmem>>) target(%dma_start3A_68 : memref<256x128xf32, #tpu.memory_space<hbm>>) target_semaphore(%arg11 : memref<!tpu.dma_semaphore, #tpu.memory_space<semaphore_mem>>)
    }
    %scan3A_11 = arith.constant 4 : i32
    %add3A_12 = arith.constant 1792 : i32
    %add3A_13 = arith.addi %mul3A_2, %add3A_12 : i32
    %dma_wait3A = arith.constant 0 : i32
    %dma_wait3A_14 = tpu.memref_slice %arg4[%add3A_13, %dma_wait3A] : memref<65536x128xf32, #tpu.memory_space<hbm>> -> memref<256x128xf32, #tpu.memory_space<hbm>>
    %dma_wait3A_15 = arith.constant 0 : i32
    %dma_wait3A_16 = tpu.memref_slice %arg4[%add3A_13, %dma_wait3A_15] : memref<65536x128xf32, #tpu.memory_space<hbm>> -> memref<256x128xf32, #tpu.memory_space<hbm>>
    tpu.wait_dma2 semaphore(%arg11 : memref<!tpu.dma_semaphore, #tpu.memory_space<semaphore_mem>>) src(%arg7 : memref<256x128xf32, #tpu.memory_space<vmem>>) dst(%dma_wait3A_16 : memref<256x128xf32, #tpu.memory_space<hbm>>)
    %add3A_17 = arith.constant 1536 : i32
    %add3A_18 = arith.addi %mul3A_2, %add3A_17 : i32
    %dma_wait3A_19 = arith.constant 0 : i32
    %dma_wait3A_20 = tpu.memref_slice %arg4[%add3A_18, %dma_wait3A_19] : memref<65536x128xf32, #tpu.memory_space<hbm>> -> memref<256x128xf32, #tpu.memory_space<hbm>>
    %dma_wait3A_21 = arith.constant 0 : i32
    %dma_wait3A_22 = tpu.memref_slice %arg4[%add3A_18, %dma_wait3A_21] : memref<65536x128xf32, #tpu.memory_space<hbm>> -> memref<256x128xf32, #tpu.memory_space<hbm>>
    tpu.wait_dma2 semaphore(%arg10 : memref<!tpu.dma_semaphore, #tpu.memory_space<semaphore_mem>>) src(%arg6 : memref<256x128xf32, #tpu.memory_space<vmem>>) dst(%dma_wait3A_22 : memref<256x128xf32, #tpu.memory_space<hbm>>)
    return
  }
}

#map = affine_map<(d0, d1) -> (0, 0)>
#map1 = affine_map<(d0, d1) -> (0)>
module attributes {stable_mosaic.version = 14 : i64} {
  func.func @k(%arg0: i32, %arg1: i32, %arg2: memref<32768x128xf32, #tpu.memory_space<hbm>>, %arg3: memref<65536xi32, #tpu.memory_space<hbm>>, %arg4: memref<65536x128xf32, #tpu.memory_space<hbm>>, %arg5: memref<2048xi32, #tpu.memory_space<vmem>>, %arg6: memref<256x128xf32, #tpu.memory_space<vmem>>, %arg7: memref<256x128xf32, #tpu.memory_space<vmem>>, %arg8: memref<!tpu.dma_semaphore, #tpu.memory_space<semaphore_mem>>, %arg9: memref<!tpu.dma_semaphore, #tpu.memory_space<semaphore_mem>>, %arg10: memref<!tpu.dma_semaphore, #tpu.memory_space<semaphore_mem>>, %arg11: memref<!tpu.dma_semaphore, #tpu.memory_space<semaphore_mem>>) attributes {dimension_semantics = [#tpu.dimension_semantics<core_parallel>, #tpu.dimension_semantics<subcore_parallel>], iteration_bounds = array<i64: 2, 16>, scalar_prefetch = 0 : i64, scratch_operands = 7 : i64, tpu.core_type = #tpu.core_type<sc_vector_subcore>, window_params = [{transform_indices = #map}, {transform_indices = #map1}, {transform_indices = #map}]} {
    %mul3A = arith.constant 2 : i32
    %mul3A_0 = arith.muli %arg1, %mul3A : i32
    %add3A = arith.addi %mul3A_0, %arg0 : i32
    %mul3A_1 = arith.constant 2048 : i32
    %mul3A_2 = arith.muli %add3A, %mul3A_1 : i32
    "tpu.region"() ({
      %run_scoped3A = tpu.sem_alloc : memref<!tpu.dma_semaphore, #tpu.memory_space<semaphore_mem>>
      %dma_start3A_23 = tpu.memref_slice %arg3[%mul3A_2] : memref<65536xi32, #tpu.memory_space<hbm>> -> memref<2048xi32, #tpu.memory_space<hbm>>
      %dma_start3A_24 = tpu.memref_slice %arg3[%mul3A_2] : memref<65536xi32, #tpu.memory_space<hbm>> -> memref<2048xi32, #tpu.memory_space<hbm>>
      tpu.enqueue_dma source(%dma_start3A_24 : memref<2048xi32, #tpu.memory_space<hbm>>) target(%arg5 : memref<2048xi32, #tpu.memory_space<vmem>>) target_semaphore(%run_scoped3A : memref<!tpu.dma_semaphore, #tpu.memory_space<semaphore_mem>>)
      %dma_wait3A_25 = tpu.memref_slice %arg3[%mul3A_2] : memref<65536xi32, #tpu.memory_space<hbm>> -> memref<2048xi32, #tpu.memory_space<hbm>>
      %dma_wait3A_26 = tpu.memref_slice %arg3[%mul3A_2] : memref<65536xi32, #tpu.memory_space<hbm>> -> memref<2048xi32, #tpu.memory_space<hbm>>
      tpu.wait_dma2 semaphore(%run_scoped3A : memref<!tpu.dma_semaphore, #tpu.memory_space<semaphore_mem>>) src(%dma_wait3A_26 : memref<2048xi32, #tpu.memory_space<hbm>>) dst(%arg5 : memref<2048xi32, #tpu.memory_space<vmem>>)
      tpu.yield
    }) : () -> ()
    %dma_start3A = arith.constant 0 : i32
    %dma_start3A_3 = tpu.memref_slice %arg5[%dma_start3A] : memref<2048xi32, #tpu.memory_space<vmem>> -> memref<256xi32, #tpu.memory_space<vmem>>
    %dma_start3A_4 = arith.constant 0 : i32
    %dma_start3A_5 = arith.constant 0 : i32
    %dma_start3A_6 = tpu.memref_slice %arg2[%dma_start3A_4, %dma_start3A_5] : memref<32768x128xf32, #tpu.memory_space<hbm>> -> memref<32768x128xf32, #tpu.memory_space<hbm>>
    tpu.enqueue_indirect_dma source(%dma_start3A_6 : memref<32768x128xf32, #tpu.memory_space<hbm>>) target(%arg6 : memref<256x128xf32, #tpu.memory_space<vmem>>) offsets(%dma_start3A_3 : memref<256xi32, #tpu.memory_space<vmem>>) semaphore(%arg8 : memref<!tpu.dma_semaphore, #tpu.memory_space<semaphore_mem>>)
    %scan3A = arith.constant 0 : i32
    %scan3A_7 = arith.constant 0 : i32
    %scan3A_8 = arith.constant 4 : i32
    %scan3A_9 = arith.addi %scan3A_7, %scan3A_8 : i32
    %scan3A_10 = arith.constant 1 : i32
    scf.for %scan3A_23 = %scan3A_7 to %scan3A_9 step %scan3A_10  : i32 {
      %mul3A_24 = arith.constant 2 : i32
      %mul3A_25 = arith.muli %mul3A_24, %scan3A_23 : i32
      %add3A_26 = arith.constant 0 : i32
      %add3A_27 = arith.addi %mul3A_25, %add3A_26 : i32
      %mul3A_28 = arith.constant 256 : i32
      %mul3A_29 = arith.muli %add3A_27, %mul3A_28 : i32
      %dma_wait3A_30 = tpu.memref_slice %arg5[%mul3A_29] : memref<2048xi32, #tpu.memory_space<vmem>> -> memref<256xi32, #tpu.memory_space<vmem>>
      %dma_wait3A_31 = arith.constant 0 : i32
      %dma_wait3A_32 = arith.constant 0 : i32
      %dma_wait3A_33 = tpu.memref_slice %arg2[%dma_wait3A_31, %dma_wait3A_32] : memref<32768x128xf32, #tpu.memory_space<hbm>> -> memref<32768x128xf32, #tpu.memory_space<hbm>>
      tpu.wait_indirect_dma semaphore(%arg8 : memref<!tpu.dma_semaphore, #tpu.memory_space<semaphore_mem>>) src(%dma_wait3A_33 : memref<32768x128xf32, #tpu.memory_space<hbm>>) dst(%arg6 : memref<256x128xf32, #tpu.memory_space<vmem>>)
      %add3A_34 = arith.constant 1 : i32
      %add3A_35 = arith.addi %add3A_27, %add3A_34 : i32
      %lt3A = arith.constant 8 : i32
      %lt3A_36 = arith.cmpi slt, %add3A_35, %lt3A : i32
      %convert_element_type3A = arith.extui %lt3A_36 : i1 to i32
      %cond3A = arith.constant 0 : i32
      %cond3A_37 = arith.cmpi ne, %convert_element_type3A, %cond3A : i32
      scf.if %cond3A_37 {
        %ge3A = arith.constant 1 : i32
        %ge3A_69 = arith.cmpi sge, %add3A_27, %ge3A : i32
        %convert_element_type3A_70 = arith.extui %ge3A_69 : i1 to i32
        %cond3A_71 = arith.constant 0 : i32
        %cond3A_72 = arith.cmpi ne, %convert_element_type3A_70, %cond3A_71 : i32
        scf.if %cond3A_72 {
          %sub3A = arith.constant 1 : i32
          %sub3A_81 = arith.subi %add3A_27, %sub3A : i32
          %mul3A_82 = arith.constant 256 : i32
          %mul3A_83 = arith.muli %sub3A_81, %mul3A_82 : i32
          %add3A_84 = arith.addi %mul3A_2, %mul3A_83 : i32
          %dma_wait3A_85 = arith.constant 0 : i32
          %dma_wait3A_86 = tpu.memref_slice %arg4[%add3A_84, %dma_wait3A_85] : memref<65536x128xf32, #tpu.memory_space<hbm>> -> memref<256x128xf32, #tpu.memory_space<hbm>>
          %dma_wait3A_87 = arith.constant 0 : i32
          %dma_wait3A_88 = tpu.memref_slice %arg4[%add3A_84, %dma_wait3A_87] : memref<65536x128xf32, #tpu.memory_space<hbm>> -> memref<256x128xf32, #tpu.memory_space<hbm>>
          tpu.wait_dma2 semaphore(%arg11 : memref<!tpu.dma_semaphore, #tpu.memory_space<semaphore_mem>>) src(%arg7 : memref<256x128xf32, #tpu.memory_space<vmem>>) dst(%dma_wait3A_88 : memref<256x128xf32, #tpu.memory_space<hbm>>)
        } else {
        }
        %add3A_73 = arith.constant 1 : i32
        %add3A_74 = arith.addi %add3A_27, %add3A_73 : i32
        %mul3A_75 = arith.constant 256 : i32
        %mul3A_76 = arith.muli %add3A_74, %mul3A_75 : i32
        %dma_start3A_77 = tpu.memref_slice %arg5[%mul3A_76] : memref<2048xi32, #tpu.memory_space<vmem>> -> memref<256xi32, #tpu.memory_space<vmem>>
        %dma_start3A_78 = arith.constant 0 : i32
        %dma_start3A_79 = arith.constant 0 : i32
        %dma_start3A_80 = tpu.memref_slice %arg2[%dma_start3A_78, %dma_start3A_79] : memref<32768x128xf32, #tpu.memory_space<hbm>> -> memref<32768x128xf32, #tpu.memory_space<hbm>>
        tpu.enqueue_indirect_dma source(%dma_start3A_80 : memref<32768x128xf32, #tpu.memory_space<hbm>>) target(%arg7 : memref<256x128xf32, #tpu.memory_space<vmem>>) offsets(%dma_start3A_77 : memref<256xi32, #tpu.memory_space<vmem>>) semaphore(%arg9 : memref<!tpu.dma_semaphore, #tpu.memory_space<semaphore_mem>>)
      } else {
      }
      %mul3A_38 = arith.constant 256 : i32
      %mul3A_39 = arith.muli %add3A_27, %mul3A_38 : i32
      %add3A_40 = arith.addi %mul3A_2, %mul3A_39 : i32
      %dma_start3A_41 = arith.constant 0 : i32
      %dma_start3A_42 = tpu.memref_slice %arg4[%add3A_40, %dma_start3A_41] : memref<65536x128xf32, #tpu.memory_space<hbm>> -> memref<256x128xf32, #tpu.memory_space<hbm>>
      %dma_start3A_43 = arith.constant 0 : i32
      %dma_start3A_44 = tpu.memref_slice %arg4[%add3A_40, %dma_start3A_43] : memref<65536x128xf32, #tpu.memory_space<hbm>> -> memref<256x128xf32, #tpu.memory_space<hbm>>
      tpu.enqueue_dma source(%arg6 : memref<256x128xf32, #tpu.memory_space<vmem>>) target(%dma_start3A_44 : memref<256x128xf32, #tpu.memory_space<hbm>>) target_semaphore(%arg10 : memref<!tpu.dma_semaphore, #tpu.memory_space<semaphore_mem>>)
      %mul3A_45 = arith.constant 2 : i32
      %mul3A_46 = arith.muli %mul3A_45, %scan3A_23 : i32
      %add3A_47 = arith.constant 1 : i32
      %add3A_48 = arith.addi %mul3A_46, %add3A_47 : i32
      %mul3A_49 = arith.constant 256 : i32
      %mul3A_50 = arith.muli %add3A_48, %mul3A_49 : i32
      %dma_wait3A_51 = tpu.memref_slice %arg5[%mul3A_50] : memref<2048xi32, #tpu.memory_space<vmem>> -> memref<256xi32, #tpu.memory_space<vmem>>
      %dma_wait3A_52 = arith.constant 0 : i32
      %dma_wait3A_53 = arith.constant 0 : i32
      %dma_wait3A_54 = tpu.memref_slice %arg2[%dma_wait3A_52, %dma_wait3A_53] : memref<32768x128xf32, #tpu.memory_space<hbm>> -> memref<32768x128xf32, #tpu.memory_space<hbm>>
      tpu.wait_indirect_dma semaphore(%arg9 : memref<!tpu.dma_semaphore, #tpu.memory_space<semaphore_mem>>) src(%dma_wait3A_54 : memref<32768x128xf32, #tpu.memory_space<hbm>>) dst(%arg7 : memref<256x128xf32, #tpu.memory_space<vmem>>)
      %add3A_55 = arith.constant 1 : i32
      %add3A_56 = arith.addi %add3A_48, %add3A_55 : i32
      %lt3A_57 = arith.constant 8 : i32
      %lt3A_58 = arith.cmpi slt, %add3A_56, %lt3A_57 : i32
      %convert_element_type3A_59 = arith.extui %lt3A_58 : i1 to i32
      %cond3A_60 = arith.constant 0 : i32
      %cond3A_61 = arith.cmpi ne, %convert_element_type3A_59, %cond3A_60 : i32
      scf.if %cond3A_61 {
        %ge3A = arith.constant 1 : i32
        %ge3A_69 = arith.cmpi sge, %add3A_48, %ge3A : i32
        %convert_element_type3A_70 = arith.extui %ge3A_69 : i1 to i32
        %cond3A_71 = arith.constant 0 : i32
        %cond3A_72 = arith.cmpi ne, %convert_element_type3A_70, %cond3A_71 : i32
        scf.if %cond3A_72 {
          %sub3A = arith.constant 1 : i32
          %sub3A_81 = arith.subi %add3A_48, %sub3A : i32
          %mul3A_82 = arith.constant 256 : i32
          %mul3A_83 = arith.muli %sub3A_81, %mul3A_82 : i32
          %add3A_84 = arith.addi %mul3A_2, %mul3A_83 : i32
          %dma_wait3A_85 = arith.constant 0 : i32
          %dma_wait3A_86 = tpu.memref_slice %arg4[%add3A_84, %dma_wait3A_85] : memref<65536x128xf32, #tpu.memory_space<hbm>> -> memref<256x128xf32, #tpu.memory_space<hbm>>
          %dma_wait3A_87 = arith.constant 0 : i32
          %dma_wait3A_88 = tpu.memref_slice %arg4[%add3A_84, %dma_wait3A_87] : memref<65536x128xf32, #tpu.memory_space<hbm>> -> memref<256x128xf32, #tpu.memory_space<hbm>>
          tpu.wait_dma2 semaphore(%arg10 : memref<!tpu.dma_semaphore, #tpu.memory_space<semaphore_mem>>) src(%arg6 : memref<256x128xf32, #tpu.memory_space<vmem>>) dst(%dma_wait3A_88 : memref<256x128xf32, #tpu.memory_space<hbm>>)
        } else {
        }
        %add3A_73 = arith.constant 1 : i32
        %add3A_74 = arith.addi %add3A_48, %add3A_73 : i32
        %mul3A_75 = arith.constant 256 : i32
        %mul3A_76 = arith.muli %add3A_74, %mul3A_75 : i32
        %dma_start3A_77 = tpu.memref_slice %arg5[%mul3A_76] : memref<2048xi32, #tpu.memory_space<vmem>> -> memref<256xi32, #tpu.memory_space<vmem>>
        %dma_start3A_78 = arith.constant 0 : i32
        %dma_start3A_79 = arith.constant 0 : i32
        %dma_start3A_80 = tpu.memref_slice %arg2[%dma_start3A_78, %dma_start3A_79] : memref<32768x128xf32, #tpu.memory_space<hbm>> -> memref<32768x128xf32, #tpu.memory_space<hbm>>
        tpu.enqueue_indirect_dma source(%dma_start3A_80 : memref<32768x128xf32, #tpu.memory_space<hbm>>) target(%arg6 : memref<256x128xf32, #tpu.memory_space<vmem>>) offsets(%dma_start3A_77 : memref<256xi32, #tpu.memory_space<vmem>>) semaphore(%arg8 : memref<!tpu.dma_semaphore, #tpu.memory_space<semaphore_mem>>)
      } else {
      }
      %mul3A_62 = arith.constant 256 : i32
      %mul3A_63 = arith.muli %add3A_48, %mul3A_62 : i32
      %add3A_64 = arith.addi %mul3A_2, %mul3A_63 : i32
      %dma_start3A_65 = arith.constant 0 : i32
      %dma_start3A_66 = tpu.memref_slice %arg4[%add3A_64, %dma_start3A_65] : memref<65536x128xf32, #tpu.memory_space<hbm>> -> memref<256x128xf32, #tpu.memory_space<hbm>>
      %dma_start3A_67 = arith.constant 0 : i32
      %dma_start3A_68 = tpu.memref_slice %arg4[%add3A_64, %dma_start3A_67] : memref<65536x128xf32, #tpu.memory_space<hbm>> -> memref<256x128xf32, #tpu.memory_space<hbm>>
      tpu.enqueue_dma source(%arg7 : memref<256x128xf32, #tpu.memory_space<vmem>>) target(%dma_start3A_68 : memref<256x128xf32, #tpu.memory_space<hbm>>) target_semaphore(%arg11 : memref<!tpu.dma_semaphore, #tpu.memory_space<semaphore_mem>>)
    }
    %scan3A_11 = arith.constant 4 : i32
    %add3A_12 = arith.constant 1792 : i32
    %add3A_13 = arith.addi %mul3A_2, %add3A_12 : i32
    %dma_wait3A = arith.constant 0 : i32
    %dma_wait3A_14 = tpu.memref_slice %arg4[%add3A_13, %dma_wait3A] : memref<65536x128xf32, #tpu.memory_space<hbm>> -> memref<256x128xf32, #tpu.memory_space<hbm>>
    %dma_wait3A_15 = arith.constant 0 : i32
    %dma_wait3A_16 = tpu.memref_slice %arg4[%add3A_13, %dma_wait3A_15] : memref<65536x128xf32, #tpu.memory_space<hbm>> -> memref<256x128xf32, #tpu.memory_space<hbm>>
    tpu.wait_dma2 semaphore(%arg11 : memref<!tpu.dma_semaphore, #tpu.memory_space<semaphore_mem>>) src(%arg7 : memref<256x128xf32, #tpu.memory_space<vmem>>) dst(%dma_wait3A_16 : memref<256x128xf32, #tpu.memory_space<hbm>>)
    %add3A_17 = arith.constant 1536 : i32
    %add3A_18 = arith.addi %mul3A_2, %add3A_17 : i32
    %dma_wait3A_19 = arith.constant 0 : i32
    %dma_wait3A_20 = tpu.memref_slice %arg4[%add3A_18, %dma_wait3A_19] : memref<65536x128xf32, #tpu.memory_space<hbm>> -> memref<256x128xf32, #tpu.memory_space<hbm>>
    %dma_wait3A_21 = arith.constant 0 : i32
    %dma_wait3A_22 = tpu.memref_slice %arg4[%add3A_18, %dma_wait3A_21] : memref<65536x128xf32, #tpu.memory_space<hbm>> -> memref<256x128xf32, #tpu.memory_space<hbm>>
    tpu.wait_dma2 semaphore(%arg10 : memref<!tpu.dma_semaphore, #tpu.memory_space<semaphore_mem>>) src(%arg6 : memref<256x128xf32, #tpu.memory_space<vmem>>) dst(%dma_wait3A_22 : memref<256x128xf32, #tpu.memory_space<hbm>>)
    return
  }
}

module attributes {stable_mosaic.version = 14 : i64} {
  func.func @_prep_body(%arg0: i32, %arg1: memref<4096x64xf32, #tpu.memory_space<vmem>>, %arg2: memref<4096x3xf32, #tpu.memory_space<vmem>>, %arg3: memref<512x128xi32, #tpu.memory_space<vmem>>, %arg4: memref<4096x128xf32, #tpu.memory_space<vmem>>, %arg5: memref<512x128xi32, #tpu.memory_space<vmem>>) attributes {dimension_semantics = [#tpu.dimension_semantics<arbitrary>], iteration_bounds = array<i64: 8>, scalar_prefetch = 0 : i64, scratch_operands = 0 : i64, tpu.core_type = #tpu.core_type<tc>, window_params = [{transform_indices = @transform_0, window_bounds = array<i64: 4096, 64>}, {transform_indices = @transform_1, window_bounds = array<i64: 4096, 3>}, {transform_indices = @transform_2, window_bounds = array<i64: 512, 128>}, {transform_indices = @transform_3, window_bounds = array<i64: 4096, 128>}, {transform_indices = @transform_4, window_bounds = array<i64: 512, 128>}]} {
    %get3A = arith.constant 0 : index
    %get3A_0 = arith.constant 0 : index
    %get3A_1 = vector.load %arg1[%get3A, %get3A_0] : memref<4096x64xf32, #tpu.memory_space<vmem>>, vector<4096x64xf32>
    %get3A_2 = arith.constant 0 : index
    %get3A_3 = arith.constant 0 : index
    %get3A_4 = vector.load %arg2[%get3A_2, %get3A_3] : memref<4096x3xf32, #tpu.memory_space<vmem>>, vector<4096x3xf32>
    %broadcast_in_dim3A = arith.constant 0.000000e+00 : f32
    %broadcast_in_dim3A_5 = vector.broadcast %broadcast_in_dim3A : f32 to vector<4096x61xf32>
    %concatenate3A = tpu.concatenate %get3A_1, %get3A_4, %broadcast_in_dim3A_5 in 1 : vector<4096x64xf32>, vector<4096x3xf32>, vector<4096x61xf32> -> vector<4096x128xf32>
    %swap3A = arith.constant 0 : index
    %swap3A_6 = arith.constant 0 : index
    %swap3A_7 = vector.load %arg4[%swap3A, %swap3A_6] : memref<4096x128xf32, #tpu.memory_space<vmem>>, vector<4096x128xf32>
    tpu.vector_store %arg4[%swap3A, %swap3A_6], %concatenate3A {strides = array<i32>} : memref<4096x128xf32, #tpu.memory_space<vmem>>, vector<4096x128xf32>,
    %mul3A = arith.constant 512 : i32
    %mul3A_8 = arith.muli %arg0, %mul3A : i32
    %iota3A = tpu.iota {dimensions = array<i32: 0>} : vector<512x128xi32>
    %add3A = vector.broadcast %mul3A_8 : i32 to vector<512x128xi32>
    %add3A_9 = arith.addi %add3A, %iota3A : vector<512x128xi32>
    %mul3A_10 = arith.constant 128 : i32
    %mul3A_11 = vector.broadcast %mul3A_10 : i32 to vector<512x128xi32>
    %mul3A_12 = arith.muli %add3A_9, %mul3A_11 : vector<512x128xi32>
    %iota3A_13 = tpu.iota {dimensions = array<i32: 1>} : vector<512x128xi32>
    %add3A_14 = arith.addi %mul3A_12, %iota3A_13 : vector<512x128xi32>
    %get3A_15 = arith.constant 0 : index
    %get3A_16 = arith.constant 0 : index
    %get3A_17 = vector.load %arg3[%get3A_15, %get3A_16] : memref<512x128xi32, #tpu.memory_space<vmem>>, vector<512x128xi32>
    %jit3A = arith.constant 131072 : i32
    %div3A = vector.broadcast %jit3A : i32 to vector<512x128xi32>
    %div3A_18 = arith.divsi %add3A_14, %div3A : vector<512x128xi32>
    %sign3A = arith.constant 0 : i32
    %sign3A_19 = vector.broadcast %sign3A : i32 to vector<512x128xi32>
    %sign3A_20 = arith.cmpi sgt, %add3A_14, %sign3A_19 : vector<512x128xi32>
    %sign3A_21 = arith.extui %sign3A_20 : vector<512x128xi1> to vector<512x128xi32>
    %sign3A_22 = arith.constant 0 : i32
    %sign3A_23 = vector.broadcast %sign3A_22 : i32 to vector<512x128xi32>
    %sign3A_24 = arith.cmpi slt, %add3A_14, %sign3A_23 : vector<512x128xi32>
    %sign3A_25 = arith.extui %sign3A_24 : vector<512x128xi1> to vector<512x128xi32>
    %sign3A_26 = arith.subi %sign3A_21, %sign3A_25 : vector<512x128xi32>
    %sign3A_27 = arith.constant 0 : i32
    %sign3A_28 = arith.cmpi sgt, %jit3A, %sign3A_27 : i32
    %sign3A_29 = arith.extui %sign3A_28 : i1 to i32
    %sign3A_30 = arith.constant 0 : i32
    %sign3A_31 = arith.cmpi slt, %jit3A, %sign3A_30 : i32
    %sign3A_32 = arith.extui %sign3A_31 : i1 to i32
    %sign3A_33 = arith.subi %sign3A_29, %sign3A_32 : i32
    %ne3A = vector.broadcast %sign3A_33 : i32 to vector<512x128xi32>
    %ne3A_34 = arith.cmpi ne, %sign3A_26, %ne3A : vector<512x128xi32>
    %rem3A = vector.broadcast %jit3A : i32 to vector<512x128xi32>
    %rem3A_35 = arith.remsi %add3A_14, %rem3A : vector<512x128xi32>
    %ne3A_36 = arith.constant 0 : i32
    %ne3A_37 = vector.broadcast %ne3A_36 : i32 to vector<512x128xi32>
    %ne3A_38 = arith.cmpi ne, %rem3A_35, %ne3A_37 : vector<512x128xi32>
    %and3A = arith.andi %ne3A_34, %ne3A_38 : vector<512x128xi1>
    %sub3A = arith.constant 1 : i32
    %sub3A_39 = vector.broadcast %sub3A : i32 to vector<512x128xi32>
    %sub3A_40 = arith.subi %div3A_18, %sub3A_39 : vector<512x128xi32>
    %select_n3A = arith.select %and3A, %sub3A_40, %div3A_18 : vector<512x128xi1>, vector<512x128xi32>
    %mul3A_41 = arith.constant 8192 : i32
    %mul3A_42 = vector.broadcast %mul3A_41 : i32 to vector<512x128xi32>
    %mul3A_43 = arith.muli %select_n3A, %mul3A_42 : vector<512x128xi32>
    %add3A_44 = arith.addi %get3A_17, %mul3A_43 : vector<512x128xi32>
    %swap3A_45 = arith.constant 0 : index
    %swap3A_46 = arith.constant 0 : index
    %swap3A_47 = vector.load %arg5[%swap3A_45, %swap3A_46] : memref<512x128xi32, #tpu.memory_space<vmem>>, vector<512x128xi32>
    tpu.vector_store %arg5[%swap3A_45, %swap3A_46], %add3A_44 {strides = array<i32>} : memref<512x128xi32, #tpu.memory_space<vmem>>, vector<512x128xi32>,
    return
  }
  func.func @transform_0(%arg0: i32) -> (i32, i32) {
    %c0_i32 = arith.constant 0 : i32
    %c0_i32_0 = arith.constant 0 : i32
    return %arg0, %c0_i32 : i32, i32
  }
  func.func @transform_1(%arg0: i32) -> (i32, i32) {
    %c0_i32 = arith.constant 0 : i32
    %c0_i32_0 = arith.constant 0 : i32
    return %arg0, %c0_i32 : i32, i32
  }
  func.func @transform_2(%arg0: i32) -> (i32, i32) {
    %c0_i32 = arith.constant 0 : i32
    %c0_i32_0 = arith.constant 0 : i32
    return %arg0, %c0_i32 : i32, i32
  }
  func.func @transform_3(%arg0: i32) -> (i32, i32) {
    %c0_i32 = arith.constant 0 : i32
    %c0_i32_0 = arith.constant 0 : i32
    return %arg0, %c0_i32 : i32, i32
  }
  func.func @transform_4(%arg0: i32) -> (i32, i32) {
    %c0_i32 = arith.constant 0 : i32
    %c0_i32_0 = arith.constant 0 : i32
    return %arg0, %c0_i32 : i32, i32
  }
}

module attributes {stable_mosaic.version = 14 : i64} {
  func.func @_tc_body(%arg0: i32, %arg1: memref<4096x128xf32, #tpu.memory_space<vmem>>, %arg2: memref<256x16xf32, #tpu.memory_space<vmem>>, %arg3: memref<16x32xbf16, #tpu.memory_space<vmem>>, %arg4: memref<32xf32, #tpu.memory_space<vmem>>, %arg5: memref<32x16xf32, #tpu.memory_space<vmem>>, %arg6: memref<16xf32, #tpu.memory_space<vmem>>, %arg7: memref<16x16xf32, #tpu.memory_space<vmem>>, %arg8: memref<16xf32, #tpu.memory_space<vmem>>, %arg9: memref<1024x64xbf16, #tpu.memory_space<vmem>>, %arg10: memref<64xf32, #tpu.memory_space<vmem>>, %arg11: memref<16x256xbf16, #tpu.memory_space<vmem>>, %arg12: memref<256x64xf32, #tpu.memory_space<vmem>>, %arg13: memref<256x1024xf32, #tpu.memory_space<vmem>>) attributes {dimension_semantics = [#tpu.dimension_semantics<arbitrary>], iteration_bounds = array<i64: 16>, scalar_prefetch = 0 : i64, scratch_operands = 1 : i64, tpu.core_type = #tpu.core_type<tc>, window_params = [{transform_indices = @transform_0, window_bounds = array<i64: 4096, 128>}, {transform_indices = @transform_1, window_bounds = array<i64: 256, 16>}, {pipeline_mode = #tpu.pipeline_mode<synchronous>, transform_indices = @transform_2, window_bounds = array<i64: 16, 32>}, {pipeline_mode = #tpu.pipeline_mode<synchronous>, transform_indices = @transform_3, window_bounds = array<i64: 32>}, {pipeline_mode = #tpu.pipeline_mode<synchronous>, transform_indices = @transform_4, window_bounds = array<i64: 32, 16>}, {pipeline_mode = #tpu.pipeline_mode<synchronous>, transform_indices = @transform_5, window_bounds = array<i64: 16>}, {pipeline_mode = #tpu.pipeline_mode<synchronous>, transform_indices = @transform_6, window_bounds = array<i64: 16, 16>}, {pipeline_mode = #tpu.pipeline_mode<synchronous>, transform_indices = @transform_7, window_bounds = array<i64: 16>}, {pipeline_mode = #tpu.pipeline_mode<synchronous>, transform_indices = @transform_8, window_bounds = array<i64: 1024, 64>}, {pipeline_mode = #tpu.pipeline_mode<synchronous>, transform_indices = @transform_9, window_bounds = array<i64: 64>}, {pipeline_mode = #tpu.pipeline_mode<synchronous>, transform_indices = @transform_10, window_bounds = array<i64: 16, 256>}, {transform_indices = @transform_11, window_bounds = array<i64: 256, 64>}]} {
    %get3A = arith.constant 0 : index
    %get3A_0 = arith.constant 0 : index
    %get3A_1 = vector.load %arg1[%get3A, %get3A_0] : memref<4096x128xf32, #tpu.memory_space<vmem>>, vector<4096x128xf32>
    %slice3A = vector.extract_strided_slice %get3A_1 {offsets = [0, 0], sizes = [4096, 64], strides = [1, 1]} : vector<4096x128xf32> to vector<4096x64xf32>
    %slice3A_2 = vector.extract_strided_slice %get3A_1 {offsets = [0, 64], sizes = [4096, 16], strides = [1, 1]} : vector<4096x128xf32> to vector<4096x16xf32>
    %get3A_3 = arith.constant 0 : index
    %get3A_4 = arith.constant 0 : index
    %get3A_5 = vector.load %arg3[%get3A_3, %get3A_4] : memref<16x32xbf16, #tpu.memory_space<vmem>>, vector<16x32xbf16>
    %get3A_6 = arith.constant 0 : index
    %get3A_7 = arith.constant 0 : index
    %get3A_8 = vector.load %arg2[%get3A_6, %get3A_7] : memref<256x16xf32, #tpu.memory_space<vmem>>, vector<256x16xf32>
    %convert_element_type3A = arith.truncf %get3A_8 : vector<256x16xf32> to vector<256x16xbf16>
    %dot_general3A = arith.constant dense<0.000000e+00> : vector<256x32xf32>
    %dot_general3A_9 = tpu.matmul %convert_element_type3A, %get3A_5, %dot_general3A {dimension_numbers = #tpu.dot_dimension_numbers<[1], [0], [0], [1], [0, 0, 1, 1], [], []>, transpose_lhs_hint = false} : vector<256x16xbf16>, vector<16x32xbf16>, vector<256x32xf32> -> vector<256x32xf32>
    %convert_element_type3A_10 = arith.truncf %slice3A_2 : vector<4096x16xf32> to vector<4096x16xbf16>
    %dot_general3A_11 = arith.constant dense<0.000000e+00> : vector<4096x32xf32>
    %dot_general3A_12 = tpu.matmul %convert_element_type3A_10, %get3A_5, %dot_general3A_11 {dimension_numbers = #tpu.dot_dimension_numbers<[1], [0], [0], [1], [0, 0, 1, 1], [], []>, transpose_lhs_hint = false} : vector<4096x16xbf16>, vector<16x32xbf16>, vector<4096x32xf32> -> vector<4096x32xf32>
    %reshape3A = vector.shape_cast %dot_general3A_12 : vector<4096x32xf32> to vector<256x16x32xf32>
    %broadcast_in_dim3A = vector.shape_cast %dot_general3A_9 : vector<256x32xf32> to vector<256x1x32xf32>
    %sub3A = vector.broadcast %broadcast_in_dim3A : vector<256x1x32xf32> to vector<256x16x32xf32>
    %sub3A_13 = arith.subf %reshape3A, %sub3A : vector<256x16x32xf32>
    %get3A_14 = arith.constant 0 : index
    %get3A_15 = vector.load %arg4[%get3A_14] : memref<32xf32, #tpu.memory_space<vmem>>, vector<32xf32>
    %broadcast_in_dim3A_16 = vector.shape_cast %get3A_15 : vector<32xf32> to vector<1x1x32xf32>
    %add3A = vector.broadcast %broadcast_in_dim3A_16 : vector<1x1x32xf32> to vector<256x16x32xf32>
    %add3A_17 = arith.addf %sub3A_13, %add3A : vector<256x16x32xf32>
    %reshape3A_18 = vector.shape_cast %add3A_17 : vector<256x16x32xf32> to vector<4096x32xf32>
    %max3A = arith.constant 0.000000e+00 : f32
    %max3A_19 = vector.broadcast %max3A : f32 to vector<4096x32xf32>
    %max3A_20 = arith.maximumf %reshape3A_18, %max3A_19 : vector<4096x32xf32>
    %get3A_21 = arith.constant 0 : index
    %get3A_22 = arith.constant 0 : index
    %get3A_23 = vector.load %arg5[%get3A_21, %get3A_22] : memref<32x16xf32, #tpu.memory_space<vmem>>, vector<32x16xf32>
    %dot_general3A_24 = arith.constant dense<0.000000e+00> : vector<4096x16xf32>
    %dot_general3A_25 = tpu.matmul %max3A_20, %get3A_23, %dot_general3A_24 {dimension_numbers = #tpu.dot_dimension_numbers<[1], [0], [0], [1], [0, 0, 1, 1], [], []>, transpose_lhs_hint = false} : vector<4096x32xf32>, vector<32x16xf32>, vector<4096x16xf32> -> vector<4096x16xf32>
    %get3A_26 = arith.constant 0 : index
    %get3A_27 = vector.load %arg6[%get3A_26] : memref<16xf32, #tpu.memory_space<vmem>>, vector<16xf32>
    %broadcast_in_dim3A_28 = vector.shape_cast %get3A_27 : vector<16xf32> to vector<1x16xf32>
    %add3A_29 = vector.broadcast %broadcast_in_dim3A_28 : vector<1x16xf32> to vector<4096x16xf32>
    %add3A_30 = arith.addf %dot_general3A_25, %add3A_29 : vector<4096x16xf32>
    %max3A_31 = arith.constant 0.000000e+00 : f32
    %max3A_32 = vector.broadcast %max3A_31 : f32 to vector<4096x16xf32>
    %max3A_33 = arith.maximumf %add3A_30, %max3A_32 : vector<4096x16xf32>
    %get3A_34 = arith.constant 0 : index
    %get3A_35 = arith.constant 0 : index
    %get3A_36 = vector.load %arg7[%get3A_34, %get3A_35] : memref<16x16xf32, #tpu.memory_space<vmem>>, vector<16x16xf32>
    %dot_general3A_37 = arith.constant dense<0.000000e+00> : vector<4096x16xf32>
    %dot_general3A_38 = tpu.matmul %max3A_33, %get3A_36, %dot_general3A_37 {dimension_numbers = #tpu.dot_dimension_numbers<[1], [0], [0], [1], [0, 0, 1, 1], [], []>, transpose_lhs_hint = false} : vector<4096x16xf32>, vector<16x16xf32>, vector<4096x16xf32> -> vector<4096x16xf32>
    %get3A_39 = arith.constant 0 : index
    %get3A_40 = vector.load %arg8[%get3A_39] : memref<16xf32, #tpu.memory_space<vmem>>, vector<16xf32>
    %broadcast_in_dim3A_41 = vector.shape_cast %get3A_40 : vector<16xf32> to vector<1x16xf32>
    %add3A_42 = vector.broadcast %broadcast_in_dim3A_41 : vector<1x16xf32> to vector<4096x16xf32>
    %add3A_43 = arith.addf %dot_general3A_38, %add3A_42 : vector<4096x16xf32>
    %max3A_44 = arith.constant 0.000000e+00 : f32
    %max3A_45 = vector.broadcast %max3A_44 : f32 to vector<4096x16xf32>
    %max3A_46 = arith.maximumf %add3A_43, %max3A_45 : vector<4096x16xf32>
    %convert_element_type3A_47 = arith.truncf %max3A_46 : vector<4096x16xf32> to vector<4096x16xbf16>
    %get3A_48 = arith.constant 0 : index
    %get3A_49 = arith.constant 0 : index
    %get3A_50 = vector.load %arg11[%get3A_48, %get3A_49] : memref<16x256xbf16, #tpu.memory_space<vmem>>, vector<16x256xbf16>
    %dot_general3A_51 = arith.constant dense<0.000000e+00> : vector<4096x256xf32>
    %dot_general3A_52 = tpu.matmul %convert_element_type3A_47, %get3A_50, %dot_general3A_51 {dimension_numbers = #tpu.dot_dimension_numbers<[1], [0], [0], [1], [0, 0, 1, 1], [], []>, transpose_lhs_hint = false} : vector<4096x16xbf16>, vector<16x256xbf16>, vector<4096x256xf32> -> vector<4096x256xf32>
    %iota3A = tpu.iota {dimensions = array<i32: 0>} : vector<4096x256xi32>
    %iota3A_53 = tpu.iota {dimensions = array<i32: 1>} : vector<4096x256xi32>
    %jit3A = arith.constant 16 : i32
    %eq3A = arith.constant 0 : i32
    %eq3A_54 = arith.cmpi eq, %jit3A, %eq3A : i32
    %jit3A_55 = arith.constant 1 : i32
    %select_n3A = arith.select %eq3A_54, %jit3A_55, %jit3A : i32
    %rem3A = vector.broadcast %select_n3A : i32 to vector<4096x256xi32>
    %rem3A_56 = arith.remsi %iota3A_53, %rem3A : vector<4096x256xi32>
    %ne3A = arith.constant 0 : i32
    %ne3A_57 = vector.broadcast %ne3A : i32 to vector<4096x256xi32>
    %ne3A_58 = arith.cmpi ne, %rem3A_56, %ne3A_57 : vector<4096x256xi32>
    %lt3A = arith.constant 0 : i32
    %lt3A_59 = vector.broadcast %lt3A : i32 to vector<4096x256xi32>
    %lt3A_60 = arith.cmpi slt, %rem3A_56, %lt3A_59 : vector<4096x256xi32>
    %lt3A_61 = arith.constant 0 : i32
    %lt3A_62 = arith.cmpi slt, %select_n3A, %lt3A_61 : i32
    %ne3A_63 = vector.broadcast %lt3A_62 : i1 to vector<4096x256xi1>
    %ne3A_64 = vector.broadcast %ne3A_63 : vector<4096x256xi1> to vector<4096x256xi1>
    %ne3A_65 = arith.xori %lt3A_60, %ne3A_64 : vector<4096x256xi1>
    %and3A = arith.andi %ne3A_65, %ne3A_58 : vector<4096x256xi1>
    %add3A_66 = vector.broadcast %select_n3A : i32 to vector<4096x256xi32>
    %add3A_67 = arith.addi %rem3A_56, %add3A_66 : vector<4096x256xi32>
    %select_n3A_68 = arith.select %and3A, %add3A_67, %rem3A_56 : vector<4096x256xi1>, vector<4096x256xi32>
    %jit3A_69 = arith.constant 16 : i32
    %div3A = vector.broadcast %jit3A_69 : i32 to vector<4096x256xi32>
    %div3A_70 = arith.divsi %iota3A, %div3A : vector<4096x256xi32>
    %sign3A = arith.constant 0 : i32
    %sign3A_71 = vector.broadcast %sign3A : i32 to vector<4096x256xi32>
    %sign3A_72 = arith.cmpi sgt, %iota3A, %sign3A_71 : vector<4096x256xi32>
    %sign3A_73 = arith.extui %sign3A_72 : vector<4096x256xi1> to vector<4096x256xi32>
    %sign3A_74 = arith.constant 0 : i32
    %sign3A_75 = vector.broadcast %sign3A_74 : i32 to vector<4096x256xi32>
    %sign3A_76 = arith.cmpi slt, %iota3A, %sign3A_75 : vector<4096x256xi32>
    %sign3A_77 = arith.extui %sign3A_76 : vector<4096x256xi1> to vector<4096x256xi32>
    %sign3A_78 = arith.subi %sign3A_73, %sign3A_77 : vector<4096x256xi32>
    %sign3A_79 = arith.constant 0 : i32
    %sign3A_80 = arith.cmpi sgt, %jit3A_69, %sign3A_79 : i32
    %sign3A_81 = arith.extui %sign3A_80 : i1 to i32
    %sign3A_82 = arith.constant 0 : i32
    %sign3A_83 = arith.cmpi slt, %jit3A_69, %sign3A_82 : i32
    %sign3A_84 = arith.extui %sign3A_83 : i1 to i32
    %sign3A_85 = arith.subi %sign3A_81, %sign3A_84 : i32
    %ne3A_86 = vector.broadcast %sign3A_85 : i32 to vector<4096x256xi32>
    %ne3A_87 = arith.cmpi ne, %sign3A_78, %ne3A_86 : vector<4096x256xi32>
    %rem3A_88 = vector.broadcast %jit3A_69 : i32 to vector<4096x256xi32>
    %rem3A_89 = arith.remsi %iota3A, %rem3A_88 : vector<4096x256xi32>
    %ne3A_90 = arith.constant 0 : i32
    %ne3A_91 = vector.broadcast %ne3A_90 : i32 to vector<4096x256xi32>
    %ne3A_92 = arith.cmpi ne, %rem3A_89, %ne3A_91 : vector<4096x256xi32>
    %and3A_93 = arith.andi %ne3A_87, %ne3A_92 : vector<4096x256xi1>
    %sub3A_94 = arith.constant 1 : i32
    %sub3A_95 = vector.broadcast %sub3A_94 : i32 to vector<4096x256xi32>
    %sub3A_96 = arith.subi %div3A_70, %sub3A_95 : vector<4096x256xi32>
    %select_n3A_97 = arith.select %and3A_93, %sub3A_96, %div3A_70 : vector<4096x256xi1>, vector<4096x256xi32>
    %jit3A_98 = arith.constant 16 : i32
    %eq3A_99 = arith.constant 0 : i32
    %eq3A_100 = arith.cmpi eq, %jit3A_98, %eq3A_99 : i32
    %jit3A_101 = arith.constant 1 : i32
    %select_n3A_102 = arith.select %eq3A_100, %jit3A_101, %jit3A_98 : i32
    %rem3A_103 = vector.broadcast %select_n3A_102 : i32 to vector<4096x256xi32>
    %rem3A_104 = arith.remsi %select_n3A_97, %rem3A_103 : vector<4096x256xi32>
    %ne3A_105 = arith.constant 0 : i32
    %ne3A_106 = vector.broadcast %ne3A_105 : i32 to vector<4096x256xi32>
    %ne3A_107 = arith.cmpi ne, %rem3A_104, %ne3A_106 : vector<4096x256xi32>
    %lt3A_108 = arith.constant 0 : i32
    %lt3A_109 = vector.broadcast %lt3A_108 : i32 to vector<4096x256xi32>
    %lt3A_110 = arith.cmpi slt, %rem3A_104, %lt3A_109 : vector<4096x256xi32>
    %lt3A_111 = arith.constant 0 : i32
    %lt3A_112 = arith.cmpi slt, %select_n3A_102, %lt3A_111 : i32
    %ne3A_113 = vector.broadcast %lt3A_112 : i1 to vector<4096x256xi1>
    %ne3A_114 = vector.broadcast %ne3A_113 : vector<4096x256xi1> to vector<4096x256xi1>
    %ne3A_115 = arith.xori %lt3A_110, %ne3A_114 : vector<4096x256xi1>
    %and3A_116 = arith.andi %ne3A_115, %ne3A_107 : vector<4096x256xi1>
    %add3A_117 = vector.broadcast %select_n3A_102 : i32 to vector<4096x256xi32>
    %add3A_118 = arith.addi %rem3A_104, %add3A_117 : vector<4096x256xi32>
    %select_n3A_119 = arith.select %and3A_116, %add3A_118, %rem3A_104 : vector<4096x256xi1>, vector<4096x256xi32>
    %eq3A_120 = arith.cmpi eq, %select_n3A_68, %select_n3A_119 : vector<4096x256xi32>
    %jit3A_121 = arith.constant 0.000000e+00 : f32
    %broadcast_in_dim3A_122 = vector.broadcast %jit3A_121 : f32 to vector<4096x256xf32>
    %select_n3A_123 = arith.select %eq3A_120, %dot_general3A_52, %broadcast_in_dim3A_122 : vector<4096x256xi1>, vector<4096x256xf32>
    %convert_element_type3A_124 = arith.truncf %select_n3A_123 : vector<4096x256xf32> to vector<4096x256xbf16>
    %convert_element_type3A_125 = arith.truncf %slice3A : vector<4096x64xf32> to vector<4096x64xbf16>
    %slice3A_126 = vector.extract_strided_slice %convert_element_type3A_124 {offsets = [0, 0], sizes = [256, 256], strides = [1, 1]} : vector<4096x256xbf16> to vector<256x256xbf16>
    %slice3A_127 = vector.extract_strided_slice %convert_element_type3A_125 {offsets = [0, 0], sizes = [256, 64], strides = [1, 1]} : vector<4096x64xbf16> to vector<256x64xbf16>
    %dot_general3A_128 = arith.constant dense<0.000000e+00> : vector<256x64xf32>
    %dot_general3A_129 = tpu.matmul %slice3A_126, %slice3A_127, %dot_general3A_128 {dimension_numbers = #tpu.dot_dimension_numbers<[0], [0], [1], [1], [0, 1, 1, 1], [], []>, transpose_lhs_hint = false} : vector<256x256xbf16>, vector<256x64xbf16>, vector<256x64xf32> -> vector<256x64xf32>
    %slice3A_130 = vector.extract_strided_slice %dot_general3A_129 {offsets = [0, 0], sizes = [16, 64], strides = [1, 1]} : vector<256x64xf32> to vector<16x64xf32>
    %swap3A = arith.constant 0 : index
    %swap3A_131 = arith.constant 0 : index
    %swap3A_132 = vector.load %arg13[%swap3A, %swap3A_131] : memref<256x1024xf32, #tpu.memory_space<vmem>>, vector<16x64xf32>
    tpu.vector_store %arg13[%swap3A, %swap3A_131], %slice3A_130 {strides = array<i32>} : memref<256x1024xf32, #tpu.memory_space<vmem>>, vector<16x64xf32>,
    %slice3A_133 = vector.extract_strided_slice %dot_general3A_129 {offsets = [16, 0], sizes = [16, 64], strides = [1, 1]} : vector<256x64xf32> to vector<16x64xf32>
    %swap3A_134 = arith.constant 0 : index
    %swap3A_135 = arith.constant 64 : index
    %swap3A_136 = vector.load %arg13[%swap3A_134, %swap3A_135] : memref<256x1024xf32, #tpu.memory_space<vmem>>, vector<16x64xf32>
    tpu.vector_store %arg13[%swap3A_134, %swap3A_135], %slice3A_133 {strides = array<i32>} : memref<256x1024xf32, #tpu.memory_space<vmem>>, vector<16x64xf32>,
    %slice3A_137 = vector.extract_strided_slice %dot_general3A_129 {offsets = [32, 0], sizes = [16, 64], strides = [1, 1]} : vector<256x64xf32> to vector<16x64xf32>
    %swap3A_138 = arith.constant 0 : index
    %swap3A_139 = arith.constant 128 : index
    %swap3A_140 = vector.load %arg13[%swap3A_138, %swap3A_139] : memref<256x1024xf32, #tpu.memory_space<vmem>>, vector<16x64xf32>
    tpu.vector_store %arg13[%swap3A_138, %swap3A_139], %slice3A_137 {strides = array<i32>} : memref<256x1024xf32, #tpu.memory_space<vmem>>, vector<16x64xf32>,
    %slice3A_141 = vector.extract_strided_slice %dot_general3A_129 {offsets = [48, 0], sizes = [16, 64], strides = [1, 1]} : vector<256x64xf32> to vector<16x64xf32>
    %swap3A_142 = arith.constant 0 : index
    %swap3A_143 = arith.constant 192 : index
    %swap3A_144 = vector.load %arg13[%swap3A_142, %swap3A_143] : memref<256x1024xf32, #tpu.memory_space<vmem>>, vector<16x64xf32>
    tpu.vector_store %arg13[%swap3A_142, %swap3A_143], %slice3A_141 {strides = array<i32>} : memref<256x1024xf32, #tpu.memory_space<vmem>>, vector<16x64xf32>,
    %slice3A_145 = vector.extract_strided_slice %dot_general3A_129 {offsets = [64, 0], sizes = [16, 64], strides = [1, 1]} : vector<256x64xf32> to vector<16x64xf32>
    %swap3A_146 = arith.constant 0 : index
    %swap3A_147 = arith.constant 256 : index
    %swap3A_148 = vector.load %arg13[%swap3A_146, %swap3A_147] : memref<256x1024xf32, #tpu.memory_space<vmem>>, vector<16x64xf32>
    tpu.vector_store %arg13[%swap3A_146, %swap3A_147], %slice3A_145 {strides = array<i32>} : memref<256x1024xf32, #tpu.memory_space<vmem>>, vector<16x64xf32>,
    %slice3A_149 = vector.extract_strided_slice %dot_general3A_129 {offsets = [80, 0], sizes = [16, 64], strides = [1, 1]} : vector<256x64xf32> to vector<16x64xf32>
    %swap3A_150 = arith.constant 0 : index
    %swap3A_151 = arith.constant 320 : index
    %swap3A_152 = vector.load %arg13[%swap3A_150, %swap3A_151] : memref<256x1024xf32, #tpu.memory_space<vmem>>, vector<16x64xf32>
    tpu.vector_store %arg13[%swap3A_150, %swap3A_151], %slice3A_149 {strides = array<i32>} : memref<256x1024xf32, #tpu.memory_space<vmem>>, vector<16x64xf32>,
    %slice3A_153 = vector.extract_strided_slice %dot_general3A_129 {offsets = [96, 0], sizes = [16, 64], strides = [1, 1]} : vector<256x64xf32> to vector<16x64xf32>
    %swap3A_154 = arith.constant 0 : index
    %swap3A_155 = arith.constant 384 : index
    %swap3A_156 = vector.load %arg13[%swap3A_154, %swap3A_155] : memref<256x1024xf32, #tpu.memory_space<vmem>>, vector<16x64xf32>
    tpu.vector_store %arg13[%swap3A_154, %swap3A_155], %slice3A_153 {strides = array<i32>} : memref<256x1024xf32, #tpu.memory_space<vmem>>, vector<16x64xf32>,
    %slice3A_157 = vector.extract_strided_slice %dot_general3A_129 {offsets = [112, 0], sizes = [16, 64], strides = [1, 1]} : vector<256x64xf32> to vector<16x64xf32>
    %swap3A_158 = arith.constant 0 : index
    %swap3A_159 = arith.constant 448 : index
    %swap3A_160 = vector.load %arg13[%swap3A_158, %swap3A_159] : memref<256x1024xf32, #tpu.memory_space<vmem>>, vector<16x64xf32>
    tpu.vector_store %arg13[%swap3A_158, %swap3A_159], %slice3A_157 {strides = array<i32>} : memref<256x1024xf32, #tpu.memory_space<vmem>>, vector<16x64xf32>,
    %slice3A_161 = vector.extract_strided_slice %dot_general3A_129 {offsets = [128, 0], sizes = [16, 64], strides = [1, 1]} : vector<256x64xf32> to vector<16x64xf32>
    %swap3A_162 = arith.constant 0 : index
    %swap3A_163 = arith.constant 512 : index
    %swap3A_164 = vector.load %arg13[%swap3A_162, %swap3A_163] : memref<256x1024xf32, #tpu.memory_space<vmem>>, vector<16x64xf32>
    tpu.vector_store %arg13[%swap3A_162, %swap3A_163], %slice3A_161 {strides = array<i32>} : memref<256x1024xf32, #tpu.memory_space<vmem>>, vector<16x64xf32>,
    %slice3A_165 = vector.extract_strided_slice %dot_general3A_129 {offsets = [144, 0], sizes = [16, 64], strides = [1, 1]} : vector<256x64xf32> to vector<16x64xf32>
    %swap3A_166 = arith.constant 0 : index
    %swap3A_167 = arith.constant 576 : index
    %swap3A_168 = vector.load %arg13[%swap3A_166, %swap3A_167] : memref<256x1024xf32, #tpu.memory_space<vmem>>, vector<16x64xf32>
    tpu.vector_store %arg13[%swap3A_166, %swap3A_167], %slice3A_165 {strides = array<i32>} : memref<256x1024xf32, #tpu.memory_space<vmem>>, vector<16x64xf32>,
    %slice3A_169 = vector.extract_strided_slice %dot_general3A_129 {offsets = [160, 0], sizes = [16, 64], strides = [1, 1]} : vector<256x64xf32> to vector<16x64xf32>
    %swap3A_170 = arith.constant 0 : index
    %swap3A_171 = arith.constant 640 : index
    %swap3A_172 = vector.load %arg13[%swap3A_170, %swap3A_171] : memref<256x1024xf32, #tpu.memory_space<vmem>>, vector<16x64xf32>
    tpu.vector_store %arg13[%swap3A_170, %swap3A_171], %slice3A_169 {strides = array<i32>} : memref<256x1024xf32, #tpu.memory_space<vmem>>, vector<16x64xf32>,
    %slice3A_173 = vector.extract_strided_slice %dot_general3A_129 {offsets = [176, 0], sizes = [16, 64], strides = [1, 1]} : vector<256x64xf32> to vector<16x64xf32>
    %swap3A_174 = arith.constant 0 : index
    %swap3A_175 = arith.constant 704 : index
    %swap3A_176 = vector.load %arg13[%swap3A_174, %swap3A_175] : memref<256x1024xf32, #tpu.memory_space<vmem>>, vector<16x64xf32>
    tpu.vector_store %arg13[%swap3A_174, %swap3A_175], %slice3A_173 {strides = array<i32>} : memref<256x1024xf32, #tpu.memory_space<vmem>>, vector<16x64xf32>,
    %slice3A_177 = vector.extract_strided_slice %dot_general3A_129 {offsets = [192, 0], sizes = [16, 64], strides = [1, 1]} : vector<256x64xf32> to vector<16x64xf32>
    %swap3A_178 = arith.constant 0 : index
    %swap3A_179 = arith.constant 768 : index
    %swap3A_180 = vector.load %arg13[%swap3A_178, %swap3A_179] : memref<256x1024xf32, #tpu.memory_space<vmem>>, vector<16x64xf32>
    tpu.vector_store %arg13[%swap3A_178, %swap3A_179], %slice3A_177 {strides = array<i32>} : memref<256x1024xf32, #tpu.memory_space<vmem>>, vector<16x64xf32>,
    %slice3A_181 = vector.extract_strided_slice %dot_general3A_129 {offsets = [208, 0], sizes = [16, 64], strides = [1, 1]} : vector<256x64xf32> to vector<16x64xf32>
    %swap3A_182 = arith.constant 0 : index
    %swap3A_183 = arith.constant 832 : index
    %swap3A_184 = vector.load %arg13[%swap3A_182, %swap3A_183] : memref<256x1024xf32, #tpu.memory_space<vmem>>, vector<16x64xf32>
    tpu.vector_store %arg13[%swap3A_182, %swap3A_183], %slice3A_181 {strides = array<i32>} : memref<256x1024xf32, #tpu.memory_space<vmem>>, vector<16x64xf32>,
    %slice3A_185 = vector.extract_strided_slice %dot_general3A_129 {offsets = [224, 0], sizes = [16, 64], strides = [1, 1]} : vector<256x64xf32> to vector<16x64xf32>
    %swap3A_186 = arith.constant 0 : index
    %swap3A_187 = arith.constant 896 : index
    %swap3A_188 = vector.load %arg13[%swap3A_186, %swap3A_187] : memref<256x1024xf32, #tpu.memory_space<vmem>>, vector<16x64xf32>
    tpu.vector_store %arg13[%swap3A_186, %swap3A_187], %slice3A_185 {strides = array<i32>} : memref<256x1024xf32, #tpu.memory_space<vmem>>, vector<16x64xf32>,
    %slice3A_189 = vector.extract_strided_slice %dot_general3A_129 {offsets = [240, 0], sizes = [16, 64], strides = [1, 1]} : vector<256x64xf32> to vector<16x64xf32>
    %swap3A_190 = arith.constant 0 : index
    %swap3A_191 = arith.constant 960 : index
    %swap3A_192 = vector.load %arg13[%swap3A_190, %swap3A_191] : memref<256x1024xf32, #tpu.memory_space<vmem>>, vector<16x64xf32>
    tpu.vector_store %arg13[%swap3A_190, %swap3A_191], %slice3A_189 {strides = array<i32>} : memref<256x1024xf32, #tpu.memory_space<vmem>>, vector<16x64xf32>,
    %slice3A_193 = vector.extract_strided_slice %convert_element_type3A_124 {offsets = [256, 0], sizes = [256, 256], strides = [1, 1]} : vector<4096x256xbf16> to vector<256x256xbf16>
    %slice3A_194 = vector.extract_strided_slice %convert_element_type3A_125 {offsets = [256, 0], sizes = [256, 64], strides = [1, 1]} : vector<4096x64xbf16> to vector<256x64xbf16>
    %dot_general3A_195 = arith.constant dense<0.000000e+00> : vector<256x64xf32>
    %dot_general3A_196 = tpu.matmul %slice3A_193, %slice3A_194, %dot_general3A_195 {dimension_numbers = #tpu.dot_dimension_numbers<[0], [0], [1], [1], [0, 1, 1, 1], [], []>, transpose_lhs_hint = false} : vector<256x256xbf16>, vector<256x64xbf16>, vector<256x64xf32> -> vector<256x64xf32>
    %slice3A_197 = vector.extract_strided_slice %dot_general3A_196 {offsets = [0, 0], sizes = [16, 64], strides = [1, 1]} : vector<256x64xf32> to vector<16x64xf32>
    %swap3A_198 = arith.constant 16 : index
    %swap3A_199 = arith.constant 0 : index
    %swap3A_200 = vector.load %arg13[%swap3A_198, %swap3A_199] : memref<256x1024xf32, #tpu.memory_space<vmem>>, vector<16x64xf32>
    tpu.vector_store %arg13[%swap3A_198, %swap3A_199], %slice3A_197 {strides = array<i32>} : memref<256x1024xf32, #tpu.memory_space<vmem>>, vector<16x64xf32>,
    %slice3A_201 = vector.extract_strided_slice %dot_general3A_196 {offsets = [16, 0], sizes = [16, 64], strides = [1, 1]} : vector<256x64xf32> to vector<16x64xf32>
    %swap3A_202 = arith.constant 16 : index
    %swap3A_203 = arith.constant 64 : index
    %swap3A_204 = vector.load %arg13[%swap3A_202, %swap3A_203] : memref<256x1024xf32, #tpu.memory_space<vmem>>, vector<16x64xf32>
    tpu.vector_store %arg13[%swap3A_202, %swap3A_203], %slice3A_201 {strides = array<i32>} : memref<256x1024xf32, #tpu.memory_space<vmem>>, vector<16x64xf32>,
    %slice3A_205 = vector.extract_strided_slice %dot_general3A_196 {offsets = [32, 0], sizes = [16, 64], strides = [1, 1]} : vector<256x64xf32> to vector<16x64xf32>
    %swap3A_206 = arith.constant 16 : index
    %swap3A_207 = arith.constant 128 : index
    %swap3A_208 = vector.load %arg13[%swap3A_206, %swap3A_207] : memref<256x1024xf32, #tpu.memory_space<vmem>>, vector<16x64xf32>
    tpu.vector_store %arg13[%swap3A_206, %swap3A_207], %slice3A_205 {strides = array<i32>} : memref<256x1024xf32, #tpu.memory_space<vmem>>, vector<16x64xf32>,
    %slice3A_209 = vector.extract_strided_slice %dot_general3A_196 {offsets = [48, 0], sizes = [16, 64], strides = [1, 1]} : vector<256x64xf32> to vector<16x64xf32>
    %swap3A_210 = arith.constant 16 : index
    %swap3A_211 = arith.constant 192 : index
    %swap3A_212 = vector.load %arg13[%swap3A_210, %swap3A_211] : memref<256x1024xf32, #tpu.memory_space<vmem>>, vector<16x64xf32>
    tpu.vector_store %arg13[%swap3A_210, %swap3A_211], %slice3A_209 {strides = array<i32>} : memref<256x1024xf32, #tpu.memory_space<vmem>>, vector<16x64xf32>,
    %slice3A_213 = vector.extract_strided_slice %dot_general3A_196 {offsets = [64, 0], sizes = [16, 64], strides = [1, 1]} : vector<256x64xf32> to vector<16x64xf32>
    %swap3A_214 = arith.constant 16 : index
    %swap3A_215 = arith.constant 256 : index
    %swap3A_216 = vector.load %arg13[%swap3A_214, %swap3A_215] : memref<256x1024xf32, #tpu.memory_space<vmem>>, vector<16x64xf32>
    tpu.vector_store %arg13[%swap3A_214, %swap3A_215], %slice3A_213 {strides = array<i32>} : memref<256x1024xf32, #tpu.memory_space<vmem>>, vector<16x64xf32>,
    %slice3A_217 = vector.extract_strided_slice %dot_general3A_196 {offsets = [80, 0], sizes = [16, 64], strides = [1, 1]} : vector<256x64xf32> to vector<16x64xf32>
    %swap3A_218 = arith.constant 16 : index
    %swap3A_219 = arith.constant 320 : index
    %swap3A_220 = vector.load %arg13[%swap3A_218, %swap3A_219] : memref<256x1024xf32, #tpu.memory_space<vmem>>, vector<16x64xf32>
    tpu.vector_store %arg13[%swap3A_218, %swap3A_219], %slice3A_217 {strides = array<i32>} : memref<256x1024xf32, #tpu.memory_space<vmem>>, vector<16x64xf32>,
    %slice3A_221 = vector.extract_strided_slice %dot_general3A_196 {offsets = [96, 0], sizes = [16, 64], strides = [1, 1]} : vector<256x64xf32> to vector<16x64xf32>
    %swap3A_222 = arith.constant 16 : index
    %swap3A_223 = arith.constant 384 : index
    %swap3A_224 = vector.load %arg13[%swap3A_222, %swap3A_223] : memref<256x1024xf32, #tpu.memory_space<vmem>>, vector<16x64xf32>
    tpu.vector_store %arg13[%swap3A_222, %swap3A_223], %slice3A_221 {strides = array<i32>} : memref<256x1024xf32, #tpu.memory_space<vmem>>, vector<16x64xf32>,
    %slice3A_225 = vector.extract_strided_slice %dot_general3A_196 {offsets = [112, 0], sizes = [16, 64], strides = [1, 1]} : vector<256x64xf32> to vector<16x64xf32>
    %swap3A_226 = arith.constant 16 : index
    %swap3A_227 = arith.constant 448 : index
    %swap3A_228 = vector.load %arg13[%swap3A_226, %swap3A_227] : memref<256x1024xf32, #tpu.memory_space<vmem>>, vector<16x64xf32>
    tpu.vector_store %arg13[%swap3A_226, %swap3A_227], %slice3A_225 {strides = array<i32>} : memref<256x1024xf32, #tpu.memory_space<vmem>>, vector<16x64xf32>,
    %slice3A_229 = vector.extract_strided_slice %dot_general3A_196 {offsets = [128, 0], sizes = [16, 64], strides = [1, 1]} : vector<256x64xf32> to vector<16x64xf32>
    %swap3A_230 = arith.constant 16 : index
    %swap3A_231 = arith.constant 512 : index
    %swap3A_232 = vector.load %arg13[%swap3A_230, %swap3A_231] : memref<256x1024xf32, #tpu.memory_space<vmem>>, vector<16x64xf32>
    tpu.vector_store %arg13[%swap3A_230, %swap3A_231], %slice3A_229 {strides = array<i32>} : memref<256x1024xf32, #tpu.memory_space<vmem>>, vector<16x64xf32>,
    %slice3A_233 = vector.extract_strided_slice %dot_general3A_196 {offsets = [144, 0], sizes = [16, 64], strides = [1, 1]} : vector<256x64xf32> to vector<16x64xf32>
    %swap3A_234 = arith.constant 16 : index
    %swap3A_235 = arith.constant 576 : index
    %swap3A_236 = vector.load %arg13[%swap3A_234, %swap3A_235] : memref<256x1024xf32, #tpu.memory_space<vmem>>, vector<16x64xf32>
    tpu.vector_store %arg13[%swap3A_234, %swap3A_235], %slice3A_233 {strides = array<i32>} : memref<256x1024xf32, #tpu.memory_space<vmem>>, vector<16x64xf32>,
    %slice3A_237 = vector.extract_strided_slice %dot_general3A_196 {offsets = [160, 0], sizes = [16, 64], strides = [1, 1]} : vector<256x64xf32> to vector<16x64xf32>
    %swap3A_238 = arith.constant 16 : index
    %swap3A_239 = arith.constant 640 : index
    %swap3A_240 = vector.load %arg13[%swap3A_238, %swap3A_239] : memref<256x1024xf32, #tpu.memory_space<vmem>>, vector<16x64xf32>
    tpu.vector_store %arg13[%swap3A_238, %swap3A_239], %slice3A_237 {strides = array<i32>} : memref<256x1024xf32, #tpu.memory_space<vmem>>, vector<16x64xf32>,
    %slice3A_241 = vector.extract_strided_slice %dot_general3A_196 {offsets = [176, 0], sizes = [16, 64], strides = [1, 1]} : vector<256x64xf32> to vector<16x64xf32>
    %swap3A_242 = arith.constant 16 : index
    %swap3A_243 = arith.constant 704 : index
    %swap3A_244 = vector.load %arg13[%swap3A_242, %swap3A_243] : memref<256x1024xf32, #tpu.memory_space<vmem>>, vector<16x64xf32>
    tpu.vector_store %arg13[%swap3A_242, %swap3A_243], %slice3A_241 {strides = array<i32>} : memref<256x1024xf32, #tpu.memory_space<vmem>>, vector<16x64xf32>,
    %slice3A_245 = vector.extract_strided_slice %dot_general3A_196 {offsets = [192, 0], sizes = [16, 64], strides = [1, 1]} : vector<256x64xf32> to vector<16x64xf32>
    %swap3A_246 = arith.constant 16 : index
    %swap3A_247 = arith.constant 768 : index
    %swap3A_248 = vector.load %arg13[%swap3A_246, %swap3A_247] : memref<256x1024xf32, #tpu.memory_space<vmem>>, vector<16x64xf32>
    tpu.vector_store %arg13[%swap3A_246, %swap3A_247], %slice3A_245 {strides = array<i32>} : memref<256x1024xf32, #tpu.memory_space<vmem>>, vector<16x64xf32>,
    %slice3A_249 = vector.extract_strided_slice %dot_general3A_196 {offsets = [208, 0], sizes = [16, 64], strides = [1, 1]} : vector<256x64xf32> to vector<16x64xf32>
    %swap3A_250 = arith.constant 16 : index
    %swap3A_251 = arith.constant 832 : index
    %swap3A_252 = vector.load %arg13[%swap3A_250, %swap3A_251] : memref<256x1024xf32, #tpu.memory_space<vmem>>, vector<16x64xf32>
    tpu.vector_store %arg13[%swap3A_250, %swap3A_251], %slice3A_249 {strides = array<i32>} : memref<256x1024xf32, #tpu.memory_space<vmem>>, vector<16x64xf32>,
    %slice3A_253 = vector.extract_strided_slice %dot_general3A_196 {offsets = [224, 0], sizes = [16, 64], strides = [1, 1]} : vector<256x64xf32> to vector<16x64xf32>
    %swap3A_254 = arith.constant 16 : index
    %swap3A_255 = arith.constant 896 : index
    %swap3A_256 = vector.load %arg13[%swap3A_254, %swap3A_255] : memref<256x1024xf32, #tpu.memory_space<vmem>>, vector<16x64xf32>
    tpu.vector_store %arg13[%swap3A_254, %swap3A_255], %slice3A_253 {strides = array<i32>} : memref<256x1024xf32, #tpu.memory_space<vmem>>, vector<16x64xf32>,
    %slice3A_257 = vector.extract_strided_slice %dot_general3A_196 {offsets = [240, 0], sizes = [16, 64], strides = [1, 1]} : vector<256x64xf32> to vector<16x64xf32>
    %swap3A_258 = arith.constant 16 : index
    %swap3A_259 = arith.constant 960 : index
    %swap3A_260 = vector.load %arg13[%swap3A_258, %swap3A_259] : memref<256x1024xf32, #tpu.memory_space<vmem>>, vector<16x64xf32>
    tpu.vector_store %arg13[%swap3A_258, %swap3A_259], %slice3A_257 {strides = array<i32>} : memref<256x1024xf32, #tpu.memory_space<vmem>>, vector<16x64xf32>,
    %slice3A_261 = vector.extract_strided_slice %convert_element_type3A_124 {offsets = [512, 0], sizes = [256, 256], strides = [1, 1]} : vector<4096x256xbf16> to vector<256x256xbf16>
    %slice3A_262 = vector.extract_strided_slice %convert_element_type3A_125 {offsets = [512, 0], sizes = [256, 64], strides = [1, 1]} : vector<4096x64xbf16> to vector<256x64xbf16>
    %dot_general3A_263 = arith.constant dense<0.000000e+00> : vector<256x64xf32>
    %dot_general3A_264 = tpu.matmul %slice3A_261, %slice3A_262, %dot_general3A_263 {dimension_numbers = #tpu.dot_dimension_numbers<[0], [0], [1], [1], [0, 1, 1, 1], [], []>, transpose_lhs_hint = false} : vector<256x256xbf16>, vector<256x64xbf16>, vector<256x64xf32> -> vector<256x64xf32>
    %slice3A_265 = vector.extract_strided_slice %dot_general3A_264 {offsets = [0, 0], sizes = [16, 64], strides = [1, 1]} : vector<256x64xf32> to vector<16x64xf32>
    %swap3A_266 = arith.constant 32 : index
    %swap3A_267 = arith.constant 0 : index
    %swap3A_268 = vector.load %arg13[%swap3A_266, %swap3A_267] : memref<256x1024xf32, #tpu.memory_space<vmem>>, vector<16x64xf32>
    tpu.vector_store %arg13[%swap3A_266, %swap3A_267], %slice3A_265 {strides = array<i32>} : memref<256x1024xf32, #tpu.memory_space<vmem>>, vector<16x64xf32>,
    %slice3A_269 = vector.extract_strided_slice %dot_general3A_264 {offsets = [16, 0], sizes = [16, 64], strides = [1, 1]} : vector<256x64xf32> to vector<16x64xf32>
    %swap3A_270 = arith.constant 32 : index
    %swap3A_271 = arith.constant 64 : index
    %swap3A_272 = vector.load %arg13[%swap3A_270, %swap3A_271] : memref<256x1024xf32, #tpu.memory_space<vmem>>, vector<16x64xf32>
    tpu.vector_store %arg13[%swap3A_270, %swap3A_271], %slice3A_269 {strides = array<i32>} : memref<256x1024xf32, #tpu.memory_space<vmem>>, vector<16x64xf32>,
    %slice3A_273 = vector.extract_strided_slice %dot_general3A_264 {offsets = [32, 0], sizes = [16, 64], strides = [1, 1]} : vector<256x64xf32> to vector<16x64xf32>
    %swap3A_274 = arith.constant 32 : index
    %swap3A_275 = arith.constant 128 : index
    %swap3A_276 = vector.load %arg13[%swap3A_274, %swap3A_275] : memref<256x1024xf32, #tpu.memory_space<vmem>>, vector<16x64xf32>
    tpu.vector_store %arg13[%swap3A_274, %swap3A_275], %slice3A_273 {strides = array<i32>} : memref<256x1024xf32, #tpu.memory_space<vmem>>, vector<16x64xf32>,
    %slice3A_277 = vector.extract_strided_slice %dot_general3A_264 {offsets = [48, 0], sizes = [16, 64], strides = [1, 1]} : vector<256x64xf32> to vector<16x64xf32>
    %swap3A_278 = arith.constant 32 : index
    %swap3A_279 = arith.constant 192 : index
    %swap3A_280 = vector.load %arg13[%swap3A_278, %swap3A_279] : memref<256x1024xf32, #tpu.memory_space<vmem>>, vector<16x64xf32>
    tpu.vector_store %arg13[%swap3A_278, %swap3A_279], %slice3A_277 {strides = array<i32>} : memref<256x1024xf32, #tpu.memory_space<vmem>>, vector<16x64xf32>,
    %slice3A_281 = vector.extract_strided_slice %dot_general3A_264 {offsets = [64, 0], sizes = [16, 64], strides = [1, 1]} : vector<256x64xf32> to vector<16x64xf32>
    %swap3A_282 = arith.constant 32 : index
    %swap3A_283 = arith.constant 256 : index
    %swap3A_284 = vector.load %arg13[%swap3A_282, %swap3A_283] : memref<256x1024xf32, #tpu.memory_space<vmem>>, vector<16x64xf32>
    tpu.vector_store %arg13[%swap3A_282, %swap3A_283], %slice3A_281 {strides = array<i32>} : memref<256x1024xf32, #tpu.memory_space<vmem>>, vector<16x64xf32>,
    %slice3A_285 = vector.extract_strided_slice %dot_general3A_264 {offsets = [80, 0], sizes = [16, 64], strides = [1, 1]} : vector<256x64xf32> to vector<16x64xf32>
    %swap3A_286 = arith.constant 32 : index
    %swap3A_287 = arith.constant 320 : index
    %swap3A_288 = vector.load %arg13[%swap3A_286, %swap3A_287] : memref<256x1024xf32, #tpu.memory_space<vmem>>, vector<16x64xf32>
    tpu.vector_store %arg13[%swap3A_286, %swap3A_287], %slice3A_285 {strides = array<i32>} : memref<256x1024xf32, #tpu.memory_space<vmem>>, vector<16x64xf32>,
    %slice3A_289 = vector.extract_strided_slice %dot_general3A_264 {offsets = [96, 0], sizes = [16, 64], strides = [1, 1]} : vector<256x64xf32> to vector<16x64xf32>
    %swap3A_290 = arith.constant 32 : index
    %swap3A_291 = arith.constant 384 : index
    %swap3A_292 = vector.load %arg13[%swap3A_290, %swap3A_291] : memref<256x1024xf32, #tpu.memory_space<vmem>>, vector<16x64xf32>
    tpu.vector_store %arg13[%swap3A_290, %swap3A_291], %slice3A_289 {strides = array<i32>} : memref<256x1024xf32, #tpu.memory_space<vmem>>, vector<16x64xf32>,
    %slice3A_293 = vector.extract_strided_slice %dot_general3A_264 {offsets = [112, 0], sizes = [16, 64], strides = [1, 1]} : vector<256x64xf32> to vector<16x64xf32>
    %swap3A_294 = arith.constant 32 : index
    %swap3A_295 = arith.constant 448 : index
    %swap3A_296 = vector.load %arg13[%swap3A_294, %swap3A_295] : memref<256x1024xf32, #tpu.memory_space<vmem>>, vector<16x64xf32>
    tpu.vector_store %arg13[%swap3A_294, %swap3A_295], %slice3A_293 {strides = array<i32>} : memref<256x1024xf32, #tpu.memory_space<vmem>>, vector<16x64xf32>,
    %slice3A_297 = vector.extract_strided_slice %dot_general3A_264 {offsets = [128, 0], sizes = [16, 64], strides = [1, 1]} : vector<256x64xf32> to vector<16x64xf32>
    %swap3A_298 = arith.constant 32 : index
    %swap3A_299 = arith.constant 512 : index
    %swap3A_300 = vector.load %arg13[%swap3A_298, %swap3A_299] : memref<256x1024xf32, #tpu.memory_space<vmem>>, vector<16x64xf32>
    tpu.vector_store %arg13[%swap3A_298, %swap3A_299], %slice3A_297 {strides = array<i32>} : memref<256x1024xf32, #tpu.memory_space<vmem>>, vector<16x64xf32>,
    %slice3A_301 = vector.extract_strided_slice %dot_general3A_264 {offsets = [144, 0], sizes = [16, 64], strides = [1, 1]} : vector<256x64xf32> to vector<16x64xf32>
    %swap3A_302 = arith.constant 32 : index
    %swap3A_303 = arith.constant 576 : index
    %swap3A_304 = vector.load %arg13[%swap3A_302, %swap3A_303] : memref<256x1024xf32, #tpu.memory_space<vmem>>, vector<16x64xf32>
    tpu.vector_store %arg13[%swap3A_302, %swap3A_303], %slice3A_301 {strides = array<i32>} : memref<256x1024xf32, #tpu.memory_space<vmem>>, vector<16x64xf32>,
    %slice3A_305 = vector.extract_strided_slice %dot_general3A_264 {offsets = [160, 0], sizes = [16, 64], strides = [1, 1]} : vector<256x64xf32> to vector<16x64xf32>
    %swap3A_306 = arith.constant 32 : index
    %swap3A_307 = arith.constant 640 : index
    %swap3A_308 = vector.load %arg13[%swap3A_306, %swap3A_307] : memref<256x1024xf32, #tpu.memory_space<vmem>>, vector<16x64xf32>
    tpu.vector_store %arg13[%swap3A_306, %swap3A_307], %slice3A_305 {strides = array<i32>} : memref<256x1024xf32, #tpu.memory_space<vmem>>, vector<16x64xf32>,
    %slice3A_309 = vector.extract_strided_slice %dot_general3A_264 {offsets = [176, 0], sizes = [16, 64], strides = [1, 1]} : vector<256x64xf32> to vector<16x64xf32>
    %swap3A_310 = arith.constant 32 : index
    %swap3A_311 = arith.constant 704 : index
    %swap3A_312 = vector.load %arg13[%swap3A_310, %swap3A_311] : memref<256x1024xf32, #tpu.memory_space<vmem>>, vector<16x64xf32>
    tpu.vector_store %arg13[%swap3A_310, %swap3A_311], %slice3A_309 {strides = array<i32>} : memref<256x1024xf32, #tpu.memory_space<vmem>>, vector<16x64xf32>,
    %slice3A_313 = vector.extract_strided_slice %dot_general3A_264 {offsets = [192, 0], sizes = [16, 64], strides = [1, 1]} : vector<256x64xf32> to vector<16x64xf32>
    %swap3A_314 = arith.constant 32 : index
    %swap3A_315 = arith.constant 768 : index
    %swap3A_316 = vector.load %arg13[%swap3A_314, %swap3A_315] : memref<256x1024xf32, #tpu.memory_space<vmem>>, vector<16x64xf32>
    tpu.vector_store %arg13[%swap3A_314, %swap3A_315], %slice3A_313 {strides = array<i32>} : memref<256x1024xf32, #tpu.memory_space<vmem>>, vector<16x64xf32>,
    %slice3A_317 = vector.extract_strided_slice %dot_general3A_264 {offsets = [208, 0], sizes = [16, 64], strides = [1, 1]} : vector<256x64xf32> to vector<16x64xf32>
    %swap3A_318 = arith.constant 32 : index
    %swap3A_319 = arith.constant 832 : index
    %swap3A_320 = vector.load %arg13[%swap3A_318, %swap3A_319] : memref<256x1024xf32, #tpu.memory_space<vmem>>, vector<16x64xf32>
    tpu.vector_store %arg13[%swap3A_318, %swap3A_319], %slice3A_317 {strides = array<i32>} : memref<256x1024xf32, #tpu.memory_space<vmem>>, vector<16x64xf32>,
    %slice3A_321 = vector.extract_strided_slice %dot_general3A_264 {offsets = [224, 0], sizes = [16, 64], strides = [1, 1]} : vector<256x64xf32> to vector<16x64xf32>
    %swap3A_322 = arith.constant 32 : index
    %swap3A_323 = arith.constant 896 : index
    %swap3A_324 = vector.load %arg13[%swap3A_322, %swap3A_323] : memref<256x1024xf32, #tpu.memory_space<vmem>>, vector<16x64xf32>
    tpu.vector_store %arg13[%swap3A_322, %swap3A_323], %slice3A_321 {strides = array<i32>} : memref<256x1024xf32, #tpu.memory_space<vmem>>, vector<16x64xf32>,
    %slice3A_325 = vector.extract_strided_slice %dot_general3A_264 {offsets = [240, 0], sizes = [16, 64], strides = [1, 1]} : vector<256x64xf32> to vector<16x64xf32>
    %swap3A_326 = arith.constant 32 : index
    %swap3A_327 = arith.constant 960 : index
    %swap3A_328 = vector.load %arg13[%swap3A_326, %swap3A_327] : memref<256x1024xf32, #tpu.memory_space<vmem>>, vector<16x64xf32>
    tpu.vector_store %arg13[%swap3A_326, %swap3A_327], %slice3A_325 {strides = array<i32>} : memref<256x1024xf32, #tpu.memory_space<vmem>>, vector<16x64xf32>,
    %slice3A_329 = vector.extract_strided_slice %convert_element_type3A_124 {offsets = [768, 0], sizes = [256, 256], strides = [1, 1]} : vector<4096x256xbf16> to vector<256x256xbf16>
    %slice3A_330 = vector.extract_strided_slice %convert_element_type3A_125 {offsets = [768, 0], sizes = [256, 64], strides = [1, 1]} : vector<4096x64xbf16> to vector<256x64xbf16>
    %dot_general3A_331 = arith.constant dense<0.000000e+00> : vector<256x64xf32>
    %dot_general3A_332 = tpu.matmul %slice3A_329, %slice3A_330, %dot_general3A_331 {dimension_numbers = #tpu.dot_dimension_numbers<[0], [0], [1], [1], [0, 1, 1, 1], [], []>, transpose_lhs_hint = false} : vector<256x256xbf16>, vector<256x64xbf16>, vector<256x64xf32> -> vector<256x64xf32>
    %slice3A_333 = vector.extract_strided_slice %dot_general3A_332 {offsets = [0, 0], sizes = [16, 64], strides = [1, 1]} : vector<256x64xf32> to vector<16x64xf32>
    %swap3A_334 = arith.constant 48 : index
    %swap3A_335 = arith.constant 0 : index
    %swap3A_336 = vector.load %arg13[%swap3A_334, %swap3A_335] : memref<256x1024xf32, #tpu.memory_space<vmem>>, vector<16x64xf32>
    tpu.vector_store %arg13[%swap3A_334, %swap3A_335], %slice3A_333 {strides = array<i32>} : memref<256x1024xf32, #tpu.memory_space<vmem>>, vector<16x64xf32>,
    %slice3A_337 = vector.extract_strided_slice %dot_general3A_332 {offsets = [16, 0], sizes = [16, 64], strides = [1, 1]} : vector<256x64xf32> to vector<16x64xf32>
    %swap3A_338 = arith.constant 48 : index
    %swap3A_339 = arith.constant 64 : index
    %swap3A_340 = vector.load %arg13[%swap3A_338, %swap3A_339] : memref<256x1024xf32, #tpu.memory_space<vmem>>, vector<16x64xf32>
    tpu.vector_store %arg13[%swap3A_338, %swap3A_339], %slice3A_337 {strides = array<i32>} : memref<256x1024xf32, #tpu.memory_space<vmem>>, vector<16x64xf32>,
    %slice3A_341 = vector.extract_strided_slice %dot_general3A_332 {offsets = [32, 0], sizes = [16, 64], strides = [1, 1]} : vector<256x64xf32> to vector<16x64xf32>
    %swap3A_342 = arith.constant 48 : index
    %swap3A_343 = arith.constant 128 : index
    %swap3A_344 = vector.load %arg13[%swap3A_342, %swap3A_343] : memref<256x1024xf32, #tpu.memory_space<vmem>>, vector<16x64xf32>
    tpu.vector_store %arg13[%swap3A_342, %swap3A_343], %slice3A_341 {strides = array<i32>} : memref<256x1024xf32, #tpu.memory_space<vmem>>, vector<16x64xf32>,
    %slice3A_345 = vector.extract_strided_slice %dot_general3A_332 {offsets = [48, 0], sizes = [16, 64], strides = [1, 1]} : vector<256x64xf32> to vector<16x64xf32>
    %swap3A_346 = arith.constant 48 : index
    %swap3A_347 = arith.constant 192 : index
    %swap3A_348 = vector.load %arg13[%swap3A_346, %swap3A_347] : memref<256x1024xf32, #tpu.memory_space<vmem>>, vector<16x64xf32>
    tpu.vector_store %arg13[%swap3A_346, %swap3A_347], %slice3A_345 {strides = array<i32>} : memref<256x1024xf32, #tpu.memory_space<vmem>>, vector<16x64xf32>,
    %slice3A_349 = vector.extract_strided_slice %dot_general3A_332 {offsets = [64, 0], sizes = [16, 64], strides = [1, 1]} : vector<256x64xf32> to vector<16x64xf32>
    %swap3A_350 = arith.constant 48 : index
    %swap3A_351 = arith.constant 256 : index
    %swap3A_352 = vector.load %arg13[%swap3A_350, %swap3A_351] : memref<256x1024xf32, #tpu.memory_space<vmem>>, vector<16x64xf32>
    tpu.vector_store %arg13[%swap3A_350, %swap3A_351], %slice3A_349 {strides = array<i32>} : memref<256x1024xf32, #tpu.memory_space<vmem>>, vector<16x64xf32>,
    %slice3A_353 = vector.extract_strided_slice %dot_general3A_332 {offsets = [80, 0], sizes = [16, 64], strides = [1, 1]} : vector<256x64xf32> to vector<16x64xf32>
    %swap3A_354 = arith.constant 48 : index
    %swap3A_355 = arith.constant 320 : index
    %swap3A_356 = vector.load %arg13[%swap3A_354, %swap3A_355] : memref<256x1024xf32, #tpu.memory_space<vmem>>, vector<16x64xf32>
    tpu.vector_store %arg13[%swap3A_354, %swap3A_355], %slice3A_353 {strides = array<i32>} : memref<256x1024xf32, #tpu.memory_space<vmem>>, vector<16x64xf32>,
    %slice3A_357 = vector.extract_strided_slice %dot_general3A_332 {offsets = [96, 0], sizes = [16, 64], strides = [1, 1]} : vector<256x64xf32> to vector<16x64xf32>
    %swap3A_358 = arith.constant 48 : index
    %swap3A_359 = arith.constant 384 : index
    %swap3A_360 = vector.load %arg13[%swap3A_358, %swap3A_359] : memref<256x1024xf32, #tpu.memory_space<vmem>>, vector<16x64xf32>
    tpu.vector_store %arg13[%swap3A_358, %swap3A_359], %slice3A_357 {strides = array<i32>} : memref<256x1024xf32, #tpu.memory_space<vmem>>, vector<16x64xf32>,
    %slice3A_361 = vector.extract_strided_slice %dot_general3A_332 {offsets = [112, 0], sizes = [16, 64], strides = [1, 1]} : vector<256x64xf32> to vector<16x64xf32>
    %swap3A_362 = arith.constant 48 : index
    %swap3A_363 = arith.constant 448 : index
    %swap3A_364 = vector.load %arg13[%swap3A_362, %swap3A_363] : memref<256x1024xf32, #tpu.memory_space<vmem>>, vector<16x64xf32>
    tpu.vector_store %arg13[%swap3A_362, %swap3A_363], %slice3A_361 {strides = array<i32>} : memref<256x1024xf32, #tpu.memory_space<vmem>>, vector<16x64xf32>,
    %slice3A_365 = vector.extract_strided_slice %dot_general3A_332 {offsets = [128, 0], sizes = [16, 64], strides = [1, 1]} : vector<256x64xf32> to vector<16x64xf32>
    %swap3A_366 = arith.constant 48 : index
    %swap3A_367 = arith.constant 512 : index
    %swap3A_368 = vector.load %arg13[%swap3A_366, %swap3A_367] : memref<256x1024xf32, #tpu.memory_space<vmem>>, vector<16x64xf32>
    tpu.vector_store %arg13[%swap3A_366, %swap3A_367], %slice3A_365 {strides = array<i32>} : memref<256x1024xf32, #tpu.memory_space<vmem>>, vector<16x64xf32>,
    %slice3A_369 = vector.extract_strided_slice %dot_general3A_332 {offsets = [144, 0], sizes = [16, 64], strides = [1, 1]} : vector<256x64xf32> to vector<16x64xf32>
    %swap3A_370 = arith.constant 48 : index
    %swap3A_371 = arith.constant 576 : index
    %swap3A_372 = vector.load %arg13[%swap3A_370, %swap3A_371] : memref<256x1024xf32, #tpu.memory_space<vmem>>, vector<16x64xf32>
    tpu.vector_store %arg13[%swap3A_370, %swap3A_371], %slice3A_369 {strides = array<i32>} : memref<256x1024xf32, #tpu.memory_space<vmem>>, vector<16x64xf32>,
    %slice3A_373 = vector.extract_strided_slice %dot_general3A_332 {offsets = [160, 0], sizes = [16, 64], strides = [1, 1]} : vector<256x64xf32> to vector<16x64xf32>
    %swap3A_374 = arith.constant 48 : index
    %swap3A_375 = arith.constant 640 : index
    %swap3A_376 = vector.load %arg13[%swap3A_374, %swap3A_375] : memref<256x1024xf32, #tpu.memory_space<vmem>>, vector<16x64xf32>
    tpu.vector_store %arg13[%swap3A_374, %swap3A_375], %slice3A_373 {strides = array<i32>} : memref<256x1024xf32, #tpu.memory_space<vmem>>, vector<16x64xf32>,
    %slice3A_377 = vector.extract_strided_slice %dot_general3A_332 {offsets = [176, 0], sizes = [16, 64], strides = [1, 1]} : vector<256x64xf32> to vector<16x64xf32>
    %swap3A_378 = arith.constant 48 : index
    %swap3A_379 = arith.constant 704 : index
    %swap3A_380 = vector.load %arg13[%swap3A_378, %swap3A_379] : memref<256x1024xf32, #tpu.memory_space<vmem>>, vector<16x64xf32>
    tpu.vector_store %arg13[%swap3A_378, %swap3A_379], %slice3A_377 {strides = array<i32>} : memref<256x1024xf32, #tpu.memory_space<vmem>>, vector<16x64xf32>,
    %slice3A_381 = vector.extract_strided_slice %dot_general3A_332 {offsets = [192, 0], sizes = [16, 64], strides = [1, 1]} : vector<256x64xf32> to vector<16x64xf32>
    %swap3A_382 = arith.constant 48 : index
    %swap3A_383 = arith.constant 768 : index
    %swap3A_384 = vector.load %arg13[%swap3A_382, %swap3A_383] : memref<256x1024xf32, #tpu.memory_space<vmem>>, vector<16x64xf32>
    tpu.vector_store %arg13[%swap3A_382, %swap3A_383], %slice3A_381 {strides = array<i32>} : memref<256x1024xf32, #tpu.memory_space<vmem>>, vector<16x64xf32>,
    %slice3A_385 = vector.extract_strided_slice %dot_general3A_332 {offsets = [208, 0], sizes = [16, 64], strides = [1, 1]} : vector<256x64xf32> to vector<16x64xf32>
    %swap3A_386 = arith.constant 48 : index
    %swap3A_387 = arith.constant 832 : index
    %swap3A_388 = vector.load %arg13[%swap3A_386, %swap3A_387] : memref<256x1024xf32, #tpu.memory_space<vmem>>, vector<16x64xf32>
    tpu.vector_store %arg13[%swap3A_386, %swap3A_387], %slice3A_385 {strides = array<i32>} : memref<256x1024xf32, #tpu.memory_space<vmem>>, vector<16x64xf32>,
    %slice3A_389 = vector.extract_strided_slice %dot_general3A_332 {offsets = [224, 0], sizes = [16, 64], strides = [1, 1]} : vector<256x64xf32> to vector<16x64xf32>
    %swap3A_390 = arith.constant 48 : index
    %swap3A_391 = arith.constant 896 : index
    %swap3A_392 = vector.load %arg13[%swap3A_390, %swap3A_391] : memref<256x1024xf32, #tpu.memory_space<vmem>>, vector<16x64xf32>
    tpu.vector_store %arg13[%swap3A_390, %swap3A_391], %slice3A_389 {strides = array<i32>} : memref<256x1024xf32, #tpu.memory_space<vmem>>, vector<16x64xf32>,
    %slice3A_393 = vector.extract_strided_slice %dot_general3A_332 {offsets = [240, 0], sizes = [16, 64], strides = [1, 1]} : vector<256x64xf32> to vector<16x64xf32>
    %swap3A_394 = arith.constant 48 : index
    %swap3A_395 = arith.constant 960 : index
    %swap3A_396 = vector.load %arg13[%swap3A_394, %swap3A_395] : memref<256x1024xf32, #tpu.memory_space<vmem>>, vector<16x64xf32>
    tpu.vector_store %arg13[%swap3A_394, %swap3A_395], %slice3A_393 {strides = array<i32>} : memref<256x1024xf32, #tpu.memory_space<vmem>>, vector<16x64xf32>,
    %slice3A_397 = vector.extract_strided_slice %convert_element_type3A_124 {offsets = [1024, 0], sizes = [256, 256], strides = [1, 1]} : vector<4096x256xbf16> to vector<256x256xbf16>
    %slice3A_398 = vector.extract_strided_slice %convert_element_type3A_125 {offsets = [1024, 0], sizes = [256, 64], strides = [1, 1]} : vector<4096x64xbf16> to vector<256x64xbf16>
    %dot_general3A_399 = arith.constant dense<0.000000e+00> : vector<256x64xf32>
    %dot_general3A_400 = tpu.matmul %slice3A_397, %slice3A_398, %dot_general3A_399 {dimension_numbers = #tpu.dot_dimension_numbers<[0], [0], [1], [1], [0, 1, 1, 1], [], []>, transpose_lhs_hint = false} : vector<256x256xbf16>, vector<256x64xbf16>, vector<256x64xf32> -> vector<256x64xf32>
    %slice3A_401 = vector.extract_strided_slice %dot_general3A_400 {offsets = [0, 0], sizes = [16, 64], strides = [1, 1]} : vector<256x64xf32> to vector<16x64xf32>
    %swap3A_402 = arith.constant 64 : index
    %swap3A_403 = arith.constant 0 : index
    %swap3A_404 = vector.load %arg13[%swap3A_402, %swap3A_403] : memref<256x1024xf32, #tpu.memory_space<vmem>>, vector<16x64xf32>
    tpu.vector_store %arg13[%swap3A_402, %swap3A_403], %slice3A_401 {strides = array<i32>} : memref<256x1024xf32, #tpu.memory_space<vmem>>, vector<16x64xf32>,
    %slice3A_405 = vector.extract_strided_slice %dot_general3A_400 {offsets = [16, 0], sizes = [16, 64], strides = [1, 1]} : vector<256x64xf32> to vector<16x64xf32>
    %swap3A_406 = arith.constant 64 : index
    %swap3A_407 = arith.constant 64 : index
    %swap3A_408 = vector.load %arg13[%swap3A_406, %swap3A_407] : memref<256x1024xf32, #tpu.memory_space<vmem>>, vector<16x64xf32>
    tpu.vector_store %arg13[%swap3A_406, %swap3A_407], %slice3A_405 {strides = array<i32>} : memref<256x1024xf32, #tpu.memory_space<vmem>>, vector<16x64xf32>,
    %slice3A_409 = vector.extract_strided_slice %dot_general3A_400 {offsets = [32, 0], sizes = [16, 64], strides = [1, 1]} : vector<256x64xf32> to vector<16x64xf32>
    %swap3A_410 = arith.constant 64 : index
    %swap3A_411 = arith.constant 128 : index
    %swap3A_412 = vector.load %arg13[%swap3A_410, %swap3A_411] : memref<256x1024xf32, #tpu.memory_space<vmem>>, vector<16x64xf32>
    tpu.vector_store %arg13[%swap3A_410, %swap3A_411], %slice3A_409 {strides = array<i32>} : memref<256x1024xf32, #tpu.memory_space<vmem>>, vector<16x64xf32>,
    %slice3A_413 = vector.extract_strided_slice %dot_general3A_400 {offsets = [48, 0], sizes = [16, 64], strides = [1, 1]} : vector<256x64xf32> to vector<16x64xf32>
    %swap3A_414 = arith.constant 64 : index
    %swap3A_415 = arith.constant 192 : index
    %swap3A_416 = vector.load %arg13[%swap3A_414, %swap3A_415] : memref<256x1024xf32, #tpu.memory_space<vmem>>, vector<16x64xf32>
    tpu.vector_store %arg13[%swap3A_414, %swap3A_415], %slice3A_413 {strides = array<i32>} : memref<256x1024xf32, #tpu.memory_space<vmem>>, vector<16x64xf32>,
    %slice3A_417 = vector.extract_strided_slice %dot_general3A_400 {offsets = [64, 0], sizes = [16, 64], strides = [1, 1]} : vector<256x64xf32> to vector<16x64xf32>
    %swap3A_418 = arith.constant 64 : index
    %swap3A_419 = arith.constant 256 : index
    %swap3A_420 = vector.load %arg13[%swap3A_418, %swap3A_419] : memref<256x1024xf32, #tpu.memory_space<vmem>>, vector<16x64xf32>
    tpu.vector_store %arg13[%swap3A_418, %swap3A_419], %slice3A_417 {strides = array<i32>} : memref<256x1024xf32, #tpu.memory_space<vmem>>, vector<16x64xf32>,
    %slice3A_421 = vector.extract_strided_slice %dot_general3A_400 {offsets = [80, 0], sizes = [16, 64], strides = [1, 1]} : vector<256x64xf32> to vector<16x64xf32>
    %swap3A_422 = arith.constant 64 : index
    %swap3A_423 = arith.constant 320 : index
    %swap3A_424 = vector.load %arg13[%swap3A_422, %swap3A_423] : memref<256x1024xf32, #tpu.memory_space<vmem>>, vector<16x64xf32>
    tpu.vector_store %arg13[%swap3A_422, %swap3A_423], %slice3A_421 {strides = array<i32>} : memref<256x1024xf32, #tpu.memory_space<vmem>>, vector<16x64xf32>,
    %slice3A_425 = vector.extract_strided_slice %dot_general3A_400 {offsets = [96, 0], sizes = [16, 64], strides = [1, 1]} : vector<256x64xf32> to vector<16x64xf32>
    %swap3A_426 = arith.constant 64 : index
    %swap3A_427 = arith.constant 384 : index
    %swap3A_428 = vector.load %arg13[%swap3A_426, %swap3A_427] : memref<256x1024xf32, #tpu.memory_space<vmem>>, vector<16x64xf32>
    tpu.vector_store %arg13[%swap3A_426, %swap3A_427], %slice3A_425 {strides = array<i32>} : memref<256x1024xf32, #tpu.memory_space<vmem>>, vector<16x64xf32>,
    %slice3A_429 = vector.extract_strided_slice %dot_general3A_400 {offsets = [112, 0], sizes = [16, 64], strides = [1, 1]} : vector<256x64xf32> to vector<16x64xf32>
    %swap3A_430 = arith.constant 64 : index
    %swap3A_431 = arith.constant 448 : index
    %swap3A_432 = vector.load %arg13[%swap3A_430, %swap3A_431] : memref<256x1024xf32, #tpu.memory_space<vmem>>, vector<16x64xf32>
    tpu.vector_store %arg13[%swap3A_430, %swap3A_431], %slice3A_429 {strides = array<i32>} : memref<256x1024xf32, #tpu.memory_space<vmem>>, vector<16x64xf32>,
    %slice3A_433 = vector.extract_strided_slice %dot_general3A_400 {offsets = [128, 0], sizes = [16, 64], strides = [1, 1]} : vector<256x64xf32> to vector<16x64xf32>
    %swap3A_434 = arith.constant 64 : index
    %swap3A_435 = arith.constant 512 : index
    %swap3A_436 = vector.load %arg13[%swap3A_434, %swap3A_435] : memref<256x1024xf32, #tpu.memory_space<vmem>>, vector<16x64xf32>
    tpu.vector_store %arg13[%swap3A_434, %swap3A_435], %slice3A_433 {strides = array<i32>} : memref<256x1024xf32, #tpu.memory_space<vmem>>, vector<16x64xf32>,
    %slice3A_437 = vector.extract_strided_slice %dot_general3A_400 {offsets = [144, 0], sizes = [16, 64], strides = [1, 1]} : vector<256x64xf32> to vector<16x64xf32>
    %swap3A_438 = arith.constant 64 : index
    %swap3A_439 = arith.constant 576 : index
    %swap3A_440 = vector.load %arg13[%swap3A_438, %swap3A_439] : memref<256x1024xf32, #tpu.memory_space<vmem>>, vector<16x64xf32>
    tpu.vector_store %arg13[%swap3A_438, %swap3A_439], %slice3A_437 {strides = array<i32>} : memref<256x1024xf32, #tpu.memory_space<vmem>>, vector<16x64xf32>,
    %slice3A_441 = vector.extract_strided_slice %dot_general3A_400 {offsets = [160, 0], sizes = [16, 64], strides = [1, 1]} : vector<256x64xf32> to vector<16x64xf32>
    %swap3A_442 = arith.constant 64 : index
    %swap3A_443 = arith.constant 640 : index
    %swap3A_444 = vector.load %arg13[%swap3A_442, %swap3A_443] : memref<256x1024xf32, #tpu.memory_space<vmem>>, vector<16x64xf32>
    tpu.vector_store %arg13[%swap3A_442, %swap3A_443], %slice3A_441 {strides = array<i32>} : memref<256x1024xf32, #tpu.memory_space<vmem>>, vector<16x64xf32>,
    %slice3A_445 = vector.extract_strided_slice %dot_general3A_400 {offsets = [176, 0], sizes = [16, 64], strides = [1, 1]} : vector<256x64xf32> to vector<16x64xf32>
    %swap3A_446 = arith.constant 64 : index
    %swap3A_447 = arith.constant 704 : index
    %swap3A_448 = vector.load %arg13[%swap3A_446, %swap3A_447] : memref<256x1024xf32, #tpu.memory_space<vmem>>, vector<16x64xf32>
    tpu.vector_store %arg13[%swap3A_446, %swap3A_447], %slice3A_445 {strides = array<i32>} : memref<256x1024xf32, #tpu.memory_space<vmem>>, vector<16x64xf32>,
    %slice3A_449 = vector.extract_strided_slice %dot_general3A_400 {offsets = [192, 0], sizes = [16, 64], strides = [1, 1]} : vector<256x64xf32> to vector<16x64xf32>
    %swap3A_450 = arith.constant 64 : index
    %swap3A_451 = arith.constant 768 : index
    %swap3A_452 = vector.load %arg13[%swap3A_450, %swap3A_451] : memref<256x1024xf32, #tpu.memory_space<vmem>>, vector<16x64xf32>
    tpu.vector_store %arg13[%swap3A_450, %swap3A_451], %slice3A_449 {strides = array<i32>} : memref<256x1024xf32, #tpu.memory_space<vmem>>, vector<16x64xf32>,
    %slice3A_453 = vector.extract_strided_slice %dot_general3A_400 {offsets = [208, 0], sizes = [16, 64], strides = [1, 1]} : vector<256x64xf32> to vector<16x64xf32>
    %swap3A_454 = arith.constant 64 : index
    %swap3A_455 = arith.constant 832 : index
    %swap3A_456 = vector.load %arg13[%swap3A_454, %swap3A_455] : memref<256x1024xf32, #tpu.memory_space<vmem>>, vector<16x64xf32>
    tpu.vector_store %arg13[%swap3A_454, %swap3A_455], %slice3A_453 {strides = array<i32>} : memref<256x1024xf32, #tpu.memory_space<vmem>>, vector<16x64xf32>,
    %slice3A_457 = vector.extract_strided_slice %dot_general3A_400 {offsets = [224, 0], sizes = [16, 64], strides = [1, 1]} : vector<256x64xf32> to vector<16x64xf32>
    %swap3A_458 = arith.constant 64 : index
    %swap3A_459 = arith.constant 896 : index
    %swap3A_460 = vector.load %arg13[%swap3A_458, %swap3A_459] : memref<256x1024xf32, #tpu.memory_space<vmem>>, vector<16x64xf32>
    tpu.vector_store %arg13[%swap3A_458, %swap3A_459], %slice3A_457 {strides = array<i32>} : memref<256x1024xf32, #tpu.memory_space<vmem>>, vector<16x64xf32>,
    %slice3A_461 = vector.extract_strided_slice %dot_general3A_400 {offsets = [240, 0], sizes = [16, 64], strides = [1, 1]} : vector<256x64xf32> to vector<16x64xf32>
    %swap3A_462 = arith.constant 64 : index
    %swap3A_463 = arith.constant 960 : index
    %swap3A_464 = vector.load %arg13[%swap3A_462, %swap3A_463] : memref<256x1024xf32, #tpu.memory_space<vmem>>, vector<16x64xf32>
    tpu.vector_store %arg13[%swap3A_462, %swap3A_463], %slice3A_461 {strides = array<i32>} : memref<256x1024xf32, #tpu.memory_space<vmem>>, vector<16x64xf32>,
    %slice3A_465 = vector.extract_strided_slice %convert_element_type3A_124 {offsets = [1280, 0], sizes = [256, 256], strides = [1, 1]} : vector<4096x256xbf16> to vector<256x256xbf16>
    %slice3A_466 = vector.extract_strided_slice %convert_element_type3A_125 {offsets = [1280, 0], sizes = [256, 64], strides = [1, 1]} : vector<4096x64xbf16> to vector<256x64xbf16>
    %dot_general3A_467 = arith.constant dense<0.000000e+00> : vector<256x64xf32>
    %dot_general3A_468 = tpu.matmul %slice3A_465, %slice3A_466, %dot_general3A_467 {dimension_numbers = #tpu.dot_dimension_numbers<[0], [0], [1], [1], [0, 1, 1, 1], [], []>, transpose_lhs_hint = false} : vector<256x256xbf16>, vector<256x64xbf16>, vector<256x64xf32> -> vector<256x64xf32>
    %slice3A_469 = vector.extract_strided_slice %dot_general3A_468 {offsets = [0, 0], sizes = [16, 64], strides = [1, 1]} : vector<256x64xf32> to vector<16x64xf32>
    %swap3A_470 = arith.constant 80 : index
    %swap3A_471 = arith.constant 0 : index
    %swap3A_472 = vector.load %arg13[%swap3A_470, %swap3A_471] : memref<256x1024xf32, #tpu.memory_space<vmem>>, vector<16x64xf32>
    tpu.vector_store %arg13[%swap3A_470, %swap3A_471], %slice3A_469 {strides = array<i32>} : memref<256x1024xf32, #tpu.memory_space<vmem>>, vector<16x64xf32>,
    %slice3A_473 = vector.extract_strided_slice %dot_general3A_468 {offsets = [16, 0], sizes = [16, 64], strides = [1, 1]} : vector<256x64xf32> to vector<16x64xf32>
    %swap3A_474 = arith.constant 80 : index
    %swap3A_475 = arith.constant 64 : index
    %swap3A_476 = vector.load %arg13[%swap3A_474, %swap3A_475] : memref<256x1024xf32, #tpu.memory_space<vmem>>, vector<16x64xf32>
    tpu.vector_store %arg13[%swap3A_474, %swap3A_475], %slice3A_473 {strides = array<i32>} : memref<256x1024xf32, #tpu.memory_space<vmem>>, vector<16x64xf32>,
    %slice3A_477 = vector.extract_strided_slice %dot_general3A_468 {offsets = [32, 0], sizes = [16, 64], strides = [1, 1]} : vector<256x64xf32> to vector<16x64xf32>
    %swap3A_478 = arith.constant 80 : index
    %swap3A_479 = arith.constant 128 : index
    %swap3A_480 = vector.load %arg13[%swap3A_478, %swap3A_479] : memref<256x1024xf32, #tpu.memory_space<vmem>>, vector<16x64xf32>
    tpu.vector_store %arg13[%swap3A_478, %swap3A_479], %slice3A_477 {strides = array<i32>} : memref<256x1024xf32, #tpu.memory_space<vmem>>, vector<16x64xf32>,
    %slice3A_481 = vector.extract_strided_slice %dot_general3A_468 {offsets = [48, 0], sizes = [16, 64], strides = [1, 1]} : vector<256x64xf32> to vector<16x64xf32>
    %swap3A_482 = arith.constant 80 : index
    %swap3A_483 = arith.constant 192 : index
    %swap3A_484 = vector.load %arg13[%swap3A_482, %swap3A_483] : memref<256x1024xf32, #tpu.memory_space<vmem>>, vector<16x64xf32>
    tpu.vector_store %arg13[%swap3A_482, %swap3A_483], %slice3A_481 {strides = array<i32>} : memref<256x1024xf32, #tpu.memory_space<vmem>>, vector<16x64xf32>,
    %slice3A_485 = vector.extract_strided_slice %dot_general3A_468 {offsets = [64, 0], sizes = [16, 64], strides = [1, 1]} : vector<256x64xf32> to vector<16x64xf32>
    %swap3A_486 = arith.constant 80 : index
    %swap3A_487 = arith.constant 256 : index
    %swap3A_488 = vector.load %arg13[%swap3A_486, %swap3A_487] : memref<256x1024xf32, #tpu.memory_space<vmem>>, vector<16x64xf32>
    tpu.vector_store %arg13[%swap3A_486, %swap3A_487], %slice3A_485 {strides = array<i32>} : memref<256x1024xf32, #tpu.memory_space<vmem>>, vector<16x64xf32>,
    %slice3A_489 = vector.extract_strided_slice %dot_general3A_468 {offsets = [80, 0], sizes = [16, 64], strides = [1, 1]} : vector<256x64xf32> to vector<16x64xf32>
    %swap3A_490 = arith.constant 80 : index
    %swap3A_491 = arith.constant 320 : index
    %swap3A_492 = vector.load %arg13[%swap3A_490, %swap3A_491] : memref<256x1024xf32, #tpu.memory_space<vmem>>, vector<16x64xf32>
    tpu.vector_store %arg13[%swap3A_490, %swap3A_491], %slice3A_489 {strides = array<i32>} : memref<256x1024xf32, #tpu.memory_space<vmem>>, vector<16x64xf32>,
    %slice3A_493 = vector.extract_strided_slice %dot_general3A_468 {offsets = [96, 0], sizes = [16, 64], strides = [1, 1]} : vector<256x64xf32> to vector<16x64xf32>
    %swap3A_494 = arith.constant 80 : index
    %swap3A_495 = arith.constant 384 : index
    %swap3A_496 = vector.load %arg13[%swap3A_494, %swap3A_495] : memref<256x1024xf32, #tpu.memory_space<vmem>>, vector<16x64xf32>
    tpu.vector_store %arg13[%swap3A_494, %swap3A_495], %slice3A_493 {strides = array<i32>} : memref<256x1024xf32, #tpu.memory_space<vmem>>, vector<16x64xf32>,
    %slice3A_497 = vector.extract_strided_slice %dot_general3A_468 {offsets = [112, 0], sizes = [16, 64], strides = [1, 1]} : vector<256x64xf32> to vector<16x64xf32>
    %swap3A_498 = arith.constant 80 : index
    %swap3A_499 = arith.constant 448 : index
    %swap3A_500 = vector.load %arg13[%swap3A_498, %swap3A_499] : memref<256x1024xf32, #tpu.memory_space<vmem>>, vector<16x64xf32>
    tpu.vector_store %arg13[%swap3A_498, %swap3A_499], %slice3A_497 {strides = array<i32>} : memref<256x1024xf32, #tpu.memory_space<vmem>>, vector<16x64xf32>,
    %slice3A_501 = vector.extract_strided_slice %dot_general3A_468 {offsets = [128, 0], sizes = [16, 64], strides = [1, 1]} : vector<256x64xf32> to vector<16x64xf32>
    %swap3A_502 = arith.constant 80 : index
    %swap3A_503 = arith.constant 512 : index
    %swap3A_504 = vector.load %arg13[%swap3A_502, %swap3A_503] : memref<256x1024xf32, #tpu.memory_space<vmem>>, vector<16x64xf32>
    tpu.vector_store %arg13[%swap3A_502, %swap3A_503], %slice3A_501 {strides = array<i32>} : memref<256x1024xf32, #tpu.memory_space<vmem>>, vector<16x64xf32>,
    %slice3A_505 = vector.extract_strided_slice %dot_general3A_468 {offsets = [144, 0], sizes = [16, 64], strides = [1, 1]} : vector<256x64xf32> to vector<16x64xf32>
    %swap3A_506 = arith.constant 80 : index
    %swap3A_507 = arith.constant 576 : index
    %swap3A_508 = vector.load %arg13[%swap3A_506, %swap3A_507] : memref<256x1024xf32, #tpu.memory_space<vmem>>, vector<16x64xf32>
    tpu.vector_store %arg13[%swap3A_506, %swap3A_507], %slice3A_505 {strides = array<i32>} : memref<256x1024xf32, #tpu.memory_space<vmem>>, vector<16x64xf32>,
    %slice3A_509 = vector.extract_strided_slice %dot_general3A_468 {offsets = [160, 0], sizes = [16, 64], strides = [1, 1]} : vector<256x64xf32> to vector<16x64xf32>
    %swap3A_510 = arith.constant 80 : index
    %swap3A_511 = arith.constant 640 : index
    %swap3A_512 = vector.load %arg13[%swap3A_510, %swap3A_511] : memref<256x1024xf32, #tpu.memory_space<vmem>>, vector<16x64xf32>
    tpu.vector_store %arg13[%swap3A_510, %swap3A_511], %slice3A_509 {strides = array<i32>} : memref<256x1024xf32, #tpu.memory_space<vmem>>, vector<16x64xf32>,
    %slice3A_513 = vector.extract_strided_slice %dot_general3A_468 {offsets = [176, 0], sizes = [16, 64], strides = [1, 1]} : vector<256x64xf32> to vector<16x64xf32>
    %swap3A_514 = arith.constant 80 : index
    %swap3A_515 = arith.constant 704 : index
    %swap3A_516 = vector.load %arg13[%swap3A_514, %swap3A_515] : memref<256x1024xf32, #tpu.memory_space<vmem>>, vector<16x64xf32>
    tpu.vector_store %arg13[%swap3A_514, %swap3A_515], %slice3A_513 {strides = array<i32>} : memref<256x1024xf32, #tpu.memory_space<vmem>>, vector<16x64xf32>,
    %slice3A_517 = vector.extract_strided_slice %dot_general3A_468 {offsets = [192, 0], sizes = [16, 64], strides = [1, 1]} : vector<256x64xf32> to vector<16x64xf32>
    %swap3A_518 = arith.constant 80 : index
    %swap3A_519 = arith.constant 768 : index
    %swap3A_520 = vector.load %arg13[%swap3A_518, %swap3A_519] : memref<256x1024xf32, #tpu.memory_space<vmem>>, vector<16x64xf32>
    tpu.vector_store %arg13[%swap3A_518, %swap3A_519], %slice3A_517 {strides = array<i32>} : memref<256x1024xf32, #tpu.memory_space<vmem>>, vector<16x64xf32>,
    %slice3A_521 = vector.extract_strided_slice %dot_general3A_468 {offsets = [208, 0], sizes = [16, 64], strides = [1, 1]} : vector<256x64xf32> to vector<16x64xf32>
    %swap3A_522 = arith.constant 80 : index
    %swap3A_523 = arith.constant 832 : index
    %swap3A_524 = vector.load %arg13[%swap3A_522, %swap3A_523] : memref<256x1024xf32, #tpu.memory_space<vmem>>, vector<16x64xf32>
    tpu.vector_store %arg13[%swap3A_522, %swap3A_523], %slice3A_521 {strides = array<i32>} : memref<256x1024xf32, #tpu.memory_space<vmem>>, vector<16x64xf32>,
    %slice3A_525 = vector.extract_strided_slice %dot_general3A_468 {offsets = [224, 0], sizes = [16, 64], strides = [1, 1]} : vector<256x64xf32> to vector<16x64xf32>
    %swap3A_526 = arith.constant 80 : index
    %swap3A_527 = arith.constant 896 : index
    %swap3A_528 = vector.load %arg13[%swap3A_526, %swap3A_527] : memref<256x1024xf32, #tpu.memory_space<vmem>>, vector<16x64xf32>
    tpu.vector_store %arg13[%swap3A_526, %swap3A_527], %slice3A_525 {strides = array<i32>} : memref<256x1024xf32, #tpu.memory_space<vmem>>, vector<16x64xf32>,
    %slice3A_529 = vector.extract_strided_slice %dot_general3A_468 {offsets = [240, 0], sizes = [16, 64], strides = [1, 1]} : vector<256x64xf32> to vector<16x64xf32>
    %swap3A_530 = arith.constant 80 : index
    %swap3A_531 = arith.constant 960 : index
    %swap3A_532 = vector.load %arg13[%swap3A_530, %swap3A_531] : memref<256x1024xf32, #tpu.memory_space<vmem>>, vector<16x64xf32>
    tpu.vector_store %arg13[%swap3A_530, %swap3A_531], %slice3A_529 {strides = array<i32>} : memref<256x1024xf32, #tpu.memory_space<vmem>>, vector<16x64xf32>,
    %slice3A_533 = vector.extract_strided_slice %convert_element_type3A_124 {offsets = [1536, 0], sizes = [256, 256], strides = [1, 1]} : vector<4096x256xbf16> to vector<256x256xbf16>
    %slice3A_534 = vector.extract_strided_slice %convert_element_type3A_125 {offsets = [1536, 0], sizes = [256, 64], strides = [1, 1]} : vector<4096x64xbf16> to vector<256x64xbf16>
    %dot_general3A_535 = arith.constant dense<0.000000e+00> : vector<256x64xf32>
    %dot_general3A_536 = tpu.matmul %slice3A_533, %slice3A_534, %dot_general3A_535 {dimension_numbers = #tpu.dot_dimension_numbers<[0], [0], [1], [1], [0, 1, 1, 1], [], []>, transpose_lhs_hint = false} : vector<256x256xbf16>, vector<256x64xbf16>, vector<256x64xf32> -> vector<256x64xf32>
    %slice3A_537 = vector.extract_strided_slice %dot_general3A_536 {offsets = [0, 0], sizes = [16, 64], strides = [1, 1]} : vector<256x64xf32> to vector<16x64xf32>
    %swap3A_538 = arith.constant 96 : index
    %swap3A_539 = arith.constant 0 : index
    %swap3A_540 = vector.load %arg13[%swap3A_538, %swap3A_539] : memref<256x1024xf32, #tpu.memory_space<vmem>>, vector<16x64xf32>
    tpu.vector_store %arg13[%swap3A_538, %swap3A_539], %slice3A_537 {strides = array<i32>} : memref<256x1024xf32, #tpu.memory_space<vmem>>, vector<16x64xf32>,
    %slice3A_541 = vector.extract_strided_slice %dot_general3A_536 {offsets = [16, 0], sizes = [16, 64], strides = [1, 1]} : vector<256x64xf32> to vector<16x64xf32>
    %swap3A_542 = arith.constant 96 : index
    %swap3A_543 = arith.constant 64 : index
    %swap3A_544 = vector.load %arg13[%swap3A_542, %swap3A_543] : memref<256x1024xf32, #tpu.memory_space<vmem>>, vector<16x64xf32>
    tpu.vector_store %arg13[%swap3A_542, %swap3A_543], %slice3A_541 {strides = array<i32>} : memref<256x1024xf32, #tpu.memory_space<vmem>>, vector<16x64xf32>,
    %slice3A_545 = vector.extract_strided_slice %dot_general3A_536 {offsets = [32, 0], sizes = [16, 64], strides = [1, 1]} : vector<256x64xf32> to vector<16x64xf32>
    %swap3A_546 = arith.constant 96 : index
    %swap3A_547 = arith.constant 128 : index
    %swap3A_548 = vector.load %arg13[%swap3A_546, %swap3A_547] : memref<256x1024xf32, #tpu.memory_space<vmem>>, vector<16x64xf32>
    tpu.vector_store %arg13[%swap3A_546, %swap3A_547], %slice3A_545 {strides = array<i32>} : memref<256x1024xf32, #tpu.memory_space<vmem>>, vector<16x64xf32>,
    %slice3A_549 = vector.extract_strided_slice %dot_general3A_536 {offsets = [48, 0], sizes = [16, 64], strides = [1, 1]} : vector<256x64xf32> to vector<16x64xf32>
    %swap3A_550 = arith.constant 96 : index
    %swap3A_551 = arith.constant 192 : index
    %swap3A_552 = vector.load %arg13[%swap3A_550, %swap3A_551] : memref<256x1024xf32, #tpu.memory_space<vmem>>, vector<16x64xf32>
    tpu.vector_store %arg13[%swap3A_550, %swap3A_551], %slice3A_549 {strides = array<i32>} : memref<256x1024xf32, #tpu.memory_space<vmem>>, vector<16x64xf32>,
    %slice3A_553 = vector.extract_strided_slice %dot_general3A_536 {offsets = [64, 0], sizes = [16, 64], strides = [1, 1]} : vector<256x64xf32> to vector<16x64xf32>
    %swap3A_554 = arith.constant 96 : index
    %swap3A_555 = arith.constant 256 : index
    %swap3A_556 = vector.load %arg13[%swap3A_554, %swap3A_555] : memref<256x1024xf32, #tpu.memory_space<vmem>>, vector<16x64xf32>
    tpu.vector_store %arg13[%swap3A_554, %swap3A_555], %slice3A_553 {strides = array<i32>} : memref<256x1024xf32, #tpu.memory_space<vmem>>, vector<16x64xf32>,
    %slice3A_557 = vector.extract_strided_slice %dot_general3A_536 {offsets = [80, 0], sizes = [16, 64], strides = [1, 1]} : vector<256x64xf32> to vector<16x64xf32>
    %swap3A_558 = arith.constant 96 : index
    %swap3A_559 = arith.constant 320 : index
    %swap3A_560 = vector.load %arg13[%swap3A_558, %swap3A_559] : memref<256x1024xf32, #tpu.memory_space<vmem>>, vector<16x64xf32>
    tpu.vector_store %arg13[%swap3A_558, %swap3A_559], %slice3A_557 {strides = array<i32>} : memref<256x1024xf32, #tpu.memory_space<vmem>>, vector<16x64xf32>,
    %slice3A_561 = vector.extract_strided_slice %dot_general3A_536 {offsets = [96, 0], sizes = [16, 64], strides = [1, 1]} : vector<256x64xf32> to vector<16x64xf32>
    %swap3A_562 = arith.constant 96 : index
    %swap3A_563 = arith.constant 384 : index
    %swap3A_564 = vector.load %arg13[%swap3A_562, %swap3A_563] : memref<256x1024xf32, #tpu.memory_space<vmem>>, vector<16x64xf32>
    tpu.vector_store %arg13[%swap3A_562, %swap3A_563], %slice3A_561 {strides = array<i32>} : memref<256x1024xf32, #tpu.memory_space<vmem>>, vector<16x64xf32>,
    %slice3A_565 = vector.extract_strided_slice %dot_general3A_536 {offsets = [112, 0], sizes = [16, 64], strides = [1, 1]} : vector<256x64xf32> to vector<16x64xf32>
    %swap3A_566 = arith.constant 96 : index
    %swap3A_567 = arith.constant 448 : index
    %swap3A_568 = vector.load %arg13[%swap3A_566, %swap3A_567] : memref<256x1024xf32, #tpu.memory_space<vmem>>, vector<16x64xf32>
    tpu.vector_store %arg13[%swap3A_566, %swap3A_567], %slice3A_565 {strides = array<i32>} : memref<256x1024xf32, #tpu.memory_space<vmem>>, vector<16x64xf32>,
    %slice3A_569 = vector.extract_strided_slice %dot_general3A_536 {offsets = [128, 0], sizes = [16, 64], strides = [1, 1]} : vector<256x64xf32> to vector<16x64xf32>
    %swap3A_570 = arith.constant 96 : index
    %swap3A_571 = arith.constant 512 : index
    %swap3A_572 = vector.load %arg13[%swap3A_570, %swap3A_571] : memref<256x1024xf32, #tpu.memory_space<vmem>>, vector<16x64xf32>
    tpu.vector_store %arg13[%swap3A_570, %swap3A_571], %slice3A_569 {strides = array<i32>} : memref<256x1024xf32, #tpu.memory_space<vmem>>, vector<16x64xf32>,
    %slice3A_573 = vector.extract_strided_slice %dot_general3A_536 {offsets = [144, 0], sizes = [16, 64], strides = [1, 1]} : vector<256x64xf32> to vector<16x64xf32>
    %swap3A_574 = arith.constant 96 : index
    %swap3A_575 = arith.constant 576 : index
    %swap3A_576 = vector.load %arg13[%swap3A_574, %swap3A_575] : memref<256x1024xf32, #tpu.memory_space<vmem>>, vector<16x64xf32>
    tpu.vector_store %arg13[%swap3A_574, %swap3A_575], %slice3A_573 {strides = array<i32>} : memref<256x1024xf32, #tpu.memory_space<vmem>>, vector<16x64xf32>,
    %slice3A_577 = vector.extract_strided_slice %dot_general3A_536 {offsets = [160, 0], sizes = [16, 64], strides = [1, 1]} : vector<256x64xf32> to vector<16x64xf32>
    %swap3A_578 = arith.constant 96 : index
    %swap3A_579 = arith.constant 640 : index
    %swap3A_580 = vector.load %arg13[%swap3A_578, %swap3A_579] : memref<256x1024xf32, #tpu.memory_space<vmem>>, vector<16x64xf32>
    tpu.vector_store %arg13[%swap3A_578, %swap3A_579], %slice3A_577 {strides = array<i32>} : memref<256x1024xf32, #tpu.memory_space<vmem>>, vector<16x64xf32>,
    %slice3A_581 = vector.extract_strided_slice %dot_general3A_536 {offsets = [176, 0], sizes = [16, 64], strides = [1, 1]} : vector<256x64xf32> to vector<16x64xf32>
    %swap3A_582 = arith.constant 96 : index
    %swap3A_583 = arith.constant 704 : index
    %swap3A_584 = vector.load %arg13[%swap3A_582, %swap3A_583] : memref<256x1024xf32, #tpu.memory_space<vmem>>, vector<16x64xf32>
    tpu.vector_store %arg13[%swap3A_582, %swap3A_583], %slice3A_581 {strides = array<i32>} : memref<256x1024xf32, #tpu.memory_space<vmem>>, vector<16x64xf32>,
    %slice3A_585 = vector.extract_strided_slice %dot_general3A_536 {offsets = [192, 0], sizes = [16, 64], strides = [1, 1]} : vector<256x64xf32> to vector<16x64xf32>
    %swap3A_586 = arith.constant 96 : index
    %swap3A_587 = arith.constant 768 : index
    %swap3A_588 = vector.load %arg13[%swap3A_586, %swap3A_587] : memref<256x1024xf32, #tpu.memory_space<vmem>>, vector<16x64xf32>
    tpu.vector_store %arg13[%swap3A_586, %swap3A_587], %slice3A_585 {strides = array<i32>} : memref<256x1024xf32, #tpu.memory_space<vmem>>, vector<16x64xf32>,
    %slice3A_589 = vector.extract_strided_slice %dot_general3A_536 {offsets = [208, 0], sizes = [16, 64], strides = [1, 1]} : vector<256x64xf32> to vector<16x64xf32>
    %swap3A_590 = arith.constant 96 : index
    %swap3A_591 = arith.constant 832 : index
    %swap3A_592 = vector.load %arg13[%swap3A_590, %swap3A_591] : memref<256x1024xf32, #tpu.memory_space<vmem>>, vector<16x64xf32>
    tpu.vector_store %arg13[%swap3A_590, %swap3A_591], %slice3A_589 {strides = array<i32>} : memref<256x1024xf32, #tpu.memory_space<vmem>>, vector<16x64xf32>,
    %slice3A_593 = vector.extract_strided_slice %dot_general3A_536 {offsets = [224, 0], sizes = [16, 64], strides = [1, 1]} : vector<256x64xf32> to vector<16x64xf32>
    %swap3A_594 = arith.constant 96 : index
    %swap3A_595 = arith.constant 896 : index
    %swap3A_596 = vector.load %arg13[%swap3A_594, %swap3A_595] : memref<256x1024xf32, #tpu.memory_space<vmem>>, vector<16x64xf32>
    tpu.vector_store %arg13[%swap3A_594, %swap3A_595], %slice3A_593 {strides = array<i32>} : memref<256x1024xf32, #tpu.memory_space<vmem>>, vector<16x64xf32>,
    %slice3A_597 = vector.extract_strided_slice %dot_general3A_536 {offsets = [240, 0], sizes = [16, 64], strides = [1, 1]} : vector<256x64xf32> to vector<16x64xf32>
    %swap3A_598 = arith.constant 96 : index
    %swap3A_599 = arith.constant 960 : index
    %swap3A_600 = vector.load %arg13[%swap3A_598, %swap3A_599] : memref<256x1024xf32, #tpu.memory_space<vmem>>, vector<16x64xf32>
    tpu.vector_store %arg13[%swap3A_598, %swap3A_599], %slice3A_597 {strides = array<i32>} : memref<256x1024xf32, #tpu.memory_space<vmem>>, vector<16x64xf32>,
    %slice3A_601 = vector.extract_strided_slice %convert_element_type3A_124 {offsets = [1792, 0], sizes = [256, 256], strides = [1, 1]} : vector<4096x256xbf16> to vector<256x256xbf16>
    %slice3A_602 = vector.extract_strided_slice %convert_element_type3A_125 {offsets = [1792, 0], sizes = [256, 64], strides = [1, 1]} : vector<4096x64xbf16> to vector<256x64xbf16>
    %dot_general3A_603 = arith.constant dense<0.000000e+00> : vector<256x64xf32>
    %dot_general3A_604 = tpu.matmul %slice3A_601, %slice3A_602, %dot_general3A_603 {dimension_numbers = #tpu.dot_dimension_numbers<[0], [0], [1], [1], [0, 1, 1, 1], [], []>, transpose_lhs_hint = false} : vector<256x256xbf16>, vector<256x64xbf16>, vector<256x64xf32> -> vector<256x64xf32>
    %slice3A_605 = vector.extract_strided_slice %dot_general3A_604 {offsets = [0, 0], sizes = [16, 64], strides = [1, 1]} : vector<256x64xf32> to vector<16x64xf32>
    %swap3A_606 = arith.constant 112 : index
    %swap3A_607 = arith.constant 0 : index
    %swap3A_608 = vector.load %arg13[%swap3A_606, %swap3A_607] : memref<256x1024xf32, #tpu.memory_space<vmem>>, vector<16x64xf32>
    tpu.vector_store %arg13[%swap3A_606, %swap3A_607], %slice3A_605 {strides = array<i32>} : memref<256x1024xf32, #tpu.memory_space<vmem>>, vector<16x64xf32>,
    %slice3A_609 = vector.extract_strided_slice %dot_general3A_604 {offsets = [16, 0], sizes = [16, 64], strides = [1, 1]} : vector<256x64xf32> to vector<16x64xf32>
    %swap3A_610 = arith.constant 112 : index
    %swap3A_611 = arith.constant 64 : index
    %swap3A_612 = vector.load %arg13[%swap3A_610, %swap3A_611] : memref<256x1024xf32, #tpu.memory_space<vmem>>, vector<16x64xf32>
    tpu.vector_store %arg13[%swap3A_610, %swap3A_611], %slice3A_609 {strides = array<i32>} : memref<256x1024xf32, #tpu.memory_space<vmem>>, vector<16x64xf32>,
    %slice3A_613 = vector.extract_strided_slice %dot_general3A_604 {offsets = [32, 0], sizes = [16, 64], strides = [1, 1]} : vector<256x64xf32> to vector<16x64xf32>
    %swap3A_614 = arith.constant 112 : index
    %swap3A_615 = arith.constant 128 : index
    %swap3A_616 = vector.load %arg13[%swap3A_614, %swap3A_615] : memref<256x1024xf32, #tpu.memory_space<vmem>>, vector<16x64xf32>
    tpu.vector_store %arg13[%swap3A_614, %swap3A_615], %slice3A_613 {strides = array<i32>} : memref<256x1024xf32, #tpu.memory_space<vmem>>, vector<16x64xf32>,
    %slice3A_617 = vector.extract_strided_slice %dot_general3A_604 {offsets = [48, 0], sizes = [16, 64], strides = [1, 1]} : vector<256x64xf32> to vector<16x64xf32>
    %swap3A_618 = arith.constant 112 : index
    %swap3A_619 = arith.constant 192 : index
    %swap3A_620 = vector.load %arg13[%swap3A_618, %swap3A_619] : memref<256x1024xf32, #tpu.memory_space<vmem>>, vector<16x64xf32>
    tpu.vector_store %arg13[%swap3A_618, %swap3A_619], %slice3A_617 {strides = array<i32>} : memref<256x1024xf32, #tpu.memory_space<vmem>>, vector<16x64xf32>,
    %slice3A_621 = vector.extract_strided_slice %dot_general3A_604 {offsets = [64, 0], sizes = [16, 64], strides = [1, 1]} : vector<256x64xf32> to vector<16x64xf32>
    %swap3A_622 = arith.constant 112 : index
    %swap3A_623 = arith.constant 256 : index
    %swap3A_624 = vector.load %arg13[%swap3A_622, %swap3A_623] : memref<256x1024xf32, #tpu.memory_space<vmem>>, vector<16x64xf32>
    tpu.vector_store %arg13[%swap3A_622, %swap3A_623], %slice3A_621 {strides = array<i32>} : memref<256x1024xf32, #tpu.memory_space<vmem>>, vector<16x64xf32>,
    %slice3A_625 = vector.extract_strided_slice %dot_general3A_604 {offsets = [80, 0], sizes = [16, 64], strides = [1, 1]} : vector<256x64xf32> to vector<16x64xf32>
    %swap3A_626 = arith.constant 112 : index
    %swap3A_627 = arith.constant 320 : index
    %swap3A_628 = vector.load %arg13[%swap3A_626, %swap3A_627] : memref<256x1024xf32, #tpu.memory_space<vmem>>, vector<16x64xf32>
    tpu.vector_store %arg13[%swap3A_626, %swap3A_627], %slice3A_625 {strides = array<i32>} : memref<256x1024xf32, #tpu.memory_space<vmem>>, vector<16x64xf32>,
    %slice3A_629 = vector.extract_strided_slice %dot_general3A_604 {offsets = [96, 0], sizes = [16, 64], strides = [1, 1]} : vector<256x64xf32> to vector<16x64xf32>
    %swap3A_630 = arith.constant 112 : index
    %swap3A_631 = arith.constant 384 : index
    %swap3A_632 = vector.load %arg13[%swap3A_630, %swap3A_631] : memref<256x1024xf32, #tpu.memory_space<vmem>>, vector<16x64xf32>
    tpu.vector_store %arg13[%swap3A_630, %swap3A_631], %slice3A_629 {strides = array<i32>} : memref<256x1024xf32, #tpu.memory_space<vmem>>, vector<16x64xf32>,
    %slice3A_633 = vector.extract_strided_slice %dot_general3A_604 {offsets = [112, 0], sizes = [16, 64], strides = [1, 1]} : vector<256x64xf32> to vector<16x64xf32>
    %swap3A_634 = arith.constant 112 : index
    %swap3A_635 = arith.constant 448 : index
    %swap3A_636 = vector.load %arg13[%swap3A_634, %swap3A_635] : memref<256x1024xf32, #tpu.memory_space<vmem>>, vector<16x64xf32>
    tpu.vector_store %arg13[%swap3A_634, %swap3A_635], %slice3A_633 {strides = array<i32>} : memref<256x1024xf32, #tpu.memory_space<vmem>>, vector<16x64xf32>,
    %slice3A_637 = vector.extract_strided_slice %dot_general3A_604 {offsets = [128, 0], sizes = [16, 64], strides = [1, 1]} : vector<256x64xf32> to vector<16x64xf32>
    %swap3A_638 = arith.constant 112 : index
    %swap3A_639 = arith.constant 512 : index
    %swap3A_640 = vector.load %arg13[%swap3A_638, %swap3A_639] : memref<256x1024xf32, #tpu.memory_space<vmem>>, vector<16x64xf32>
    tpu.vector_store %arg13[%swap3A_638, %swap3A_639], %slice3A_637 {strides = array<i32>} : memref<256x1024xf32, #tpu.memory_space<vmem>>, vector<16x64xf32>,
    %slice3A_641 = vector.extract_strided_slice %dot_general3A_604 {offsets = [144, 0], sizes = [16, 64], strides = [1, 1]} : vector<256x64xf32> to vector<16x64xf32>
    %swap3A_642 = arith.constant 112 : index
    %swap3A_643 = arith.constant 576 : index
    %swap3A_644 = vector.load %arg13[%swap3A_642, %swap3A_643] : memref<256x1024xf32, #tpu.memory_space<vmem>>, vector<16x64xf32>
    tpu.vector_store %arg13[%swap3A_642, %swap3A_643], %slice3A_641 {strides = array<i32>} : memref<256x1024xf32, #tpu.memory_space<vmem>>, vector<16x64xf32>,
    %slice3A_645 = vector.extract_strided_slice %dot_general3A_604 {offsets = [160, 0], sizes = [16, 64], strides = [1, 1]} : vector<256x64xf32> to vector<16x64xf32>
    %swap3A_646 = arith.constant 112 : index
    %swap3A_647 = arith.constant 640 : index
    %swap3A_648 = vector.load %arg13[%swap3A_646, %swap3A_647] : memref<256x1024xf32, #tpu.memory_space<vmem>>, vector<16x64xf32>
    tpu.vector_store %arg13[%swap3A_646, %swap3A_647], %slice3A_645 {strides = array<i32>} : memref<256x1024xf32, #tpu.memory_space<vmem>>, vector<16x64xf32>,
    %slice3A_649 = vector.extract_strided_slice %dot_general3A_604 {offsets = [176, 0], sizes = [16, 64], strides = [1, 1]} : vector<256x64xf32> to vector<16x64xf32>
    %swap3A_650 = arith.constant 112 : index
    %swap3A_651 = arith.constant 704 : index
    %swap3A_652 = vector.load %arg13[%swap3A_650, %swap3A_651] : memref<256x1024xf32, #tpu.memory_space<vmem>>, vector<16x64xf32>
    tpu.vector_store %arg13[%swap3A_650, %swap3A_651], %slice3A_649 {strides = array<i32>} : memref<256x1024xf32, #tpu.memory_space<vmem>>, vector<16x64xf32>,
    %slice3A_653 = vector.extract_strided_slice %dot_general3A_604 {offsets = [192, 0], sizes = [16, 64], strides = [1, 1]} : vector<256x64xf32> to vector<16x64xf32>
    %swap3A_654 = arith.constant 112 : index
    %swap3A_655 = arith.constant 768 : index
    %swap3A_656 = vector.load %arg13[%swap3A_654, %swap3A_655] : memref<256x1024xf32, #tpu.memory_space<vmem>>, vector<16x64xf32>
    tpu.vector_store %arg13[%swap3A_654, %swap3A_655], %slice3A_653 {strides = array<i32>} : memref<256x1024xf32, #tpu.memory_space<vmem>>, vector<16x64xf32>,
    %slice3A_657 = vector.extract_strided_slice %dot_general3A_604 {offsets = [208, 0], sizes = [16, 64], strides = [1, 1]} : vector<256x64xf32> to vector<16x64xf32>
    %swap3A_658 = arith.constant 112 : index
    %swap3A_659 = arith.constant 832 : index
    %swap3A_660 = vector.load %arg13[%swap3A_658, %swap3A_659] : memref<256x1024xf32, #tpu.memory_space<vmem>>, vector<16x64xf32>
    tpu.vector_store %arg13[%swap3A_658, %swap3A_659], %slice3A_657 {strides = array<i32>} : memref<256x1024xf32, #tpu.memory_space<vmem>>, vector<16x64xf32>,
    %slice3A_661 = vector.extract_strided_slice %dot_general3A_604 {offsets = [224, 0], sizes = [16, 64], strides = [1, 1]} : vector<256x64xf32> to vector<16x64xf32>
    %swap3A_662 = arith.constant 112 : index
    %swap3A_663 = arith.constant 896 : index
    %swap3A_664 = vector.load %arg13[%swap3A_662, %swap3A_663] : memref<256x1024xf32, #tpu.memory_space<vmem>>, vector<16x64xf32>
    tpu.vector_store %arg13[%swap3A_662, %swap3A_663], %slice3A_661 {strides = array<i32>} : memref<256x1024xf32, #tpu.memory_space<vmem>>, vector<16x64xf32>,
    %slice3A_665 = vector.extract_strided_slice %dot_general3A_604 {offsets = [240, 0], sizes = [16, 64], strides = [1, 1]} : vector<256x64xf32> to vector<16x64xf32>
    %swap3A_666 = arith.constant 112 : index
    %swap3A_667 = arith.constant 960 : index
    %swap3A_668 = vector.load %arg13[%swap3A_666, %swap3A_667] : memref<256x1024xf32, #tpu.memory_space<vmem>>, vector<16x64xf32>
    tpu.vector_store %arg13[%swap3A_666, %swap3A_667], %slice3A_665 {strides = array<i32>} : memref<256x1024xf32, #tpu.memory_space<vmem>>, vector<16x64xf32>,
    %slice3A_669 = vector.extract_strided_slice %convert_element_type3A_124 {offsets = [2048, 0], sizes = [256, 256], strides = [1, 1]} : vector<4096x256xbf16> to vector<256x256xbf16>
    %slice3A_670 = vector.extract_strided_slice %convert_element_type3A_125 {offsets = [2048, 0], sizes = [256, 64], strides = [1, 1]} : vector<4096x64xbf16> to vector<256x64xbf16>
    %dot_general3A_671 = arith.constant dense<0.000000e+00> : vector<256x64xf32>
    %dot_general3A_672 = tpu.matmul %slice3A_669, %slice3A_670, %dot_general3A_671 {dimension_numbers = #tpu.dot_dimension_numbers<[0], [0], [1], [1], [0, 1, 1, 1], [], []>, transpose_lhs_hint = false} : vector<256x256xbf16>, vector<256x64xbf16>, vector<256x64xf32> -> vector<256x64xf32>
    %slice3A_673 = vector.extract_strided_slice %dot_general3A_672 {offsets = [0, 0], sizes = [16, 64], strides = [1, 1]} : vector<256x64xf32> to vector<16x64xf32>
    %swap3A_674 = arith.constant 128 : index
    %swap3A_675 = arith.constant 0 : index
    %swap3A_676 = vector.load %arg13[%swap3A_674, %swap3A_675] : memref<256x1024xf32, #tpu.memory_space<vmem>>, vector<16x64xf32>
    tpu.vector_store %arg13[%swap3A_674, %swap3A_675], %slice3A_673 {strides = array<i32>} : memref<256x1024xf32, #tpu.memory_space<vmem>>, vector<16x64xf32>,
    %slice3A_677 = vector.extract_strided_slice %dot_general3A_672 {offsets = [16, 0], sizes = [16, 64], strides = [1, 1]} : vector<256x64xf32> to vector<16x64xf32>
    %swap3A_678 = arith.constant 128 : index
    %swap3A_679 = arith.constant 64 : index
    %swap3A_680 = vector.load %arg13[%swap3A_678, %swap3A_679] : memref<256x1024xf32, #tpu.memory_space<vmem>>, vector<16x64xf32>
    tpu.vector_store %arg13[%swap3A_678, %swap3A_679], %slice3A_677 {strides = array<i32>} : memref<256x1024xf32, #tpu.memory_space<vmem>>, vector<16x64xf32>,
    %slice3A_681 = vector.extract_strided_slice %dot_general3A_672 {offsets = [32, 0], sizes = [16, 64], strides = [1, 1]} : vector<256x64xf32> to vector<16x64xf32>
    %swap3A_682 = arith.constant 128 : index
    %swap3A_683 = arith.constant 128 : index
    %swap3A_684 = vector.load %arg13[%swap3A_682, %swap3A_683] : memref<256x1024xf32, #tpu.memory_space<vmem>>, vector<16x64xf32>
    tpu.vector_store %arg13[%swap3A_682, %swap3A_683], %slice3A_681 {strides = array<i32>} : memref<256x1024xf32, #tpu.memory_space<vmem>>, vector<16x64xf32>,
    %slice3A_685 = vector.extract_strided_slice %dot_general3A_672 {offsets = [48, 0], sizes = [16, 64], strides = [1, 1]} : vector<256x64xf32> to vector<16x64xf32>
    %swap3A_686 = arith.constant 128 : index
    %swap3A_687 = arith.constant 192 : index
    %swap3A_688 = vector.load %arg13[%swap3A_686, %swap3A_687] : memref<256x1024xf32, #tpu.memory_space<vmem>>, vector<16x64xf32>
    tpu.vector_store %arg13[%swap3A_686, %swap3A_687], %slice3A_685 {strides = array<i32>} : memref<256x1024xf32, #tpu.memory_space<vmem>>, vector<16x64xf32>,
    %slice3A_689 = vector.extract_strided_slice %dot_general3A_672 {offsets = [64, 0], sizes = [16, 64], strides = [1, 1]} : vector<256x64xf32> to vector<16x64xf32>
    %swap3A_690 = arith.constant 128 : index
    %swap3A_691 = arith.constant 256 : index
    %swap3A_692 = vector.load %arg13[%swap3A_690, %swap3A_691] : memref<256x1024xf32, #tpu.memory_space<vmem>>, vector<16x64xf32>
    tpu.vector_store %arg13[%swap3A_690, %swap3A_691], %slice3A_689 {strides = array<i32>} : memref<256x1024xf32, #tpu.memory_space<vmem>>, vector<16x64xf32>,
    %slice3A_693 = vector.extract_strided_slice %dot_general3A_672 {offsets = [80, 0], sizes = [16, 64], strides = [1, 1]} : vector<256x64xf32> to vector<16x64xf32>
    %swap3A_694 = arith.constant 128 : index
    %swap3A_695 = arith.constant 320 : index
    %swap3A_696 = vector.load %arg13[%swap3A_694, %swap3A_695] : memref<256x1024xf32, #tpu.memory_space<vmem>>, vector<16x64xf32>
    tpu.vector_store %arg13[%swap3A_694, %swap3A_695], %slice3A_693 {strides = array<i32>} : memref<256x1024xf32, #tpu.memory_space<vmem>>, vector<16x64xf32>,
    %slice3A_697 = vector.extract_strided_slice %dot_general3A_672 {offsets = [96, 0], sizes = [16, 64], strides = [1, 1]} : vector<256x64xf32> to vector<16x64xf32>
    %swap3A_698 = arith.constant 128 : index
    %swap3A_699 = arith.constant 384 : index
    %swap3A_700 = vector.load %arg13[%swap3A_698, %swap3A_699] : memref<256x1024xf32, #tpu.memory_space<vmem>>, vector<16x64xf32>
    tpu.vector_store %arg13[%swap3A_698, %swap3A_699], %slice3A_697 {strides = array<i32>} : memref<256x1024xf32, #tpu.memory_space<vmem>>, vector<16x64xf32>,
    %slice3A_701 = vector.extract_strided_slice %dot_general3A_672 {offsets = [112, 0], sizes = [16, 64], strides = [1, 1]} : vector<256x64xf32> to vector<16x64xf32>
    %swap3A_702 = arith.constant 128 : index
    %swap3A_703 = arith.constant 448 : index
    %swap3A_704 = vector.load %arg13[%swap3A_702, %swap3A_703] : memref<256x1024xf32, #tpu.memory_space<vmem>>, vector<16x64xf32>
    tpu.vector_store %arg13[%swap3A_702, %swap3A_703], %slice3A_701 {strides = array<i32>} : memref<256x1024xf32, #tpu.memory_space<vmem>>, vector<16x64xf32>,
    %slice3A_705 = vector.extract_strided_slice %dot_general3A_672 {offsets = [128, 0], sizes = [16, 64], strides = [1, 1]} : vector<256x64xf32> to vector<16x64xf32>
    %swap3A_706 = arith.constant 128 : index
    %swap3A_707 = arith.constant 512 : index
    %swap3A_708 = vector.load %arg13[%swap3A_706, %swap3A_707] : memref<256x1024xf32, #tpu.memory_space<vmem>>, vector<16x64xf32>
    tpu.vector_store %arg13[%swap3A_706, %swap3A_707], %slice3A_705 {strides = array<i32>} : memref<256x1024xf32, #tpu.memory_space<vmem>>, vector<16x64xf32>,
    %slice3A_709 = vector.extract_strided_slice %dot_general3A_672 {offsets = [144, 0], sizes = [16, 64], strides = [1, 1]} : vector<256x64xf32> to vector<16x64xf32>
    %swap3A_710 = arith.constant 128 : index
    %swap3A_711 = arith.constant 576 : index
    %swap3A_712 = vector.load %arg13[%swap3A_710, %swap3A_711] : memref<256x1024xf32, #tpu.memory_space<vmem>>, vector<16x64xf32>
    tpu.vector_store %arg13[%swap3A_710, %swap3A_711], %slice3A_709 {strides = array<i32>} : memref<256x1024xf32, #tpu.memory_space<vmem>>, vector<16x64xf32>,
    %slice3A_713 = vector.extract_strided_slice %dot_general3A_672 {offsets = [160, 0], sizes = [16, 64], strides = [1, 1]} : vector<256x64xf32> to vector<16x64xf32>
    %swap3A_714 = arith.constant 128 : index
    %swap3A_715 = arith.constant 640 : index
    %swap3A_716 = vector.load %arg13[%swap3A_714, %swap3A_715] : memref<256x1024xf32, #tpu.memory_space<vmem>>, vector<16x64xf32>
    tpu.vector_store %arg13[%swap3A_714, %swap3A_715], %slice3A_713 {strides = array<i32>} : memref<256x1024xf32, #tpu.memory_space<vmem>>, vector<16x64xf32>,
    %slice3A_717 = vector.extract_strided_slice %dot_general3A_672 {offsets = [176, 0], sizes = [16, 64], strides = [1, 1]} : vector<256x64xf32> to vector<16x64xf32>
    %swap3A_718 = arith.constant 128 : index
    %swap3A_719 = arith.constant 704 : index
    %swap3A_720 = vector.load %arg13[%swap3A_718, %swap3A_719] : memref<256x1024xf32, #tpu.memory_space<vmem>>, vector<16x64xf32>
    tpu.vector_store %arg13[%swap3A_718, %swap3A_719], %slice3A_717 {strides = array<i32>} : memref<256x1024xf32, #tpu.memory_space<vmem>>, vector<16x64xf32>,
    %slice3A_721 = vector.extract_strided_slice %dot_general3A_672 {offsets = [192, 0], sizes = [16, 64], strides = [1, 1]} : vector<256x64xf32> to vector<16x64xf32>
    %swap3A_722 = arith.constant 128 : index
    %swap3A_723 = arith.constant 768 : index
    %swap3A_724 = vector.load %arg13[%swap3A_722, %swap3A_723] : memref<256x1024xf32, #tpu.memory_space<vmem>>, vector<16x64xf32>
    tpu.vector_store %arg13[%swap3A_722, %swap3A_723], %slice3A_721 {strides = array<i32>} : memref<256x1024xf32, #tpu.memory_space<vmem>>, vector<16x64xf32>,
    %slice3A_725 = vector.extract_strided_slice %dot_general3A_672 {offsets = [208, 0], sizes = [16, 64], strides = [1, 1]} : vector<256x64xf32> to vector<16x64xf32>
    %swap3A_726 = arith.constant 128 : index
    %swap3A_727 = arith.constant 832 : index
    %swap3A_728 = vector.load %arg13[%swap3A_726, %swap3A_727] : memref<256x1024xf32, #tpu.memory_space<vmem>>, vector<16x64xf32>
    tpu.vector_store %arg13[%swap3A_726, %swap3A_727], %slice3A_725 {strides = array<i32>} : memref<256x1024xf32, #tpu.memory_space<vmem>>, vector<16x64xf32>,
    %slice3A_729 = vector.extract_strided_slice %dot_general3A_672 {offsets = [224, 0], sizes = [16, 64], strides = [1, 1]} : vector<256x64xf32> to vector<16x64xf32>
    %swap3A_730 = arith.constant 128 : index
    %swap3A_731 = arith.constant 896 : index
    %swap3A_732 = vector.load %arg13[%swap3A_730, %swap3A_731] : memref<256x1024xf32, #tpu.memory_space<vmem>>, vector<16x64xf32>
    tpu.vector_store %arg13[%swap3A_730, %swap3A_731], %slice3A_729 {strides = array<i32>} : memref<256x1024xf32, #tpu.memory_space<vmem>>, vector<16x64xf32>,
    %slice3A_733 = vector.extract_strided_slice %dot_general3A_672 {offsets = [240, 0], sizes = [16, 64], strides = [1, 1]} : vector<256x64xf32> to vector<16x64xf32>
    %swap3A_734 = arith.constant 128 : index
    %swap3A_735 = arith.constant 960 : index
    %swap3A_736 = vector.load %arg13[%swap3A_734, %swap3A_735] : memref<256x1024xf32, #tpu.memory_space<vmem>>, vector<16x64xf32>
    tpu.vector_store %arg13[%swap3A_734, %swap3A_735], %slice3A_733 {strides = array<i32>} : memref<256x1024xf32, #tpu.memory_space<vmem>>, vector<16x64xf32>,
    %slice3A_737 = vector.extract_strided_slice %convert_element_type3A_124 {offsets = [2304, 0], sizes = [256, 256], strides = [1, 1]} : vector<4096x256xbf16> to vector<256x256xbf16>
    %slice3A_738 = vector.extract_strided_slice %convert_element_type3A_125 {offsets = [2304, 0], sizes = [256, 64], strides = [1, 1]} : vector<4096x64xbf16> to vector<256x64xbf16>
    %dot_general3A_739 = arith.constant dense<0.000000e+00> : vector<256x64xf32>
    %dot_general3A_740 = tpu.matmul %slice3A_737, %slice3A_738, %dot_general3A_739 {dimension_numbers = #tpu.dot_dimension_numbers<[0], [0], [1], [1], [0, 1, 1, 1], [], []>, transpose_lhs_hint = false} : vector<256x256xbf16>, vector<256x64xbf16>, vector<256x64xf32> -> vector<256x64xf32>
    %slice3A_741 = vector.extract_strided_slice %dot_general3A_740 {offsets = [0, 0], sizes = [16, 64], strides = [1, 1]} : vector<256x64xf32> to vector<16x64xf32>
    %swap3A_742 = arith.constant 144 : index
    %swap3A_743 = arith.constant 0 : index
    %swap3A_744 = vector.load %arg13[%swap3A_742, %swap3A_743] : memref<256x1024xf32, #tpu.memory_space<vmem>>, vector<16x64xf32>
    tpu.vector_store %arg13[%swap3A_742, %swap3A_743], %slice3A_741 {strides = array<i32>} : memref<256x1024xf32, #tpu.memory_space<vmem>>, vector<16x64xf32>,
    %slice3A_745 = vector.extract_strided_slice %dot_general3A_740 {offsets = [16, 0], sizes = [16, 64], strides = [1, 1]} : vector<256x64xf32> to vector<16x64xf32>
    %swap3A_746 = arith.constant 144 : index
    %swap3A_747 = arith.constant 64 : index
    %swap3A_748 = vector.load %arg13[%swap3A_746, %swap3A_747] : memref<256x1024xf32, #tpu.memory_space<vmem>>, vector<16x64xf32>
    tpu.vector_store %arg13[%swap3A_746, %swap3A_747], %slice3A_745 {strides = array<i32>} : memref<256x1024xf32, #tpu.memory_space<vmem>>, vector<16x64xf32>,
    %slice3A_749 = vector.extract_strided_slice %dot_general3A_740 {offsets = [32, 0], sizes = [16, 64], strides = [1, 1]} : vector<256x64xf32> to vector<16x64xf32>
    %swap3A_750 = arith.constant 144 : index
    %swap3A_751 = arith.constant 128 : index
    %swap3A_752 = vector.load %arg13[%swap3A_750, %swap3A_751] : memref<256x1024xf32, #tpu.memory_space<vmem>>, vector<16x64xf32>
    tpu.vector_store %arg13[%swap3A_750, %swap3A_751], %slice3A_749 {strides = array<i32>} : memref<256x1024xf32, #tpu.memory_space<vmem>>, vector<16x64xf32>,
    %slice3A_753 = vector.extract_strided_slice %dot_general3A_740 {offsets = [48, 0], sizes = [16, 64], strides = [1, 1]} : vector<256x64xf32> to vector<16x64xf32>
    %swap3A_754 = arith.constant 144 : index
    %swap3A_755 = arith.constant 192 : index
    %swap3A_756 = vector.load %arg13[%swap3A_754, %swap3A_755] : memref<256x1024xf32, #tpu.memory_space<vmem>>, vector<16x64xf32>
    tpu.vector_store %arg13[%swap3A_754, %swap3A_755], %slice3A_753 {strides = array<i32>} : memref<256x1024xf32, #tpu.memory_space<vmem>>, vector<16x64xf32>,
    %slice3A_757 = vector.extract_strided_slice %dot_general3A_740 {offsets = [64, 0], sizes = [16, 64], strides = [1, 1]} : vector<256x64xf32> to vector<16x64xf32>
    %swap3A_758 = arith.constant 144 : index
    %swap3A_759 = arith.constant 256 : index
    %swap3A_760 = vector.load %arg13[%swap3A_758, %swap3A_759] : memref<256x1024xf32, #tpu.memory_space<vmem>>, vector<16x64xf32>
    tpu.vector_store %arg13[%swap3A_758, %swap3A_759], %slice3A_757 {strides = array<i32>} : memref<256x1024xf32, #tpu.memory_space<vmem>>, vector<16x64xf32>,
    %slice3A_761 = vector.extract_strided_slice %dot_general3A_740 {offsets = [80, 0], sizes = [16, 64], strides = [1, 1]} : vector<256x64xf32> to vector<16x64xf32>
    %swap3A_762 = arith.constant 144 : index
    %swap3A_763 = arith.constant 320 : index
    %swap3A_764 = vector.load %arg13[%swap3A_762, %swap3A_763] : memref<256x1024xf32, #tpu.memory_space<vmem>>, vector<16x64xf32>
    tpu.vector_store %arg13[%swap3A_762, %swap3A_763], %slice3A_761 {strides = array<i32>} : memref<256x1024xf32, #tpu.memory_space<vmem>>, vector<16x64xf32>,
    %slice3A_765 = vector.extract_strided_slice %dot_general3A_740 {offsets = [96, 0], sizes = [16, 64], strides = [1, 1]} : vector<256x64xf32> to vector<16x64xf32>
    %swap3A_766 = arith.constant 144 : index
    %swap3A_767 = arith.constant 384 : index
    %swap3A_768 = vector.load %arg13[%swap3A_766, %swap3A_767] : memref<256x1024xf32, #tpu.memory_space<vmem>>, vector<16x64xf32>
    tpu.vector_store %arg13[%swap3A_766, %swap3A_767], %slice3A_765 {strides = array<i32>} : memref<256x1024xf32, #tpu.memory_space<vmem>>, vector<16x64xf32>,
    %slice3A_769 = vector.extract_strided_slice %dot_general3A_740 {offsets = [112, 0], sizes = [16, 64], strides = [1, 1]} : vector<256x64xf32> to vector<16x64xf32>
    %swap3A_770 = arith.constant 144 : index
    %swap3A_771 = arith.constant 448 : index
    %swap3A_772 = vector.load %arg13[%swap3A_770, %swap3A_771] : memref<256x1024xf32, #tpu.memory_space<vmem>>, vector<16x64xf32>
    tpu.vector_store %arg13[%swap3A_770, %swap3A_771], %slice3A_769 {strides = array<i32>} : memref<256x1024xf32, #tpu.memory_space<vmem>>, vector<16x64xf32>,
    %slice3A_773 = vector.extract_strided_slice %dot_general3A_740 {offsets = [128, 0], sizes = [16, 64], strides = [1, 1]} : vector<256x64xf32> to vector<16x64xf32>
    %swap3A_774 = arith.constant 144 : index
    %swap3A_775 = arith.constant 512 : index
    %swap3A_776 = vector.load %arg13[%swap3A_774, %swap3A_775] : memref<256x1024xf32, #tpu.memory_space<vmem>>, vector<16x64xf32>
    tpu.vector_store %arg13[%swap3A_774, %swap3A_775], %slice3A_773 {strides = array<i32>} : memref<256x1024xf32, #tpu.memory_space<vmem>>, vector<16x64xf32>,
    %slice3A_777 = vector.extract_strided_slice %dot_general3A_740 {offsets = [144, 0], sizes = [16, 64], strides = [1, 1]} : vector<256x64xf32> to vector<16x64xf32>
    %swap3A_778 = arith.constant 144 : index
    %swap3A_779 = arith.constant 576 : index
    %swap3A_780 = vector.load %arg13[%swap3A_778, %swap3A_779] : memref<256x1024xf32, #tpu.memory_space<vmem>>, vector<16x64xf32>
    tpu.vector_store %arg13[%swap3A_778, %swap3A_779], %slice3A_777 {strides = array<i32>} : memref<256x1024xf32, #tpu.memory_space<vmem>>, vector<16x64xf32>,
    %slice3A_781 = vector.extract_strided_slice %dot_general3A_740 {offsets = [160, 0], sizes = [16, 64], strides = [1, 1]} : vector<256x64xf32> to vector<16x64xf32>
    %swap3A_782 = arith.constant 144 : index
    %swap3A_783 = arith.constant 640 : index
    %swap3A_784 = vector.load %arg13[%swap3A_782, %swap3A_783] : memref<256x1024xf32, #tpu.memory_space<vmem>>, vector<16x64xf32>
    tpu.vector_store %arg13[%swap3A_782, %swap3A_783], %slice3A_781 {strides = array<i32>} : memref<256x1024xf32, #tpu.memory_space<vmem>>, vector<16x64xf32>,
    %slice3A_785 = vector.extract_strided_slice %dot_general3A_740 {offsets = [176, 0], sizes = [16, 64], strides = [1, 1]} : vector<256x64xf32> to vector<16x64xf32>
    %swap3A_786 = arith.constant 144 : index
    %swap3A_787 = arith.constant 704 : index
    %swap3A_788 = vector.load %arg13[%swap3A_786, %swap3A_787] : memref<256x1024xf32, #tpu.memory_space<vmem>>, vector<16x64xf32>
    tpu.vector_store %arg13[%swap3A_786, %swap3A_787], %slice3A_785 {strides = array<i32>} : memref<256x1024xf32, #tpu.memory_space<vmem>>, vector<16x64xf32>,
    %slice3A_789 = vector.extract_strided_slice %dot_general3A_740 {offsets = [192, 0], sizes = [16, 64], strides = [1, 1]} : vector<256x64xf32> to vector<16x64xf32>
    %swap3A_790 = arith.constant 144 : index
    %swap3A_791 = arith.constant 768 : index
    %swap3A_792 = vector.load %arg13[%swap3A_790, %swap3A_791] : memref<256x1024xf32, #tpu.memory_space<vmem>>, vector<16x64xf32>
    tpu.vector_store %arg13[%swap3A_790, %swap3A_791], %slice3A_789 {strides = array<i32>} : memref<256x1024xf32, #tpu.memory_space<vmem>>, vector<16x64xf32>,
    %slice3A_793 = vector.extract_strided_slice %dot_general3A_740 {offsets = [208, 0], sizes = [16, 64], strides = [1, 1]} : vector<256x64xf32> to vector<16x64xf32>
    %swap3A_794 = arith.constant 144 : index
    %swap3A_795 = arith.constant 832 : index
    %swap3A_796 = vector.load %arg13[%swap3A_794, %swap3A_795] : memref<256x1024xf32, #tpu.memory_space<vmem>>, vector<16x64xf32>
    tpu.vector_store %arg13[%swap3A_794, %swap3A_795], %slice3A_793 {strides = array<i32>} : memref<256x1024xf32, #tpu.memory_space<vmem>>, vector<16x64xf32>,
    %slice3A_797 = vector.extract_strided_slice %dot_general3A_740 {offsets = [224, 0], sizes = [16, 64], strides = [1, 1]} : vector<256x64xf32> to vector<16x64xf32>
    %swap3A_798 = arith.constant 144 : index
    %swap3A_799 = arith.constant 896 : index
    %swap3A_800 = vector.load %arg13[%swap3A_798, %swap3A_799] : memref<256x1024xf32, #tpu.memory_space<vmem>>, vector<16x64xf32>
    tpu.vector_store %arg13[%swap3A_798, %swap3A_799], %slice3A_797 {strides = array<i32>} : memref<256x1024xf32, #tpu.memory_space<vmem>>, vector<16x64xf32>,
    %slice3A_801 = vector.extract_strided_slice %dot_general3A_740 {offsets = [240, 0], sizes = [16, 64], strides = [1, 1]} : vector<256x64xf32> to vector<16x64xf32>
    %swap3A_802 = arith.constant 144 : index
    %swap3A_803 = arith.constant 960 : index
    %swap3A_804 = vector.load %arg13[%swap3A_802, %swap3A_803] : memref<256x1024xf32, #tpu.memory_space<vmem>>, vector<16x64xf32>
    tpu.vector_store %arg13[%swap3A_802, %swap3A_803], %slice3A_801 {strides = array<i32>} : memref<256x1024xf32, #tpu.memory_space<vmem>>, vector<16x64xf32>,
    %slice3A_805 = vector.extract_strided_slice %convert_element_type3A_124 {offsets = [2560, 0], sizes = [256, 256], strides = [1, 1]} : vector<4096x256xbf16> to vector<256x256xbf16>
    %slice3A_806 = vector.extract_strided_slice %convert_element_type3A_125 {offsets = [2560, 0], sizes = [256, 64], strides = [1, 1]} : vector<4096x64xbf16> to vector<256x64xbf16>
    %dot_general3A_807 = arith.constant dense<0.000000e+00> : vector<256x64xf32>
    %dot_general3A_808 = tpu.matmul %slice3A_805, %slice3A_806, %dot_general3A_807 {dimension_numbers = #tpu.dot_dimension_numbers<[0], [0], [1], [1], [0, 1, 1, 1], [], []>, transpose_lhs_hint = false} : vector<256x256xbf16>, vector<256x64xbf16>, vector<256x64xf32> -> vector<256x64xf32>
    %slice3A_809 = vector.extract_strided_slice %dot_general3A_808 {offsets = [0, 0], sizes = [16, 64], strides = [1, 1]} : vector<256x64xf32> to vector<16x64xf32>
    %swap3A_810 = arith.constant 160 : index
    %swap3A_811 = arith.constant 0 : index
    %swap3A_812 = vector.load %arg13[%swap3A_810, %swap3A_811] : memref<256x1024xf32, #tpu.memory_space<vmem>>, vector<16x64xf32>
    tpu.vector_store %arg13[%swap3A_810, %swap3A_811], %slice3A_809 {strides = array<i32>} : memref<256x1024xf32, #tpu.memory_space<vmem>>, vector<16x64xf32>,
    %slice3A_813 = vector.extract_strided_slice %dot_general3A_808 {offsets = [16, 0], sizes = [16, 64], strides = [1, 1]} : vector<256x64xf32> to vector<16x64xf32>
    %swap3A_814 = arith.constant 160 : index
    %swap3A_815 = arith.constant 64 : index
    %swap3A_816 = vector.load %arg13[%swap3A_814, %swap3A_815] : memref<256x1024xf32, #tpu.memory_space<vmem>>, vector<16x64xf32>
    tpu.vector_store %arg13[%swap3A_814, %swap3A_815], %slice3A_813 {strides = array<i32>} : memref<256x1024xf32, #tpu.memory_space<vmem>>, vector<16x64xf32>,
    %slice3A_817 = vector.extract_strided_slice %dot_general3A_808 {offsets = [32, 0], sizes = [16, 64], strides = [1, 1]} : vector<256x64xf32> to vector<16x64xf32>
    %swap3A_818 = arith.constant 160 : index
    %swap3A_819 = arith.constant 128 : index
    %swap3A_820 = vector.load %arg13[%swap3A_818, %swap3A_819] : memref<256x1024xf32, #tpu.memory_space<vmem>>, vector<16x64xf32>
    tpu.vector_store %arg13[%swap3A_818, %swap3A_819], %slice3A_817 {strides = array<i32>} : memref<256x1024xf32, #tpu.memory_space<vmem>>, vector<16x64xf32>,
    %slice3A_821 = vector.extract_strided_slice %dot_general3A_808 {offsets = [48, 0], sizes = [16, 64], strides = [1, 1]} : vector<256x64xf32> to vector<16x64xf32>
    %swap3A_822 = arith.constant 160 : index
    %swap3A_823 = arith.constant 192 : index
    %swap3A_824 = vector.load %arg13[%swap3A_822, %swap3A_823] : memref<256x1024xf32, #tpu.memory_space<vmem>>, vector<16x64xf32>
    tpu.vector_store %arg13[%swap3A_822, %swap3A_823], %slice3A_821 {strides = array<i32>} : memref<256x1024xf32, #tpu.memory_space<vmem>>, vector<16x64xf32>,
    %slice3A_825 = vector.extract_strided_slice %dot_general3A_808 {offsets = [64, 0], sizes = [16, 64], strides = [1, 1]} : vector<256x64xf32> to vector<16x64xf32>
    %swap3A_826 = arith.constant 160 : index
    %swap3A_827 = arith.constant 256 : index
    %swap3A_828 = vector.load %arg13[%swap3A_826, %swap3A_827] : memref<256x1024xf32, #tpu.memory_space<vmem>>, vector<16x64xf32>
    tpu.vector_store %arg13[%swap3A_826, %swap3A_827], %slice3A_825 {strides = array<i32>} : memref<256x1024xf32, #tpu.memory_space<vmem>>, vector<16x64xf32>,
    %slice3A_829 = vector.extract_strided_slice %dot_general3A_808 {offsets = [80, 0], sizes = [16, 64], strides = [1, 1]} : vector<256x64xf32> to vector<16x64xf32>
    %swap3A_830 = arith.constant 160 : index
    %swap3A_831 = arith.constant 320 : index
    %swap3A_832 = vector.load %arg13[%swap3A_830, %swap3A_831] : memref<256x1024xf32, #tpu.memory_space<vmem>>, vector<16x64xf32>
    tpu.vector_store %arg13[%swap3A_830, %swap3A_831], %slice3A_829 {strides = array<i32>} : memref<256x1024xf32, #tpu.memory_space<vmem>>, vector<16x64xf32>,
    %slice3A_833 = vector.extract_strided_slice %dot_general3A_808 {offsets = [96, 0], sizes = [16, 64], strides = [1, 1]} : vector<256x64xf32> to vector<16x64xf32>
    %swap3A_834 = arith.constant 160 : index
    %swap3A_835 = arith.constant 384 : index
    %swap3A_836 = vector.load %arg13[%swap3A_834, %swap3A_835] : memref<256x1024xf32, #tpu.memory_space<vmem>>, vector<16x64xf32>
    tpu.vector_store %arg13[%swap3A_834, %swap3A_835], %slice3A_833 {strides = array<i32>} : memref<256x1024xf32, #tpu.memory_space<vmem>>, vector<16x64xf32>,
    %slice3A_837 = vector.extract_strided_slice %dot_general3A_808 {offsets = [112, 0], sizes = [16, 64], strides = [1, 1]} : vector<256x64xf32> to vector<16x64xf32>
    %swap3A_838 = arith.constant 160 : index
    %swap3A_839 = arith.constant 448 : index
    %swap3A_840 = vector.load %arg13[%swap3A_838, %swap3A_839] : memref<256x1024xf32, #tpu.memory_space<vmem>>, vector<16x64xf32>
    tpu.vector_store %arg13[%swap3A_838, %swap3A_839], %slice3A_837 {strides = array<i32>} : memref<256x1024xf32, #tpu.memory_space<vmem>>, vector<16x64xf32>,
    %slice3A_841 = vector.extract_strided_slice %dot_general3A_808 {offsets = [128, 0], sizes = [16, 64], strides = [1, 1]} : vector<256x64xf32> to vector<16x64xf32>
    %swap3A_842 = arith.constant 160 : index
    %swap3A_843 = arith.constant 512 : index
    %swap3A_844 = vector.load %arg13[%swap3A_842, %swap3A_843] : memref<256x1024xf32, #tpu.memory_space<vmem>>, vector<16x64xf32>
    tpu.vector_store %arg13[%swap3A_842, %swap3A_843], %slice3A_841 {strides = array<i32>} : memref<256x1024xf32, #tpu.memory_space<vmem>>, vector<16x64xf32>,
    %slice3A_845 = vector.extract_strided_slice %dot_general3A_808 {offsets = [144, 0], sizes = [16, 64], strides = [1, 1]} : vector<256x64xf32> to vector<16x64xf32>
    %swap3A_846 = arith.constant 160 : index
    %swap3A_847 = arith.constant 576 : index
    %swap3A_848 = vector.load %arg13[%swap3A_846, %swap3A_847] : memref<256x1024xf32, #tpu.memory_space<vmem>>, vector<16x64xf32>
    tpu.vector_store %arg13[%swap3A_846, %swap3A_847], %slice3A_845 {strides = array<i32>} : memref<256x1024xf32, #tpu.memory_space<vmem>>, vector<16x64xf32>,
    %slice3A_849 = vector.extract_strided_slice %dot_general3A_808 {offsets = [160, 0], sizes = [16, 64], strides = [1, 1]} : vector<256x64xf32> to vector<16x64xf32>
    %swap3A_850 = arith.constant 160 : index
    %swap3A_851 = arith.constant 640 : index
    %swap3A_852 = vector.load %arg13[%swap3A_850, %swap3A_851] : memref<256x1024xf32, #tpu.memory_space<vmem>>, vector<16x64xf32>
    tpu.vector_store %arg13[%swap3A_850, %swap3A_851], %slice3A_849 {strides = array<i32>} : memref<256x1024xf32, #tpu.memory_space<vmem>>, vector<16x64xf32>,
    %slice3A_853 = vector.extract_strided_slice %dot_general3A_808 {offsets = [176, 0], sizes = [16, 64], strides = [1, 1]} : vector<256x64xf32> to vector<16x64xf32>
    %swap3A_854 = arith.constant 160 : index
    %swap3A_855 = arith.constant 704 : index
    %swap3A_856 = vector.load %arg13[%swap3A_854, %swap3A_855] : memref<256x1024xf32, #tpu.memory_space<vmem>>, vector<16x64xf32>
    tpu.vector_store %arg13[%swap3A_854, %swap3A_855], %slice3A_853 {strides = array<i32>} : memref<256x1024xf32, #tpu.memory_space<vmem>>, vector<16x64xf32>,
    %slice3A_857 = vector.extract_strided_slice %dot_general3A_808 {offsets = [192, 0], sizes = [16, 64], strides = [1, 1]} : vector<256x64xf32> to vector<16x64xf32>
    %swap3A_858 = arith.constant 160 : index
    %swap3A_859 = arith.constant 768 : index
    %swap3A_860 = vector.load %arg13[%swap3A_858, %swap3A_859] : memref<256x1024xf32, #tpu.memory_space<vmem>>, vector<16x64xf32>
    tpu.vector_store %arg13[%swap3A_858, %swap3A_859], %slice3A_857 {strides = array<i32>} : memref<256x1024xf32, #tpu.memory_space<vmem>>, vector<16x64xf32>,
    %slice3A_861 = vector.extract_strided_slice %dot_general3A_808 {offsets = [208, 0], sizes = [16, 64], strides = [1, 1]} : vector<256x64xf32> to vector<16x64xf32>
    %swap3A_862 = arith.constant 160 : index
    %swap3A_863 = arith.constant 832 : index
    %swap3A_864 = vector.load %arg13[%swap3A_862, %swap3A_863] : memref<256x1024xf32, #tpu.memory_space<vmem>>, vector<16x64xf32>
    tpu.vector_store %arg13[%swap3A_862, %swap3A_863], %slice3A_861 {strides = array<i32>} : memref<256x1024xf32, #tpu.memory_space<vmem>>, vector<16x64xf32>,
    %slice3A_865 = vector.extract_strided_slice %dot_general3A_808 {offsets = [224, 0], sizes = [16, 64], strides = [1, 1]} : vector<256x64xf32> to vector<16x64xf32>
    %swap3A_866 = arith.constant 160 : index
    %swap3A_867 = arith.constant 896 : index
    %swap3A_868 = vector.load %arg13[%swap3A_866, %swap3A_867] : memref<256x1024xf32, #tpu.memory_space<vmem>>, vector<16x64xf32>
    tpu.vector_store %arg13[%swap3A_866, %swap3A_867], %slice3A_865 {strides = array<i32>} : memref<256x1024xf32, #tpu.memory_space<vmem>>, vector<16x64xf32>,
    %slice3A_869 = vector.extract_strided_slice %dot_general3A_808 {offsets = [240, 0], sizes = [16, 64], strides = [1, 1]} : vector<256x64xf32> to vector<16x64xf32>
    %swap3A_870 = arith.constant 160 : index
    %swap3A_871 = arith.constant 960 : index
    %swap3A_872 = vector.load %arg13[%swap3A_870, %swap3A_871] : memref<256x1024xf32, #tpu.memory_space<vmem>>, vector<16x64xf32>
    tpu.vector_store %arg13[%swap3A_870, %swap3A_871], %slice3A_869 {strides = array<i32>} : memref<256x1024xf32, #tpu.memory_space<vmem>>, vector<16x64xf32>,
    %slice3A_873 = vector.extract_strided_slice %convert_element_type3A_124 {offsets = [2816, 0], sizes = [256, 256], strides = [1, 1]} : vector<4096x256xbf16> to vector<256x256xbf16>
    %slice3A_874 = vector.extract_strided_slice %convert_element_type3A_125 {offsets = [2816, 0], sizes = [256, 64], strides = [1, 1]} : vector<4096x64xbf16> to vector<256x64xbf16>
    %dot_general3A_875 = arith.constant dense<0.000000e+00> : vector<256x64xf32>
    %dot_general3A_876 = tpu.matmul %slice3A_873, %slice3A_874, %dot_general3A_875 {dimension_numbers = #tpu.dot_dimension_numbers<[0], [0], [1], [1], [0, 1, 1, 1], [], []>, transpose_lhs_hint = false} : vector<256x256xbf16>, vector<256x64xbf16>, vector<256x64xf32> -> vector<256x64xf32>
    %slice3A_877 = vector.extract_strided_slice %dot_general3A_876 {offsets = [0, 0], sizes = [16, 64], strides = [1, 1]} : vector<256x64xf32> to vector<16x64xf32>
    %swap3A_878 = arith.constant 176 : index
    %swap3A_879 = arith.constant 0 : index
    %swap3A_880 = vector.load %arg13[%swap3A_878, %swap3A_879] : memref<256x1024xf32, #tpu.memory_space<vmem>>, vector<16x64xf32>
    tpu.vector_store %arg13[%swap3A_878, %swap3A_879], %slice3A_877 {strides = array<i32>} : memref<256x1024xf32, #tpu.memory_space<vmem>>, vector<16x64xf32>,
    %slice3A_881 = vector.extract_strided_slice %dot_general3A_876 {offsets = [16, 0], sizes = [16, 64], strides = [1, 1]} : vector<256x64xf32> to vector<16x64xf32>
    %swap3A_882 = arith.constant 176 : index
    %swap3A_883 = arith.constant 64 : index
    %swap3A_884 = vector.load %arg13[%swap3A_882, %swap3A_883] : memref<256x1024xf32, #tpu.memory_space<vmem>>, vector<16x64xf32>
    tpu.vector_store %arg13[%swap3A_882, %swap3A_883], %slice3A_881 {strides = array<i32>} : memref<256x1024xf32, #tpu.memory_space<vmem>>, vector<16x64xf32>,
    %slice3A_885 = vector.extract_strided_slice %dot_general3A_876 {offsets = [32, 0], sizes = [16, 64], strides = [1, 1]} : vector<256x64xf32> to vector<16x64xf32>
    %swap3A_886 = arith.constant 176 : index
    %swap3A_887 = arith.constant 128 : index
    %swap3A_888 = vector.load %arg13[%swap3A_886, %swap3A_887] : memref<256x1024xf32, #tpu.memory_space<vmem>>, vector<16x64xf32>
    tpu.vector_store %arg13[%swap3A_886, %swap3A_887], %slice3A_885 {strides = array<i32>} : memref<256x1024xf32, #tpu.memory_space<vmem>>, vector<16x64xf32>,
    %slice3A_889 = vector.extract_strided_slice %dot_general3A_876 {offsets = [48, 0], sizes = [16, 64], strides = [1, 1]} : vector<256x64xf32> to vector<16x64xf32>
    %swap3A_890 = arith.constant 176 : index
    %swap3A_891 = arith.constant 192 : index
    %swap3A_892 = vector.load %arg13[%swap3A_890, %swap3A_891] : memref<256x1024xf32, #tpu.memory_space<vmem>>, vector<16x64xf32>
    tpu.vector_store %arg13[%swap3A_890, %swap3A_891], %slice3A_889 {strides = array<i32>} : memref<256x1024xf32, #tpu.memory_space<vmem>>, vector<16x64xf32>,
    %slice3A_893 = vector.extract_strided_slice %dot_general3A_876 {offsets = [64, 0], sizes = [16, 64], strides = [1, 1]} : vector<256x64xf32> to vector<16x64xf32>
    %swap3A_894 = arith.constant 176 : index
    %swap3A_895 = arith.constant 256 : index
    %swap3A_896 = vector.load %arg13[%swap3A_894, %swap3A_895] : memref<256x1024xf32, #tpu.memory_space<vmem>>, vector<16x64xf32>
    tpu.vector_store %arg13[%swap3A_894, %swap3A_895], %slice3A_893 {strides = array<i32>} : memref<256x1024xf32, #tpu.memory_space<vmem>>, vector<16x64xf32>,
    %slice3A_897 = vector.extract_strided_slice %dot_general3A_876 {offsets = [80, 0], sizes = [16, 64], strides = [1, 1]} : vector<256x64xf32> to vector<16x64xf32>
    %swap3A_898 = arith.constant 176 : index
    %swap3A_899 = arith.constant 320 : index
    %swap3A_900 = vector.load %arg13[%swap3A_898, %swap3A_899] : memref<256x1024xf32, #tpu.memory_space<vmem>>, vector<16x64xf32>
    tpu.vector_store %arg13[%swap3A_898, %swap3A_899], %slice3A_897 {strides = array<i32>} : memref<256x1024xf32, #tpu.memory_space<vmem>>, vector<16x64xf32>,
    %slice3A_901 = vector.extract_strided_slice %dot_general3A_876 {offsets = [96, 0], sizes = [16, 64], strides = [1, 1]} : vector<256x64xf32> to vector<16x64xf32>
    %swap3A_902 = arith.constant 176 : index
    %swap3A_903 = arith.constant 384 : index
    %swap3A_904 = vector.load %arg13[%swap3A_902, %swap3A_903] : memref<256x1024xf32, #tpu.memory_space<vmem>>, vector<16x64xf32>
    tpu.vector_store %arg13[%swap3A_902, %swap3A_903], %slice3A_901 {strides = array<i32>} : memref<256x1024xf32, #tpu.memory_space<vmem>>, vector<16x64xf32>,
    %slice3A_905 = vector.extract_strided_slice %dot_general3A_876 {offsets = [112, 0], sizes = [16, 64], strides = [1, 1]} : vector<256x64xf32> to vector<16x64xf32>
    %swap3A_906 = arith.constant 176 : index
    %swap3A_907 = arith.constant 448 : index
    %swap3A_908 = vector.load %arg13[%swap3A_906, %swap3A_907] : memref<256x1024xf32, #tpu.memory_space<vmem>>, vector<16x64xf32>
    tpu.vector_store %arg13[%swap3A_906, %swap3A_907], %slice3A_905 {strides = array<i32>} : memref<256x1024xf32, #tpu.memory_space<vmem>>, vector<16x64xf32>,
    %slice3A_909 = vector.extract_strided_slice %dot_general3A_876 {offsets = [128, 0], sizes = [16, 64], strides = [1, 1]} : vector<256x64xf32> to vector<16x64xf32>
    %swap3A_910 = arith.constant 176 : index
    %swap3A_911 = arith.constant 512 : index
    %swap3A_912 = vector.load %arg13[%swap3A_910, %swap3A_911] : memref<256x1024xf32, #tpu.memory_space<vmem>>, vector<16x64xf32>
    tpu.vector_store %arg13[%swap3A_910, %swap3A_911], %slice3A_909 {strides = array<i32>} : memref<256x1024xf32, #tpu.memory_space<vmem>>, vector<16x64xf32>,
    %slice3A_913 = vector.extract_strided_slice %dot_general3A_876 {offsets = [144, 0], sizes = [16, 64], strides = [1, 1]} : vector<256x64xf32> to vector<16x64xf32>
    %swap3A_914 = arith.constant 176 : index
    %swap3A_915 = arith.constant 576 : index
    %swap3A_916 = vector.load %arg13[%swap3A_914, %swap3A_915] : memref<256x1024xf32, #tpu.memory_space<vmem>>, vector<16x64xf32>
    tpu.vector_store %arg13[%swap3A_914, %swap3A_915], %slice3A_913 {strides = array<i32>} : memref<256x1024xf32, #tpu.memory_space<vmem>>, vector<16x64xf32>,
    %slice3A_917 = vector.extract_strided_slice %dot_general3A_876 {offsets = [160, 0], sizes = [16, 64], strides = [1, 1]} : vector<256x64xf32> to vector<16x64xf32>
    %swap3A_918 = arith.constant 176 : index
    %swap3A_919 = arith.constant 640 : index
    %swap3A_920 = vector.load %arg13[%swap3A_918, %swap3A_919] : memref<256x1024xf32, #tpu.memory_space<vmem>>, vector<16x64xf32>
    tpu.vector_store %arg13[%swap3A_918, %swap3A_919], %slice3A_917 {strides = array<i32>} : memref<256x1024xf32, #tpu.memory_space<vmem>>, vector<16x64xf32>,
    %slice3A_921 = vector.extract_strided_slice %dot_general3A_876 {offsets = [176, 0], sizes = [16, 64], strides = [1, 1]} : vector<256x64xf32> to vector<16x64xf32>
    %swap3A_922 = arith.constant 176 : index
    %swap3A_923 = arith.constant 704 : index
    %swap3A_924 = vector.load %arg13[%swap3A_922, %swap3A_923] : memref<256x1024xf32, #tpu.memory_space<vmem>>, vector<16x64xf32>
    tpu.vector_store %arg13[%swap3A_922, %swap3A_923], %slice3A_921 {strides = array<i32>} : memref<256x1024xf32, #tpu.memory_space<vmem>>, vector<16x64xf32>,
    %slice3A_925 = vector.extract_strided_slice %dot_general3A_876 {offsets = [192, 0], sizes = [16, 64], strides = [1, 1]} : vector<256x64xf32> to vector<16x64xf32>
    %swap3A_926 = arith.constant 176 : index
    %swap3A_927 = arith.constant 768 : index
    %swap3A_928 = vector.load %arg13[%swap3A_926, %swap3A_927] : memref<256x1024xf32, #tpu.memory_space<vmem>>, vector<16x64xf32>
    tpu.vector_store %arg13[%swap3A_926, %swap3A_927], %slice3A_925 {strides = array<i32>} : memref<256x1024xf32, #tpu.memory_space<vmem>>, vector<16x64xf32>,
    %slice3A_929 = vector.extract_strided_slice %dot_general3A_876 {offsets = [208, 0], sizes = [16, 64], strides = [1, 1]} : vector<256x64xf32> to vector<16x64xf32>
    %swap3A_930 = arith.constant 176 : index
    %swap3A_931 = arith.constant 832 : index
    %swap3A_932 = vector.load %arg13[%swap3A_930, %swap3A_931] : memref<256x1024xf32, #tpu.memory_space<vmem>>, vector<16x64xf32>
    tpu.vector_store %arg13[%swap3A_930, %swap3A_931], %slice3A_929 {strides = array<i32>} : memref<256x1024xf32, #tpu.memory_space<vmem>>, vector<16x64xf32>,
    %slice3A_933 = vector.extract_strided_slice %dot_general3A_876 {offsets = [224, 0], sizes = [16, 64], strides = [1, 1]} : vector<256x64xf32> to vector<16x64xf32>
    %swap3A_934 = arith.constant 176 : index
    %swap3A_935 = arith.constant 896 : index
    %swap3A_936 = vector.load %arg13[%swap3A_934, %swap3A_935] : memref<256x1024xf32, #tpu.memory_space<vmem>>, vector<16x64xf32>
    tpu.vector_store %arg13[%swap3A_934, %swap3A_935], %slice3A_933 {strides = array<i32>} : memref<256x1024xf32, #tpu.memory_space<vmem>>, vector<16x64xf32>,
    %slice3A_937 = vector.extract_strided_slice %dot_general3A_876 {offsets = [240, 0], sizes = [16, 64], strides = [1, 1]} : vector<256x64xf32> to vector<16x64xf32>
    %swap3A_938 = arith.constant 176 : index
    %swap3A_939 = arith.constant 960 : index
    %swap3A_940 = vector.load %arg13[%swap3A_938, %swap3A_939] : memref<256x1024xf32, #tpu.memory_space<vmem>>, vector<16x64xf32>
    tpu.vector_store %arg13[%swap3A_938, %swap3A_939], %slice3A_937 {strides = array<i32>} : memref<256x1024xf32, #tpu.memory_space<vmem>>, vector<16x64xf32>,
    %slice3A_941 = vector.extract_strided_slice %convert_element_type3A_124 {offsets = [3072, 0], sizes = [256, 256], strides = [1, 1]} : vector<4096x256xbf16> to vector<256x256xbf16>
    %slice3A_942 = vector.extract_strided_slice %convert_element_type3A_125 {offsets = [3072, 0], sizes = [256, 64], strides = [1, 1]} : vector<4096x64xbf16> to vector<256x64xbf16>
    %dot_general3A_943 = arith.constant dense<0.000000e+00> : vector<256x64xf32>
    %dot_general3A_944 = tpu.matmul %slice3A_941, %slice3A_942, %dot_general3A_943 {dimension_numbers = #tpu.dot_dimension_numbers<[0], [0], [1], [1], [0, 1, 1, 1], [], []>, transpose_lhs_hint = false} : vector<256x256xbf16>, vector<256x64xbf16>, vector<256x64xf32> -> vector<256x64xf32>
    %slice3A_945 = vector.extract_strided_slice %dot_general3A_944 {offsets = [0, 0], sizes = [16, 64], strides = [1, 1]} : vector<256x64xf32> to vector<16x64xf32>
    %swap3A_946 = arith.constant 192 : index
    %swap3A_947 = arith.constant 0 : index
    %swap3A_948 = vector.load %arg13[%swap3A_946, %swap3A_947] : memref<256x1024xf32, #tpu.memory_space<vmem>>, vector<16x64xf32>
    tpu.vector_store %arg13[%swap3A_946, %swap3A_947], %slice3A_945 {strides = array<i32>} : memref<256x1024xf32, #tpu.memory_space<vmem>>, vector<16x64xf32>,
    %slice3A_949 = vector.extract_strided_slice %dot_general3A_944 {offsets = [16, 0], sizes = [16, 64], strides = [1, 1]} : vector<256x64xf32> to vector<16x64xf32>
    %swap3A_950 = arith.constant 192 : index
    %swap3A_951 = arith.constant 64 : index
    %swap3A_952 = vector.load %arg13[%swap3A_950, %swap3A_951] : memref<256x1024xf32, #tpu.memory_space<vmem>>, vector<16x64xf32>
    tpu.vector_store %arg13[%swap3A_950, %swap3A_951], %slice3A_949 {strides = array<i32>} : memref<256x1024xf32, #tpu.memory_space<vmem>>, vector<16x64xf32>,
    %slice3A_953 = vector.extract_strided_slice %dot_general3A_944 {offsets = [32, 0], sizes = [16, 64], strides = [1, 1]} : vector<256x64xf32> to vector<16x64xf32>
    %swap3A_954 = arith.constant 192 : index
    %swap3A_955 = arith.constant 128 : index
    %swap3A_956 = vector.load %arg13[%swap3A_954, %swap3A_955] : memref<256x1024xf32, #tpu.memory_space<vmem>>, vector<16x64xf32>
    tpu.vector_store %arg13[%swap3A_954, %swap3A_955], %slice3A_953 {strides = array<i32>} : memref<256x1024xf32, #tpu.memory_space<vmem>>, vector<16x64xf32>,
    %slice3A_957 = vector.extract_strided_slice %dot_general3A_944 {offsets = [48, 0], sizes = [16, 64], strides = [1, 1]} : vector<256x64xf32> to vector<16x64xf32>
    %swap3A_958 = arith.constant 192 : index
    %swap3A_959 = arith.constant 192 : index
    %swap3A_960 = vector.load %arg13[%swap3A_958, %swap3A_959] : memref<256x1024xf32, #tpu.memory_space<vmem>>, vector<16x64xf32>
    tpu.vector_store %arg13[%swap3A_958, %swap3A_959], %slice3A_957 {strides = array<i32>} : memref<256x1024xf32, #tpu.memory_space<vmem>>, vector<16x64xf32>,
    %slice3A_961 = vector.extract_strided_slice %dot_general3A_944 {offsets = [64, 0], sizes = [16, 64], strides = [1, 1]} : vector<256x64xf32> to vector<16x64xf32>
    %swap3A_962 = arith.constant 192 : index
    %swap3A_963 = arith.constant 256 : index
    %swap3A_964 = vector.load %arg13[%swap3A_962, %swap3A_963] : memref<256x1024xf32, #tpu.memory_space<vmem>>, vector<16x64xf32>
    tpu.vector_store %arg13[%swap3A_962, %swap3A_963], %slice3A_961 {strides = array<i32>} : memref<256x1024xf32, #tpu.memory_space<vmem>>, vector<16x64xf32>,
    %slice3A_965 = vector.extract_strided_slice %dot_general3A_944 {offsets = [80, 0], sizes = [16, 64], strides = [1, 1]} : vector<256x64xf32> to vector<16x64xf32>
    %swap3A_966 = arith.constant 192 : index
    %swap3A_967 = arith.constant 320 : index
    %swap3A_968 = vector.load %arg13[%swap3A_966, %swap3A_967] : memref<256x1024xf32, #tpu.memory_space<vmem>>, vector<16x64xf32>
    tpu.vector_store %arg13[%swap3A_966, %swap3A_967], %slice3A_965 {strides = array<i32>} : memref<256x1024xf32, #tpu.memory_space<vmem>>, vector<16x64xf32>,
    %slice3A_969 = vector.extract_strided_slice %dot_general3A_944 {offsets = [96, 0], sizes = [16, 64], strides = [1, 1]} : vector<256x64xf32> to vector<16x64xf32>
    %swap3A_970 = arith.constant 192 : index
    %swap3A_971 = arith.constant 384 : index
    %swap3A_972 = vector.load %arg13[%swap3A_970, %swap3A_971] : memref<256x1024xf32, #tpu.memory_space<vmem>>, vector<16x64xf32>
    tpu.vector_store %arg13[%swap3A_970, %swap3A_971], %slice3A_969 {strides = array<i32>} : memref<256x1024xf32, #tpu.memory_space<vmem>>, vector<16x64xf32>,
    %slice3A_973 = vector.extract_strided_slice %dot_general3A_944 {offsets = [112, 0], sizes = [16, 64], strides = [1, 1]} : vector<256x64xf32> to vector<16x64xf32>
    %swap3A_974 = arith.constant 192 : index
    %swap3A_975 = arith.constant 448 : index
    %swap3A_976 = vector.load %arg13[%swap3A_974, %swap3A_975] : memref<256x1024xf32, #tpu.memory_space<vmem>>, vector<16x64xf32>
    tpu.vector_store %arg13[%swap3A_974, %swap3A_975], %slice3A_973 {strides = array<i32>} : memref<256x1024xf32, #tpu.memory_space<vmem>>, vector<16x64xf32>,
    %slice3A_977 = vector.extract_strided_slice %dot_general3A_944 {offsets = [128, 0], sizes = [16, 64], strides = [1, 1]} : vector<256x64xf32> to vector<16x64xf32>
    %swap3A_978 = arith.constant 192 : index
    %swap3A_979 = arith.constant 512 : index
    %swap3A_980 = vector.load %arg13[%swap3A_978, %swap3A_979] : memref<256x1024xf32, #tpu.memory_space<vmem>>, vector<16x64xf32>
    tpu.vector_store %arg13[%swap3A_978, %swap3A_979], %slice3A_977 {strides = array<i32>} : memref<256x1024xf32, #tpu.memory_space<vmem>>, vector<16x64xf32>,
    %slice3A_981 = vector.extract_strided_slice %dot_general3A_944 {offsets = [144, 0], sizes = [16, 64], strides = [1, 1]} : vector<256x64xf32> to vector<16x64xf32>
    %swap3A_982 = arith.constant 192 : index
    %swap3A_983 = arith.constant 576 : index
    %swap3A_984 = vector.load %arg13[%swap3A_982, %swap3A_983] : memref<256x1024xf32, #tpu.memory_space<vmem>>, vector<16x64xf32>
    tpu.vector_store %arg13[%swap3A_982, %swap3A_983], %slice3A_981 {strides = array<i32>} : memref<256x1024xf32, #tpu.memory_space<vmem>>, vector<16x64xf32>,
    %slice3A_985 = vector.extract_strided_slice %dot_general3A_944 {offsets = [160, 0], sizes = [16, 64], strides = [1, 1]} : vector<256x64xf32> to vector<16x64xf32>
    %swap3A_986 = arith.constant 192 : index
    %swap3A_987 = arith.constant 640 : index
    %swap3A_988 = vector.load %arg13[%swap3A_986, %swap3A_987] : memref<256x1024xf32, #tpu.memory_space<vmem>>, vector<16x64xf32>
    tpu.vector_store %arg13[%swap3A_986, %swap3A_987], %slice3A_985 {strides = array<i32>} : memref<256x1024xf32, #tpu.memory_space<vmem>>, vector<16x64xf32>,
    %slice3A_989 = vector.extract_strided_slice %dot_general3A_944 {offsets = [176, 0], sizes = [16, 64], strides = [1, 1]} : vector<256x64xf32> to vector<16x64xf32>
    %swap3A_990 = arith.constant 192 : index
    %swap3A_991 = arith.constant 704 : index
    %swap3A_992 = vector.load %arg13[%swap3A_990, %swap3A_991] : memref<256x1024xf32, #tpu.memory_space<vmem>>, vector<16x64xf32>
    tpu.vector_store %arg13[%swap3A_990, %swap3A_991], %slice3A_989 {strides = array<i32>} : memref<256x1024xf32, #tpu.memory_space<vmem>>, vector<16x64xf32>,
    %slice3A_993 = vector.extract_strided_slice %dot_general3A_944 {offsets = [192, 0], sizes = [16, 64], strides = [1, 1]} : vector<256x64xf32> to vector<16x64xf32>
    %swap3A_994 = arith.constant 192 : index
    %swap3A_995 = arith.constant 768 : index
    %swap3A_996 = vector.load %arg13[%swap3A_994, %swap3A_995] : memref<256x1024xf32, #tpu.memory_space<vmem>>, vector<16x64xf32>
    tpu.vector_store %arg13[%swap3A_994, %swap3A_995], %slice3A_993 {strides = array<i32>} : memref<256x1024xf32, #tpu.memory_space<vmem>>, vector<16x64xf32>,
    %slice3A_997 = vector.extract_strided_slice %dot_general3A_944 {offsets = [208, 0], sizes = [16, 64], strides = [1, 1]} : vector<256x64xf32> to vector<16x64xf32>
    %swap3A_998 = arith.constant 192 : index
    %swap3A_999 = arith.constant 832 : index
    %swap3A_1000 = vector.load %arg13[%swap3A_998, %swap3A_999] : memref<256x1024xf32, #tpu.memory_space<vmem>>, vector<16x64xf32>
    tpu.vector_store %arg13[%swap3A_998, %swap3A_999], %slice3A_997 {strides = array<i32>} : memref<256x1024xf32, #tpu.memory_space<vmem>>, vector<16x64xf32>,
    %slice3A_1001 = vector.extract_strided_slice %dot_general3A_944 {offsets = [224, 0], sizes = [16, 64], strides = [1, 1]} : vector<256x64xf32> to vector<16x64xf32>
    %swap3A_1002 = arith.constant 192 : index
    %swap3A_1003 = arith.constant 896 : index
    %swap3A_1004 = vector.load %arg13[%swap3A_1002, %swap3A_1003] : memref<256x1024xf32, #tpu.memory_space<vmem>>, vector<16x64xf32>
    tpu.vector_store %arg13[%swap3A_1002, %swap3A_1003], %slice3A_1001 {strides = array<i32>} : memref<256x1024xf32, #tpu.memory_space<vmem>>, vector<16x64xf32>,
    %slice3A_1005 = vector.extract_strided_slice %dot_general3A_944 {offsets = [240, 0], sizes = [16, 64], strides = [1, 1]} : vector<256x64xf32> to vector<16x64xf32>
    %swap3A_1006 = arith.constant 192 : index
    %swap3A_1007 = arith.constant 960 : index
    %swap3A_1008 = vector.load %arg13[%swap3A_1006, %swap3A_1007] : memref<256x1024xf32, #tpu.memory_space<vmem>>, vector<16x64xf32>
    tpu.vector_store %arg13[%swap3A_1006, %swap3A_1007], %slice3A_1005 {strides = array<i32>} : memref<256x1024xf32, #tpu.memory_space<vmem>>, vector<16x64xf32>,
    %slice3A_1009 = vector.extract_strided_slice %convert_element_type3A_124 {offsets = [3328, 0], sizes = [256, 256], strides = [1, 1]} : vector<4096x256xbf16> to vector<256x256xbf16>
    %slice3A_1010 = vector.extract_strided_slice %convert_element_type3A_125 {offsets = [3328, 0], sizes = [256, 64], strides = [1, 1]} : vector<4096x64xbf16> to vector<256x64xbf16>
    %dot_general3A_1011 = arith.constant dense<0.000000e+00> : vector<256x64xf32>
    %dot_general3A_1012 = tpu.matmul %slice3A_1009, %slice3A_1010, %dot_general3A_1011 {dimension_numbers = #tpu.dot_dimension_numbers<[0], [0], [1], [1], [0, 1, 1, 1], [], []>, transpose_lhs_hint = false} : vector<256x256xbf16>, vector<256x64xbf16>, vector<256x64xf32> -> vector<256x64xf32>
    %slice3A_1013 = vector.extract_strided_slice %dot_general3A_1012 {offsets = [0, 0], sizes = [16, 64], strides = [1, 1]} : vector<256x64xf32> to vector<16x64xf32>
    %swap3A_1014 = arith.constant 208 : index
    %swap3A_1015 = arith.constant 0 : index
    %swap3A_1016 = vector.load %arg13[%swap3A_1014, %swap3A_1015] : memref<256x1024xf32, #tpu.memory_space<vmem>>, vector<16x64xf32>
    tpu.vector_store %arg13[%swap3A_1014, %swap3A_1015], %slice3A_1013 {strides = array<i32>} : memref<256x1024xf32, #tpu.memory_space<vmem>>, vector<16x64xf32>,
    %slice3A_1017 = vector.extract_strided_slice %dot_general3A_1012 {offsets = [16, 0], sizes = [16, 64], strides = [1, 1]} : vector<256x64xf32> to vector<16x64xf32>
    %swap3A_1018 = arith.constant 208 : index
    %swap3A_1019 = arith.constant 64 : index
    %swap3A_1020 = vector.load %arg13[%swap3A_1018, %swap3A_1019] : memref<256x1024xf32, #tpu.memory_space<vmem>>, vector<16x64xf32>
    tpu.vector_store %arg13[%swap3A_1018, %swap3A_1019], %slice3A_1017 {strides = array<i32>} : memref<256x1024xf32, #tpu.memory_space<vmem>>, vector<16x64xf32>,
    %slice3A_1021 = vector.extract_strided_slice %dot_general3A_1012 {offsets = [32, 0], sizes = [16, 64], strides = [1, 1]} : vector<256x64xf32> to vector<16x64xf32>
    %swap3A_1022 = arith.constant 208 : index
    %swap3A_1023 = arith.constant 128 : index
    %swap3A_1024 = vector.load %arg13[%swap3A_1022, %swap3A_1023] : memref<256x1024xf32, #tpu.memory_space<vmem>>, vector<16x64xf32>
    tpu.vector_store %arg13[%swap3A_1022, %swap3A_1023], %slice3A_1021 {strides = array<i32>} : memref<256x1024xf32, #tpu.memory_space<vmem>>, vector<16x64xf32>,
    %slice3A_1025 = vector.extract_strided_slice %dot_general3A_1012 {offsets = [48, 0], sizes = [16, 64], strides = [1, 1]} : vector<256x64xf32> to vector<16x64xf32>
    %swap3A_1026 = arith.constant 208 : index
    %swap3A_1027 = arith.constant 192 : index
    %swap3A_1028 = vector.load %arg13[%swap3A_1026, %swap3A_1027] : memref<256x1024xf32, #tpu.memory_space<vmem>>, vector<16x64xf32>
    tpu.vector_store %arg13[%swap3A_1026, %swap3A_1027], %slice3A_1025 {strides = array<i32>} : memref<256x1024xf32, #tpu.memory_space<vmem>>, vector<16x64xf32>,
    %slice3A_1029 = vector.extract_strided_slice %dot_general3A_1012 {offsets = [64, 0], sizes = [16, 64], strides = [1, 1]} : vector<256x64xf32> to vector<16x64xf32>
    %swap3A_1030 = arith.constant 208 : index
    %swap3A_1031 = arith.constant 256 : index
    %swap3A_1032 = vector.load %arg13[%swap3A_1030, %swap3A_1031] : memref<256x1024xf32, #tpu.memory_space<vmem>>, vector<16x64xf32>
    tpu.vector_store %arg13[%swap3A_1030, %swap3A_1031], %slice3A_1029 {strides = array<i32>} : memref<256x1024xf32, #tpu.memory_space<vmem>>, vector<16x64xf32>,
    %slice3A_1033 = vector.extract_strided_slice %dot_general3A_1012 {offsets = [80, 0], sizes = [16, 64], strides = [1, 1]} : vector<256x64xf32> to vector<16x64xf32>
    %swap3A_1034 = arith.constant 208 : index
    %swap3A_1035 = arith.constant 320 : index
    %swap3A_1036 = vector.load %arg13[%swap3A_1034, %swap3A_1035] : memref<256x1024xf32, #tpu.memory_space<vmem>>, vector<16x64xf32>
    tpu.vector_store %arg13[%swap3A_1034, %swap3A_1035], %slice3A_1033 {strides = array<i32>} : memref<256x1024xf32, #tpu.memory_space<vmem>>, vector<16x64xf32>,
    %slice3A_1037 = vector.extract_strided_slice %dot_general3A_1012 {offsets = [96, 0], sizes = [16, 64], strides = [1, 1]} : vector<256x64xf32> to vector<16x64xf32>
    %swap3A_1038 = arith.constant 208 : index
    %swap3A_1039 = arith.constant 384 : index
    %swap3A_1040 = vector.load %arg13[%swap3A_1038, %swap3A_1039] : memref<256x1024xf32, #tpu.memory_space<vmem>>, vector<16x64xf32>
    tpu.vector_store %arg13[%swap3A_1038, %swap3A_1039], %slice3A_1037 {strides = array<i32>} : memref<256x1024xf32, #tpu.memory_space<vmem>>, vector<16x64xf32>,
    %slice3A_1041 = vector.extract_strided_slice %dot_general3A_1012 {offsets = [112, 0], sizes = [16, 64], strides = [1, 1]} : vector<256x64xf32> to vector<16x64xf32>
    %swap3A_1042 = arith.constant 208 : index
    %swap3A_1043 = arith.constant 448 : index
    %swap3A_1044 = vector.load %arg13[%swap3A_1042, %swap3A_1043] : memref<256x1024xf32, #tpu.memory_space<vmem>>, vector<16x64xf32>
    tpu.vector_store %arg13[%swap3A_1042, %swap3A_1043], %slice3A_1041 {strides = array<i32>} : memref<256x1024xf32, #tpu.memory_space<vmem>>, vector<16x64xf32>,
    %slice3A_1045 = vector.extract_strided_slice %dot_general3A_1012 {offsets = [128, 0], sizes = [16, 64], strides = [1, 1]} : vector<256x64xf32> to vector<16x64xf32>
    %swap3A_1046 = arith.constant 208 : index
    %swap3A_1047 = arith.constant 512 : index
    %swap3A_1048 = vector.load %arg13[%swap3A_1046, %swap3A_1047] : memref<256x1024xf32, #tpu.memory_space<vmem>>, vector<16x64xf32>
    tpu.vector_store %arg13[%swap3A_1046, %swap3A_1047], %slice3A_1045 {strides = array<i32>} : memref<256x1024xf32, #tpu.memory_space<vmem>>, vector<16x64xf32>,
    %slice3A_1049 = vector.extract_strided_slice %dot_general3A_1012 {offsets = [144, 0], sizes = [16, 64], strides = [1, 1]} : vector<256x64xf32> to vector<16x64xf32>
    %swap3A_1050 = arith.constant 208 : index
    %swap3A_1051 = arith.constant 576 : index
    %swap3A_1052 = vector.load %arg13[%swap3A_1050, %swap3A_1051] : memref<256x1024xf32, #tpu.memory_space<vmem>>, vector<16x64xf32>
    tpu.vector_store %arg13[%swap3A_1050, %swap3A_1051], %slice3A_1049 {strides = array<i32>} : memref<256x1024xf32, #tpu.memory_space<vmem>>, vector<16x64xf32>,
    %slice3A_1053 = vector.extract_strided_slice %dot_general3A_1012 {offsets = [160, 0], sizes = [16, 64], strides = [1, 1]} : vector<256x64xf32> to vector<16x64xf32>
    %swap3A_1054 = arith.constant 208 : index
    %swap3A_1055 = arith.constant 640 : index
    %swap3A_1056 = vector.load %arg13[%swap3A_1054, %swap3A_1055] : memref<256x1024xf32, #tpu.memory_space<vmem>>, vector<16x64xf32>
    tpu.vector_store %arg13[%swap3A_1054, %swap3A_1055], %slice3A_1053 {strides = array<i32>} : memref<256x1024xf32, #tpu.memory_space<vmem>>, vector<16x64xf32>,
    %slice3A_1057 = vector.extract_strided_slice %dot_general3A_1012 {offsets = [176, 0], sizes = [16, 64], strides = [1, 1]} : vector<256x64xf32> to vector<16x64xf32>
    %swap3A_1058 = arith.constant 208 : index
    %swap3A_1059 = arith.constant 704 : index
    %swap3A_1060 = vector.load %arg13[%swap3A_1058, %swap3A_1059] : memref<256x1024xf32, #tpu.memory_space<vmem>>, vector<16x64xf32>
    tpu.vector_store %arg13[%swap3A_1058, %swap3A_1059], %slice3A_1057 {strides = array<i32>} : memref<256x1024xf32, #tpu.memory_space<vmem>>, vector<16x64xf32>,
    %slice3A_1061 = vector.extract_strided_slice %dot_general3A_1012 {offsets = [192, 0], sizes = [16, 64], strides = [1, 1]} : vector<256x64xf32> to vector<16x64xf32>
    %swap3A_1062 = arith.constant 208 : index
    %swap3A_1063 = arith.constant 768 : index
    %swap3A_1064 = vector.load %arg13[%swap3A_1062, %swap3A_1063] : memref<256x1024xf32, #tpu.memory_space<vmem>>, vector<16x64xf32>
    tpu.vector_store %arg13[%swap3A_1062, %swap3A_1063], %slice3A_1061 {strides = array<i32>} : memref<256x1024xf32, #tpu.memory_space<vmem>>, vector<16x64xf32>,
    %slice3A_1065 = vector.extract_strided_slice %dot_general3A_1012 {offsets = [208, 0], sizes = [16, 64], strides = [1, 1]} : vector<256x64xf32> to vector<16x64xf32>
    %swap3A_1066 = arith.constant 208 : index
    %swap3A_1067 = arith.constant 832 : index
    %swap3A_1068 = vector.load %arg13[%swap3A_1066, %swap3A_1067] : memref<256x1024xf32, #tpu.memory_space<vmem>>, vector<16x64xf32>
    tpu.vector_store %arg13[%swap3A_1066, %swap3A_1067], %slice3A_1065 {strides = array<i32>} : memref<256x1024xf32, #tpu.memory_space<vmem>>, vector<16x64xf32>,
    %slice3A_1069 = vector.extract_strided_slice %dot_general3A_1012 {offsets = [224, 0], sizes = [16, 64], strides = [1, 1]} : vector<256x64xf32> to vector<16x64xf32>
    %swap3A_1070 = arith.constant 208 : index
    %swap3A_1071 = arith.constant 896 : index
    %swap3A_1072 = vector.load %arg13[%swap3A_1070, %swap3A_1071] : memref<256x1024xf32, #tpu.memory_space<vmem>>, vector<16x64xf32>
    tpu.vector_store %arg13[%swap3A_1070, %swap3A_1071], %slice3A_1069 {strides = array<i32>} : memref<256x1024xf32, #tpu.memory_space<vmem>>, vector<16x64xf32>,
    %slice3A_1073 = vector.extract_strided_slice %dot_general3A_1012 {offsets = [240, 0], sizes = [16, 64], strides = [1, 1]} : vector<256x64xf32> to vector<16x64xf32>
    %swap3A_1074 = arith.constant 208 : index
    %swap3A_1075 = arith.constant 960 : index
    %swap3A_1076 = vector.load %arg13[%swap3A_1074, %swap3A_1075] : memref<256x1024xf32, #tpu.memory_space<vmem>>, vector<16x64xf32>
    tpu.vector_store %arg13[%swap3A_1074, %swap3A_1075], %slice3A_1073 {strides = array<i32>} : memref<256x1024xf32, #tpu.memory_space<vmem>>, vector<16x64xf32>,
    %slice3A_1077 = vector.extract_strided_slice %convert_element_type3A_124 {offsets = [3584, 0], sizes = [256, 256], strides = [1, 1]} : vector<4096x256xbf16> to vector<256x256xbf16>
    %slice3A_1078 = vector.extract_strided_slice %convert_element_type3A_125 {offsets = [3584, 0], sizes = [256, 64], strides = [1, 1]} : vector<4096x64xbf16> to vector<256x64xbf16>
    %dot_general3A_1079 = arith.constant dense<0.000000e+00> : vector<256x64xf32>
    %dot_general3A_1080 = tpu.matmul %slice3A_1077, %slice3A_1078, %dot_general3A_1079 {dimension_numbers = #tpu.dot_dimension_numbers<[0], [0], [1], [1], [0, 1, 1, 1], [], []>, transpose_lhs_hint = false} : vector<256x256xbf16>, vector<256x64xbf16>, vector<256x64xf32> -> vector<256x64xf32>
    %slice3A_1081 = vector.extract_strided_slice %dot_general3A_1080 {offsets = [0, 0], sizes = [16, 64], strides = [1, 1]} : vector<256x64xf32> to vector<16x64xf32>
    %swap3A_1082 = arith.constant 224 : index
    %swap3A_1083 = arith.constant 0 : index
    %swap3A_1084 = vector.load %arg13[%swap3A_1082, %swap3A_1083] : memref<256x1024xf32, #tpu.memory_space<vmem>>, vector<16x64xf32>
    tpu.vector_store %arg13[%swap3A_1082, %swap3A_1083], %slice3A_1081 {strides = array<i32>} : memref<256x1024xf32, #tpu.memory_space<vmem>>, vector<16x64xf32>,
    %slice3A_1085 = vector.extract_strided_slice %dot_general3A_1080 {offsets = [16, 0], sizes = [16, 64], strides = [1, 1]} : vector<256x64xf32> to vector<16x64xf32>
    %swap3A_1086 = arith.constant 224 : index
    %swap3A_1087 = arith.constant 64 : index
    %swap3A_1088 = vector.load %arg13[%swap3A_1086, %swap3A_1087] : memref<256x1024xf32, #tpu.memory_space<vmem>>, vector<16x64xf32>
    tpu.vector_store %arg13[%swap3A_1086, %swap3A_1087], %slice3A_1085 {strides = array<i32>} : memref<256x1024xf32, #tpu.memory_space<vmem>>, vector<16x64xf32>,
    %slice3A_1089 = vector.extract_strided_slice %dot_general3A_1080 {offsets = [32, 0], sizes = [16, 64], strides = [1, 1]} : vector<256x64xf32> to vector<16x64xf32>
    %swap3A_1090 = arith.constant 224 : index
    %swap3A_1091 = arith.constant 128 : index
    %swap3A_1092 = vector.load %arg13[%swap3A_1090, %swap3A_1091] : memref<256x1024xf32, #tpu.memory_space<vmem>>, vector<16x64xf32>
    tpu.vector_store %arg13[%swap3A_1090, %swap3A_1091], %slice3A_1089 {strides = array<i32>} : memref<256x1024xf32, #tpu.memory_space<vmem>>, vector<16x64xf32>,
    %slice3A_1093 = vector.extract_strided_slice %dot_general3A_1080 {offsets = [48, 0], sizes = [16, 64], strides = [1, 1]} : vector<256x64xf32> to vector<16x64xf32>
    %swap3A_1094 = arith.constant 224 : index
    %swap3A_1095 = arith.constant 192 : index
    %swap3A_1096 = vector.load %arg13[%swap3A_1094, %swap3A_1095] : memref<256x1024xf32, #tpu.memory_space<vmem>>, vector<16x64xf32>
    tpu.vector_store %arg13[%swap3A_1094, %swap3A_1095], %slice3A_1093 {strides = array<i32>} : memref<256x1024xf32, #tpu.memory_space<vmem>>, vector<16x64xf32>,
    %slice3A_1097 = vector.extract_strided_slice %dot_general3A_1080 {offsets = [64, 0], sizes = [16, 64], strides = [1, 1]} : vector<256x64xf32> to vector<16x64xf32>
    %swap3A_1098 = arith.constant 224 : index
    %swap3A_1099 = arith.constant 256 : index
    %swap3A_1100 = vector.load %arg13[%swap3A_1098, %swap3A_1099] : memref<256x1024xf32, #tpu.memory_space<vmem>>, vector<16x64xf32>
    tpu.vector_store %arg13[%swap3A_1098, %swap3A_1099], %slice3A_1097 {strides = array<i32>} : memref<256x1024xf32, #tpu.memory_space<vmem>>, vector<16x64xf32>,
    %slice3A_1101 = vector.extract_strided_slice %dot_general3A_1080 {offsets = [80, 0], sizes = [16, 64], strides = [1, 1]} : vector<256x64xf32> to vector<16x64xf32>
    %swap3A_1102 = arith.constant 224 : index
    %swap3A_1103 = arith.constant 320 : index
    %swap3A_1104 = vector.load %arg13[%swap3A_1102, %swap3A_1103] : memref<256x1024xf32, #tpu.memory_space<vmem>>, vector<16x64xf32>
    tpu.vector_store %arg13[%swap3A_1102, %swap3A_1103], %slice3A_1101 {strides = array<i32>} : memref<256x1024xf32, #tpu.memory_space<vmem>>, vector<16x64xf32>,
    %slice3A_1105 = vector.extract_strided_slice %dot_general3A_1080 {offsets = [96, 0], sizes = [16, 64], strides = [1, 1]} : vector<256x64xf32> to vector<16x64xf32>
    %swap3A_1106 = arith.constant 224 : index
    %swap3A_1107 = arith.constant 384 : index
    %swap3A_1108 = vector.load %arg13[%swap3A_1106, %swap3A_1107] : memref<256x1024xf32, #tpu.memory_space<vmem>>, vector<16x64xf32>
    tpu.vector_store %arg13[%swap3A_1106, %swap3A_1107], %slice3A_1105 {strides = array<i32>} : memref<256x1024xf32, #tpu.memory_space<vmem>>, vector<16x64xf32>,
    %slice3A_1109 = vector.extract_strided_slice %dot_general3A_1080 {offsets = [112, 0], sizes = [16, 64], strides = [1, 1]} : vector<256x64xf32> to vector<16x64xf32>
    %swap3A_1110 = arith.constant 224 : index
    %swap3A_1111 = arith.constant 448 : index
    %swap3A_1112 = vector.load %arg13[%swap3A_1110, %swap3A_1111] : memref<256x1024xf32, #tpu.memory_space<vmem>>, vector<16x64xf32>
    tpu.vector_store %arg13[%swap3A_1110, %swap3A_1111], %slice3A_1109 {strides = array<i32>} : memref<256x1024xf32, #tpu.memory_space<vmem>>, vector<16x64xf32>,
    %slice3A_1113 = vector.extract_strided_slice %dot_general3A_1080 {offsets = [128, 0], sizes = [16, 64], strides = [1, 1]} : vector<256x64xf32> to vector<16x64xf32>
    %swap3A_1114 = arith.constant 224 : index
    %swap3A_1115 = arith.constant 512 : index
    %swap3A_1116 = vector.load %arg13[%swap3A_1114, %swap3A_1115] : memref<256x1024xf32, #tpu.memory_space<vmem>>, vector<16x64xf32>
    tpu.vector_store %arg13[%swap3A_1114, %swap3A_1115], %slice3A_1113 {strides = array<i32>} : memref<256x1024xf32, #tpu.memory_space<vmem>>, vector<16x64xf32>,
    %slice3A_1117 = vector.extract_strided_slice %dot_general3A_1080 {offsets = [144, 0], sizes = [16, 64], strides = [1, 1]} : vector<256x64xf32> to vector<16x64xf32>
    %swap3A_1118 = arith.constant 224 : index
    %swap3A_1119 = arith.constant 576 : index
    %swap3A_1120 = vector.load %arg13[%swap3A_1118, %swap3A_1119] : memref<256x1024xf32, #tpu.memory_space<vmem>>, vector<16x64xf32>
    tpu.vector_store %arg13[%swap3A_1118, %swap3A_1119], %slice3A_1117 {strides = array<i32>} : memref<256x1024xf32, #tpu.memory_space<vmem>>, vector<16x64xf32>,
    %slice3A_1121 = vector.extract_strided_slice %dot_general3A_1080 {offsets = [160, 0], sizes = [16, 64], strides = [1, 1]} : vector<256x64xf32> to vector<16x64xf32>
    %swap3A_1122 = arith.constant 224 : index
    %swap3A_1123 = arith.constant 640 : index
    %swap3A_1124 = vector.load %arg13[%swap3A_1122, %swap3A_1123] : memref<256x1024xf32, #tpu.memory_space<vmem>>, vector<16x64xf32>
    tpu.vector_store %arg13[%swap3A_1122, %swap3A_1123], %slice3A_1121 {strides = array<i32>} : memref<256x1024xf32, #tpu.memory_space<vmem>>, vector<16x64xf32>,
    %slice3A_1125 = vector.extract_strided_slice %dot_general3A_1080 {offsets = [176, 0], sizes = [16, 64], strides = [1, 1]} : vector<256x64xf32> to vector<16x64xf32>
    %swap3A_1126 = arith.constant 224 : index
    %swap3A_1127 = arith.constant 704 : index
    %swap3A_1128 = vector.load %arg13[%swap3A_1126, %swap3A_1127] : memref<256x1024xf32, #tpu.memory_space<vmem>>, vector<16x64xf32>
    tpu.vector_store %arg13[%swap3A_1126, %swap3A_1127], %slice3A_1125 {strides = array<i32>} : memref<256x1024xf32, #tpu.memory_space<vmem>>, vector<16x64xf32>,
    %slice3A_1129 = vector.extract_strided_slice %dot_general3A_1080 {offsets = [192, 0], sizes = [16, 64], strides = [1, 1]} : vector<256x64xf32> to vector<16x64xf32>
    %swap3A_1130 = arith.constant 224 : index
    %swap3A_1131 = arith.constant 768 : index
    %swap3A_1132 = vector.load %arg13[%swap3A_1130, %swap3A_1131] : memref<256x1024xf32, #tpu.memory_space<vmem>>, vector<16x64xf32>
    tpu.vector_store %arg13[%swap3A_1130, %swap3A_1131], %slice3A_1129 {strides = array<i32>} : memref<256x1024xf32, #tpu.memory_space<vmem>>, vector<16x64xf32>,
    %slice3A_1133 = vector.extract_strided_slice %dot_general3A_1080 {offsets = [208, 0], sizes = [16, 64], strides = [1, 1]} : vector<256x64xf32> to vector<16x64xf32>
    %swap3A_1134 = arith.constant 224 : index
    %swap3A_1135 = arith.constant 832 : index
    %swap3A_1136 = vector.load %arg13[%swap3A_1134, %swap3A_1135] : memref<256x1024xf32, #tpu.memory_space<vmem>>, vector<16x64xf32>
    tpu.vector_store %arg13[%swap3A_1134, %swap3A_1135], %slice3A_1133 {strides = array<i32>} : memref<256x1024xf32, #tpu.memory_space<vmem>>, vector<16x64xf32>,
    %slice3A_1137 = vector.extract_strided_slice %dot_general3A_1080 {offsets = [224, 0], sizes = [16, 64], strides = [1, 1]} : vector<256x64xf32> to vector<16x64xf32>
    %swap3A_1138 = arith.constant 224 : index
    %swap3A_1139 = arith.constant 896 : index
    %swap3A_1140 = vector.load %arg13[%swap3A_1138, %swap3A_1139] : memref<256x1024xf32, #tpu.memory_space<vmem>>, vector<16x64xf32>
    tpu.vector_store %arg13[%swap3A_1138, %swap3A_1139], %slice3A_1137 {strides = array<i32>} : memref<256x1024xf32, #tpu.memory_space<vmem>>, vector<16x64xf32>,
    %slice3A_1141 = vector.extract_strided_slice %dot_general3A_1080 {offsets = [240, 0], sizes = [16, 64], strides = [1, 1]} : vector<256x64xf32> to vector<16x64xf32>
    %swap3A_1142 = arith.constant 224 : index
    %swap3A_1143 = arith.constant 960 : index
    %swap3A_1144 = vector.load %arg13[%swap3A_1142, %swap3A_1143] : memref<256x1024xf32, #tpu.memory_space<vmem>>, vector<16x64xf32>
    tpu.vector_store %arg13[%swap3A_1142, %swap3A_1143], %slice3A_1141 {strides = array<i32>} : memref<256x1024xf32, #tpu.memory_space<vmem>>, vector<16x64xf32>,
    %slice3A_1145 = vector.extract_strided_slice %convert_element_type3A_124 {offsets = [3840, 0], sizes = [256, 256], strides = [1, 1]} : vector<4096x256xbf16> to vector<256x256xbf16>
    %slice3A_1146 = vector.extract_strided_slice %convert_element_type3A_125 {offsets = [3840, 0], sizes = [256, 64], strides = [1, 1]} : vector<4096x64xbf16> to vector<256x64xbf16>
    %dot_general3A_1147 = arith.constant dense<0.000000e+00> : vector<256x64xf32>
    %dot_general3A_1148 = tpu.matmul %slice3A_1145, %slice3A_1146, %dot_general3A_1147 {dimension_numbers = #tpu.dot_dimension_numbers<[0], [0], [1], [1], [0, 1, 1, 1], [], []>, transpose_lhs_hint = false} : vector<256x256xbf16>, vector<256x64xbf16>, vector<256x64xf32> -> vector<256x64xf32>
    %slice3A_1149 = vector.extract_strided_slice %dot_general3A_1148 {offsets = [0, 0], sizes = [16, 64], strides = [1, 1]} : vector<256x64xf32> to vector<16x64xf32>
    %swap3A_1150 = arith.constant 240 : index
    %swap3A_1151 = arith.constant 0 : index
    %swap3A_1152 = vector.load %arg13[%swap3A_1150, %swap3A_1151] : memref<256x1024xf32, #tpu.memory_space<vmem>>, vector<16x64xf32>
    tpu.vector_store %arg13[%swap3A_1150, %swap3A_1151], %slice3A_1149 {strides = array<i32>} : memref<256x1024xf32, #tpu.memory_space<vmem>>, vector<16x64xf32>,
    %slice3A_1153 = vector.extract_strided_slice %dot_general3A_1148 {offsets = [16, 0], sizes = [16, 64], strides = [1, 1]} : vector<256x64xf32> to vector<16x64xf32>
    %swap3A_1154 = arith.constant 240 : index
    %swap3A_1155 = arith.constant 64 : index
    %swap3A_1156 = vector.load %arg13[%swap3A_1154, %swap3A_1155] : memref<256x1024xf32, #tpu.memory_space<vmem>>, vector<16x64xf32>
    tpu.vector_store %arg13[%swap3A_1154, %swap3A_1155], %slice3A_1153 {strides = array<i32>} : memref<256x1024xf32, #tpu.memory_space<vmem>>, vector<16x64xf32>,
    %slice3A_1157 = vector.extract_strided_slice %dot_general3A_1148 {offsets = [32, 0], sizes = [16, 64], strides = [1, 1]} : vector<256x64xf32> to vector<16x64xf32>
    %swap3A_1158 = arith.constant 240 : index
    %swap3A_1159 = arith.constant 128 : index
    %swap3A_1160 = vector.load %arg13[%swap3A_1158, %swap3A_1159] : memref<256x1024xf32, #tpu.memory_space<vmem>>, vector<16x64xf32>
    tpu.vector_store %arg13[%swap3A_1158, %swap3A_1159], %slice3A_1157 {strides = array<i32>} : memref<256x1024xf32, #tpu.memory_space<vmem>>, vector<16x64xf32>,
    %slice3A_1161 = vector.extract_strided_slice %dot_general3A_1148 {offsets = [48, 0], sizes = [16, 64], strides = [1, 1]} : vector<256x64xf32> to vector<16x64xf32>
    %swap3A_1162 = arith.constant 240 : index
    %swap3A_1163 = arith.constant 192 : index
    %swap3A_1164 = vector.load %arg13[%swap3A_1162, %swap3A_1163] : memref<256x1024xf32, #tpu.memory_space<vmem>>, vector<16x64xf32>
    tpu.vector_store %arg13[%swap3A_1162, %swap3A_1163], %slice3A_1161 {strides = array<i32>} : memref<256x1024xf32, #tpu.memory_space<vmem>>, vector<16x64xf32>,
    %slice3A_1165 = vector.extract_strided_slice %dot_general3A_1148 {offsets = [64, 0], sizes = [16, 64], strides = [1, 1]} : vector<256x64xf32> to vector<16x64xf32>
    %swap3A_1166 = arith.constant 240 : index
    %swap3A_1167 = arith.constant 256 : index
    %swap3A_1168 = vector.load %arg13[%swap3A_1166, %swap3A_1167] : memref<256x1024xf32, #tpu.memory_space<vmem>>, vector<16x64xf32>
    tpu.vector_store %arg13[%swap3A_1166, %swap3A_1167], %slice3A_1165 {strides = array<i32>} : memref<256x1024xf32, #tpu.memory_space<vmem>>, vector<16x64xf32>,
    %slice3A_1169 = vector.extract_strided_slice %dot_general3A_1148 {offsets = [80, 0], sizes = [16, 64], strides = [1, 1]} : vector<256x64xf32> to vector<16x64xf32>
    %swap3A_1170 = arith.constant 240 : index
    %swap3A_1171 = arith.constant 320 : index
    %swap3A_1172 = vector.load %arg13[%swap3A_1170, %swap3A_1171] : memref<256x1024xf32, #tpu.memory_space<vmem>>, vector<16x64xf32>
    tpu.vector_store %arg13[%swap3A_1170, %swap3A_1171], %slice3A_1169 {strides = array<i32>} : memref<256x1024xf32, #tpu.memory_space<vmem>>, vector<16x64xf32>,
    %slice3A_1173 = vector.extract_strided_slice %dot_general3A_1148 {offsets = [96, 0], sizes = [16, 64], strides = [1, 1]} : vector<256x64xf32> to vector<16x64xf32>
    %swap3A_1174 = arith.constant 240 : index
    %swap3A_1175 = arith.constant 384 : index
    %swap3A_1176 = vector.load %arg13[%swap3A_1174, %swap3A_1175] : memref<256x1024xf32, #tpu.memory_space<vmem>>, vector<16x64xf32>
    tpu.vector_store %arg13[%swap3A_1174, %swap3A_1175], %slice3A_1173 {strides = array<i32>} : memref<256x1024xf32, #tpu.memory_space<vmem>>, vector<16x64xf32>,
    %slice3A_1177 = vector.extract_strided_slice %dot_general3A_1148 {offsets = [112, 0], sizes = [16, 64], strides = [1, 1]} : vector<256x64xf32> to vector<16x64xf32>
    %swap3A_1178 = arith.constant 240 : index
    %swap3A_1179 = arith.constant 448 : index
    %swap3A_1180 = vector.load %arg13[%swap3A_1178, %swap3A_1179] : memref<256x1024xf32, #tpu.memory_space<vmem>>, vector<16x64xf32>
    tpu.vector_store %arg13[%swap3A_1178, %swap3A_1179], %slice3A_1177 {strides = array<i32>} : memref<256x1024xf32, #tpu.memory_space<vmem>>, vector<16x64xf32>,
    %slice3A_1181 = vector.extract_strided_slice %dot_general3A_1148 {offsets = [128, 0], sizes = [16, 64], strides = [1, 1]} : vector<256x64xf32> to vector<16x64xf32>
    %swap3A_1182 = arith.constant 240 : index
    %swap3A_1183 = arith.constant 512 : index
    %swap3A_1184 = vector.load %arg13[%swap3A_1182, %swap3A_1183] : memref<256x1024xf32, #tpu.memory_space<vmem>>, vector<16x64xf32>
    tpu.vector_store %arg13[%swap3A_1182, %swap3A_1183], %slice3A_1181 {strides = array<i32>} : memref<256x1024xf32, #tpu.memory_space<vmem>>, vector<16x64xf32>,
    %slice3A_1185 = vector.extract_strided_slice %dot_general3A_1148 {offsets = [144, 0], sizes = [16, 64], strides = [1, 1]} : vector<256x64xf32> to vector<16x64xf32>
    %swap3A_1186 = arith.constant 240 : index
    %swap3A_1187 = arith.constant 576 : index
    %swap3A_1188 = vector.load %arg13[%swap3A_1186, %swap3A_1187] : memref<256x1024xf32, #tpu.memory_space<vmem>>, vector<16x64xf32>
    tpu.vector_store %arg13[%swap3A_1186, %swap3A_1187], %slice3A_1185 {strides = array<i32>} : memref<256x1024xf32, #tpu.memory_space<vmem>>, vector<16x64xf32>,
    %slice3A_1189 = vector.extract_strided_slice %dot_general3A_1148 {offsets = [160, 0], sizes = [16, 64], strides = [1, 1]} : vector<256x64xf32> to vector<16x64xf32>
    %swap3A_1190 = arith.constant 240 : index
    %swap3A_1191 = arith.constant 640 : index
    %swap3A_1192 = vector.load %arg13[%swap3A_1190, %swap3A_1191] : memref<256x1024xf32, #tpu.memory_space<vmem>>, vector<16x64xf32>
    tpu.vector_store %arg13[%swap3A_1190, %swap3A_1191], %slice3A_1189 {strides = array<i32>} : memref<256x1024xf32, #tpu.memory_space<vmem>>, vector<16x64xf32>,
    %slice3A_1193 = vector.extract_strided_slice %dot_general3A_1148 {offsets = [176, 0], sizes = [16, 64], strides = [1, 1]} : vector<256x64xf32> to vector<16x64xf32>
    %swap3A_1194 = arith.constant 240 : index
    %swap3A_1195 = arith.constant 704 : index
    %swap3A_1196 = vector.load %arg13[%swap3A_1194, %swap3A_1195] : memref<256x1024xf32, #tpu.memory_space<vmem>>, vector<16x64xf32>
    tpu.vector_store %arg13[%swap3A_1194, %swap3A_1195], %slice3A_1193 {strides = array<i32>} : memref<256x1024xf32, #tpu.memory_space<vmem>>, vector<16x64xf32>,
    %slice3A_1197 = vector.extract_strided_slice %dot_general3A_1148 {offsets = [192, 0], sizes = [16, 64], strides = [1, 1]} : vector<256x64xf32> to vector<16x64xf32>
    %swap3A_1198 = arith.constant 240 : index
    %swap3A_1199 = arith.constant 768 : index
    %swap3A_1200 = vector.load %arg13[%swap3A_1198, %swap3A_1199] : memref<256x1024xf32, #tpu.memory_space<vmem>>, vector<16x64xf32>
    tpu.vector_store %arg13[%swap3A_1198, %swap3A_1199], %slice3A_1197 {strides = array<i32>} : memref<256x1024xf32, #tpu.memory_space<vmem>>, vector<16x64xf32>,
    %slice3A_1201 = vector.extract_strided_slice %dot_general3A_1148 {offsets = [208, 0], sizes = [16, 64], strides = [1, 1]} : vector<256x64xf32> to vector<16x64xf32>
    %swap3A_1202 = arith.constant 240 : index
    %swap3A_1203 = arith.constant 832 : index
    %swap3A_1204 = vector.load %arg13[%swap3A_1202, %swap3A_1203] : memref<256x1024xf32, #tpu.memory_space<vmem>>, vector<16x64xf32>
    tpu.vector_store %arg13[%swap3A_1202, %swap3A_1203], %slice3A_1201 {strides = array<i32>} : memref<256x1024xf32, #tpu.memory_space<vmem>>, vector<16x64xf32>,
    %slice3A_1205 = vector.extract_strided_slice %dot_general3A_1148 {offsets = [224, 0], sizes = [16, 64], strides = [1, 1]} : vector<256x64xf32> to vector<16x64xf32>
    %swap3A_1206 = arith.constant 240 : index
    %swap3A_1207 = arith.constant 896 : index
    %swap3A_1208 = vector.load %arg13[%swap3A_1206, %swap3A_1207] : memref<256x1024xf32, #tpu.memory_space<vmem>>, vector<16x64xf32>
    tpu.vector_store %arg13[%swap3A_1206, %swap3A_1207], %slice3A_1205 {strides = array<i32>} : memref<256x1024xf32, #tpu.memory_space<vmem>>, vector<16x64xf32>,
    %slice3A_1209 = vector.extract_strided_slice %dot_general3A_1148 {offsets = [240, 0], sizes = [16, 64], strides = [1, 1]} : vector<256x64xf32> to vector<16x64xf32>
    %swap3A_1210 = arith.constant 240 : index
    %swap3A_1211 = arith.constant 960 : index
    %swap3A_1212 = vector.load %arg13[%swap3A_1210, %swap3A_1211] : memref<256x1024xf32, #tpu.memory_space<vmem>>, vector<16x64xf32>
    tpu.vector_store %arg13[%swap3A_1210, %swap3A_1211], %slice3A_1209 {strides = array<i32>} : memref<256x1024xf32, #tpu.memory_space<vmem>>, vector<16x64xf32>,
    %get3A_1213 = arith.constant 0 : index
    %get3A_1214 = arith.constant 0 : index
    %get3A_1215 = vector.load %arg13[%get3A_1213, %get3A_1214] : memref<256x1024xf32, #tpu.memory_space<vmem>>, vector<256x1024xf32>
    %convert_element_type3A_1216 = arith.truncf %get3A_1215 : vector<256x1024xf32> to vector<256x1024xbf16>
    %get3A_1217 = arith.constant 0 : index
    %get3A_1218 = arith.constant 0 : index
    %get3A_1219 = vector.load %arg9[%get3A_1217, %get3A_1218] : memref<1024x64xbf16, #tpu.memory_space<vmem>>, vector<1024x64xbf16>
    %dot_general3A_1220 = arith.constant dense<0.000000e+00> : vector<256x64xf32>
    %dot_general3A_1221 = tpu.matmul %convert_element_type3A_1216, %get3A_1219, %dot_general3A_1220 {dimension_numbers = #tpu.dot_dimension_numbers<[1], [0], [0], [1], [0, 0, 1, 1], [], []>, transpose_lhs_hint = false} : vector<256x1024xbf16>, vector<1024x64xbf16>, vector<256x64xf32> -> vector<256x64xf32>
    %get3A_1222 = arith.constant 0 : index
    %get3A_1223 = vector.load %arg10[%get3A_1222] : memref<64xf32, #tpu.memory_space<vmem>>, vector<64xf32>
    %broadcast_in_dim3A_1224 = vector.shape_cast %get3A_1223 : vector<64xf32> to vector<1x64xf32>
    %add3A_1225 = vector.broadcast %broadcast_in_dim3A_1224 : vector<1x64xf32> to vector<256x64xf32>
    %add3A_1226 = arith.addf %dot_general3A_1221, %add3A_1225 : vector<256x64xf32>
    %swap3A_1227 = arith.constant 0 : index
    %swap3A_1228 = arith.constant 0 : index
    %swap3A_1229 = vector.load %arg12[%swap3A_1227, %swap3A_1228] : memref<256x64xf32, #tpu.memory_space<vmem>>, vector<256x64xf32>
    tpu.vector_store %arg12[%swap3A_1227, %swap3A_1228], %add3A_1226 {strides = array<i32>} : memref<256x64xf32, #tpu.memory_space<vmem>>, vector<256x64xf32>,
    return
  }
  func.func @transform_0(%arg0: i32) -> (i32, i32) {
    %c0_i32 = arith.constant 0 : i32
    %c0_i32_0 = arith.constant 0 : i32
    return %arg0, %c0_i32 : i32, i32
  }
  func.func @transform_1(%arg0: i32) -> (i32, i32) {
    %c0_i32 = arith.constant 0 : i32
    %c0_i32_0 = arith.constant 0 : i32
    return %arg0, %c0_i32 : i32, i32
  }
  func.func @transform_2(%arg0: i32) -> (i32, i32) {
    %c0_i32 = arith.constant 0 : i32
    %c0_i32_0 = arith.constant 0 : i32
    %c0_i32_1 = arith.constant 0 : i32
    return %c0_i32, %c0_i32_0 : i32, i32
  }
  func.func @transform_3(%arg0: i32) -> i32 {
    %c0_i32 = arith.constant 0 : i32
    %c0_i32_0 = arith.constant 0 : i32
    return %c0_i32 : i32
  }
  func.func @transform_4(%arg0: i32) -> (i32, i32) {
    %c0_i32 = arith.constant 0 : i32
    %c0_i32_0 = arith.constant 0 : i32
    %c0_i32_1 = arith.constant 0 : i32
    return %c0_i32, %c0_i32_0 : i32, i32
  }
  func.func @transform_5(%arg0: i32) -> i32 {
    %c0_i32 = arith.constant 0 : i32
    %c0_i32_0 = arith.constant 0 : i32
    return %c0_i32 : i32
  }
  func.func @transform_6(%arg0: i32) -> (i32, i32) {
    %c0_i32 = arith.constant 0 : i32
    %c0_i32_0 = arith.constant 0 : i32
    %c0_i32_1 = arith.constant 0 : i32
    return %c0_i32, %c0_i32_0 : i32, i32
  }
  func.func @transform_7(%arg0: i32) -> i32 {
    %c0_i32 = arith.constant 0 : i32
    %c0_i32_0 = arith.constant 0 : i32
    return %c0_i32 : i32
  }
  func.func @transform_8(%arg0: i32) -> (i32, i32) {
    %c0_i32 = arith.constant 0 : i32
    %c0_i32_0 = arith.constant 0 : i32
    %c0_i32_1 = arith.constant 0 : i32
    return %c0_i32, %c0_i32_0 : i32, i32
  }
  func.func @transform_9(%arg0: i32) -> i32 {
    %c0_i32 = arith.constant 0 : i32
    %c0_i32_0 = arith.constant 0 : i32
    return %c0_i32 : i32
  }
  func.func @transform_10(%arg0: i32) -> (i32, i32) {
    %c0_i32 = arith.constant 0 : i32
    %c0_i32_0 = arith.constant 0 : i32
    %c0_i32_1 = arith.constant 0 : i32
    return %c0_i32, %c0_i32_0 : i32, i32
  }
  func.func @transform_11(%arg0: i32) -> (i32, i32) {
    %c0_i32 = arith.constant 0 : i32
    %c0_i32_0 = arith.constant 0 : i32
    return %arg0, %c0_i32 : i32, i32
  }
}

</mosaic_0001>

<sc_bundles>
// kernel: kernel.19.cloned.1.call-start
scs
__scs_entry_jumppad:
0x0: {  	(pc) =	sbr.rel $0x88, $3  }
0x1: {  	(tag) =	ssettag $0x0;
	lr =	simm.s32 $0x1  }
0x2: {  	[smem:$0x3F94] =	sst lr;
	_ =	strace $0xD0000000  }
0x3: {  	_ = 	snop  }
0x4: {  	_ = 	snop  }
0x5: {  	_ = 	snop  }
0x6: {  	_ = 	snop  }
0x7: {  	_ = 	snop  }
__scs_overlays_trampoline_lowered:
0x8: {  	[smem:$0x3FA3] =	sst s0  }
0x9: {  	[smem:$0x3FA4] =	sst s1  }
0xa: {  	[smem:$0x3FA5] =	sst s2  }
0xb: {  	[smem:$0x3FA6] =	sst s3  }
0xc: {  	[smem:$0x3FA7] =	sst s4  }
0xd: {  	[smem:$0x3FA8] =	sst s5  }
0xe: {  	[smem:$0x3FA9] =	sst s6  }
0xf: {  	[smem:$0x3FAA] =	sst s7  }
0x10: {  	[smem:$0x3FAB] =	sst s8  }
0x11: {  	[smem:$0x3FAC] =	sst s9;
	s0 =	simm.s32 @!p0 $0x0  }
0x12: {  	s1 =	sld [smem:$0x3F92];
	s0 =	simm.s32 @p0 $0x1  }
0x13: {  	[smem:$0x3FAD] =	sst s0;
	s0 =	simm.s32 @!p1 $0x0  }
0x14: {  	s2 =	sld [smem:$0x3F91];
	s0 =	simm.s32 @p1 $0x1  }
0x15: {  	[smem:$0x3FAE] =	sst s0;
	s0 =	simm.s32 @!p2 $0x0  }
0x16: {  	s3 =	sld [smem:$0x3FDB];
	s0 =	simm.s32 @p2 $0x1  }
0x17: {  	s4 =	simm.s32 $0x1BF5;
	[smem:$0x3FB0] =	sst s0  }
0x18: {  	s0 =	sld [smem:$0x3F93];
	_ =	swait.ge [sflag:s4], $0x0  }
0x19: {  	s7 =	sld [smem:$0x3F94]  }
0x1a: {  	s8 =	sadd.s32 $0xFFFFE003, lr  }
0x1b: {  	s9 =	sadd.s32 $0xFFFFFEF7, lr;
	s5 =	simm.s32 $0xFFFFFFFF;
	p2 =	slt.u32 s8, $0xFFFFF086  }
0x1c: {  	p1 =	slt.u32 s9, $0xF7A;
	s5 =	simm.s32 @!p2 $0x0  }
0x1d: {  	s5 =	simm.s32 @p1 $0x1;
	p0 =	seq.s32 s7, s2  }
0x1e: {  	s7 =	smul.u32 @!p0 $0xF7A, s2;
	p2 =	seq.s32 @!p0 s5, $0x0  }
0x1f: {  	s9 =	smul.u32 $0xF7A, s1;
	s8 =	simm.s32 @!p0 $0x1BF5;
	p2 =	por !p2, p0  }
0x20: {  	[sflag:s8] =	ssyncset.s32 @!p0 $0xFFFFF086;
	s6 =	sadd.s32 @!p0 s3, s7;
	s7 =	simm.s32 @!p0 $0x108  }
0x21: {  	s3 =	sadd.s32 s3, s9;
	s6 =	sadd.s32 @!p0 $0x88, s6;
	s7 =	simm.s32 @p2 $0x1082  }
0x22: {  	[simem:s7], [sflag:s8] =	dma.local @!p0 [hbm:s6], $0xF7A  }
0x23: {  	s9 =	sor.u32 $0xD0000000, s2;
	s6 =	simm.s32 $0x108;
	_ =	swait.ge @!p0 [sflag:s8], $0x0  }
0x24: {  	s3 =	sadd.s32 $0x88, s3;
	s6 =	simm.s32 @!p1 $0x1082;
	[sflag:s4] =	ssyncset.s32 $0xFFFFF086  }
0x25: {  	[simem:s6], [sflag:s4] =	dma.local [hbm:s3], $0xF7A  }
0x26: {  	[smem:$0x3F94] =	sst s1;
	(tag) =	ssettag s2;
	_ =	strace s9  }
0x27: {  	s1 =	sld [smem:$0x3FA4]  }
0x28: {  	s2 =	sld [smem:$0x3FA5]  }
0x29: {  	s4 =	sld [smem:$0x3FA7]  }
0x2a: {  	p0 =	seq.s32 s5, $0x0;
	s5 =	sld [smem:$0x3FA8]  }
0x2b: {  	s6 =	sld [smem:$0x3FA9]  }
0x2c: {  	s7 =	sld [smem:$0x3FAA]  }
0x2d: {  	s3 =	simm.s32 $0x108;
	s8 =	sld [smem:$0x3FAB]  }
0x2e: {  	s3 =	simm.s32 @!p0 $0x1082;
	s9 =	sld [smem:$0x3FAC]  }
0x2f: {  	lr =	sadd.s32 s0, s3;
	s0 =	sld [smem:$0x3FA3]  }
0x30: {  	s3 =	sld [smem:$0x3FA6]  }
0x31: {  	[smem:$0x3FAF] =	sst s10  }
0x32: {  	s10 =	sld [smem:$0x3FAD];
	_ =	sdelay $0x3  }
0x33: {  	p0 =	seq.s32 s10, $0x1;
	s10 =	sld [smem:$0x3FAF];
	_ =	sdelay $0x3  }
0x34: {  	[smem:$0x3FAF] =	sst s10  }
0x35: {  	s10 =	sld [smem:$0x3FAE];
	_ =	sdelay $0x3  }
0x36: {  	p1 =	seq.s32 s10, $0x1;
	s10 =	sld [smem:$0x3FAF];
	_ =	sdelay $0x3  }
0x37: {  	[smem:$0x3FAF] =	sst s10  }
0x38: {  	s10 =	sld [smem:$0x3FB0]  }
0x39: {  	_ = 	snop;
	(pc) =	sbr.ind lr, $3  }
0x3a: {  	_ = 	snop  }
0x3b: {  	_ = 	snop  }
0x3c: {  	p2 =	seq.s32 s10, $0x1;
	s10 =	sld [smem:$0x3FAF]  }
0x3d: {  	_ =	shalt  }
0x3e: {  	_ =	shalt  }
0x3f: {  	_ =	shalt  }
0x40: {  	_ =	shalt  }
0x41: {  	_ =	shalt  }
0x42: {  	_ =	shalt  }
0x43: {  	_ =	shalt  }
0x44: {  	_ =	shalt  }
0x45: {  	_ =	shalt  }
0x46: {  	_ =	shalt  }
0x47: {  	_ =	shalt  }
0x48: {  	_ =	shalt  }
0x49: {  	_ =	shalt  }
0x4a: {  	_ =	shalt  }
0x4b: {  	_ =	shalt  }
0x4c: {  	_ =	shalt  }
0x4d: {  	_ =	shalt  }
0x4e: {  	_ =	shalt  }
0x4f: {  	_ =	shalt  }
0x50: {  	_ =	shalt  }
0x51: {  	_ =	shalt  }
0x52: {  	_ =	shalt  }
0x53: {  	_ =	shalt  }
0x54: {  	_ =	shalt  }
0x55: {  	_ =	shalt  }
0x56: {  	_ =	shalt  }
0x57: {  	_ =	shalt  }
0x58: {  	_ =	shalt  }
0x59: {  	_ =	shalt  }
0x5a: {  	_ =	shalt  }
0x5b: {  	_ =	shalt  }
0x5c: {  	_ =	shalt  }
0x5d: {  	_ =	shalt  }
0x5e: {  	_ =	shalt  }
0x5f: {  	_ =	shalt  }
0x60: {  	_ =	shalt  }
0x61: {  	_ =	shalt  }
0x62: {  	_ =	shalt  }
0x63: {  	_ =	shalt  }
0x64: {  	_ =	shalt  }
0x65: {  	_ =	shalt  }
0x66: {  	_ =	shalt  }
0x67: {  	_ =	shalt  }
0x68: {  	_ =	shalt  }
0x69: {  	_ =	shalt  }
0x6a: {  	_ =	shalt  }
0x6b: {  	_ =	shalt  }
0x6c: {  	_ =	shalt  }
0x6d: {  	_ =	shalt  }
0x6e: {  	_ =	shalt  }
0x6f: {  	_ =	shalt  }
0x70: {  	_ =	shalt  }
0x71: {  	_ =	shalt  }
0x72: {  	_ =	shalt  }
0x73: {  	_ =	shalt  }
0x74: {  	_ =	shalt  }
0x75: {  	_ =	shalt  }
0x76: {  	_ =	shalt  }
0x77: {  	_ =	shalt  }
0x78: {  	_ =	shalt  }
0x79: {  	_ =	shalt  }
0x7a: {  	_ =	shalt  }
0x7b: {  	_ =	shalt  }
0x7c: {  	_ =	shalt  }
0x7d: {  	_ =	shalt  }
0x7e: {  	_ =	shalt  }
0x7f: {  	_ =	shalt  }
0x80: {  	_ =	shalt  }
0x81: {  	_ =	shalt  }
0x82: {  	_ =	shalt  }
0x83: {  	_ =	shalt  }
0x84: {  	_ =	shalt  }
0x85: {  	_ =	shalt  }
0x86: {  	_ =	shalt  }
0x87: {  	_ =	shalt  }
.Lfunc_end0:
.L_simem_size_0:
called_computation_lowered:
.L_overlay_start_0:
0x88: {  	s2 =	sld [smem:$0x3FD9]  }
0x89: {  	s3 =	sld [smem:$0x3FFE];
	_ =	sdelay $0x1  }
0x8a: {  	s1 =	srdreg.scid  }
0x8b: {  	s0 =	sand.u32 $0x1, s1  }
0x8c: {  	s17 =	sshll.u32 s0, $0xA;
	s2 =	sadd.s32 s3, s2  }
0x8d: {  	s2 =	sadd.s32 s2, s17  }
0x8e: {  	[smem:$0x3FBB] =	sst s2  }
0x8f: {  	_ = 	snop  }
0x90: {  	(tm) =	ssettm $0x1  }
0x91: {  	s18 =	sld [smem:$0x3FFB];
	_ =	sdelay $0x3  }
0x92: {  	_ =	strace s18  }
0x93: {  	s2 =	sld [smem:$0x3FFC];
	_ =	sdelay $0x3  }
0x94: {  	_ =	strace s2  }
0x95: {  	s2 =	sld [smem:$0x3FFD];
	_ =	sdelay $0x3  }
0x96: {  	_ =	strace s2  }
0x97: {  	_ =	strace $0x8FFFFFFF  }
0x98: {  	s19 =	sld [smem:$0x3FDB];
	_ =	sdelay $0x1  }
0x99: {  	s20 =	simm.s32 $_scs_section_size  }
0x9a: {  	s4 =	simm.s32 $_size__tile_overlayer_lowered;
	s5 =	simm.s32 $_tile_overlayer_lowered  }
0x9b: {  	s6 =	simm.s32 $0x1BFF;
	s21 =	sshll.u32 s5, $0x1;
	s3 =	sadd.s32 s20, s19  }
0x9c: {  	s22 =	simm.s32 $0x0;
	s4 =	sshll.u32 s4, $0x1;
	s5 =	sadd.s32 s21, s3  }
0x9d: {  	[timem:s22], [sflag:s6] =	dma.local [hbm:s5], s4  }
0x9e: {  	_ =	swait.ge [sflag:s6], s4  }
0x9f: {  	s4 =	ssub.s32 $0x0, s4;
	[sflag:s6] =	ssyncset.done $0x0  }
0xa0: {  	[sflag:s6] =	ssyncadd.s32 s4;
	_ =	sdelay $0x1  }
0xa1: {  	s23 =	simm.s32 $0x1B8B  }
0xa2: {  	_ =	swait.ge [sflag:s23], $0x1  }
0xa3: {  	[sflag:s23] =	ssyncset.done $0x0  }
0xa4: {  	[sflag:s23] =	ssyncadd.s32 $0xFFFFFFFF  }
0xa5: {  	s4 =	sld [smem:$0x0]  }
0xa6: {  	s5 =	sand.u32 $0xFFFFFFFE, s1  }
0xa7: {  	p0 =	sne.s32 s1, s5  }
0xa8: {  	s5 =	sshll.u32 @p0 s5, $0xE  }
0xa9: {  	s5 =	sadd.s32 @p0 $0x11B8D, s5;
	s6 =	sshll.u32 @p0 s4, $0x11  }
0xaa: {  	s5 =	sor.u32 @p0 s6, s5  }
0xab: {  	[sflag:s5] =	ssyncadd.remote.s32 @p0 $0x1;
	_ =	sdelay $0x1  }
0xac: {  	s5 =	simm.s32 @p0 $0x1B8D  }
0xad: {  	_ =	swait.eq @p0 [sflag:s5], $0x1  }
0xae: {  	[sflag:s5] =	ssyncadd.s32 @p0 $0xFFFFFFFF  }
0xaf: {  	s6 =	sshll.u32 @!p0 s1, $0xE  }
0xb0: {  	s6 =	sor.u32 @!p0 $0x4000, s6;
	s5 =	simm.s32 @!p0 $0x1B8D  }
0xb1: {  	s4 =	sshll.u32 @!p0 s4, $0x11;
	s6 =	sadd.s32 @!p0 $0x11B8D, s6;
	_ =	swait.eq @!p0 [sflag:s5], $0x1  }
0xb2: {  	s4 =	sor.u32 @!p0 s4, s6;
	[sflag:s5] =	ssyncadd.s32 @!p0 $0xFFFFFFFF  }
0xb3: {  	s25 =	simm.s32 $0x1B8E;
	s24 =	sld [smem:$0x3FFE];
	[sflag:s4] =	ssyncadd.remote.s32 @!p0 $0x1  }
0xb4: {  	s26 =	simm.s32 $execute0_lowered;
	[smem:$0x3FD2] =	sst s25  }
0xb5: {  	s5 =	sshll.u32 s26, $0x1;
	_ =	strace $0x80000058;
	[dreg:$0x1] =	wrdreg $0xFFFFFFFF  }
0xb6: {  	s28 =	simm.s32 $_size_execute0_lowered;
	s3 =	sadd.s32 s3, s5;
	[dreg:$0x0] =	wrdreg $0x0  }
0xb7: {  	s5 =	sshll.u32 s28, $0x1;
	[dreg:$0x2] =	wrdreg s3  }
0xb8: {  	[dreg:$0x3] =	wrdreg s5  }
0xb9: {  	[dreg:$0x4] =	wrdreg $0xC0  }
0xba: {  	_ =	task [dreg:s22], $0x5FFFF  }
0xbb: {  	[dreg:$0x1] =	wrdreg $0xFFFFFFFF  }
0xbc: {  	[dreg:$0x0] =	wrdreg $0x60  }
0xbd: {  	[dreg:$0x2] =	wrdreg s24  }
0xbe: {  	[dreg:$0x3] =	wrdreg $0x9  }
0xbf: {  	_ =	task.clear_ibuf [dreg:s22], $0x4FFFF;
	_ =	strace $0x90000058  }
0xc0: {  	s29 =	simm.s32 $0x9;
	_ =	strace $0x8000005A  }
0xc1: {  	_ =	swait.ge [sflag:s29], $0x1  }
0xc2: {  	[sflag:s29] =	ssyncadd.s32 $0xFFFFFFFF  }
0xc3: {  	_ =	strace $0x9000005A  }
0xc4: {  	_ =	sfence  }
0xc5: {  	s30 =	sld [smem:$0x0];
	_ =	sdelay $0x2  }
0xc6: {  	s31 =	sshll.u32 s1, $0xD;
	s1 =	sshrl.u32 s1, $0x2  }
0xc7: {  	s4 =	sand.u32 $0x4000, s31;
	s1 =	sadd.s32 s1, s30  }
0xc8: {  	s0 =	sor.u32 s4, s0;
	s1 =	sshll.u32 s1, $0x11  }
0xc9: {  	s0 =	sor.u32 s1, s0  }
0xca: {  	s0 =	sadd.s32 $0x8F2B, s0  }
0xcb: {  	[sflag:s0] =	ssyncadd.remote.s32 $0x1  }
0xcc: {  	_ =	sfence.sel $0xFFFF  }
0xcd: {  	[dreg:$0x0] =	wrdreg $0xFFFFFFFF;
	(pc) =	sbr.abs _section_cstart, $3  }
0xce: {  	[dreg:$0x1] =	wrdreg $0xFFFFFFFF  }
0xcf: {  	_ =	task.clear_ibuf [dreg:s22], $0x2FFFF;
	_ =	strace $0x9FFFFFFF  }
0xd0: {  	(tm) =	ssettm $0x7FFFFFFF  }
0xd1: {  	_ =	shalt  }
tec
execute0_lowered:
.L_overlay_start_1:
0x0: {  	(tag) =	ssettag $0x1  }
0x1: {  	s1 =	srdreg.scid  }
0x2: {  	s0 =	stileid.u32;
	s26 =	sand.u32 $0x1, s1  }
0x3: {  	s31 =	sshll.u32 s0, $0xC;
	s2 =	sshll.u32 s26, $0xB  }
0x4: {  	s10 =	sor.u32 s2, s31  }
0x5: {  	s9 =	rddreg [dreg:$0x0];
	s2 =	simm.s32 $0x0;
	s3 =	sshrl.u32 s10, $0x3  }
0x6: {  	s4 =	simm.s32 $0x5;
	[smem:$0x7FF] =	sst s2;
	s3 =	sadd.s32 s3, s9  }
0x7: {  	s1 =	rddreg [dreg:$0x1];
	_ =	strace $0x80000059;
	s3 =	sadd.s32 $0x691E00, s3  }
0x8: {  	[tilespmem:s2], [sflag:$0x5] =	stream.linear.gather [hbm4b:s3+s2], $0x800, $0x38;
	[tilespmem:$0x10800] =	vst v63  }
0x9: {  	_ =	swait.ge [sflag:s4], $0x800  }
0xa: {  	s6 =	simm.s32 $0x100;
	s7 =	simm.s32 $0x800;
	[sflag:s4] =	ssyncset.done $0x0  }
0xb: {  	s8 =	simm.s32 $0x1;
	s5 =	sadd.s32 $0x3E00, s9;
	[sflag:s4] =	ssyncadd.s32 $0xFFFFF800  }
0xc: {  	[tilespmem:s7], [sflag:$0x1] =	stream.indirect.gather [hbm4b:s5+s6], $0x80, s2, s6, $0xb8;
	[tilespmem:$0x10800] =	vst v63  }
0xd: {  	_ =	swait.ge [sflag:s8], $0x8000  }
0xe: {  	s10 =	sshll.u32 s10, $0x4;
	[sflag:s8] =	ssyncset.done $0x0  }
0xf: {  	s28 =	sadd.s32 s10, s9;
	s9 =	simm.s32 $0x8800;
	[sflag:s8] =	ssyncadd.s32 $0xFFFF8000  }
0x10: {  	[tilespmem:s9], [sflag:$0x2] =	stream.indirect.gather [hbm4b:s5+s6], $0x80, s6, s6, $0xb8;
	[tilespmem:$0x10800] =	vst v63  }
0x11: {  	s11 =	simm.s32 $0x2;
	s10 =	sadd.s32 $0x693E00, s28  }
0x12: {  	[hbm4b:s10+s2] =	stream.linear.scatter [tilespmem:s7], [sflag:$0x3], $0x8000, $0x38;
	[tilespmem:$0x10800] =	vst v63  }
0x13: {  	_ =	swait.ge [sflag:s11], $0x8000  }
0x14: {  	[sflag:s11] =	ssyncset.done $0x0  }
0x15: {  	s12 =	simm.s32 $0x3;
	[sflag:s11] =	ssyncadd.s32 $0xFFFF8000  }
0x16: {  	_ =	swait.ge [sflag:s12], $0x8000  }
0x17: {  	[sflag:s12] =	ssyncset.done $0x0  }
0x18: {  	s13 =	simm.s32 $0x200;
	[sflag:s12] =	ssyncadd.s32 $0xFFFF8000  }
0x19: {  	[tilespmem:s7], [sflag:$0x1] =	stream.indirect.gather [hbm4b:s5+s6], $0x80, s13, s6, $0xb8;
	[tilespmem:$0x10800] =	vst v63  }
0x1a: {  	s14 =	sadd.s32 $0x694E00, s28  }
0x1b: {  	[hbm4b:s14+s2] =	stream.linear.scatter [tilespmem:s9], [sflag:$0x4], $0x8000, $0x38;
	[tilespmem:$0x10800] =	vst v63  }
0x1c: {  	_ =	swait.ge [sflag:s8], $0x8000  }
0x1d: {  	[sflag:s8] =	ssyncset.done $0x0  }
0x1e: {  	s15 =	simm.s32 $0x4;
	[sflag:s8] =	ssyncadd.s32 $0xFFFF8000  }
0x1f: {  	_ =	swait.ge [sflag:s15], $0x8000  }
0x20: {  	[sflag:s15] =	ssyncset.done $0x0  }
0x21: {  	s16 =	simm.s32 $0x300;
	[sflag:s15] =	ssyncadd.s32 $0xFFFF8000  }
0x22: {  	[tilespmem:s9], [sflag:$0x2] =	stream.indirect.gather [hbm4b:s5+s6], $0x80, s16, s6, $0xb8;
	[tilespmem:$0x10800] =	vst v63  }
0x23: {  	s17 =	sadd.s32 $0x695E00, s28  }
0x24: {  	[hbm4b:s17+s2] =	stream.linear.scatter [tilespmem:s7], [sflag:$0x3], $0x8000, $0x38;
	[tilespmem:$0x10800] =	vst v63  }
0x25: {  	_ =	swait.ge [sflag:s11], $0x8000  }
0x26: {  	[sflag:s11] =	ssyncset.done $0x0  }
0x27: {  	[sflag:s11] =	ssyncadd.s32 $0xFFFF8000  }
0x28: {  	_ =	swait.ge [sflag:s12], $0x8000  }
0x29: {  	[sflag:s12] =	ssyncset.done $0x0  }
0x2a: {  	s18 =	simm.s32 $0x400;
	[sflag:s12] =	ssyncadd.s32 $0xFFFF8000  }
0x2b: {  	[tilespmem:s7], [sflag:$0x1] =	stream.indirect.gather [hbm4b:s5+s6], $0x80, s18, s6, $0xb8;
	[tilespmem:$0x10800] =	vst v63  }
0x2c: {  	s19 =	sadd.s32 $0x696E00, s28  }
0x2d: {  	[hbm4b:s19+s2] =	stream.linear.scatter [tilespmem:s9], [sflag:$0x4], $0x8000, $0x38;
	[tilespmem:$0x10800] =	vst v63  }
0x2e: {  	_ =	swait.ge [sflag:s8], $0x8000  }
0x2f: {  	[sflag:s8] =	ssyncset.done $0x0  }
0x30: {  	[sflag:s8] =	ssyncadd.s32 $0xFFFF8000  }
0x31: {  	_ =	swait.ge [sflag:s15], $0x8000  }
0x32: {  	[sflag:s15] =	ssyncset.done $0x0  }
0x33: {  	s20 =	simm.s32 $0x500;
	[sflag:s15] =	ssyncadd.s32 $0xFFFF8000  }
0x34: {  	[tilespmem:s9], [sflag:$0x2] =	stream.indirect.gather [hbm4b:s5+s6], $0x80, s20, s6, $0xb8;
	[tilespmem:$0x10800] =	vst v63  }
0x35: {  	s21 =	sadd.s32 $0x697E00, s28  }
0x36: {  	[hbm4b:s21+s2] =	stream.linear.scatter [tilespmem:s7], [sflag:$0x3], $0x8000, $0x38;
	[tilespmem:$0x10800] =	vst v63  }
0x37: {  	_ =	swait.ge [sflag:s11], $0x8000  }
0x38: {  	[sflag:s11] =	ssyncset.done $0x0  }
0x39: {  	[sflag:s11] =	ssyncadd.s32 $0xFFFF8000  }
0x3a: {  	_ =	swait.ge [sflag:s12], $0x8000  }
0x3b: {  	[sflag:s12] =	ssyncset.done $0x0  }
0x3c: {  	s22 =	simm.s32 $0x600;
	[sflag:s12] =	ssyncadd.s32 $0xFFFF8000  }
0x3d: {  	[tilespmem:s7], [sflag:$0x1] =	stream.indirect.gather [hbm4b:s5+s6], $0x80, s22, s6, $0xb8;
	[tilespmem:$0x10800] =	vst v63  }
0x3e: {  	s23 =	sadd.s32 $0x698E00, s28  }
0x3f: {  	[hbm4b:s23+s2] =	stream.linear.scatter [tilespmem:s9], [sflag:$0x4], $0x8000, $0x38;
	[tilespmem:$0x10800] =	vst v63  }
0x40: {  	_ =	swait.ge [sflag:s8], $0x8000  }
0x41: {  	[sflag:s8] =	ssyncset.done $0x0  }
0x42: {  	[sflag:s8] =	ssyncadd.s32 $0xFFFF8000  }
0x43: {  	_ =	swait.ge [sflag:s15], $0x8000  }
0x44: {  	[sflag:s15] =	ssyncset.done $0x0  }
0x45: {  	s24 =	simm.s32 $0x700;
	s29 =	ssub.s32 $0x2, s26;
	[sflag:s15] =	ssyncadd.s32 $0xFFFF8000  }
0x46: {  	[tilespmem:s9], [sflag:$0x2] =	stream.indirect.gather [hbm4b:s5+s6], $0x80, s24, s6, $0xb8;
	[tilespmem:$0x10800] =	vst v63  }
0x47: {  	s25 =	sadd.s32 $0x699E00, s28;
	s26 =	sadd.s32 $0x69AE00, s28;
	s28 =	sshrl.u32 s29, $0x1  }
0x48: {  	[hbm4b:s25+s2] =	stream.linear.scatter [tilespmem:s7], [sflag:$0x3], $0x8000, $0x38;
	[tilespmem:$0x10800] =	vst v63  }
0x49: {  	s28 =	ssub.s32 s29, s28;
	_ =	swait.ge [sflag:s11], $0x8000  }
0x4a: {  	s28 =	smax.u32 s28, $0x1;
	[sflag:s11] =	ssyncset.done $0x0  }
0x4b: {  	p0 =	sne.s32 s28, $0x1;
	[sflag:s11] =	ssyncadd.s32 $0xFFFF8000  }
0x4c: {  	[hbm4b:s26+s2] =	stream.linear.scatter [tilespmem:s9], [sflag:$0x4], $0x8000, $0x38;
	[tilespmem:$0x10800] =	vst v63  }
.Ltmp0:
0x4d: {  	_ =	swait.ge [sflag:s15], $0x8000;
	(pc) =	sbr.rel @!p0 .LBB2_2-.Ltmp0, $4  }
0x4e: {  	[sflag:s15] =	ssyncset.done $0x0  }
0x4f: {  	[sflag:s15] =	ssyncadd.s32 $0xFFFF8000  }
0x50: {  	_ =	swait.ge [sflag:s12], $0x8000  }
0x51: {  	s28 =	sadd.s32 $0xFFFFFFFF, s28;
	[sflag:s12] =	ssyncset.done $0x0  }
.LBB2_1:
0x52: {  	p0 =	sne.s32 s28, $0x1;
	s28 =	sadd.s32 $0xFFFFFFFF, s28;
	[sflag:s12] =	ssyncadd.s32 $0xFFFF8000  }
0x53: {  	[tilespmem:s2], [sflag:$0x5] =	stream.linear.gather [hbm4b:s3+s2], $0x800, $0x38;
	[tilespmem:$0x10800] =	vst v63  }
0x54: {  	_ =	swait.ge [sflag:s4], $0x800  }
0x55: {  	[sflag:s4] =	ssyncset.done $0x0  }
0x56: {  	[sflag:s4] =	ssyncadd.s32 $0xFFFFF800  }
0x57: {  	[tilespmem:s7], [sflag:$0x1] =	stream.indirect.gather [hbm4b:s5+s6], $0x80, s2, s6, $0xb8;
	[tilespmem:$0x10800] =	vst v63  }
0x58: {  	_ =	swait.ge [sflag:s8], $0x8000  }
0x59: {  	[sflag:s8] =	ssyncset.done $0x0  }
0x5a: {  	[sflag:s8] =	ssyncadd.s32 $0xFFFF8000  }
0x5b: {  	[tilespmem:s9], [sflag:$0x2] =	stream.indirect.gather [hbm4b:s5+s6], $0x80, s6, s6, $0xb8;
	[tilespmem:$0x10800] =	vst v63  }
0x5c: {  	_ = 	snop  }
0x5d: {  	[hbm4b:s10+s2] =	stream.linear.scatter [tilespmem:s7], [sflag:$0x3], $0x8000, $0x38;
	[tilespmem:$0x10800] =	vst v63  }
0x5e: {  	_ =	swait.ge [sflag:s11], $0x8000  }
0x5f: {  	[sflag:s11] =	ssyncset.done $0x0  }
0x60: {  	[sflag:s11] =	ssyncadd.s32 $0xFFFF8000  }
0x61: {  	_ =	swait.ge [sflag:s12], $0x8000  }
0x62: {  	[sflag:s12] =	ssyncset.done $0x0  }
0x63: {  	[sflag:s12] =	ssyncadd.s32 $0xFFFF8000  }
0x64: {  	[tilespmem:s7], [sflag:$0x1] =	stream.indirect.gather [hbm4b:s5+s6], $0x80, s13, s6, $0xb8;
	[tilespmem:$0x10800] =	vst v63  }
0x65: {  	_ = 	snop  }
0x66: {  	[hbm4b:s14+s2] =	stream.linear.scatter [tilespmem:s9], [sflag:$0x4], $0x8000, $0x38;
	[tilespmem:$0x10800] =	vst v63  }
0x67: {  	_ =	swait.ge [sflag:s8], $0x8000  }
0x68: {  	[sflag:s8] =	ssyncset.done $0x0  }
0x69: {  	[sflag:s8] =	ssyncadd.s32 $0xFFFF8000  }
0x6a: {  	_ =	swait.ge [sflag:s15], $0x8000  }
0x6b: {  	[sflag:s15] =	ssyncset.done $0x0  }
0x6c: {  	[sflag:s15] =	ssyncadd.s32 $0xFFFF8000  }
0x6d: {  	[tilespmem:s9], [sflag:$0x2] =	stream.indirect.gather [hbm4b:s5+s6], $0x80, s16, s6, $0xb8;
	[tilespmem:$0x10800] =	vst v63  }
0x6e: {  	_ = 	snop  }
0x6f: {  	[hbm4b:s17+s2] =	stream.linear.scatter [tilespmem:s7], [sflag:$0x3], $0x8000, $0x38;
	[tilespmem:$0x10800] =	vst v63  }
0x70: {  	_ =	swait.ge [sflag:s11], $0x8000  }
0x71: {  	[sflag:s11] =	ssyncset.done $0x0  }
0x72: {  	[sflag:s11] =	ssyncadd.s32 $0xFFFF8000  }
0x73: {  	_ =	swait.ge [sflag:s12], $0x8000  }
0x74: {  	[sflag:s12] =	ssyncset.done $0x0  }
0x75: {  	[sflag:s12] =	ssyncadd.s32 $0xFFFF8000  }
0x76: {  	[tilespmem:s7], [sflag:$0x1] =	stream.indirect.gather [hbm4b:s5+s6], $0x80, s18, s6, $0xb8;
	[tilespmem:$0x10800] =	vst v63  }
0x77: {  	_ = 	snop  }
0x78: {  	[hbm4b:s19+s2] =	stream.linear.scatter [tilespmem:s9], [sflag:$0x4], $0x8000, $0x38;
	[tilespmem:$0x10800] =	vst v63  }
0x79: {  	_ =	swait.ge [sflag:s8], $0x8000  }
0x7a: {  	[sflag:s8] =	ssyncset.done $0x0  }
0x7b: {  	[sflag:s8] =	ssyncadd.s32 $0xFFFF8000  }
0x7c: {  	_ =	swait.ge [sflag:s15], $0x8000  }
0x7d: {  	[sflag:s15] =	ssyncset.done $0x0  }
0x7e: {  	[sflag:s15] =	ssyncadd.s32 $0xFFFF8000  }
0x7f: {  	[tilespmem:s9], [sflag:$0x2] =	stream.indirect.gather [hbm4b:s5+s6], $0x80, s20, s6, $0xb8;
	[tilespmem:$0x10800] =	vst v63  }
0x80: {  	_ = 	snop  }
0x81: {  	[hbm4b:s21+s2] =	stream.linear.scatter [tilespmem:s7], [sflag:$0x3], $0x8000, $0x38;
	[tilespmem:$0x10800] =	vst v63  }
0x82: {  	_ =	swait.ge [sflag:s11], $0x8000  }
0x83: {  	[sflag:s11] =	ssyncset.done $0x0  }
0x84: {  	[sflag:s11] =	ssyncadd.s32 $0xFFFF8000  }
0x85: {  	_ =	swait.ge [sflag:s12], $0x8000  }
0x86: {  	[sflag:s12] =	ssyncset.done $0x0  }
0x87: {  	[sflag:s12] =	ssyncadd.s32 $0xFFFF8000  }
0x88: {  	[tilespmem:s7], [sflag:$0x1] =	stream.indirect.gather [hbm4b:s5+s6], $0x80, s22, s6, $0xb8;
	[tilespmem:$0x10800] =	vst v63  }
0x89: {  	_ = 	snop  }
0x8a: {  	[hbm4b:s23+s2] =	stream.linear.scatter [tilespmem:s9], [sflag:$0x4], $0x8000, $0x38;
	[tilespmem:$0x10800] =	vst v63  }
0x8b: {  	_ =	swait.ge [sflag:s8], $0x8000  }
0x8c: {  	[sflag:s8] =	ssyncset.done $0x0  }
0x8d: {  	[sflag:s8] =	ssyncadd.s32 $0xFFFF8000  }
0x8e: {  	_ =	swait.ge [sflag:s15], $0x8000  }
0x8f: {  	[sflag:s15] =	ssyncset.done $0x0  }
0x90: {  	[sflag:s15] =	ssyncadd.s32 $0xFFFF8000  }
0x91: {  	[tilespmem:s9], [sflag:$0x2] =	stream.indirect.gather [hbm4b:s5+s6], $0x80, s24, s6, $0xb8;
	[tilespmem:$0x10800] =	vst v63  }
0x92: {  	_ = 	snop  }
0x93: {  	[hbm4b:s25+s2] =	stream.linear.scatter [tilespmem:s7], [sflag:$0x3], $0x8000, $0x38;
	[tilespmem:$0x10800] =	vst v63  }
0x94: {  	_ =	swait.ge [sflag:s11], $0x8000  }
0x95: {  	[sflag:s11] =	ssyncset.done $0x0  }
0x96: {  	[sflag:s11] =	ssyncadd.s32 $0xFFFF8000  }
0x97: {  	[hbm4b:s26+s2] =	stream.linear.scatter [tilespmem:s9], [sflag:$0x4], $0x8000, $0x38;
	[tilespmem:$0x10800] =	vst v63  }
.Ltmp1:
0x98: {  	_ =	swait.ge [sflag:s15], $0x8000;
	(pc) =	sbr.rel @p0 .LBB2_1-.Ltmp1, $4  }
0x99: {  	[sflag:s15] =	ssyncset.done $0x0  }
0x9a: {  	[sflag:s15] =	ssyncadd.s32 $0xFFFF8000  }
0x9b: {  	_ =	swait.ge [sflag:s12], $0x8000  }
0x9c: {  	[sflag:s12] =	ssyncset.done $0x0  }
.LBB2_2:
0x9d: {  	[sflag:s12] =	ssyncadd.s32 $0xFFFF8000  }
0x9e: {  	_ =	sfence.sel $0x180000  }
0x9f: {  	[bflag:$0x0] =	sbarrier.arrive $0xFFFF  }
0xa0: {  	p0 =	sne.s32 s0, $0x0;
	_ =	strace $0x90000059  }
0xa1: {  	s0 =	sadd.s32 @!p0 $0x100000, s1;
	[bflag:$0x2] =	sbarrier.arrive $0xFFFF  }
0xa2: {  	[sflag:s0] =	ssyncadd.tile.s32 @!p0 $0x1;
	_ =	shalt  }
.Lfunc_end2:
_tile_overlayer_lowered:
.L_overlay_start_2:
0xa3: {  	(tag) =	ssettag $0x2  }
0xa4: {  	s0 =	rddreg [dreg:$0x0];
	s2 =	stileid.u32  }
0xa5: {  	s1 =	rddreg [dreg:$0x1];
	p0 =	sne.s32 s2, $0x0  }
0xa6: {  	s3 =	rddreg [dreg:$0x2];
	[bflag:$0x3] =	sbarrier.arrive $0xFFFF;
	s2 =	simm.s32 @!p0 $0x1C05  }
0xa7: {  	[timem:s3], [sflag:s2] =	dma.local @!p0 [hbm:s0], s1  }
0xa8: {  	s0 =	simm.s32 @!p0 $0x5  }
0xa9: {  	_ =	swait.ge @!p0 [sflag:s0], s1  }
0xaa: {  	s1 =	ssub.s32 @!p0 $0x0, s1;
	[sflag:s0] =	ssyncset.done @!p0 $0x0  }
0xab: {  	[sflag:s0] =	ssyncadd.s32 @!p0 s1  }
0xac: {  	[bflag:$0x3] =	sbarrier.arrive $0xFFFF  }
0xad: {  	_ =	shalt  }

// kernel: kernel.22.cloned.1.call-start
scs
__scs_entry_jumppad:
0x0: {  	(pc) =	sbr.rel $0x88, $3  }
0x1: {  	(tag) =	ssettag $0x0;
	lr =	simm.s32 $0x1  }
0x2: {  	[smem:$0x3F94] =	sst lr;
	_ =	strace $0xD0000000  }
0x3: {  	_ = 	snop  }
0x4: {  	_ = 	snop  }
0x5: {  	_ = 	snop  }
0x6: {  	_ = 	snop  }
0x7: {  	_ = 	snop  }
__scs_overlays_trampoline_lowered:
0x8: {  	[smem:$0x3FA3] =	sst s0  }
0x9: {  	[smem:$0x3FA4] =	sst s1  }
0xa: {  	[smem:$0x3FA5] =	sst s2  }
0xb: {  	[smem:$0x3FA6] =	sst s3  }
0xc: {  	[smem:$0x3FA7] =	sst s4  }
0xd: {  	[smem:$0x3FA8] =	sst s5  }
0xe: {  	[smem:$0x3FA9] =	sst s6  }
0xf: {  	[smem:$0x3FAA] =	sst s7  }
0x10: {  	[smem:$0x3FAB] =	sst s8  }
0x11: {  	[smem:$0x3FAC] =	sst s9;
	s0 =	simm.s32 @!p0 $0x0  }
0x12: {  	s1 =	sld [smem:$0x3F92];
	s0 =	simm.s32 @p0 $0x1  }
0x13: {  	[smem:$0x3FAD] =	sst s0;
	s0 =	simm.s32 @!p1 $0x0  }
0x14: {  	s2 =	sld [smem:$0x3F91];
	s0 =	simm.s32 @p1 $0x1  }
0x15: {  	[smem:$0x3FAE] =	sst s0;
	s0 =	simm.s32 @!p2 $0x0  }
0x16: {  	s3 =	sld [smem:$0x3FDB];
	s0 =	simm.s32 @p2 $0x1  }
0x17: {  	s4 =	simm.s32 $0x1BF5;
	[smem:$0x3FB0] =	sst s0  }
0x18: {  	s0 =	sld [smem:$0x3F93];
	_ =	swait.ge [sflag:s4], $0x0  }
0x19: {  	s7 =	sld [smem:$0x3F94]  }
0x1a: {  	s8 =	sadd.s32 $0xFFFFE003, lr  }
0x1b: {  	s9 =	sadd.s32 $0xFFFFFEF7, lr;
	s5 =	simm.s32 $0xFFFFFFFF;
	p2 =	slt.u32 s8, $0xFFFFF086  }
0x1c: {  	p1 =	slt.u32 s9, $0xF7A;
	s5 =	simm.s32 @!p2 $0x0  }
0x1d: {  	s5 =	simm.s32 @p1 $0x1;
	p0 =	seq.s32 s7, s2  }
0x1e: {  	s7 =	smul.u32 @!p0 $0xF7A, s2;
	p2 =	seq.s32 @!p0 s5, $0x0  }
0x1f: {  	s9 =	smul.u32 $0xF7A, s1;
	s8 =	simm.s32 @!p0 $0x1BF5;
	p2 =	por !p2, p0  }
0x20: {  	[sflag:s8] =	ssyncset.s32 @!p0 $0xFFFFF086;
	s6 =	sadd.s32 @!p0 s3, s7;
	s7 =	simm.s32 @!p0 $0x108  }
0x21: {  	s3 =	sadd.s32 s3, s9;
	s6 =	sadd.s32 @!p0 $0x88, s6;
	s7 =	simm.s32 @p2 $0x1082  }
0x22: {  	[simem:s7], [sflag:s8] =	dma.local @!p0 [hbm:s6], $0xF7A  }
0x23: {  	s9 =	sor.u32 $0xD0000000, s2;
	s6 =	simm.s32 $0x108;
	_ =	swait.ge @!p0 [sflag:s8], $0x0  }
0x24: {  	s3 =	sadd.s32 $0x88, s3;
	s6 =	simm.s32 @!p1 $0x1082;
	[sflag:s4] =	ssyncset.s32 $0xFFFFF086  }
0x25: {  	[simem:s6], [sflag:s4] =	dma.local [hbm:s3], $0xF7A  }
0x26: {  	[smem:$0x3F94] =	sst s1;
	(tag) =	ssettag s2;
	_ =	strace s9  }
0x27: {  	s1 =	sld [smem:$0x3FA4]  }
0x28: {  	s2 =	sld [smem:$0x3FA5]  }
0x29: {  	s4 =	sld [smem:$0x3FA7]  }
0x2a: {  	p0 =	seq.s32 s5, $0x0;
	s5 =	sld [smem:$0x3FA8]  }
0x2b: {  	s6 =	sld [smem:$0x3FA9]  }
0x2c: {  	s7 =	sld [smem:$0x3FAA]  }
0x2d: {  	s3 =	simm.s32 $0x108;
	s8 =	sld [smem:$0x3FAB]  }
0x2e: {  	s3 =	simm.s32 @!p0 $0x1082;
	s9 =	sld [smem:$0x3FAC]  }
0x2f: {  	lr =	sadd.s32 s0, s3;
	s0 =	sld [smem:$0x3FA3]  }
0x30: {  	s3 =	sld [smem:$0x3FA6]  }
0x31: {  	[smem:$0x3FAF] =	sst s10  }
0x32: {  	s10 =	sld [smem:$0x3FAD];
	_ =	sdelay $0x3  }
0x33: {  	p0 =	seq.s32 s10, $0x1;
	s10 =	sld [smem:$0x3FAF];
	_ =	sdelay $0x3  }
0x34: {  	[smem:$0x3FAF] =	sst s10  }
0x35: {  	s10 =	sld [smem:$0x3FAE];
	_ =	sdelay $0x3  }
0x36: {  	p1 =	seq.s32 s10, $0x1;
	s10 =	sld [smem:$0x3FAF];
	_ =	sdelay $0x3  }
0x37: {  	[smem:$0x3FAF] =	sst s10  }
0x38: {  	s10 =	sld [smem:$0x3FB0]  }
0x39: {  	_ = 	snop;
	(pc) =	sbr.ind lr, $3  }
0x3a: {  	_ = 	snop  }
0x3b: {  	_ = 	snop  }
0x3c: {  	p2 =	seq.s32 s10, $0x1;
	s10 =	sld [smem:$0x3FAF]  }
0x3d: {  	_ =	shalt  }
0x3e: {  	_ =	shalt  }
0x3f: {  	_ =	shalt  }
0x40: {  	_ =	shalt  }
0x41: {  	_ =	shalt  }
0x42: {  	_ =	shalt  }
0x43: {  	_ =	shalt  }
0x44: {  	_ =	shalt  }
0x45: {  	_ =	shalt  }
0x46: {  	_ =	shalt  }
0x47: {  	_ =	shalt  }
0x48: {  	_ =	shalt  }
0x49: {  	_ =	shalt  }
0x4a: {  	_ =	shalt  }
0x4b: {  	_ =	shalt  }
0x4c: {  	_ =	shalt  }
0x4d: {  	_ =	shalt  }
0x4e: {  	_ =	shalt  }
0x4f: {  	_ =	shalt  }
0x50: {  	_ =	shalt  }
0x51: {  	_ =	shalt  }
0x52: {  	_ =	shalt  }
0x53: {  	_ =	shalt  }
0x54: {  	_ =	shalt  }
0x55: {  	_ =	shalt  }
0x56: {  	_ =	shalt  }
0x57: {  	_ =	shalt  }
0x58: {  	_ =	shalt  }
0x59: {  	_ =	shalt  }
0x5a: {  	_ =	shalt  }
0x5b: {  	_ =	shalt  }
0x5c: {  	_ =	shalt  }
0x5d: {  	_ =	shalt  }
0x5e: {  	_ =	shalt  }
0x5f: {  	_ =	shalt  }
0x60: {  	_ =	shalt  }
0x61: {  	_ =	shalt  }
0x62: {  	_ =	shalt  }
0x63: {  	_ =	shalt  }
0x64: {  	_ =	shalt  }
0x65: {  	_ =	shalt  }
0x66: {  	_ =	shalt  }
0x67: {  	_ =	shalt  }
0x68: {  	_ =	shalt  }
0x69: {  	_ =	shalt  }
0x6a: {  	_ =	shalt  }
0x6b: {  	_ =	shalt  }
0x6c: {  	_ =	shalt  }
0x6d: {  	_ =	shalt  }
0x6e: {  	_ =	shalt  }
0x6f: {  	_ =	shalt  }
0x70: {  	_ =	shalt  }
0x71: {  	_ =	shalt  }
0x72: {  	_ =	shalt  }
0x73: {  	_ =	shalt  }
0x74: {  	_ =	shalt  }
0x75: {  	_ =	shalt  }
0x76: {  	_ =	shalt  }
0x77: {  	_ =	shalt  }
0x78: {  	_ =	shalt  }
0x79: {  	_ =	shalt  }
0x7a: {  	_ =	shalt  }
0x7b: {  	_ =	shalt  }
0x7c: {  	_ =	shalt  }
0x7d: {  	_ =	shalt  }
0x7e: {  	_ =	shalt  }
0x7f: {  	_ =	shalt  }
0x80: {  	_ =	shalt  }
0x81: {  	_ =	shalt  }
0x82: {  	_ =	shalt  }
0x83: {  	_ =	shalt  }
0x84: {  	_ =	shalt  }
0x85: {  	_ =	shalt  }
0x86: {  	_ =	shalt  }
0x87: {  	_ =	shalt  }
.Lfunc_end0:
.L_simem_size_0:
called_computation.1_lowered:
.L_overlay_start_0:
0x88: {  	s2 =	sld [smem:$0x3FD9]  }
0x89: {  	s3 =	sld [smem:$0x3FFE];
	_ =	sdelay $0x1  }
0x8a: {  	s1 =	srdreg.scid  }
0x8b: {  	s0 =	sand.u32 $0x1, s1  }
0x8c: {  	s17 =	sshll.u32 s0, $0xA;
	s2 =	sadd.s32 s3, s2  }
0x8d: {  	s2 =	sadd.s32 s2, s17  }
0x8e: {  	[smem:$0x3FBB] =	sst s2  }
0x8f: {  	_ = 	snop  }
0x90: {  	(tm) =	ssettm $0x1  }
0x91: {  	s18 =	sld [smem:$0x3FFB];
	_ =	sdelay $0x3  }
0x92: {  	_ =	strace s18  }
0x93: {  	s2 =	sld [smem:$0x3FFC];
	_ =	sdelay $0x3  }
0x94: {  	_ =	strace s2  }
0x95: {  	s2 =	sld [smem:$0x3FFD];
	_ =	sdelay $0x3  }
0x96: {  	_ =	strace s2  }
0x97: {  	_ =	strace $0x8FFFFFFF  }
0x98: {  	s19 =	sld [smem:$0x3FDB];
	_ =	sdelay $0x1  }
0x99: {  	s20 =	simm.s32 $_scs_section_size  }
0x9a: {  	s4 =	simm.s32 $_size__tile_overlayer_lowered;
	s5 =	simm.s32 $_tile_overlayer_lowered  }
0x9b: {  	s6 =	simm.s32 $0x1BFF;
	s21 =	sshll.u32 s5, $0x1;
	s3 =	sadd.s32 s20, s19  }
0x9c: {  	s22 =	simm.s32 $0x0;
	s4 =	sshll.u32 s4, $0x1;
	s5 =	sadd.s32 s21, s3  }
0x9d: {  	[timem:s22], [sflag:s6] =	dma.local [hbm:s5], s4  }
0x9e: {  	_ =	swait.ge [sflag:s6], s4  }
0x9f: {  	s4 =	ssub.s32 $0x0, s4;
	[sflag:s6] =	ssyncset.done $0x0  }
0xa0: {  	[sflag:s6] =	ssyncadd.s32 s4;
	_ =	sdelay $0x1  }
0xa1: {  	s23 =	simm.s32 $0x1B8B  }
0xa2: {  	_ =	swait.ge [sflag:s23], $0x1  }
0xa3: {  	[sflag:s23] =	ssyncset.done $0x0  }
0xa4: {  	[sflag:s23] =	ssyncadd.s32 $0xFFFFFFFF  }
0xa5: {  	s4 =	sld [smem:$0x0]  }
0xa6: {  	s5 =	sand.u32 $0xFFFFFFFE, s1  }
0xa7: {  	p0 =	sne.s32 s1, s5  }
0xa8: {  	s5 =	sshll.u32 @p0 s5, $0xE  }
0xa9: {  	s5 =	sadd.s32 @p0 $0x11B8D, s5;
	s6 =	sshll.u32 @p0 s4, $0x11  }
0xaa: {  	s5 =	sor.u32 @p0 s6, s5  }
0xab: {  	[sflag:s5] =	ssyncadd.remote.s32 @p0 $0x1;
	_ =	sdelay $0x1  }
0xac: {  	s5 =	simm.s32 @p0 $0x1B8D  }
0xad: {  	_ =	swait.eq @p0 [sflag:s5], $0x1  }
0xae: {  	[sflag:s5] =	ssyncadd.s32 @p0 $0xFFFFFFFF  }
0xaf: {  	s6 =	sshll.u32 @!p0 s1, $0xE  }
0xb0: {  	s6 =	sor.u32 @!p0 $0x4000, s6;
	s5 =	simm.s32 @!p0 $0x1B8D  }
0xb1: {  	s4 =	sshll.u32 @!p0 s4, $0x11;
	s6 =	sadd.s32 @!p0 $0x11B8D, s6;
	_ =	swait.eq @!p0 [sflag:s5], $0x1  }
0xb2: {  	s4 =	sor.u32 @!p0 s4, s6;
	[sflag:s5] =	ssyncadd.s32 @!p0 $0xFFFFFFFF  }
0xb3: {  	s25 =	simm.s32 $0x1B8E;
	s24 =	sld [smem:$0x3FFE];
	[sflag:s4] =	ssyncadd.remote.s32 @!p0 $0x1  }
0xb4: {  	s26 =	simm.s32 $execute0_lowered;
	[smem:$0x3FD2] =	sst s25  }
0xb5: {  	s5 =	sshll.u32 s26, $0x1;
	_ =	strace $0x8000005B;
	[dreg:$0x1] =	wrdreg $0xFFFFFFFF  }
0xb6: {  	s28 =	simm.s32 $_size_execute0_lowered;
	s3 =	sadd.s32 s3, s5;
	[dreg:$0x0] =	wrdreg $0x0  }
0xb7: {  	s5 =	sshll.u32 s28, $0x1;
	[dreg:$0x2] =	wrdreg s3  }
0xb8: {  	[dreg:$0x3] =	wrdreg s5  }
0xb9: {  	[dreg:$0x4] =	wrdreg $0xC0  }
0xba: {  	_ =	task [dreg:s22], $0x5FFFF  }
0xbb: {  	[dreg:$0x1] =	wrdreg $0xFFFFFFFF  }
0xbc: {  	[dreg:$0x0] =	wrdreg $0x60  }
0xbd: {  	[dreg:$0x2] =	wrdreg s24  }
0xbe: {  	[dreg:$0x3] =	wrdreg $0xA  }
0xbf: {  	_ =	task.clear_ibuf [dreg:s22], $0x4FFFF;
	_ =	strace $0x9000005B  }
0xc0: {  	s29 =	simm.s32 $0xA;
	_ =	strace $0x8000005D  }
0xc1: {  	_ =	swait.ge [sflag:s29], $0x1  }
0xc2: {  	[sflag:s29] =	ssyncadd.s32 $0xFFFFFFFF  }
0xc3: {  	_ =	strace $0x9000005D  }
0xc4: {  	_ =	sfence  }
0xc5: {  	s30 =	sld [smem:$0x0];
	_ =	sdelay $0x2  }
0xc6: {  	s31 =	sshll.u32 s1, $0xD;
	s1 =	sshrl.u32 s1, $0x2  }
0xc7: {  	s4 =	sand.u32 $0x4000, s31;
	s1 =	sadd.s32 s1, s30  }
0xc8: {  	s0 =	sor.u32 s4, s0;
	s1 =	sshll.u32 s1, $0x11  }
0xc9: {  	s0 =	sor.u32 s1, s0  }
0xca: {  	s0 =	sadd.s32 $0x8F2B, s0  }
0xcb: {  	[sflag:s0] =	ssyncadd.remote.s32 $0x1  }
0xcc: {  	_ =	sfence.sel $0xFFFF  }
0xcd: {  	[dreg:$0x0] =	wrdreg $0xFFFFFFFF;
	(pc) =	sbr.abs _section_cstart, $3  }
0xce: {  	[dreg:$0x1] =	wrdreg $0xFFFFFFFF  }
0xcf: {  	_ =	task.clear_ibuf [dreg:s22], $0x2FFFF;
	_ =	strace $0x9FFFFFFF  }
0xd0: {  	(tm) =	ssettm $0x7FFFFFFF  }
0xd1: {  	_ =	shalt  }
tec
execute0_lowered:
.L_overlay_start_1:
0x0: {  	(tag) =	ssettag $0x1  }
0x1: {  	s1 =	srdreg.scid  }
0x2: {  	s0 =	stileid.u32;
	s26 =	sand.u32 $0x1, s1  }
0x3: {  	s31 =	sshll.u32 s0, $0xC;
	s2 =	sshll.u32 s26, $0xB  }
0x4: {  	s10 =	sor.u32 s2, s31  }
0x5: {  	s9 =	rddreg [dreg:$0x0];
	s2 =	simm.s32 $0x0;
	s3 =	sshrl.u32 s10, $0x3  }
0x6: {  	s4 =	simm.s32 $0x5;
	[smem:$0x7FF] =	sst s2;
	s3 =	sadd.s32 s3, s9  }
0x7: {  	s1 =	rddreg [dreg:$0x1];
	_ =	strace $0x8000005C;
	s3 =	sadd.s32 $0x8FE00, s3  }
0x8: {  	[tilespmem:s2], [sflag:$0x5] =	stream.linear.gather [hbm4b:s3+s2], $0x800, $0x38;
	[tilespmem:$0x10800] =	vst v63  }
0x9: {  	_ =	swait.ge [sflag:s4], $0x800  }
0xa: {  	s6 =	simm.s32 $0x100;
	s7 =	simm.s32 $0x800;
	[sflag:s4] =	ssyncset.done $0x0  }
0xb: {  	s8 =	simm.s32 $0x1;
	s5 =	sadd.s32 $0x3E00, s9;
	[sflag:s4] =	ssyncadd.s32 $0xFFFFF800  }
0xc: {  	[tilespmem:s7], [sflag:$0x1] =	stream.indirect.gather [hbm4b:s5+s6], $0x80, s2, s6, $0xb8;
	[tilespmem:$0x10800] =	vst v63  }
0xd: {  	_ =	swait.ge [sflag:s8], $0x8000  }
0xe: {  	s10 =	sshll.u32 s10, $0x4;
	[sflag:s8] =	ssyncset.done $0x0  }
0xf: {  	s28 =	sadd.s32 s10, s9;
	s9 =	simm.s32 $0x8800;
	[sflag:s8] =	ssyncadd.s32 $0xFFFF8000  }
0x10: {  	[tilespmem:s9], [sflag:$0x2] =	stream.indirect.gather [hbm4b:s5+s6], $0x80, s6, s6, $0xb8;
	[tilespmem:$0x10800] =	vst v63  }
0x11: {  	s11 =	simm.s32 $0x2;
	s10 =	sadd.s32 $0x793E00, s28  }
0x12: {  	[hbm4b:s10+s2] =	stream.linear.scatter [tilespmem:s7], [sflag:$0x3], $0x8000, $0x38;
	[tilespmem:$0x10800] =	vst v63  }
0x13: {  	_ =	swait.ge [sflag:s11], $0x8000  }
0x14: {  	[sflag:s11] =	ssyncset.done $0x0  }
0x15: {  	s12 =	simm.s32 $0x3;
	[sflag:s11] =	ssyncadd.s32 $0xFFFF8000  }
0x16: {  	_ =	swait.ge [sflag:s12], $0x8000  }
0x17: {  	[sflag:s12] =	ssyncset.done $0x0  }
0x18: {  	s13 =	simm.s32 $0x200;
	[sflag:s12] =	ssyncadd.s32 $0xFFFF8000  }
0x19: {  	[tilespmem:s7], [sflag:$0x1] =	stream.indirect.gather [hbm4b:s5+s6], $0x80, s13, s6, $0xb8;
	[tilespmem:$0x10800] =	vst v63  }
0x1a: {  	s14 =	sadd.s32 $0x794E00, s28  }
0x1b: {  	[hbm4b:s14+s2] =	stream.linear.scatter [tilespmem:s9], [sflag:$0x4], $0x8000, $0x38;
	[tilespmem:$0x10800] =	vst v63  }
0x1c: {  	_ =	swait.ge [sflag:s8], $0x8000  }
0x1d: {  	[sflag:s8] =	ssyncset.done $0x0  }
0x1e: {  	s15 =	simm.s32 $0x4;
	[sflag:s8] =	ssyncadd.s32 $0xFFFF8000  }
0x1f: {  	_ =	swait.ge [sflag:s15], $0x8000  }
0x20: {  	[sflag:s15] =	ssyncset.done $0x0  }
0x21: {  	s16 =	simm.s32 $0x300;
	[sflag:s15] =	ssyncadd.s32 $0xFFFF8000  }
0x22: {  	[tilespmem:s9], [sflag:$0x2] =	stream.indirect.gather [hbm4b:s5+s6], $0x80, s16, s6, $0xb8;
	[tilespmem:$0x10800] =	vst v63  }
0x23: {  	s17 =	sadd.s32 $0x795E00, s28  }
0x24: {  	[hbm4b:s17+s2] =	stream.linear.scatter [tilespmem:s7], [sflag:$0x3], $0x8000, $0x38;
	[tilespmem:$0x10800] =	vst v63  }
0x25: {  	_ =	swait.ge [sflag:s11], $0x8000  }
0x26: {  	[sflag:s11] =	ssyncset.done $0x0  }
0x27: {  	[sflag:s11] =	ssyncadd.s32 $0xFFFF8000  }
0x28: {  	_ =	swait.ge [sflag:s12], $0x8000  }
0x29: {  	[sflag:s12] =	ssyncset.done $0x0  }
0x2a: {  	s18 =	simm.s32 $0x400;
	[sflag:s12] =	ssyncadd.s32 $0xFFFF8000  }
0x2b: {  	[tilespmem:s7], [sflag:$0x1] =	stream.indirect.gather [hbm4b:s5+s6], $0x80, s18, s6, $0xb8;
	[tilespmem:$0x10800] =	vst v63  }
0x2c: {  	s19 =	sadd.s32 $0x796E00, s28  }
0x2d: {  	[hbm4b:s19+s2] =	stream.linear.scatter [tilespmem:s9], [sflag:$0x4], $0x8000, $0x38;
	[tilespmem:$0x10800] =	vst v63  }
0x2e: {  	_ =	swait.ge [sflag:s8], $0x8000  }
0x2f: {  	[sflag:s8] =	ssyncset.done $0x0  }
0x30: {  	[sflag:s8] =	ssyncadd.s32 $0xFFFF8000  }
0x31: {  	_ =	swait.ge [sflag:s15], $0x8000  }
0x32: {  	[sflag:s15] =	ssyncset.done $0x0  }
0x33: {  	s20 =	simm.s32 $0x500;
	[sflag:s15] =	ssyncadd.s32 $0xFFFF8000  }
0x34: {  	[tilespmem:s9], [sflag:$0x2] =	stream.indirect.gather [hbm4b:s5+s6], $0x80, s20, s6, $0xb8;
	[tilespmem:$0x10800] =	vst v63  }
0x35: {  	s21 =	sadd.s32 $0x797E00, s28  }
0x36: {  	[hbm4b:s21+s2] =	stream.linear.scatter [tilespmem:s7], [sflag:$0x3], $0x8000, $0x38;
	[tilespmem:$0x10800] =	vst v63  }
0x37: {  	_ =	swait.ge [sflag:s11], $0x8000  }
0x38: {  	[sflag:s11] =	ssyncset.done $0x0  }
0x39: {  	[sflag:s11] =	ssyncadd.s32 $0xFFFF8000  }
0x3a: {  	_ =	swait.ge [sflag:s12], $0x8000  }
0x3b: {  	[sflag:s12] =	ssyncset.done $0x0  }
0x3c: {  	s22 =	simm.s32 $0x600;
	[sflag:s12] =	ssyncadd.s32 $0xFFFF8000  }
0x3d: {  	[tilespmem:s7], [sflag:$0x1] =	stream.indirect.gather [hbm4b:s5+s6], $0x80, s22, s6, $0xb8;
	[tilespmem:$0x10800] =	vst v63  }
0x3e: {  	s23 =	sadd.s32 $0x798E00, s28  }
0x3f: {  	[hbm4b:s23+s2] =	stream.linear.scatter [tilespmem:s9], [sflag:$0x4], $0x8000, $0x38;
	[tilespmem:$0x10800] =	vst v63  }
0x40: {  	_ =	swait.ge [sflag:s8], $0x8000  }
0x41: {  	[sflag:s8] =	ssyncset.done $0x0  }
0x42: {  	[sflag:s8] =	ssyncadd.s32 $0xFFFF8000  }
0x43: {  	_ =	swait.ge [sflag:s15], $0x8000  }
0x44: {  	[sflag:s15] =	ssyncset.done $0x0  }
0x45: {  	s24 =	simm.s32 $0x700;
	s29 =	ssub.s32 $0x2, s26;
	[sflag:s15] =	ssyncadd.s32 $0xFFFF8000  }
0x46: {  	[tilespmem:s9], [sflag:$0x2] =	stream.indirect.gather [hbm4b:s5+s6], $0x80, s24, s6, $0xb8;
	[tilespmem:$0x10800] =	vst v63  }
0x47: {  	s25 =	sadd.s32 $0x799E00, s28;
	s26 =	sadd.s32 $0x79AE00, s28;
	s28 =	sshrl.u32 s29, $0x1  }
0x48: {  	[hbm4b:s25+s2] =	stream.linear.scatter [tilespmem:s7], [sflag:$0x3], $0x8000, $0x38;
	[tilespmem:$0x10800] =	vst v63  }
0x49: {  	s28 =	ssub.s32 s29, s28;
	_ =	swait.ge [sflag:s11], $0x8000  }
0x4a: {  	s28 =	smax.u32 s28, $0x1;
	[sflag:s11] =	ssyncset.done $0x0  }
0x4b: {  	p0 =	sne.s32 s28, $0x1;
	[sflag:s11] =	ssyncadd.s32 $0xFFFF8000  }
0x4c: {  	[hbm4b:s26+s2] =	stream.linear.scatter [tilespmem:s9], [sflag:$0x4], $0x8000, $0x38;
	[tilespmem:$0x10800] =	vst v63  }
.Ltmp0:
0x4d: {  	_ =	swait.ge [sflag:s15], $0x8000;
	(pc) =	sbr.rel @!p0 .LBB2_2-.Ltmp0, $4  }
0x4e: {  	[sflag:s15] =	ssyncset.done $0x0  }
0x4f: {  	[sflag:s15] =	ssyncadd.s32 $0xFFFF8000  }
0x50: {  	_ =	swait.ge [sflag:s12], $0x8000  }
0x51: {  	s28 =	sadd.s32 $0xFFFFFFFF, s28;
	[sflag:s12] =	ssyncset.done $0x0  }
.LBB2_1:
0x52: {  	p0 =	sne.s32 s28, $0x1;
	s28 =	sadd.s32 $0xFFFFFFFF, s28;
	[sflag:s12] =	ssyncadd.s32 $0xFFFF8000  }
0x53: {  	[tilespmem:s2], [sflag:$0x5] =	stream.linear.gather [hbm4b:s3+s2], $0x800, $0x38;
	[tilespmem:$0x10800] =	vst v63  }
0x54: {  	_ =	swait.ge [sflag:s4], $0x800  }
0x55: {  	[sflag:s4] =	ssyncset.done $0x0  }
0x56: {  	[sflag:s4] =	ssyncadd.s32 $0xFFFFF800  }
0x57: {  	[tilespmem:s7], [sflag:$0x1] =	stream.indirect.gather [hbm4b:s5+s6], $0x80, s2, s6, $0xb8;
	[tilespmem:$0x10800] =	vst v63  }
0x58: {  	_ =	swait.ge [sflag:s8], $0x8000  }
0x59: {  	[sflag:s8] =	ssyncset.done $0x0  }
0x5a: {  	[sflag:s8] =	ssyncadd.s32 $0xFFFF8000  }
0x5b: {  	[tilespmem:s9], [sflag:$0x2] =	stream.indirect.gather [hbm4b:s5+s6], $0x80, s6, s6, $0xb8;
	[tilespmem:$0x10800] =	vst v63  }
0x5c: {  	_ = 	snop  }
0x5d: {  	[hbm4b:s10+s2] =	stream.linear.scatter [tilespmem:s7], [sflag:$0x3], $0x8000, $0x38;
	[tilespmem:$0x10800] =	vst v63  }
0x5e: {  	_ =	swait.ge [sflag:s11], $0x8000  }
0x5f: {  	[sflag:s11] =	ssyncset.done $0x0  }
0x60: {  	[sflag:s11] =	ssyncadd.s32 $0xFFFF8000  }
0x61: {  	_ =	swait.ge [sflag:s12], $0x8000  }
0x62: {  	[sflag:s12] =	ssyncset.done $0x0  }
0x63: {  	[sflag:s12] =	ssyncadd.s32 $0xFFFF8000  }
0x64: {  	[tilespmem:s7], [sflag:$0x1] =	stream.indirect.gather [hbm4b:s5+s6], $0x80, s13, s6, $0xb8;
	[tilespmem:$0x10800] =	vst v63  }
0x65: {  	_ = 	snop  }
0x66: {  	[hbm4b:s14+s2] =	stream.linear.scatter [tilespmem:s9], [sflag:$0x4], $0x8000, $0x38;
	[tilespmem:$0x10800] =	vst v63  }
0x67: {  	_ =	swait.ge [sflag:s8], $0x8000  }
0x68: {  	[sflag:s8] =	ssyncset.done $0x0  }
0x69: {  	[sflag:s8] =	ssyncadd.s32 $0xFFFF8000  }
0x6a: {  	_ =	swait.ge [sflag:s15], $0x8000  }
0x6b: {  	[sflag:s15] =	ssyncset.done $0x0  }
0x6c: {  	[sflag:s15] =	ssyncadd.s32 $0xFFFF8000  }
0x6d: {  	[tilespmem:s9], [sflag:$0x2] =	stream.indirect.gather [hbm4b:s5+s6], $0x80, s16, s6, $0xb8;
	[tilespmem:$0x10800] =	vst v63  }
0x6e: {  	_ = 	snop  }
0x6f: {  	[hbm4b:s17+s2] =	stream.linear.scatter [tilespmem:s7], [sflag:$0x3], $0x8000, $0x38;
	[tilespmem:$0x10800] =	vst v63  }
0x70: {  	_ =	swait.ge [sflag:s11], $0x8000  }
0x71: {  	[sflag:s11] =	ssyncset.done $0x0  }
0x72: {  	[sflag:s11] =	ssyncadd.s32 $0xFFFF8000  }
0x73: {  	_ =	swait.ge [sflag:s12], $0x8000  }
0x74: {  	[sflag:s12] =	ssyncset.done $0x0  }
0x75: {  	[sflag:s12] =	ssyncadd.s32 $0xFFFF8000  }
0x76: {  	[tilespmem:s7], [sflag:$0x1] =	stream.indirect.gather [hbm4b:s5+s6], $0x80, s18, s6, $0xb8;
	[tilespmem:$0x10800] =	vst v63  }
0x77: {  	_ = 	snop  }
0x78: {  	[hbm4b:s19+s2] =	stream.linear.scatter [tilespmem:s9], [sflag:$0x4], $0x8000, $0x38;
	[tilespmem:$0x10800] =	vst v63  }
0x79: {  	_ =	swait.ge [sflag:s8], $0x8000  }
0x7a: {  	[sflag:s8] =	ssyncset.done $0x0  }
0x7b: {  	[sflag:s8] =	ssyncadd.s32 $0xFFFF8000  }
0x7c: {  	_ =	swait.ge [sflag:s15], $0x8000  }
0x7d: {  	[sflag:s15] =	ssyncset.done $0x0  }
0x7e: {  	[sflag:s15] =	ssyncadd.s32 $0xFFFF8000  }
0x7f: {  	[tilespmem:s9], [sflag:$0x2] =	stream.indirect.gather [hbm4b:s5+s6], $0x80, s20, s6, $0xb8;
	[tilespmem:$0x10800] =	vst v63  }
0x80: {  	_ = 	snop  }
0x81: {  	[hbm4b:s21+s2] =	stream.linear.scatter [tilespmem:s7], [sflag:$0x3], $0x8000, $0x38;
	[tilespmem:$0x10800] =	vst v63  }
0x82: {  	_ =	swait.ge [sflag:s11], $0x8000  }
0x83: {  	[sflag:s11] =	ssyncset.done $0x0  }
0x84: {  	[sflag:s11] =	ssyncadd.s32 $0xFFFF8000  }
0x85: {  	_ =	swait.ge [sflag:s12], $0x8000  }
0x86: {  	[sflag:s12] =	ssyncset.done $0x0  }
0x87: {  	[sflag:s12] =	ssyncadd.s32 $0xFFFF8000  }
0x88: {  	[tilespmem:s7], [sflag:$0x1] =	stream.indirect.gather [hbm4b:s5+s6], $0x80, s22, s6, $0xb8;
	[tilespmem:$0x10800] =	vst v63  }
0x89: {  	_ = 	snop  }
0x8a: {  	[hbm4b:s23+s2] =	stream.linear.scatter [tilespmem:s9], [sflag:$0x4], $0x8000, $0x38;
	[tilespmem:$0x10800] =	vst v63  }
0x8b: {  	_ =	swait.ge [sflag:s8], $0x8000  }
0x8c: {  	[sflag:s8] =	ssyncset.done $0x0  }
0x8d: {  	[sflag:s8] =	ssyncadd.s32 $0xFFFF8000  }
0x8e: {  	_ =	swait.ge [sflag:s15], $0x8000  }
0x8f: {  	[sflag:s15] =	ssyncset.done $0x0  }
0x90: {  	[sflag:s15] =	ssyncadd.s32 $0xFFFF8000  }
0x91: {  	[tilespmem:s9], [sflag:$0x2] =	stream.indirect.gather [hbm4b:s5+s6], $0x80, s24, s6, $0xb8;
	[tilespmem:$0x10800] =	vst v63  }
0x92: {  	_ = 	snop  }
0x93: {  	[hbm4b:s25+s2] =	stream.linear.scatter [tilespmem:s7], [sflag:$0x3], $0x8000, $0x38;
	[tilespmem:$0x10800] =	vst v63  }
0x94: {  	_ =	swait.ge [sflag:s11], $0x8000  }
0x95: {  	[sflag:s11] =	ssyncset.done $0x0  }
0x96: {  	[sflag:s11] =	ssyncadd.s32 $0xFFFF8000  }
0x97: {  	[hbm4b:s26+s2] =	stream.linear.scatter [tilespmem:s9], [sflag:$0x4], $0x8000, $0x38;
	[tilespmem:$0x10800] =	vst v63  }
.Ltmp1:
0x98: {  	_ =	swait.ge [sflag:s15], $0x8000;
	(pc) =	sbr.rel @p0 .LBB2_1-.Ltmp1, $4  }
0x99: {  	[sflag:s15] =	ssyncset.done $0x0  }
0x9a: {  	[sflag:s15] =	ssyncadd.s32 $0xFFFF8000  }
0x9b: {  	_ =	swait.ge [sflag:s12], $0x8000  }
0x9c: {  	[sflag:s12] =	ssyncset.done $0x0  }
.LBB2_2:
0x9d: {  	[sflag:s12] =	ssyncadd.s32 $0xFFFF8000  }
0x9e: {  	_ =	sfence.sel $0x180000  }
0x9f: {  	[bflag:$0x0] =	sbarrier.arrive $0xFFFF  }
0xa0: {  	p0 =	sne.s32 s0, $0x0;
	_ =	strace $0x9000005C  }
0xa1: {  	s0 =	sadd.s32 @!p0 $0x100000, s1;
	[bflag:$0x2] =	sbarrier.arrive $0xFFFF  }
0xa2: {  	[sflag:s0] =	ssyncadd.tile.s32 @!p0 $0x1;
	_ =	shalt  }
.Lfunc_end2:
_tile_overlayer_lowered:
.L_overlay_start_2:
0xa3: {  	(tag) =	ssettag $0x2  }
0xa4: {  	s0 =	rddreg [dreg:$0x0];
	s2 =	stileid.u32  }
0xa5: {  	s1 =	rddreg [dreg:$0x1];
	p0 =	sne.s32 s2, $0x0  }
0xa6: {  	s3 =	rddreg [dreg:$0x2];
	[bflag:$0x3] =	sbarrier.arrive $0xFFFF;
	s2 =	simm.s32 @!p0 $0x1C05  }
0xa7: {  	[timem:s3], [sflag:s2] =	dma.local @!p0 [hbm:s0], s1  }
0xa8: {  	s0 =	simm.s32 @!p0 $0x5  }
0xa9: {  	_ =	swait.ge @!p0 [sflag:s0], s1  }
0xaa: {  	s1 =	ssub.s32 @!p0 $0x0, s1;
	[sflag:s0] =	ssyncset.done @!p0 $0x0  }
0xab: {  	[sflag:s0] =	ssyncadd.s32 @!p0 s1  }
0xac: {  	[bflag:$0x3] =	sbarrier.arrive $0xFFFF  }
0xad: {  	_ =	shalt  }

// kernel: kernel.25.cloned.1.call-start
scs
__scs_entry_jumppad:
0x0: {  	(pc) =	sbr.rel $0x88, $3  }
0x1: {  	(tag) =	ssettag $0x0;
	lr =	simm.s32 $0x1  }
0x2: {  	[smem:$0x3F94] =	sst lr;
	_ =	strace $0xD0000000  }
0x3: {  	_ = 	snop  }
0x4: {  	_ = 	snop  }
0x5: {  	_ = 	snop  }
0x6: {  	_ = 	snop  }
0x7: {  	_ = 	snop  }
__scs_overlays_trampoline_lowered:
0x8: {  	[smem:$0x3FA3] =	sst s0  }
0x9: {  	[smem:$0x3FA4] =	sst s1  }
0xa: {  	[smem:$0x3FA5] =	sst s2  }
0xb: {  	[smem:$0x3FA6] =	sst s3  }
0xc: {  	[smem:$0x3FA7] =	sst s4  }
0xd: {  	[smem:$0x3FA8] =	sst s5  }
0xe: {  	[smem:$0x3FA9] =	sst s6  }
0xf: {  	[smem:$0x3FAA] =	sst s7  }
0x10: {  	[smem:$0x3FAB] =	sst s8  }
0x11: {  	[smem:$0x3FAC] =	sst s9;
	s0 =	simm.s32 @!p0 $0x0  }
0x12: {  	s1 =	sld [smem:$0x3F92];
	s0 =	simm.s32 @p0 $0x1  }
0x13: {  	[smem:$0x3FAD] =	sst s0;
	s0 =	simm.s32 @!p1 $0x0  }
0x14: {  	s2 =	sld [smem:$0x3F91];
	s0 =	simm.s32 @p1 $0x1  }
0x15: {  	[smem:$0x3FAE] =	sst s0;
	s0 =	simm.s32 @!p2 $0x0  }
0x16: {  	s3 =	sld [smem:$0x3FDB];
	s0 =	simm.s32 @p2 $0x1  }
0x17: {  	s4 =	simm.s32 $0x1BF5;
	[smem:$0x3FB0] =	sst s0  }
0x18: {  	s0 =	sld [smem:$0x3F93];
	_ =	swait.ge [sflag:s4], $0x0  }
0x19: {  	s7 =	sld [smem:$0x3F94]  }
0x1a: {  	s8 =	sadd.s32 $0xFFFFE003, lr  }
0x1b: {  	s9 =	sadd.s32 $0xFFFFFEF7, lr;
	s5 =	simm.s32 $0xFFFFFFFF;
	p2 =	slt.u32 s8, $0xFFFFF086  }
0x1c: {  	p1 =	slt.u32 s9, $0xF7A;
	s5 =	simm.s32 @!p2 $0x0  }
0x1d: {  	s5 =	simm.s32 @p1 $0x1;
	p0 =	seq.s32 s7, s2  }
0x1e: {  	s7 =	smul.u32 @!p0 $0xF7A, s2;
	p2 =	seq.s32 @!p0 s5, $0x0  }
0x1f: {  	s9 =	smul.u32 $0xF7A, s1;
	s8 =	simm.s32 @!p0 $0x1BF5;
	p2 =	por !p2, p0  }
0x20: {  	[sflag:s8] =	ssyncset.s32 @!p0 $0xFFFFF086;
	s6 =	sadd.s32 @!p0 s3, s7;
	s7 =	simm.s32 @!p0 $0x108  }
0x21: {  	s3 =	sadd.s32 s3, s9;
	s6 =	sadd.s32 @!p0 $0x88, s6;
	s7 =	simm.s32 @p2 $0x1082  }
0x22: {  	[simem:s7], [sflag:s8] =	dma.local @!p0 [hbm:s6], $0xF7A  }
0x23: {  	s9 =	sor.u32 $0xD0000000, s2;
	s6 =	simm.s32 $0x108;
	_ =	swait.ge @!p0 [sflag:s8], $0x0  }
0x24: {  	s3 =	sadd.s32 $0x88, s3;
	s6 =	simm.s32 @!p1 $0x1082;
	[sflag:s4] =	ssyncset.s32 $0xFFFFF086  }
0x25: {  	[simem:s6], [sflag:s4] =	dma.local [hbm:s3], $0xF7A  }
0x26: {  	[smem:$0x3F94] =	sst s1;
	(tag) =	ssettag s2;
	_ =	strace s9  }
0x27: {  	s1 =	sld [smem:$0x3FA4]  }
0x28: {  	s2 =	sld [smem:$0x3FA5]  }
0x29: {  	s4 =	sld [smem:$0x3FA7]  }
0x2a: {  	p0 =	seq.s32 s5, $0x0;
	s5 =	sld [smem:$0x3FA8]  }
0x2b: {  	s6 =	sld [smem:$0x3FA9]  }
0x2c: {  	s7 =	sld [smem:$0x3FAA]  }
0x2d: {  	s3 =	simm.s32 $0x108;
	s8 =	sld [smem:$0x3FAB]  }
0x2e: {  	s3 =	simm.s32 @!p0 $0x1082;
	s9 =	sld [smem:$0x3FAC]  }
0x2f: {  	lr =	sadd.s32 s0, s3;
	s0 =	sld [smem:$0x3FA3]  }
0x30: {  	s3 =	sld [smem:$0x3FA6]  }
0x31: {  	[smem:$0x3FAF] =	sst s10  }
0x32: {  	s10 =	sld [smem:$0x3FAD];
	_ =	sdelay $0x3  }
0x33: {  	p0 =	seq.s32 s10, $0x1;
	s10 =	sld [smem:$0x3FAF];
	_ =	sdelay $0x3  }
0x34: {  	[smem:$0x3FAF] =	sst s10  }
0x35: {  	s10 =	sld [smem:$0x3FAE];
	_ =	sdelay $0x3  }
0x36: {  	p1 =	seq.s32 s10, $0x1;
	s10 =	sld [smem:$0x3FAF];
	_ =	sdelay $0x3  }
0x37: {  	[smem:$0x3FAF] =	sst s10  }
0x38: {  	s10 =	sld [smem:$0x3FB0]  }
0x39: {  	_ = 	snop;
	(pc) =	sbr.ind lr, $3  }
0x3a: {  	_ = 	snop  }
0x3b: {  	_ = 	snop  }
0x3c: {  	p2 =	seq.s32 s10, $0x1;
	s10 =	sld [smem:$0x3FAF]  }
0x3d: {  	_ =	shalt  }
0x3e: {  	_ =	shalt  }
0x3f: {  	_ =	shalt  }
0x40: {  	_ =	shalt  }
0x41: {  	_ =	shalt  }
0x42: {  	_ =	shalt  }
0x43: {  	_ =	shalt  }
0x44: {  	_ =	shalt  }
0x45: {  	_ =	shalt  }
0x46: {  	_ =	shalt  }
0x47: {  	_ =	shalt  }
0x48: {  	_ =	shalt  }
0x49: {  	_ =	shalt  }
0x4a: {  	_ =	shalt  }
0x4b: {  	_ =	shalt  }
0x4c: {  	_ =	shalt  }
0x4d: {  	_ =	shalt  }
0x4e: {  	_ =	shalt  }
0x4f: {  	_ =	shalt  }
0x50: {  	_ =	shalt  }
0x51: {  	_ =	shalt  }
0x52: {  	_ =	shalt  }
0x53: {  	_ =	shalt  }
0x54: {  	_ =	shalt  }
0x55: {  	_ =	shalt  }
0x56: {  	_ =	shalt  }
0x57: {  	_ =	shalt  }
0x58: {  	_ =	shalt  }
0x59: {  	_ =	shalt  }
0x5a: {  	_ =	shalt  }
0x5b: {  	_ =	shalt  }
0x5c: {  	_ =	shalt  }
0x5d: {  	_ =	shalt  }
0x5e: {  	_ =	shalt  }
0x5f: {  	_ =	shalt  }
0x60: {  	_ =	shalt  }
0x61: {  	_ =	shalt  }
0x62: {  	_ =	shalt  }
0x63: {  	_ =	shalt  }
0x64: {  	_ =	shalt  }
0x65: {  	_ =	shalt  }
0x66: {  	_ =	shalt  }
0x67: {  	_ =	shalt  }
0x68: {  	_ =	shalt  }
0x69: {  	_ =	shalt  }
0x6a: {  	_ =	shalt  }
0x6b: {  	_ =	shalt  }
0x6c: {  	_ =	shalt  }
0x6d: {  	_ =	shalt  }
0x6e: {  	_ =	shalt  }
0x6f: {  	_ =	shalt  }
0x70: {  	_ =	shalt  }
0x71: {  	_ =	shalt  }
0x72: {  	_ =	shalt  }
0x73: {  	_ =	shalt  }
0x74: {  	_ =	shalt  }
0x75: {  	_ =	shalt  }
0x76: {  	_ =	shalt  }
0x77: {  	_ =	shalt  }
0x78: {  	_ =	shalt  }
0x79: {  	_ =	shalt  }
0x7a: {  	_ =	shalt  }
0x7b: {  	_ =	shalt  }
0x7c: {  	_ =	shalt  }
0x7d: {  	_ =	shalt  }
0x7e: {  	_ =	shalt  }
0x7f: {  	_ =	shalt  }
0x80: {  	_ =	shalt  }
0x81: {  	_ =	shalt  }
0x82: {  	_ =	shalt  }
0x83: {  	_ =	shalt  }
0x84: {  	_ =	shalt  }
0x85: {  	_ =	shalt  }
0x86: {  	_ =	shalt  }
0x87: {  	_ =	shalt  }
.Lfunc_end0:
.L_simem_size_0:
called_computation.2_lowered:
.L_overlay_start_0:
0x88: {  	s2 =	sld [smem:$0x3FD9]  }
0x89: {  	s3 =	sld [smem:$0x3FFE];
	_ =	sdelay $0x1  }
0x8a: {  	s1 =	srdreg.scid  }
0x8b: {  	s0 =	sand.u32 $0x1, s1  }
0x8c: {  	s17 =	sshll.u32 s0, $0xA;
	s2 =	sadd.s32 s3, s2  }
0x8d: {  	s2 =	sadd.s32 s2, s17  }
0x8e: {  	[smem:$0x3FBB] =	sst s2  }
0x8f: {  	_ = 	snop  }
0x90: {  	(tm) =	ssettm $0x1  }
0x91: {  	s18 =	sld [smem:$0x3FFB];
	_ =	sdelay $0x3  }
0x92: {  	_ =	strace s18  }
0x93: {  	s2 =	sld [smem:$0x3FFC];
	_ =	sdelay $0x3  }
0x94: {  	_ =	strace s2  }
0x95: {  	s2 =	sld [smem:$0x3FFD];
	_ =	sdelay $0x3  }
0x96: {  	_ =	strace s2  }
0x97: {  	_ =	strace $0x8FFFFFFF  }
0x98: {  	s19 =	sld [smem:$0x3FDB];
	_ =	sdelay $0x1  }
0x99: {  	s20 =	simm.s32 $_scs_section_size  }
0x9a: {  	s4 =	simm.s32 $_size__tile_overlayer_lowered;
	s5 =	simm.s32 $_tile_overlayer_lowered  }
0x9b: {  	s6 =	simm.s32 $0x1BFF;
	s21 =	sshll.u32 s5, $0x1;
	s3 =	sadd.s32 s20, s19  }
0x9c: {  	s22 =	simm.s32 $0x0;
	s4 =	sshll.u32 s4, $0x1;
	s5 =	sadd.s32 s21, s3  }
0x9d: {  	[timem:s22], [sflag:s6] =	dma.local [hbm:s5], s4  }
0x9e: {  	_ =	swait.ge [sflag:s6], s4  }
0x9f: {  	s4 =	ssub.s32 $0x0, s4;
	[sflag:s6] =	ssyncset.done $0x0  }
0xa0: {  	[sflag:s6] =	ssyncadd.s32 s4;
	_ =	sdelay $0x1  }
0xa1: {  	s23 =	simm.s32 $0x1B8B  }
0xa2: {  	_ =	swait.ge [sflag:s23], $0x1  }
0xa3: {  	[sflag:s23] =	ssyncset.done $0x0  }
0xa4: {  	[sflag:s23] =	ssyncadd.s32 $0xFFFFFFFF  }
0xa5: {  	s4 =	sld [smem:$0x0]  }
0xa6: {  	s5 =	sand.u32 $0xFFFFFFFE, s1  }
0xa7: {  	p0 =	sne.s32 s1, s5  }
0xa8: {  	s5 =	sshll.u32 @p0 s5, $0xE  }
0xa9: {  	s5 =	sadd.s32 @p0 $0x11B8D, s5;
	s6 =	sshll.u32 @p0 s4, $0x11  }
0xaa: {  	s5 =	sor.u32 @p0 s6, s5  }
0xab: {  	[sflag:s5] =	ssyncadd.remote.s32 @p0 $0x1;
	_ =	sdelay $0x1  }
0xac: {  	s5 =	simm.s32 @p0 $0x1B8D  }
0xad: {  	_ =	swait.eq @p0 [sflag:s5], $0x1  }
0xae: {  	[sflag:s5] =	ssyncadd.s32 @p0 $0xFFFFFFFF  }
0xaf: {  	s6 =	sshll.u32 @!p0 s1, $0xE  }
0xb0: {  	s6 =	sor.u32 @!p0 $0x4000, s6;
	s5 =	simm.s32 @!p0 $0x1B8D  }
0xb1: {  	s4 =	sshll.u32 @!p0 s4, $0x11;
	s6 =	sadd.s32 @!p0 $0x11B8D, s6;
	_ =	swait.eq @!p0 [sflag:s5], $0x1  }
0xb2: {  	s4 =	sor.u32 @!p0 s4, s6;
	[sflag:s5] =	ssyncadd.s32 @!p0 $0xFFFFFFFF  }
0xb3: {  	s25 =	simm.s32 $0x1B8E;
	s24 =	sld [smem:$0x3FFE];
	[sflag:s4] =	ssyncadd.remote.s32 @!p0 $0x1  }
0xb4: {  	s26 =	simm.s32 $execute0_lowered;
	[smem:$0x3FD2] =	sst s25  }
0xb5: {  	s5 =	sshll.u32 s26, $0x1;
	_ =	strace $0x80000055;
	[dreg:$0x1] =	wrdreg $0xFFFFFFFF  }
0xb6: {  	s28 =	simm.s32 $_size_execute0_lowered;
	s3 =	sadd.s32 s3, s5;
	[dreg:$0x0] =	wrdreg $0x0  }
0xb7: {  	s5 =	sshll.u32 s28, $0x1;
	[dreg:$0x2] =	wrdreg s3  }
0xb8: {  	[dreg:$0x3] =	wrdreg s5  }
0xb9: {  	[dreg:$0x4] =	wrdreg $0xC0  }
0xba: {  	_ =	task [dreg:s22], $0x5FFFF  }
0xbb: {  	[dreg:$0x1] =	wrdreg $0xFFFFFFFF  }
0xbc: {  	[dreg:$0x0] =	wrdreg $0x60  }
0xbd: {  	[dreg:$0x2] =	wrdreg s24  }
0xbe: {  	[dreg:$0x3] =	wrdreg $0xB  }
0xbf: {  	_ =	task.clear_ibuf [dreg:s22], $0x4FFFF;
	_ =	strace $0x90000055  }
0xc0: {  	s29 =	simm.s32 $0xB;
	_ =	strace $0x80000057  }
0xc1: {  	_ =	swait.ge [sflag:s29], $0x1  }
0xc2: {  	[sflag:s29] =	ssyncadd.s32 $0xFFFFFFFF  }
0xc3: {  	_ =	strace $0x90000057  }
0xc4: {  	_ =	sfence  }
0xc5: {  	s30 =	sld [smem:$0x0];
	_ =	sdelay $0x2  }
0xc6: {  	s31 =	sshll.u32 s1, $0xD;
	s1 =	sshrl.u32 s1, $0x2  }
0xc7: {  	s4 =	sand.u32 $0x4000, s31;
	s1 =	sadd.s32 s1, s30  }
0xc8: {  	s0 =	sor.u32 s4, s0;
	s1 =	sshll.u32 s1, $0x11  }
0xc9: {  	s0 =	sor.u32 s1, s0  }
0xca: {  	s0 =	sadd.s32 $0x8F2B, s0  }
0xcb: {  	[sflag:s0] =	ssyncadd.remote.s32 $0x1  }
0xcc: {  	_ =	sfence.sel $0xFFFF  }
0xcd: {  	[dreg:$0x0] =	wrdreg $0xFFFFFFFF;
	(pc) =	sbr.abs _section_cstart, $3  }
0xce: {  	[dreg:$0x1] =	wrdreg $0xFFFFFFFF  }
0xcf: {  	_ =	task.clear_ibuf [dreg:s22], $0x2FFFF;
	_ =	strace $0x9FFFFFFF  }
0xd0: {  	(tm) =	ssettm $0x7FFFFFFF  }
0xd1: {  	_ =	shalt  }
tec
execute0_lowered:
.L_overlay_start_1:
0x0: {  	(tag) =	ssettag $0x1  }
0x1: {  	s1 =	srdreg.scid  }
0x2: {  	s0 =	stileid.u32;
	s26 =	sand.u32 $0x1, s1  }
0x3: {  	s31 =	sshll.u32 s0, $0xC;
	s2 =	sshll.u32 s26, $0xB  }
0x4: {  	s10 =	sor.u32 s2, s31  }
0x5: {  	s9 =	rddreg [dreg:$0x0];
	s2 =	simm.s32 $0x0;
	s3 =	sshrl.u32 s10, $0x3  }
0x6: {  	s4 =	simm.s32 $0x5;
	[smem:$0x7FF] =	sst s2;
	s3 =	sadd.s32 s3, s9  }
0x7: {  	s1 =	rddreg [dreg:$0x1];
	_ =	strace $0x80000056;
	s3 =	sadd.s32 $0x8DE00, s3  }
0x8: {  	[tilespmem:s2], [sflag:$0x5] =	stream.linear.gather [hbm4b:s3+s2], $0x800, $0x38;
	[tilespmem:$0x10800] =	vst v63  }
0x9: {  	_ =	swait.ge [sflag:s4], $0x800  }
0xa: {  	s6 =	simm.s32 $0x100;
	s7 =	simm.s32 $0x800;
	[sflag:s4] =	ssyncset.done $0x0  }
0xb: {  	s8 =	simm.s32 $0x1;
	s5 =	sadd.s32 $0x3E00, s9;
	[sflag:s4] =	ssyncadd.s32 $0xFFFFF800  }
0xc: {  	[tilespmem:s7], [sflag:$0x1] =	stream.indirect.gather [hbm4b:s5+s6], $0x80, s2, s6, $0xb8;
	[tilespmem:$0x10800] =	vst v63  }
0xd: {  	_ =	swait.ge [sflag:s8], $0x8000  }
0xe: {  	s10 =	sshll.u32 s10, $0x4;
	[sflag:s8] =	ssyncset.done $0x0  }
0xf: {  	s28 =	sadd.s32 s10, s9;
	s9 =	simm.s32 $0x8800;
	[sflag:s8] =	ssyncadd.s32 $0xFFFF8000  }
0x10: {  	[tilespmem:s9], [sflag:$0x2] =	stream.indirect.gather [hbm4b:s5+s6], $0x80, s6, s6, $0xb8;
	[tilespmem:$0x10800] =	vst v63  }
0x11: {  	s11 =	simm.s32 $0x2;
	s10 =	sadd.s32 $0x591E00, s28  }
0x12: {  	[hbm4b:s10+s2] =	stream.linear.scatter [tilespmem:s7], [sflag:$0x3], $0x8000, $0x38;
	[tilespmem:$0x10800] =	vst v63  }
0x13: {  	_ =	swait.ge [sflag:s11], $0x8000  }
0x14: {  	[sflag:s11] =	ssyncset.done $0x0  }
0x15: {  	s12 =	simm.s32 $0x3;
	[sflag:s11] =	ssyncadd.s32 $0xFFFF8000  }
0x16: {  	_ =	swait.ge [sflag:s12], $0x8000  }
0x17: {  	[sflag:s12] =	ssyncset.done $0x0  }
0x18: {  	s13 =	simm.s32 $0x200;
	[sflag:s12] =	ssyncadd.s32 $0xFFFF8000  }
0x19: {  	[tilespmem:s7], [sflag:$0x1] =	stream.indirect.gather [hbm4b:s5+s6], $0x80, s13, s6, $0xb8;
	[tilespmem:$0x10800] =	vst v63  }
0x1a: {  	s14 =	sadd.s32 $0x592E00, s28  }
0x1b: {  	[hbm4b:s14+s2] =	stream.linear.scatter [tilespmem:s9], [sflag:$0x4], $0x8000, $0x38;
	[tilespmem:$0x10800] =	vst v63  }
0x1c: {  	_ =	swait.ge [sflag:s8], $0x8000  }
0x1d: {  	[sflag:s8] =	ssyncset.done $0x0  }
0x1e: {  	s15 =	simm.s32 $0x4;
	[sflag:s8] =	ssyncadd.s32 $0xFFFF8000  }
0x1f: {  	_ =	swait.ge [sflag:s15], $0x8000  }
0x20: {  	[sflag:s15] =	ssyncset.done $0x0  }
0x21: {  	s16 =	simm.s32 $0x300;
	[sflag:s15] =	ssyncadd.s32 $0xFFFF8000  }
0x22: {  	[tilespmem:s9], [sflag:$0x2] =	stream.indirect.gather [hbm4b:s5+s6], $0x80, s16, s6, $0xb8;
	[tilespmem:$0x10800] =	vst v63  }
0x23: {  	s17 =	sadd.s32 $0x593E00, s28  }
0x24: {  	[hbm4b:s17+s2] =	stream.linear.scatter [tilespmem:s7], [sflag:$0x3], $0x8000, $0x38;
	[tilespmem:$0x10800] =	vst v63  }
0x25: {  	_ =	swait.ge [sflag:s11], $0x8000  }
0x26: {  	[sflag:s11] =	ssyncset.done $0x0  }
0x27: {  	[sflag:s11] =	ssyncadd.s32 $0xFFFF8000  }
0x28: {  	_ =	swait.ge [sflag:s12], $0x8000  }
0x29: {  	[sflag:s12] =	ssyncset.done $0x0  }
0x2a: {  	s18 =	simm.s32 $0x400;
	[sflag:s12] =	ssyncadd.s32 $0xFFFF8000  }
0x2b: {  	[tilespmem:s7], [sflag:$0x1] =	stream.indirect.gather [hbm4b:s5+s6], $0x80, s18, s6, $0xb8;
	[tilespmem:$0x10800] =	vst v63  }
0x2c: {  	s19 =	sadd.s32 $0x594E00, s28  }
0x2d: {  	[hbm4b:s19+s2] =	stream.linear.scatter [tilespmem:s9], [sflag:$0x4], $0x8000, $0x38;
	[tilespmem:$0x10800] =	vst v63  }
0x2e: {  	_ =	swait.ge [sflag:s8], $0x8000  }
0x2f: {  	[sflag:s8] =	ssyncset.done $0x0  }
0x30: {  	[sflag:s8] =	ssyncadd.s32 $0xFFFF8000  }
0x31: {  	_ =	swait.ge [sflag:s15], $0x8000  }
0x32: {  	[sflag:s15] =	ssyncset.done $0x0  }
0x33: {  	s20 =	simm.s32 $0x500;
	[sflag:s15] =	ssyncadd.s32 $0xFFFF8000  }
0x34: {  	[tilespmem:s9], [sflag:$0x2] =	stream.indirect.gather [hbm4b:s5+s6], $0x80, s20, s6, $0xb8;
	[tilespmem:$0x10800] =	vst v63  }
0x35: {  	s21 =	sadd.s32 $0x595E00, s28  }
0x36: {  	[hbm4b:s21+s2] =	stream.linear.scatter [tilespmem:s7], [sflag:$0x3], $0x8000, $0x38;
	[tilespmem:$0x10800] =	vst v63  }
0x37: {  	_ =	swait.ge [sflag:s11], $0x8000  }
0x38: {  	[sflag:s11] =	ssyncset.done $0x0  }
0x39: {  	[sflag:s11] =	ssyncadd.s32 $0xFFFF8000  }
0x3a: {  	_ =	swait.ge [sflag:s12], $0x8000  }
0x3b: {  	[sflag:s12] =	ssyncset.done $0x0  }
0x3c: {  	s22 =	simm.s32 $0x600;
	[sflag:s12] =	ssyncadd.s32 $0xFFFF8000  }
0x3d: {  	[tilespmem:s7], [sflag:$0x1] =	stream.indirect.gather [hbm4b:s5+s6], $0x80, s22, s6, $0xb8;
	[tilespmem:$0x10800] =	vst v63  }
0x3e: {  	s23 =	sadd.s32 $0x596E00, s28  }
0x3f: {  	[hbm4b:s23+s2] =	stream.linear.scatter [tilespmem:s9], [sflag:$0x4], $0x8000, $0x38;
	[tilespmem:$0x10800] =	vst v63  }
0x40: {  	_ =	swait.ge [sflag:s8], $0x8000  }
0x41: {  	[sflag:s8] =	ssyncset.done $0x0  }
0x42: {  	[sflag:s8] =	ssyncadd.s32 $0xFFFF8000  }
0x43: {  	_ =	swait.ge [sflag:s15], $0x8000  }
0x44: {  	[sflag:s15] =	ssyncset.done $0x0  }
0x45: {  	s24 =	simm.s32 $0x700;
	s29 =	ssub.s32 $0x2, s26;
	[sflag:s15] =	ssyncadd.s32 $0xFFFF8000  }
0x46: {  	[tilespmem:s9], [sflag:$0x2] =	stream.indirect.gather [hbm4b:s5+s6], $0x80, s24, s6, $0xb8;
	[tilespmem:$0x10800] =	vst v63  }
0x47: {  	s25 =	sadd.s32 $0x597E00, s28;
	s26 =	sadd.s32 $0x598E00, s28;
	s28 =	sshrl.u32 s29, $0x1  }
0x48: {  	[hbm4b:s25+s2] =	stream.linear.scatter [tilespmem:s7], [sflag:$0x3], $0x8000, $0x38;
	[tilespmem:$0x10800] =	vst v63  }
0x49: {  	s28 =	ssub.s32 s29, s28;
	_ =	swait.ge [sflag:s11], $0x8000  }
0x4a: {  	s28 =	smax.u32 s28, $0x1;
	[sflag:s11] =	ssyncset.done $0x0  }
0x4b: {  	p0 =	sne.s32 s28, $0x1;
	[sflag:s11] =	ssyncadd.s32 $0xFFFF8000  }
0x4c: {  	[hbm4b:s26+s2] =	stream.linear.scatter [tilespmem:s9], [sflag:$0x4], $0x8000, $0x38;
	[tilespmem:$0x10800] =	vst v63  }
.Ltmp0:
0x4d: {  	_ =	swait.ge [sflag:s15], $0x8000;
	(pc) =	sbr.rel @!p0 .LBB2_2-.Ltmp0, $4  }
0x4e: {  	[sflag:s15] =	ssyncset.done $0x0  }
0x4f: {  	[sflag:s15] =	ssyncadd.s32 $0xFFFF8000  }
0x50: {  	_ =	swait.ge [sflag:s12], $0x8000  }
0x51: {  	s28 =	sadd.s32 $0xFFFFFFFF, s28;
	[sflag:s12] =	ssyncset.done $0x0  }
.LBB2_1:
0x52: {  	p0 =	sne.s32 s28, $0x1;
	s28 =	sadd.s32 $0xFFFFFFFF, s28;
	[sflag:s12] =	ssyncadd.s32 $0xFFFF8000  }
0x53: {  	[tilespmem:s2], [sflag:$0x5] =	stream.linear.gather [hbm4b:s3+s2], $0x800, $0x38;
	[tilespmem:$0x10800] =	vst v63  }
0x54: {  	_ =	swait.ge [sflag:s4], $0x800  }
0x55: {  	[sflag:s4] =	ssyncset.done $0x0  }
0x56: {  	[sflag:s4] =	ssyncadd.s32 $0xFFFFF800  }
0x57: {  	[tilespmem:s7], [sflag:$0x1] =	stream.indirect.gather [hbm4b:s5+s6], $0x80, s2, s6, $0xb8;
	[tilespmem:$0x10800] =	vst v63  }
0x58: {  	_ =	swait.ge [sflag:s8], $0x8000  }
0x59: {  	[sflag:s8] =	ssyncset.done $0x0  }
0x5a: {  	[sflag:s8] =	ssyncadd.s32 $0xFFFF8000  }
0x5b: {  	[tilespmem:s9], [sflag:$0x2] =	stream.indirect.gather [hbm4b:s5+s6], $0x80, s6, s6, $0xb8;
	[tilespmem:$0x10800] =	vst v63  }
0x5c: {  	_ = 	snop  }
0x5d: {  	[hbm4b:s10+s2] =	stream.linear.scatter [tilespmem:s7], [sflag:$0x3], $0x8000, $0x38;
	[tilespmem:$0x10800] =	vst v63  }
0x5e: {  	_ =	swait.ge [sflag:s11], $0x8000  }
0x5f: {  	[sflag:s11] =	ssyncset.done $0x0  }
0x60: {  	[sflag:s11] =	ssyncadd.s32 $0xFFFF8000  }
0x61: {  	_ =	swait.ge [sflag:s12], $0x8000  }
0x62: {  	[sflag:s12] =	ssyncset.done $0x0  }
0x63: {  	[sflag:s12] =	ssyncadd.s32 $0xFFFF8000  }
0x64: {  	[tilespmem:s7], [sflag:$0x1] =	stream.indirect.gather [hbm4b:s5+s6], $0x80, s13, s6, $0xb8;
	[tilespmem:$0x10800] =	vst v63  }
0x65: {  	_ = 	snop  }
0x66: {  	[hbm4b:s14+s2] =	stream.linear.scatter [tilespmem:s9], [sflag:$0x4], $0x8000, $0x38;
	[tilespmem:$0x10800] =	vst v63  }
0x67: {  	_ =	swait.ge [sflag:s8], $0x8000  }
0x68: {  	[sflag:s8] =	ssyncset.done $0x0  }
0x69: {  	[sflag:s8] =	ssyncadd.s32 $0xFFFF8000  }
0x6a: {  	_ =	swait.ge [sflag:s15], $0x8000  }
0x6b: {  	[sflag:s15] =	ssyncset.done $0x0  }
0x6c: {  	[sflag:s15] =	ssyncadd.s32 $0xFFFF8000  }
0x6d: {  	[tilespmem:s9], [sflag:$0x2] =	stream.indirect.gather [hbm4b:s5+s6], $0x80, s16, s6, $0xb8;
	[tilespmem:$0x10800] =	vst v63  }
0x6e: {  	_ = 	snop  }
0x6f: {  	[hbm4b:s17+s2] =	stream.linear.scatter [tilespmem:s7], [sflag:$0x3], $0x8000, $0x38;
	[tilespmem:$0x10800] =	vst v63  }
0x70: {  	_ =	swait.ge [sflag:s11], $0x8000  }
0x71: {  	[sflag:s11] =	ssyncset.done $0x0  }
0x72: {  	[sflag:s11] =	ssyncadd.s32 $0xFFFF8000  }
0x73: {  	_ =	swait.ge [sflag:s12], $0x8000  }
0x74: {  	[sflag:s12] =	ssyncset.done $0x0  }
0x75: {  	[sflag:s12] =	ssyncadd.s32 $0xFFFF8000  }
0x76: {  	[tilespmem:s7], [sflag:$0x1] =	stream.indirect.gather [hbm4b:s5+s6], $0x80, s18, s6, $0xb8;
	[tilespmem:$0x10800] =	vst v63  }
0x77: {  	_ = 	snop  }
0x78: {  	[hbm4b:s19+s2] =	stream.linear.scatter [tilespmem:s9], [sflag:$0x4], $0x8000, $0x38;
	[tilespmem:$0x10800] =	vst v63  }
0x79: {  	_ =	swait.ge [sflag:s8], $0x8000  }
0x7a: {  	[sflag:s8] =	ssyncset.done $0x0  }
0x7b: {  	[sflag:s8] =	ssyncadd.s32 $0xFFFF8000  }
0x7c: {  	_ =	swait.ge [sflag:s15], $0x8000  }
0x7d: {  	[sflag:s15] =	ssyncset.done $0x0  }
0x7e: {  	[sflag:s15] =	ssyncadd.s32 $0xFFFF8000  }
0x7f: {  	[tilespmem:s9], [sflag:$0x2] =	stream.indirect.gather [hbm4b:s5+s6], $0x80, s20, s6, $0xb8;
	[tilespmem:$0x10800] =	vst v63  }
0x80: {  	_ = 	snop  }
0x81: {  	[hbm4b:s21+s2] =	stream.linear.scatter [tilespmem:s7], [sflag:$0x3], $0x8000, $0x38;
	[tilespmem:$0x10800] =	vst v63  }
0x82: {  	_ =	swait.ge [sflag:s11], $0x8000  }
0x83: {  	[sflag:s11] =	ssyncset.done $0x0  }
0x84: {  	[sflag:s11] =	ssyncadd.s32 $0xFFFF8000  }
0x85: {  	_ =	swait.ge [sflag:s12], $0x8000  }
0x86: {  	[sflag:s12] =	ssyncset.done $0x0  }
0x87: {  	[sflag:s12] =	ssyncadd.s32 $0xFFFF8000  }
0x88: {  	[tilespmem:s7], [sflag:$0x1] =	stream.indirect.gather [hbm4b:s5+s6], $0x80, s22, s6, $0xb8;
	[tilespmem:$0x10800] =	vst v63  }
0x89: {  	_ = 	snop  }
0x8a: {  	[hbm4b:s23+s2] =	stream.linear.scatter [tilespmem:s9], [sflag:$0x4], $0x8000, $0x38;
	[tilespmem:$0x10800] =	vst v63  }
0x8b: {  	_ =	swait.ge [sflag:s8], $0x8000  }
0x8c: {  	[sflag:s8] =	ssyncset.done $0x0  }
0x8d: {  	[sflag:s8] =	ssyncadd.s32 $0xFFFF8000  }
0x8e: {  	_ =	swait.ge [sflag:s15], $0x8000  }
0x8f: {  	[sflag:s15] =	ssyncset.done $0x0  }
0x90: {  	[sflag:s15] =	ssyncadd.s32 $0xFFFF8000  }
0x91: {  	[tilespmem:s9], [sflag:$0x2] =	stream.indirect.gather [hbm4b:s5+s6], $0x80, s24, s6, $0xb8;
	[tilespmem:$0x10800] =	vst v63  }
0x92: {  	_ = 	snop  }
0x93: {  	[hbm4b:s25+s2] =	stream.linear.scatter [tilespmem:s7], [sflag:$0x3], $0x8000, $0x38;
	[tilespmem:$0x10800] =	vst v63  }
0x94: {  	_ =	swait.ge [sflag:s11], $0x8000  }
0x95: {  	[sflag:s11] =	ssyncset.done $0x0  }
0x96: {  	[sflag:s11] =	ssyncadd.s32 $0xFFFF8000  }
0x97: {  	[hbm4b:s26+s2] =	stream.linear.scatter [tilespmem:s9], [sflag:$0x4], $0x8000, $0x38;
	[tilespmem:$0x10800] =	vst v63  }
.Ltmp1:
0x98: {  	_ =	swait.ge [sflag:s15], $0x8000;
	(pc) =	sbr.rel @p0 .LBB2_1-.Ltmp1, $4  }
0x99: {  	[sflag:s15] =	ssyncset.done $0x0  }
0x9a: {  	[sflag:s15] =	ssyncadd.s32 $0xFFFF8000  }
0x9b: {  	_ =	swait.ge [sflag:s12], $0x8000  }
0x9c: {  	[sflag:s12] =	ssyncset.done $0x0  }
.LBB2_2:
0x9d: {  	[sflag:s12] =	ssyncadd.s32 $0xFFFF8000  }
0x9e: {  	_ =	sfence.sel $0x180000  }
0x9f: {  	[bflag:$0x0] =	sbarrier.arrive $0xFFFF  }
0xa0: {  	p0 =	sne.s32 s0, $0x0;
	_ =	strace $0x90000056  }
0xa1: {  	s0 =	sadd.s32 @!p0 $0x100000, s1;
	[bflag:$0x2] =	sbarrier.arrive $0xFFFF  }
0xa2: {  	[sflag:s0] =	ssyncadd.tile.s32 @!p0 $0x1;
	_ =	shalt  }
.Lfunc_end2:
_tile_overlayer_lowered:
.L_overlay_start_2:
0xa3: {  	(tag) =	ssettag $0x2  }
0xa4: {  	s0 =	rddreg [dreg:$0x0];
	s2 =	stileid.u32  }
0xa5: {  	s1 =	rddreg [dreg:$0x1];
	p0 =	sne.s32 s2, $0x0  }
0xa6: {  	s3 =	rddreg [dreg:$0x2];
	[bflag:$0x3] =	sbarrier.arrive $0xFFFF;
	s2 =	simm.s32 @!p0 $0x1C05  }
0xa7: {  	[timem:s3], [sflag:s2] =	dma.local @!p0 [hbm:s0], s1  }
0xa8: {  	s0 =	simm.s32 @!p0 $0x5  }
0xa9: {  	_ =	swait.ge @!p0 [sflag:s0], s1  }
0xaa: {  	s1 =	ssub.s32 @!p0 $0x0, s1;
	[sflag:s0] =	ssyncset.done @!p0 $0x0  }
0xab: {  	[sflag:s0] =	ssyncadd.s32 @!p0 s1  }
0xac: {  	[bflag:$0x3] =	sbarrier.arrive $0xFFFF  }
0xad: {  	_ =	shalt  }

// kernel: kernel.28.cloned.1.call-start
scs
__scs_entry_jumppad:
0x0: {  	(pc) =	sbr.rel $0x88, $3  }
0x1: {  	(tag) =	ssettag $0x0;
	lr =	simm.s32 $0x1  }
0x2: {  	[smem:$0x3F94] =	sst lr;
	_ =	strace $0xD0000000  }
0x3: {  	_ = 	snop  }
0x4: {  	_ = 	snop  }
0x5: {  	_ = 	snop  }
0x6: {  	_ = 	snop  }
0x7: {  	_ = 	snop  }
__scs_overlays_trampoline_lowered:
0x8: {  	[smem:$0x3FA3] =	sst s0  }
0x9: {  	[smem:$0x3FA4] =	sst s1  }
0xa: {  	[smem:$0x3FA5] =	sst s2  }
0xb: {  	[smem:$0x3FA6] =	sst s3  }
0xc: {  	[smem:$0x3FA7] =	sst s4  }
0xd: {  	[smem:$0x3FA8] =	sst s5  }
0xe: {  	[smem:$0x3FA9] =	sst s6  }
0xf: {  	[smem:$0x3FAA] =	sst s7  }
0x10: {  	[smem:$0x3FAB] =	sst s8  }
0x11: {  	[smem:$0x3FAC] =	sst s9;
	s0 =	simm.s32 @!p0 $0x0  }
0x12: {  	s1 =	sld [smem:$0x3F92];
	s0 =	simm.s32 @p0 $0x1  }
0x13: {  	[smem:$0x3FAD] =	sst s0;
	s0 =	simm.s32 @!p1 $0x0  }
0x14: {  	s2 =	sld [smem:$0x3F91];
	s0 =	simm.s32 @p1 $0x1  }
0x15: {  	[smem:$0x3FAE] =	sst s0;
	s0 =	simm.s32 @!p2 $0x0  }
0x16: {  	s3 =	sld [smem:$0x3FDB];
	s0 =	simm.s32 @p2 $0x1  }
0x17: {  	s4 =	simm.s32 $0x1BF5;
	[smem:$0x3FB0] =	sst s0  }
0x18: {  	s0 =	sld [smem:$0x3F93];
	_ =	swait.ge [sflag:s4], $0x0  }
0x19: {  	s7 =	sld [smem:$0x3F94]  }
0x1a: {  	s8 =	sadd.s32 $0xFFFFE003, lr  }
0x1b: {  	s9 =	sadd.s32 $0xFFFFFEF7, lr;
	s5 =	simm.s32 $0xFFFFFFFF;
	p2 =	slt.u32 s8, $0xFFFFF086  }
0x1c: {  	p1 =	slt.u32 s9, $0xF7A;
	s5 =	simm.s32 @!p2 $0x0  }
0x1d: {  	s5 =	simm.s32 @p1 $0x1;
	p0 =	seq.s32 s7, s2  }
0x1e: {  	s7 =	smul.u32 @!p0 $0xF7A, s2;
	p2 =	seq.s32 @!p0 s5, $0x0  }
0x1f: {  	s9 =	smul.u32 $0xF7A, s1;
	s8 =	simm.s32 @!p0 $0x1BF5;
	p2 =	por !p2, p0  }
0x20: {  	[sflag:s8] =	ssyncset.s32 @!p0 $0xFFFFF086;
	s6 =	sadd.s32 @!p0 s3, s7;
	s7 =	simm.s32 @!p0 $0x108  }
0x21: {  	s3 =	sadd.s32 s3, s9;
	s6 =	sadd.s32 @!p0 $0x88, s6;
	s7 =	simm.s32 @p2 $0x1082  }
0x22: {  	[simem:s7], [sflag:s8] =	dma.local @!p0 [hbm:s6], $0xF7A  }
0x23: {  	s9 =	sor.u32 $0xD0000000, s2;
	s6 =	simm.s32 $0x108;
	_ =	swait.ge @!p0 [sflag:s8], $0x0  }
0x24: {  	s3 =	sadd.s32 $0x88, s3;
	s6 =	simm.s32 @!p1 $0x1082;
	[sflag:s4] =	ssyncset.s32 $0xFFFFF086  }
0x25: {  	[simem:s6], [sflag:s4] =	dma.local [hbm:s3], $0xF7A  }
0x26: {  	[smem:$0x3F94] =	sst s1;
	(tag) =	ssettag s2;
	_ =	strace s9  }
0x27: {  	s1 =	sld [smem:$0x3FA4]  }
0x28: {  	s2 =	sld [smem:$0x3FA5]  }
0x29: {  	s4 =	sld [smem:$0x3FA7]  }
0x2a: {  	p0 =	seq.s32 s5, $0x0;
	s5 =	sld [smem:$0x3FA8]  }
0x2b: {  	s6 =	sld [smem:$0x3FA9]  }
0x2c: {  	s7 =	sld [smem:$0x3FAA]  }
0x2d: {  	s3 =	simm.s32 $0x108;
	s8 =	sld [smem:$0x3FAB]  }
0x2e: {  	s3 =	simm.s32 @!p0 $0x1082;
	s9 =	sld [smem:$0x3FAC]  }
0x2f: {  	lr =	sadd.s32 s0, s3;
	s0 =	sld [smem:$0x3FA3]  }
0x30: {  	s3 =	sld [smem:$0x3FA6]  }
0x31: {  	[smem:$0x3FAF] =	sst s10  }
0x32: {  	s10 =	sld [smem:$0x3FAD];
	_ =	sdelay $0x3  }
0x33: {  	p0 =	seq.s32 s10, $0x1;
	s10 =	sld [smem:$0x3FAF];
	_ =	sdelay $0x3  }
0x34: {  	[smem:$0x3FAF] =	sst s10  }
0x35: {  	s10 =	sld [smem:$0x3FAE];
	_ =	sdelay $0x3  }
0x36: {  	p1 =	seq.s32 s10, $0x1;
	s10 =	sld [smem:$0x3FAF];
	_ =	sdelay $0x3  }
0x37: {  	[smem:$0x3FAF] =	sst s10  }
0x38: {  	s10 =	sld [smem:$0x3FB0]  }
0x39: {  	_ = 	snop;
	(pc) =	sbr.ind lr, $3  }
0x3a: {  	_ = 	snop  }
0x3b: {  	_ = 	snop  }
0x3c: {  	p2 =	seq.s32 s10, $0x1;
	s10 =	sld [smem:$0x3FAF]  }
0x3d: {  	_ =	shalt  }
0x3e: {  	_ =	shalt  }
0x3f: {  	_ =	shalt  }
0x40: {  	_ =	shalt  }
0x41: {  	_ =	shalt  }
0x42: {  	_ =	shalt  }
0x43: {  	_ =	shalt  }
0x44: {  	_ =	shalt  }
0x45: {  	_ =	shalt  }
0x46: {  	_ =	shalt  }
0x47: {  	_ =	shalt  }
0x48: {  	_ =	shalt  }
0x49: {  	_ =	shalt  }
0x4a: {  	_ =	shalt  }
0x4b: {  	_ =	shalt  }
0x4c: {  	_ =	shalt  }
0x4d: {  	_ =	shalt  }
0x4e: {  	_ =	shalt  }
0x4f: {  	_ =	shalt  }
0x50: {  	_ =	shalt  }
0x51: {  	_ =	shalt  }
0x52: {  	_ =	shalt  }
0x53: {  	_ =	shalt  }
0x54: {  	_ =	shalt  }
0x55: {  	_ =	shalt  }
0x56: {  	_ =	shalt  }
0x57: {  	_ =	shalt  }
0x58: {  	_ =	shalt  }
0x59: {  	_ =	shalt  }
0x5a: {  	_ =	shalt  }
0x5b: {  	_ =	shalt  }
0x5c: {  	_ =	shalt  }
0x5d: {  	_ =	shalt  }
0x5e: {  	_ =	shalt  }
0x5f: {  	_ =	shalt  }
0x60: {  	_ =	shalt  }
0x61: {  	_ =	shalt  }
0x62: {  	_ =	shalt  }
0x63: {  	_ =	shalt  }
0x64: {  	_ =	shalt  }
0x65: {  	_ =	shalt  }
0x66: {  	_ =	shalt  }
0x67: {  	_ =	shalt  }
0x68: {  	_ =	shalt  }
0x69: {  	_ =	shalt  }
0x6a: {  	_ =	shalt  }
0x6b: {  	_ =	shalt  }
0x6c: {  	_ =	shalt  }
0x6d: {  	_ =	shalt  }
0x6e: {  	_ =	shalt  }
0x6f: {  	_ =	shalt  }
0x70: {  	_ =	shalt  }
0x71: {  	_ =	shalt  }
0x72: {  	_ =	shalt  }
0x73: {  	_ =	shalt  }
0x74: {  	_ =	shalt  }
0x75: {  	_ =	shalt  }
0x76: {  	_ =	shalt  }
0x77: {  	_ =	shalt  }
0x78: {  	_ =	shalt  }
0x79: {  	_ =	shalt  }
0x7a: {  	_ =	shalt  }
0x7b: {  	_ =	shalt  }
0x7c: {  	_ =	shalt  }
0x7d: {  	_ =	shalt  }
0x7e: {  	_ =	shalt  }
0x7f: {  	_ =	shalt  }
0x80: {  	_ =	shalt  }
0x81: {  	_ =	shalt  }
0x82: {  	_ =	shalt  }
0x83: {  	_ =	shalt  }
0x84: {  	_ =	shalt  }
0x85: {  	_ =	shalt  }
0x86: {  	_ =	shalt  }
0x87: {  	_ =	shalt  }
.Lfunc_end0:
.L_simem_size_0:
called_computation.3_lowered:
.L_overlay_start_0:
0x88: {  	s2 =	sld [smem:$0x3FD9]  }
0x89: {  	s3 =	sld [smem:$0x3FFE];
	_ =	sdelay $0x1  }
0x8a: {  	s1 =	srdreg.scid  }
0x8b: {  	s0 =	sand.u32 $0x1, s1  }
0x8c: {  	s17 =	sshll.u32 s0, $0xA;
	s2 =	sadd.s32 s3, s2  }
0x8d: {  	s2 =	sadd.s32 s2, s17  }
0x8e: {  	[smem:$0x3FBB] =	sst s2  }
0x8f: {  	_ = 	snop  }
0x90: {  	(tm) =	ssettm $0x1  }
0x91: {  	s18 =	sld [smem:$0x3FFB];
	_ =	sdelay $0x3  }
0x92: {  	_ =	strace s18  }
0x93: {  	s2 =	sld [smem:$0x3FFC];
	_ =	sdelay $0x3  }
0x94: {  	_ =	strace s2  }
0x95: {  	s2 =	sld [smem:$0x3FFD];
	_ =	sdelay $0x3  }
0x96: {  	_ =	strace s2  }
0x97: {  	_ =	strace $0x8FFFFFFF  }
0x98: {  	s19 =	sld [smem:$0x3FDB];
	_ =	sdelay $0x1  }
0x99: {  	s20 =	simm.s32 $_scs_section_size  }
0x9a: {  	s4 =	simm.s32 $_size__tile_overlayer_lowered;
	s5 =	simm.s32 $_tile_overlayer_lowered  }
0x9b: {  	s6 =	simm.s32 $0x1BFF;
	s21 =	sshll.u32 s5, $0x1;
	s3 =	sadd.s32 s20, s19  }
0x9c: {  	s22 =	simm.s32 $0x0;
	s4 =	sshll.u32 s4, $0x1;
	s5 =	sadd.s32 s21, s3  }
0x9d: {  	[timem:s22], [sflag:s6] =	dma.local [hbm:s5], s4  }
0x9e: {  	_ =	swait.ge [sflag:s6], s4  }
0x9f: {  	s4 =	ssub.s32 $0x0, s4;
	[sflag:s6] =	ssyncset.done $0x0  }
0xa0: {  	[sflag:s6] =	ssyncadd.s32 s4;
	_ =	sdelay $0x1  }
0xa1: {  	s23 =	simm.s32 $0x1B8B  }
0xa2: {  	_ =	swait.ge [sflag:s23], $0x1  }
0xa3: {  	[sflag:s23] =	ssyncset.done $0x0  }
0xa4: {  	[sflag:s23] =	ssyncadd.s32 $0xFFFFFFFF  }
0xa5: {  	s4 =	sld [smem:$0x0]  }
0xa6: {  	s5 =	sand.u32 $0xFFFFFFFE, s1  }
0xa7: {  	p0 =	sne.s32 s1, s5  }
0xa8: {  	s5 =	sshll.u32 @p0 s5, $0xE  }
0xa9: {  	s5 =	sadd.s32 @p0 $0x11B8D, s5;
	s6 =	sshll.u32 @p0 s4, $0x11  }
0xaa: {  	s5 =	sor.u32 @p0 s6, s5  }
0xab: {  	[sflag:s5] =	ssyncadd.remote.s32 @p0 $0x1;
	_ =	sdelay $0x1  }
0xac: {  	s5 =	simm.s32 @p0 $0x1B8D  }
0xad: {  	_ =	swait.eq @p0 [sflag:s5], $0x1  }
0xae: {  	[sflag:s5] =	ssyncadd.s32 @p0 $0xFFFFFFFF  }
0xaf: {  	s6 =	sshll.u32 @!p0 s1, $0xE  }
0xb0: {  	s6 =	sor.u32 @!p0 $0x4000, s6;
	s5 =	simm.s32 @!p0 $0x1B8D  }
0xb1: {  	s4 =	sshll.u32 @!p0 s4, $0x11;
	s6 =	sadd.s32 @!p0 $0x11B8D, s6;
	_ =	swait.eq @!p0 [sflag:s5], $0x1  }
0xb2: {  	s4 =	sor.u32 @!p0 s4, s6;
	[sflag:s5] =	ssyncadd.s32 @!p0 $0xFFFFFFFF  }
0xb3: {  	s25 =	simm.s32 $0x1B8E;
	s24 =	sld [smem:$0x3FFE];
	[sflag:s4] =	ssyncadd.remote.s32 @!p0 $0x1  }
0xb4: {  	s26 =	simm.s32 $execute0_lowered;
	[smem:$0x3FD2] =	sst s25  }
0xb5: {  	s5 =	sshll.u32 s26, $0x1;
	_ =	strace $0x80000052;
	[dreg:$0x1] =	wrdreg $0xFFFFFFFF  }
0xb6: {  	s28 =	simm.s32 $_size_execute0_lowered;
	s3 =	sadd.s32 s3, s5;
	[dreg:$0x0] =	wrdreg $0x0  }
0xb7: {  	s5 =	sshll.u32 s28, $0x1;
	[dreg:$0x2] =	wrdreg s3  }
0xb8: {  	[dreg:$0x3] =	wrdreg s5  }
0xb9: {  	[dreg:$0x4] =	wrdreg $0xC0  }
0xba: {  	_ =	task [dreg:s22], $0x5FFFF  }
0xbb: {  	[dreg:$0x1] =	wrdreg $0xFFFFFFFF  }
0xbc: {  	[dreg:$0x0] =	wrdreg $0x60  }
0xbd: {  	[dreg:$0x2] =	wrdreg s24  }
0xbe: {  	[dreg:$0x3] =	wrdreg $0xC  }
0xbf: {  	_ =	task.clear_ibuf [dreg:s22], $0x4FFFF;
	_ =	strace $0x90000052  }
0xc0: {  	s29 =	simm.s32 $0xC;
	_ =	strace $0x80000054  }
0xc1: {  	_ =	swait.ge [sflag:s29], $0x1  }
0xc2: {  	[sflag:s29] =	ssyncadd.s32 $0xFFFFFFFF  }
0xc3: {  	_ =	strace $0x90000054  }
0xc4: {  	_ =	sfence  }
0xc5: {  	s30 =	sld [smem:$0x0];
	_ =	sdelay $0x2  }
0xc6: {  	s31 =	sshll.u32 s1, $0xD;
	s1 =	sshrl.u32 s1, $0x2  }
0xc7: {  	s4 =	sand.u32 $0x4000, s31;
	s1 =	sadd.s32 s1, s30  }
0xc8: {  	s0 =	sor.u32 s4, s0;
	s1 =	sshll.u32 s1, $0x11  }
0xc9: {  	s0 =	sor.u32 s1, s0  }
0xca: {  	s0 =	sadd.s32 $0x8F2B, s0  }
0xcb: {  	[sflag:s0] =	ssyncadd.remote.s32 $0x1  }
0xcc: {  	_ =	sfence.sel $0xFFFF  }
0xcd: {  	[dreg:$0x0] =	wrdreg $0xFFFFFFFF;
	(pc) =	sbr.abs _section_cstart, $3  }
0xce: {  	[dreg:$0x1] =	wrdreg $0xFFFFFFFF  }
0xcf: {  	_ =	task.clear_ibuf [dreg:s22], $0x2FFFF;
	_ =	strace $0x9FFFFFFF  }
0xd0: {  	(tm) =	ssettm $0x7FFFFFFF  }
0xd1: {  	_ =	shalt  }
tec
execute0_lowered:
.L_overlay_start_1:
0x0: {  	(tag) =	ssettag $0x1  }
0x1: {  	s1 =	srdreg.scid  }
0x2: {  	s0 =	stileid.u32;
	s26 =	sand.u32 $0x1, s1  }
0x3: {  	s31 =	sshll.u32 s0, $0xC;
	s2 =	sshll.u32 s26, $0xB  }
0x4: {  	s10 =	sor.u32 s2, s31  }
0x5: {  	s9 =	rddreg [dreg:$0x0];
	s2 =	simm.s32 $0x0;
	s3 =	sshrl.u32 s10, $0x3  }
0x6: {  	s4 =	simm.s32 $0x5;
	[smem:$0x7FF] =	sst s2;
	s3 =	sadd.s32 s3, s9  }
0x7: {  	s1 =	rddreg [dreg:$0x1];
	_ =	strace $0x80000053;
	s3 =	sadd.s32 $0x8BE00, s3  }
0x8: {  	[tilespmem:s2], [sflag:$0x5] =	stream.linear.gather [hbm4b:s3+s2], $0x800, $0x38;
	[tilespmem:$0x10800] =	vst v63  }
0x9: {  	_ =	swait.ge [sflag:s4], $0x800  }
0xa: {  	s6 =	simm.s32 $0x100;
	s7 =	simm.s32 $0x800;
	[sflag:s4] =	ssyncset.done $0x0  }
0xb: {  	s8 =	simm.s32 $0x1;
	s5 =	sadd.s32 $0x3E00, s9;
	[sflag:s4] =	ssyncadd.s32 $0xFFFFF800  }
0xc: {  	[tilespmem:s7], [sflag:$0x1] =	stream.indirect.gather [hbm4b:s5+s6], $0x80, s2, s6, $0xb8;
	[tilespmem:$0x10800] =	vst v63  }
0xd: {  	_ =	swait.ge [sflag:s8], $0x8000  }
0xe: {  	s10 =	sshll.u32 s10, $0x4;
	[sflag:s8] =	ssyncset.done $0x0  }
0xf: {  	s28 =	sadd.s32 s10, s9;
	s9 =	simm.s32 $0x8800;
	[sflag:s8] =	ssyncadd.s32 $0xFFFF8000  }
0x10: {  	[tilespmem:s9], [sflag:$0x2] =	stream.indirect.gather [hbm4b:s5+s6], $0x80, s6, s6, $0xb8;
	[tilespmem:$0x10800] =	vst v63  }
0x11: {  	s11 =	simm.s32 $0x2;
	s10 =	sadd.s32 $0x491E00, s28  }
0x12: {  	[hbm4b:s10+s2] =	stream.linear.scatter [tilespmem:s7], [sflag:$0x3], $0x8000, $0x38;
	[tilespmem:$0x10800] =	vst v63  }
0x13: {  	_ =	swait.ge [sflag:s11], $0x8000  }
0x14: {  	[sflag:s11] =	ssyncset.done $0x0  }
0x15: {  	s12 =	simm.s32 $0x3;
	[sflag:s11] =	ssyncadd.s32 $0xFFFF8000  }
0x16: {  	_ =	swait.ge [sflag:s12], $0x8000  }
0x17: {  	[sflag:s12] =	ssyncset.done $0x0  }
0x18: {  	s13 =	simm.s32 $0x200;
	[sflag:s12] =	ssyncadd.s32 $0xFFFF8000  }
0x19: {  	[tilespmem:s7], [sflag:$0x1] =	stream.indirect.gather [hbm4b:s5+s6], $0x80, s13, s6, $0xb8;
	[tilespmem:$0x10800] =	vst v63  }
0x1a: {  	s14 =	sadd.s32 $0x492E00, s28  }
0x1b: {  	[hbm4b:s14+s2] =	stream.linear.scatter [tilespmem:s9], [sflag:$0x4], $0x8000, $0x38;
	[tilespmem:$0x10800] =	vst v63  }
0x1c: {  	_ =	swait.ge [sflag:s8], $0x8000  }
0x1d: {  	[sflag:s8] =	ssyncset.done $0x0  }
0x1e: {  	s15 =	simm.s32 $0x4;
	[sflag:s8] =	ssyncadd.s32 $0xFFFF8000  }
0x1f: {  	_ =	swait.ge [sflag:s15], $0x8000  }
0x20: {  	[sflag:s15] =	ssyncset.done $0x0  }
0x21: {  	s16 =	simm.s32 $0x300;
	[sflag:s15] =	ssyncadd.s32 $0xFFFF8000  }
0x22: {  	[tilespmem:s9], [sflag:$0x2] =	stream.indirect.gather [hbm4b:s5+s6], $0x80, s16, s6, $0xb8;
	[tilespmem:$0x10800] =	vst v63  }
0x23: {  	s17 =	sadd.s32 $0x493E00, s28  }
0x24: {  	[hbm4b:s17+s2] =	stream.linear.scatter [tilespmem:s7], [sflag:$0x3], $0x8000, $0x38;
	[tilespmem:$0x10800] =	vst v63  }
0x25: {  	_ =	swait.ge [sflag:s11], $0x8000  }
0x26: {  	[sflag:s11] =	ssyncset.done $0x0  }
0x27: {  	[sflag:s11] =	ssyncadd.s32 $0xFFFF8000  }
0x28: {  	_ =	swait.ge [sflag:s12], $0x8000  }
0x29: {  	[sflag:s12] =	ssyncset.done $0x0  }
0x2a: {  	s18 =	simm.s32 $0x400;
	[sflag:s12] =	ssyncadd.s32 $0xFFFF8000  }
0x2b: {  	[tilespmem:s7], [sflag:$0x1] =	stream.indirect.gather [hbm4b:s5+s6], $0x80, s18, s6, $0xb8;
	[tilespmem:$0x10800] =	vst v63  }
0x2c: {  	s19 =	sadd.s32 $0x494E00, s28  }
0x2d: {  	[hbm4b:s19+s2] =	stream.linear.scatter [tilespmem:s9], [sflag:$0x4], $0x8000, $0x38;
	[tilespmem:$0x10800] =	vst v63  }
0x2e: {  	_ =	swait.ge [sflag:s8], $0x8000  }
0x2f: {  	[sflag:s8] =	ssyncset.done $0x0  }
0x30: {  	[sflag:s8] =	ssyncadd.s32 $0xFFFF8000  }
0x31: {  	_ =	swait.ge [sflag:s15], $0x8000  }
0x32: {  	[sflag:s15] =	ssyncset.done $0x0  }
0x33: {  	s20 =	simm.s32 $0x500;
	[sflag:s15] =	ssyncadd.s32 $0xFFFF8000  }
0x34: {  	[tilespmem:s9], [sflag:$0x2] =	stream.indirect.gather [hbm4b:s5+s6], $0x80, s20, s6, $0xb8;
	[tilespmem:$0x10800] =	vst v63  }
0x35: {  	s21 =	sadd.s32 $0x495E00, s28  }
0x36: {  	[hbm4b:s21+s2] =	stream.linear.scatter [tilespmem:s7], [sflag:$0x3], $0x8000, $0x38;
	[tilespmem:$0x10800] =	vst v63  }
0x37: {  	_ =	swait.ge [sflag:s11], $0x8000  }
0x38: {  	[sflag:s11] =	ssyncset.done $0x0  }
0x39: {  	[sflag:s11] =	ssyncadd.s32 $0xFFFF8000  }
0x3a: {  	_ =	swait.ge [sflag:s12], $0x8000  }
0x3b: {  	[sflag:s12] =	ssyncset.done $0x0  }
0x3c: {  	s22 =	simm.s32 $0x600;
	[sflag:s12] =	ssyncadd.s32 $0xFFFF8000  }
0x3d: {  	[tilespmem:s7], [sflag:$0x1] =	stream.indirect.gather [hbm4b:s5+s6], $0x80, s22, s6, $0xb8;
	[tilespmem:$0x10800] =	vst v63  }
0x3e: {  	s23 =	sadd.s32 $0x496E00, s28  }
0x3f: {  	[hbm4b:s23+s2] =	stream.linear.scatter [tilespmem:s9], [sflag:$0x4], $0x8000, $0x38;
	[tilespmem:$0x10800] =	vst v63  }
0x40: {  	_ =	swait.ge [sflag:s8], $0x8000  }
0x41: {  	[sflag:s8] =	ssyncset.done $0x0  }
0x42: {  	[sflag:s8] =	ssyncadd.s32 $0xFFFF8000  }
0x43: {  	_ =	swait.ge [sflag:s15], $0x8000  }
0x44: {  	[sflag:s15] =	ssyncset.done $0x0  }
0x45: {  	s24 =	simm.s32 $0x700;
	s29 =	ssub.s32 $0x2, s26;
	[sflag:s15] =	ssyncadd.s32 $0xFFFF8000  }
0x46: {  	[tilespmem:s9], [sflag:$0x2] =	stream.indirect.gather [hbm4b:s5+s6], $0x80, s24, s6, $0xb8;
	[tilespmem:$0x10800] =	vst v63  }
0x47: {  	s25 =	sadd.s32 $0x497E00, s28;
	s26 =	sadd.s32 $0x498E00, s28;
	s28 =	sshrl.u32 s29, $0x1  }
0x48: {  	[hbm4b:s25+s2] =	stream.linear.scatter [tilespmem:s7], [sflag:$0x3], $0x8000, $0x38;
	[tilespmem:$0x10800] =	vst v63  }
0x49: {  	s28 =	ssub.s32 s29, s28;
	_ =	swait.ge [sflag:s11], $0x8000  }
0x4a: {  	s28 =	smax.u32 s28, $0x1;
	[sflag:s11] =	ssyncset.done $0x0  }
0x4b: {  	p0 =	sne.s32 s28, $0x1;
	[sflag:s11] =	ssyncadd.s32 $0xFFFF8000  }
0x4c: {  	[hbm4b:s26+s2] =	stream.linear.scatter [tilespmem:s9], [sflag:$0x4], $0x8000, $0x38;
	[tilespmem:$0x10800] =	vst v63  }
.Ltmp0:
0x4d: {  	_ =	swait.ge [sflag:s15], $0x8000;
	(pc) =	sbr.rel @!p0 .LBB2_2-.Ltmp0, $4  }
0x4e: {  	[sflag:s15] =	ssyncset.done $0x0  }
0x4f: {  	[sflag:s15] =	ssyncadd.s32 $0xFFFF8000  }
0x50: {  	_ =	swait.ge [sflag:s12], $0x8000  }
0x51: {  	s28 =	sadd.s32 $0xFFFFFFFF, s28;
	[sflag:s12] =	ssyncset.done $0x0  }
.LBB2_1:
0x52: {  	p0 =	sne.s32 s28, $0x1;
	s28 =	sadd.s32 $0xFFFFFFFF, s28;
	[sflag:s12] =	ssyncadd.s32 $0xFFFF8000  }
0x53: {  	[tilespmem:s2], [sflag:$0x5] =	stream.linear.gather [hbm4b:s3+s2], $0x800, $0x38;
	[tilespmem:$0x10800] =	vst v63  }
0x54: {  	_ =	swait.ge [sflag:s4], $0x800  }
0x55: {  	[sflag:s4] =	ssyncset.done $0x0  }
0x56: {  	[sflag:s4] =	ssyncadd.s32 $0xFFFFF800  }
0x57: {  	[tilespmem:s7], [sflag:$0x1] =	stream.indirect.gather [hbm4b:s5+s6], $0x80, s2, s6, $0xb8;
	[tilespmem:$0x10800] =	vst v63  }
0x58: {  	_ =	swait.ge [sflag:s8], $0x8000  }
0x59: {  	[sflag:s8] =	ssyncset.done $0x0  }
0x5a: {  	[sflag:s8] =	ssyncadd.s32 $0xFFFF8000  }
0x5b: {  	[tilespmem:s9], [sflag:$0x2] =	stream.indirect.gather [hbm4b:s5+s6], $0x80, s6, s6, $0xb8;
	[tilespmem:$0x10800] =	vst v63  }
0x5c: {  	_ = 	snop  }
0x5d: {  	[hbm4b:s10+s2] =	stream.linear.scatter [tilespmem:s7], [sflag:$0x3], $0x8000, $0x38;
	[tilespmem:$0x10800] =	vst v63  }
0x5e: {  	_ =	swait.ge [sflag:s11], $0x8000  }
0x5f: {  	[sflag:s11] =	ssyncset.done $0x0  }
0x60: {  	[sflag:s11] =	ssyncadd.s32 $0xFFFF8000  }
0x61: {  	_ =	swait.ge [sflag:s12], $0x8000  }
0x62: {  	[sflag:s12] =	ssyncset.done $0x0  }
0x63: {  	[sflag:s12] =	ssyncadd.s32 $0xFFFF8000  }
0x64: {  	[tilespmem:s7], [sflag:$0x1] =	stream.indirect.gather [hbm4b:s5+s6], $0x80, s13, s6, $0xb8;
	[tilespmem:$0x10800] =	vst v63  }
0x65: {  	_ = 	snop  }
0x66: {  	[hbm4b:s14+s2] =	stream.linear.scatter [tilespmem:s9], [sflag:$0x4], $0x8000, $0x38;
	[tilespmem:$0x10800] =	vst v63  }
0x67: {  	_ =	swait.ge [sflag:s8], $0x8000  }
0x68: {  	[sflag:s8] =	ssyncset.done $0x0  }
0x69: {  	[sflag:s8] =	ssyncadd.s32 $0xFFFF8000  }
0x6a: {  	_ =	swait.ge [sflag:s15], $0x8000  }
0x6b: {  	[sflag:s15] =	ssyncset.done $0x0  }
0x6c: {  	[sflag:s15] =	ssyncadd.s32 $0xFFFF8000  }
0x6d: {  	[tilespmem:s9], [sflag:$0x2] =	stream.indirect.gather [hbm4b:s5+s6], $0x80, s16, s6, $0xb8;
	[tilespmem:$0x10800] =	vst v63  }
0x6e: {  	_ = 	snop  }
0x6f: {  	[hbm4b:s17+s2] =	stream.linear.scatter [tilespmem:s7], [sflag:$0x3], $0x8000, $0x38;
	[tilespmem:$0x10800] =	vst v63  }
0x70: {  	_ =	swait.ge [sflag:s11], $0x8000  }
0x71: {  	[sflag:s11] =	ssyncset.done $0x0  }
0x72: {  	[sflag:s11] =	ssyncadd.s32 $0xFFFF8000  }
0x73: {  	_ =	swait.ge [sflag:s12], $0x8000  }
0x74: {  	[sflag:s12] =	ssyncset.done $0x0  }
0x75: {  	[sflag:s12] =	ssyncadd.s32 $0xFFFF8000  }
0x76: {  	[tilespmem:s7], [sflag:$0x1] =	stream.indirect.gather [hbm4b:s5+s6], $0x80, s18, s6, $0xb8;
	[tilespmem:$0x10800] =	vst v63  }
0x77: {  	_ = 	snop  }
0x78: {  	[hbm4b:s19+s2] =	stream.linear.scatter [tilespmem:s9], [sflag:$0x4], $0x8000, $0x38;
	[tilespmem:$0x10800] =	vst v63  }
0x79: {  	_ =	swait.ge [sflag:s8], $0x8000  }
0x7a: {  	[sflag:s8] =	ssyncset.done $0x0  }
0x7b: {  	[sflag:s8] =	ssyncadd.s32 $0xFFFF8000  }
0x7c: {  	_ =	swait.ge [sflag:s15], $0x8000  }
0x7d: {  	[sflag:s15] =	ssyncset.done $0x0  }
0x7e: {  	[sflag:s15] =	ssyncadd.s32 $0xFFFF8000  }
0x7f: {  	[tilespmem:s9], [sflag:$0x2] =	stream.indirect.gather [hbm4b:s5+s6], $0x80, s20, s6, $0xb8;
	[tilespmem:$0x10800] =	vst v63  }
0x80: {  	_ = 	snop  }
0x81: {  	[hbm4b:s21+s2] =	stream.linear.scatter [tilespmem:s7], [sflag:$0x3], $0x8000, $0x38;
	[tilespmem:$0x10800] =	vst v63  }
0x82: {  	_ =	swait.ge [sflag:s11], $0x8000  }
0x83: {  	[sflag:s11] =	ssyncset.done $0x0  }
0x84: {  	[sflag:s11] =	ssyncadd.s32 $0xFFFF8000  }
0x85: {  	_ =	swait.ge [sflag:s12], $0x8000  }
0x86: {  	[sflag:s12] =	ssyncset.done $0x0  }
0x87: {  	[sflag:s12] =	ssyncadd.s32 $0xFFFF8000  }
0x88: {  	[tilespmem:s7], [sflag:$0x1] =	stream.indirect.gather [hbm4b:s5+s6], $0x80, s22, s6, $0xb8;
	[tilespmem:$0x10800] =	vst v63  }
0x89: {  	_ = 	snop  }
0x8a: {  	[hbm4b:s23+s2] =	stream.linear.scatter [tilespmem:s9], [sflag:$0x4], $0x8000, $0x38;
	[tilespmem:$0x10800] =	vst v63  }
0x8b: {  	_ =	swait.ge [sflag:s8], $0x8000  }
0x8c: {  	[sflag:s8] =	ssyncset.done $0x0  }
0x8d: {  	[sflag:s8] =	ssyncadd.s32 $0xFFFF8000  }
0x8e: {  	_ =	swait.ge [sflag:s15], $0x8000  }
0x8f: {  	[sflag:s15] =	ssyncset.done $0x0  }
0x90: {  	[sflag:s15] =	ssyncadd.s32 $0xFFFF8000  }
0x91: {  	[tilespmem:s9], [sflag:$0x2] =	stream.indirect.gather [hbm4b:s5+s6], $0x80, s24, s6, $0xb8;
	[tilespmem:$0x10800] =	vst v63  }
0x92: {  	_ = 	snop  }
0x93: {  	[hbm4b:s25+s2] =	stream.linear.scatter [tilespmem:s7], [sflag:$0x3], $0x8000, $0x38;
	[tilespmem:$0x10800] =	vst v63  }
0x94: {  	_ =	swait.ge [sflag:s11], $0x8000  }
0x95: {  	[sflag:s11] =	ssyncset.done $0x0  }
0x96: {  	[sflag:s11] =	ssyncadd.s32 $0xFFFF8000  }
0x97: {  	[hbm4b:s26+s2] =	stream.linear.scatter [tilespmem:s9], [sflag:$0x4], $0x8000, $0x38;
	[tilespmem:$0x10800] =	vst v63  }
.Ltmp1:
0x98: {  	_ =	swait.ge [sflag:s15], $0x8000;
	(pc) =	sbr.rel @p0 .LBB2_1-.Ltmp1, $4  }
0x99: {  	[sflag:s15] =	ssyncset.done $0x0  }
0x9a: {  	[sflag:s15] =	ssyncadd.s32 $0xFFFF8000  }
0x9b: {  	_ =	swait.ge [sflag:s12], $0x8000  }
0x9c: {  	[sflag:s12] =	ssyncset.done $0x0  }
.LBB2_2:
0x9d: {  	[sflag:s12] =	ssyncadd.s32 $0xFFFF8000  }
0x9e: {  	_ =	sfence.sel $0x180000  }
0x9f: {  	[bflag:$0x0] =	sbarrier.arrive $0xFFFF  }
0xa0: {  	p0 =	sne.s32 s0, $0x0;
	_ =	strace $0x90000053  }
0xa1: {  	s0 =	sadd.s32 @!p0 $0x100000, s1;
	[bflag:$0x2] =	sbarrier.arrive $0xFFFF  }
0xa2: {  	[sflag:s0] =	ssyncadd.tile.s32 @!p0 $0x1;
	_ =	shalt  }
.Lfunc_end2:
_tile_overlayer_lowered:
.L_overlay_start_2:
0xa3: {  	(tag) =	ssettag $0x2  }
0xa4: {  	s0 =	rddreg [dreg:$0x0];
	s2 =	stileid.u32  }
0xa5: {  	s1 =	rddreg [dreg:$0x1];
	p0 =	sne.s32 s2, $0x0  }
0xa6: {  	s3 =	rddreg [dreg:$0x2];
	[bflag:$0x3] =	sbarrier.arrive $0xFFFF;
	s2 =	simm.s32 @!p0 $0x1C05  }
0xa7: {  	[timem:s3], [sflag:s2] =	dma.local @!p0 [hbm:s0], s1  }
0xa8: {  	s0 =	simm.s32 @!p0 $0x5  }
0xa9: {  	_ =	swait.ge @!p0 [sflag:s0], s1  }
0xaa: {  	s1 =	ssub.s32 @!p0 $0x0, s1;
	[sflag:s0] =	ssyncset.done @!p0 $0x0  }
0xab: {  	[sflag:s0] =	ssyncadd.s32 @!p0 s1  }
0xac: {  	[bflag:$0x3] =	sbarrier.arrive $0xFFFF  }
0xad: {  	_ =	shalt  }

// kernel: kernel.31.cloned.1.call-start
scs
__scs_entry_jumppad:
0x0: {  	(pc) =	sbr.rel $0x88, $3  }
0x1: {  	(tag) =	ssettag $0x0;
	lr =	simm.s32 $0x1  }
0x2: {  	[smem:$0x3F94] =	sst lr;
	_ =	strace $0xD0000000  }
0x3: {  	_ = 	snop  }
0x4: {  	_ = 	snop  }
0x5: {  	_ = 	snop  }
0x6: {  	_ = 	snop  }
0x7: {  	_ = 	snop  }
__scs_overlays_trampoline_lowered:
0x8: {  	[smem:$0x3FA3] =	sst s0  }
0x9: {  	[smem:$0x3FA4] =	sst s1  }
0xa: {  	[smem:$0x3FA5] =	sst s2  }
0xb: {  	[smem:$0x3FA6] =	sst s3  }
0xc: {  	[smem:$0x3FA7] =	sst s4  }
0xd: {  	[smem:$0x3FA8] =	sst s5  }
0xe: {  	[smem:$0x3FA9] =	sst s6  }
0xf: {  	[smem:$0x3FAA] =	sst s7  }
0x10: {  	[smem:$0x3FAB] =	sst s8  }
0x11: {  	[smem:$0x3FAC] =	sst s9;
	s0 =	simm.s32 @!p0 $0x0  }
0x12: {  	s1 =	sld [smem:$0x3F92];
	s0 =	simm.s32 @p0 $0x1  }
0x13: {  	[smem:$0x3FAD] =	sst s0;
	s0 =	simm.s32 @!p1 $0x0  }
0x14: {  	s2 =	sld [smem:$0x3F91];
	s0 =	simm.s32 @p1 $0x1  }
0x15: {  	[smem:$0x3FAE] =	sst s0;
	s0 =	simm.s32 @!p2 $0x0  }
0x16: {  	s3 =	sld [smem:$0x3FDB];
	s0 =	simm.s32 @p2 $0x1  }
0x17: {  	s4 =	simm.s32 $0x1BF5;
	[smem:$0x3FB0] =	sst s0  }
0x18: {  	s0 =	sld [smem:$0x3F93];
	_ =	swait.ge [sflag:s4], $0x0  }
0x19: {  	s7 =	sld [smem:$0x3F94]  }
0x1a: {  	s8 =	sadd.s32 $0xFFFFE003, lr  }
0x1b: {  	s9 =	sadd.s32 $0xFFFFFEF7, lr;
	s5 =	simm.s32 $0xFFFFFFFF;
	p2 =	slt.u32 s8, $0xFFFFF086  }
0x1c: {  	p1 =	slt.u32 s9, $0xF7A;
	s5 =	simm.s32 @!p2 $0x0  }
0x1d: {  	s5 =	simm.s32 @p1 $0x1;
	p0 =	seq.s32 s7, s2  }
0x1e: {  	s7 =	smul.u32 @!p0 $0xF7A, s2;
	p2 =	seq.s32 @!p0 s5, $0x0  }
0x1f: {  	s9 =	smul.u32 $0xF7A, s1;
	s8 =	simm.s32 @!p0 $0x1BF5;
	p2 =	por !p2, p0  }
0x20: {  	[sflag:s8] =	ssyncset.s32 @!p0 $0xFFFFF086;
	s6 =	sadd.s32 @!p0 s3, s7;
	s7 =	simm.s32 @!p0 $0x108  }
0x21: {  	s3 =	sadd.s32 s3, s9;
	s6 =	sadd.s32 @!p0 $0x88, s6;
	s7 =	simm.s32 @p2 $0x1082  }
0x22: {  	[simem:s7], [sflag:s8] =	dma.local @!p0 [hbm:s6], $0xF7A  }
0x23: {  	s9 =	sor.u32 $0xD0000000, s2;
	s6 =	simm.s32 $0x108;
	_ =	swait.ge @!p0 [sflag:s8], $0x0  }
0x24: {  	s3 =	sadd.s32 $0x88, s3;
	s6 =	simm.s32 @!p1 $0x1082;
	[sflag:s4] =	ssyncset.s32 $0xFFFFF086  }
0x25: {  	[simem:s6], [sflag:s4] =	dma.local [hbm:s3], $0xF7A  }
0x26: {  	[smem:$0x3F94] =	sst s1;
	(tag) =	ssettag s2;
	_ =	strace s9  }
0x27: {  	s1 =	sld [smem:$0x3FA4]  }
0x28: {  	s2 =	sld [smem:$0x3FA5]  }
0x29: {  	s4 =	sld [smem:$0x3FA7]  }
0x2a: {  	p0 =	seq.s32 s5, $0x0;
	s5 =	sld [smem:$0x3FA8]  }
0x2b: {  	s6 =	sld [smem:$0x3FA9]  }
0x2c: {  	s7 =	sld [smem:$0x3FAA]  }
0x2d: {  	s3 =	simm.s32 $0x108;
	s8 =	sld [smem:$0x3FAB]  }
0x2e: {  	s3 =	simm.s32 @!p0 $0x1082;
	s9 =	sld [smem:$0x3FAC]  }
0x2f: {  	lr =	sadd.s32 s0, s3;
	s0 =	sld [smem:$0x3FA3]  }
0x30: {  	s3 =	sld [smem:$0x3FA6]  }
0x31: {  	[smem:$0x3FAF] =	sst s10  }
0x32: {  	s10 =	sld [smem:$0x3FAD];
	_ =	sdelay $0x3  }
0x33: {  	p0 =	seq.s32 s10, $0x1;
	s10 =	sld [smem:$0x3FAF];
	_ =	sdelay $0x3  }
0x34: {  	[smem:$0x3FAF] =	sst s10  }
0x35: {  	s10 =	sld [smem:$0x3FAE];
	_ =	sdelay $0x3  }
0x36: {  	p1 =	seq.s32 s10, $0x1;
	s10 =	sld [smem:$0x3FAF];
	_ =	sdelay $0x3  }
0x37: {  	[smem:$0x3FAF] =	sst s10  }
0x38: {  	s10 =	sld [smem:$0x3FB0]  }
0x39: {  	_ = 	snop;
	(pc) =	sbr.ind lr, $3  }
0x3a: {  	_ = 	snop  }
0x3b: {  	_ = 	snop  }
0x3c: {  	p2 =	seq.s32 s10, $0x1;
	s10 =	sld [smem:$0x3FAF]  }
0x3d: {  	_ =	shalt  }
0x3e: {  	_ =	shalt  }
0x3f: {  	_ =	shalt  }
0x40: {  	_ =	shalt  }
0x41: {  	_ =	shalt  }
0x42: {  	_ =	shalt  }
0x43: {  	_ =	shalt  }
0x44: {  	_ =	shalt  }
0x45: {  	_ =	shalt  }
0x46: {  	_ =	shalt  }
0x47: {  	_ =	shalt  }
0x48: {  	_ =	shalt  }
0x49: {  	_ =	shalt  }
0x4a: {  	_ =	shalt  }
0x4b: {  	_ =	shalt  }
0x4c: {  	_ =	shalt  }
0x4d: {  	_ =	shalt  }
0x4e: {  	_ =	shalt  }
0x4f: {  	_ =	shalt  }
0x50: {  	_ =	shalt  }
0x51: {  	_ =	shalt  }
0x52: {  	_ =	shalt  }
0x53: {  	_ =	shalt  }
0x54: {  	_ =	shalt  }
0x55: {  	_ =	shalt  }
0x56: {  	_ =	shalt  }
0x57: {  	_ =	shalt  }
0x58: {  	_ =	shalt  }
0x59: {  	_ =	shalt  }
0x5a: {  	_ =	shalt  }
0x5b: {  	_ =	shalt  }
0x5c: {  	_ =	shalt  }
0x5d: {  	_ =	shalt  }
0x5e: {  	_ =	shalt  }
0x5f: {  	_ =	shalt  }
0x60: {  	_ =	shalt  }
0x61: {  	_ =	shalt  }
0x62: {  	_ =	shalt  }
0x63: {  	_ =	shalt  }
0x64: {  	_ =	shalt  }
0x65: {  	_ =	shalt  }
0x66: {  	_ =	shalt  }
0x67: {  	_ =	shalt  }
0x68: {  	_ =	shalt  }
0x69: {  	_ =	shalt  }
0x6a: {  	_ =	shalt  }
0x6b: {  	_ =	shalt  }
0x6c: {  	_ =	shalt  }
0x6d: {  	_ =	shalt  }
0x6e: {  	_ =	shalt  }
0x6f: {  	_ =	shalt  }
0x70: {  	_ =	shalt  }
0x71: {  	_ =	shalt  }
0x72: {  	_ =	shalt  }
0x73: {  	_ =	shalt  }
0x74: {  	_ =	shalt  }
0x75: {  	_ =	shalt  }
0x76: {  	_ =	shalt  }
0x77: {  	_ =	shalt  }
0x78: {  	_ =	shalt  }
0x79: {  	_ =	shalt  }
0x7a: {  	_ =	shalt  }
0x7b: {  	_ =	shalt  }
0x7c: {  	_ =	shalt  }
0x7d: {  	_ =	shalt  }
0x7e: {  	_ =	shalt  }
0x7f: {  	_ =	shalt  }
0x80: {  	_ =	shalt  }
0x81: {  	_ =	shalt  }
0x82: {  	_ =	shalt  }
0x83: {  	_ =	shalt  }
0x84: {  	_ =	shalt  }
0x85: {  	_ =	shalt  }
0x86: {  	_ =	shalt  }
0x87: {  	_ =	shalt  }
.Lfunc_end0:
.L_simem_size_0:
called_computation.4_lowered:
.L_overlay_start_0:
0x88: {  	s2 =	sld [smem:$0x3FD9]  }
0x89: {  	s3 =	sld [smem:$0x3FFE];
	_ =	sdelay $0x1  }
0x8a: {  	s1 =	srdreg.scid  }
0x8b: {  	s0 =	sand.u32 $0x1, s1  }
0x8c: {  	s17 =	sshll.u32 s0, $0xA;
	s2 =	sadd.s32 s3, s2  }
0x8d: {  	s2 =	sadd.s32 s2, s17  }
0x8e: {  	[smem:$0x3FBB] =	sst s2  }
0x8f: {  	_ = 	snop  }
0x90: {  	(tm) =	ssettm $0x1  }
0x91: {  	s18 =	sld [smem:$0x3FFB];
	_ =	sdelay $0x3  }
0x92: {  	_ =	strace s18  }
0x93: {  	s2 =	sld [smem:$0x3FFC];
	_ =	sdelay $0x3  }
0x94: {  	_ =	strace s2  }
0x95: {  	s2 =	sld [smem:$0x3FFD];
	_ =	sdelay $0x3  }
0x96: {  	_ =	strace s2  }
0x97: {  	_ =	strace $0x8FFFFFFF  }
0x98: {  	s19 =	sld [smem:$0x3FDB];
	_ =	sdelay $0x1  }
0x99: {  	s20 =	simm.s32 $_scs_section_size  }
0x9a: {  	s4 =	simm.s32 $_size__tile_overlayer_lowered;
	s5 =	simm.s32 $_tile_overlayer_lowered  }
0x9b: {  	s6 =	simm.s32 $0x1BFF;
	s21 =	sshll.u32 s5, $0x1;
	s3 =	sadd.s32 s20, s19  }
0x9c: {  	s22 =	simm.s32 $0x0;
	s4 =	sshll.u32 s4, $0x1;
	s5 =	sadd.s32 s21, s3  }
0x9d: {  	[timem:s22], [sflag:s6] =	dma.local [hbm:s5], s4  }
0x9e: {  	_ =	swait.ge [sflag:s6], s4  }
0x9f: {  	s4 =	ssub.s32 $0x0, s4;
	[sflag:s6] =	ssyncset.done $0x0  }
0xa0: {  	[sflag:s6] =	ssyncadd.s32 s4;
	_ =	sdelay $0x1  }
0xa1: {  	s23 =	simm.s32 $0x1B8B  }
0xa2: {  	_ =	swait.ge [sflag:s23], $0x1  }
0xa3: {  	[sflag:s23] =	ssyncset.done $0x0  }
0xa4: {  	[sflag:s23] =	ssyncadd.s32 $0xFFFFFFFF  }
0xa5: {  	s4 =	sld [smem:$0x0]  }
0xa6: {  	s5 =	sand.u32 $0xFFFFFFFE, s1  }
0xa7: {  	p0 =	sne.s32 s1, s5  }
0xa8: {  	s5 =	sshll.u32 @p0 s5, $0xE  }
0xa9: {  	s5 =	sadd.s32 @p0 $0x11B8D, s5;
	s6 =	sshll.u32 @p0 s4, $0x11  }
0xaa: {  	s5 =	sor.u32 @p0 s6, s5  }
0xab: {  	[sflag:s5] =	ssyncadd.remote.s32 @p0 $0x1;
	_ =	sdelay $0x1  }
0xac: {  	s5 =	simm.s32 @p0 $0x1B8D  }
0xad: {  	_ =	swait.eq @p0 [sflag:s5], $0x1  }
0xae: {  	[sflag:s5] =	ssyncadd.s32 @p0 $0xFFFFFFFF  }
0xaf: {  	s6 =	sshll.u32 @!p0 s1, $0xE  }
0xb0: {  	s6 =	sor.u32 @!p0 $0x4000, s6;
	s5 =	simm.s32 @!p0 $0x1B8D  }
0xb1: {  	s4 =	sshll.u32 @!p0 s4, $0x11;
	s6 =	sadd.s32 @!p0 $0x11B8D, s6;
	_ =	swait.eq @!p0 [sflag:s5], $0x1  }
0xb2: {  	s4 =	sor.u32 @!p0 s4, s6;
	[sflag:s5] =	ssyncadd.s32 @!p0 $0xFFFFFFFF  }
0xb3: {  	s25 =	simm.s32 $0x1B8E;
	s24 =	sld [smem:$0x3FFE];
	[sflag:s4] =	ssyncadd.remote.s32 @!p0 $0x1  }
0xb4: {  	s26 =	simm.s32 $execute0_lowered;
	[smem:$0x3FD2] =	sst s25  }
0xb5: {  	s5 =	sshll.u32 s26, $0x1;
	_ =	strace $0x8000004F;
	[dreg:$0x1] =	wrdreg $0xFFFFFFFF  }
0xb6: {  	s28 =	simm.s32 $_size_execute0_lowered;
	s3 =	sadd.s32 s3, s5;
	[dreg:$0x0] =	wrdreg $0x0  }
0xb7: {  	s5 =	sshll.u32 s28, $0x1;
	[dreg:$0x2] =	wrdreg s3  }
0xb8: {  	[dreg:$0x3] =	wrdreg s5  }
0xb9: {  	[dreg:$0x4] =	wrdreg $0xC0  }
0xba: {  	_ =	task [dreg:s22], $0x5FFFF  }
0xbb: {  	[dreg:$0x1] =	wrdreg $0xFFFFFFFF  }
0xbc: {  	[dreg:$0x0] =	wrdreg $0x60  }
0xbd: {  	[dreg:$0x2] =	wrdreg s24  }
0xbe: {  	[dreg:$0x3] =	wrdreg $0xD  }
0xbf: {  	_ =	task.clear_ibuf [dreg:s22], $0x4FFFF;
	_ =	strace $0x9000004F  }
0xc0: {  	s29 =	simm.s32 $0xD;
	_ =	strace $0x80000051  }
0xc1: {  	_ =	swait.ge [sflag:s29], $0x1  }
0xc2: {  	[sflag:s29] =	ssyncadd.s32 $0xFFFFFFFF  }
0xc3: {  	_ =	strace $0x90000051  }
0xc4: {  	_ =	sfence  }
0xc5: {  	s30 =	sld [smem:$0x0];
	_ =	sdelay $0x2  }
0xc6: {  	s31 =	sshll.u32 s1, $0xD;
	s1 =	sshrl.u32 s1, $0x2  }
0xc7: {  	s4 =	sand.u32 $0x4000, s31;
	s1 =	sadd.s32 s1, s30  }
0xc8: {  	s0 =	sor.u32 s4, s0;
	s1 =	sshll.u32 s1, $0x11  }
0xc9: {  	s0 =	sor.u32 s1, s0  }
0xca: {  	s0 =	sadd.s32 $0x8F2B, s0  }
0xcb: {  	[sflag:s0] =	ssyncadd.remote.s32 $0x1  }
0xcc: {  	_ =	sfence.sel $0xFFFF  }
0xcd: {  	[dreg:$0x0] =	wrdreg $0xFFFFFFFF;
	(pc) =	sbr.abs _section_cstart, $3  }
0xce: {  	[dreg:$0x1] =	wrdreg $0xFFFFFFFF  }
0xcf: {  	_ =	task.clear_ibuf [dreg:s22], $0x2FFFF;
	_ =	strace $0x9FFFFFFF  }
0xd0: {  	(tm) =	ssettm $0x7FFFFFFF  }
0xd1: {  	_ =	shalt  }
tec
execute0_lowered:
.L_overlay_start_1:
0x0: {  	(tag) =	ssettag $0x1  }
0x1: {  	s1 =	srdreg.scid  }
0x2: {  	s0 =	stileid.u32;
	s26 =	sand.u32 $0x1, s1  }
0x3: {  	s31 =	sshll.u32 s0, $0xC;
	s2 =	sshll.u32 s26, $0xB  }
0x4: {  	s10 =	sor.u32 s2, s31  }
0x5: {  	s9 =	rddreg [dreg:$0x0];
	s2 =	simm.s32 $0x0;
	s3 =	sshrl.u32 s10, $0x3  }
0x6: {  	s4 =	simm.s32 $0x5;
	[smem:$0x7FF] =	sst s2;
	s3 =	sadd.s32 s3, s9  }
0x7: {  	s1 =	rddreg [dreg:$0x1];
	_ =	strace $0x80000050;
	s3 =	sadd.s32 $0x89E00, s3  }
0x8: {  	[tilespmem:s2], [sflag:$0x5] =	stream.linear.gather [hbm4b:s3+s2], $0x800, $0x38;
	[tilespmem:$0x10800] =	vst v63  }
0x9: {  	_ =	swait.ge [sflag:s4], $0x800  }
0xa: {  	s6 =	simm.s32 $0x100;
	s7 =	simm.s32 $0x800;
	[sflag:s4] =	ssyncset.done $0x0  }
0xb: {  	s8 =	simm.s32 $0x1;
	s5 =	sadd.s32 $0x3E00, s9;
	[sflag:s4] =	ssyncadd.s32 $0xFFFFF800  }
0xc: {  	[tilespmem:s7], [sflag:$0x1] =	stream.indirect.gather [hbm4b:s5+s6], $0x80, s2, s6, $0xb8;
	[tilespmem:$0x10800] =	vst v63  }
0xd: {  	_ =	swait.ge [sflag:s8], $0x8000  }
0xe: {  	s10 =	sshll.u32 s10, $0x4;
	[sflag:s8] =	ssyncset.done $0x0  }
0xf: {  	s28 =	sadd.s32 s10, s9;
	s9 =	simm.s32 $0x8800;
	[sflag:s8] =	ssyncadd.s32 $0xFFFF8000  }
0x10: {  	[tilespmem:s9], [sflag:$0x2] =	stream.indirect.gather [hbm4b:s5+s6], $0x80, s6, s6, $0xb8;
	[tilespmem:$0x10800] =	vst v63  }
0x11: {  	s11 =	simm.s32 $0x2;
	s10 =	sadd.s32 $0x391E00, s28  }
0x12: {  	[hbm4b:s10+s2] =	stream.linear.scatter [tilespmem:s7], [sflag:$0x3], $0x8000, $0x38;
	[tilespmem:$0x10800] =	vst v63  }
0x13: {  	_ =	swait.ge [sflag:s11], $0x8000  }
0x14: {  	[sflag:s11] =	ssyncset.done $0x0  }
0x15: {  	s12 =	simm.s32 $0x3;
	[sflag:s11] =	ssyncadd.s32 $0xFFFF8000  }
0x16: {  	_ =	swait.ge [sflag:s12], $0x8000  }
0x17: {  	[sflag:s12] =	ssyncset.done $0x0  }
0x18: {  	s13 =	simm.s32 $0x200;
	[sflag:s12] =	ssyncadd.s32 $0xFFFF8000  }
0x19: {  	[tilespmem:s7], [sflag:$0x1] =	stream.indirect.gather [hbm4b:s5+s6], $0x80, s13, s6, $0xb8;
	[tilespmem:$0x10800] =	vst v63  }
0x1a: {  	s14 =	sadd.s32 $0x392E00, s28  }
0x1b: {  	[hbm4b:s14+s2] =	stream.linear.scatter [tilespmem:s9], [sflag:$0x4], $0x8000, $0x38;
	[tilespmem:$0x10800] =	vst v63  }
0x1c: {  	_ =	swait.ge [sflag:s8], $0x8000  }
0x1d: {  	[sflag:s8] =	ssyncset.done $0x0  }
0x1e: {  	s15 =	simm.s32 $0x4;
	[sflag:s8] =	ssyncadd.s32 $0xFFFF8000  }
0x1f: {  	_ =	swait.ge [sflag:s15], $0x8000  }
0x20: {  	[sflag:s15] =	ssyncset.done $0x0  }
0x21: {  	s16 =	simm.s32 $0x300;
	[sflag:s15] =	ssyncadd.s32 $0xFFFF8000  }
0x22: {  	[tilespmem:s9], [sflag:$0x2] =	stream.indirect.gather [hbm4b:s5+s6], $0x80, s16, s6, $0xb8;
	[tilespmem:$0x10800] =	vst v63  }
0x23: {  	s17 =	sadd.s32 $0x393E00, s28  }
0x24: {  	[hbm4b:s17+s2] =	stream.linear.scatter [tilespmem:s7], [sflag:$0x3], $0x8000, $0x38;
	[tilespmem:$0x10800] =	vst v63  }
0x25: {  	_ =	swait.ge [sflag:s11], $0x8000  }
0x26: {  	[sflag:s11] =	ssyncset.done $0x0  }
0x27: {  	[sflag:s11] =	ssyncadd.s32 $0xFFFF8000  }
0x28: {  	_ =	swait.ge [sflag:s12], $0x8000  }
0x29: {  	[sflag:s12] =	ssyncset.done $0x0  }
0x2a: {  	s18 =	simm.s32 $0x400;
	[sflag:s12] =	ssyncadd.s32 $0xFFFF8000  }
0x2b: {  	[tilespmem:s7], [sflag:$0x1] =	stream.indirect.gather [hbm4b:s5+s6], $0x80, s18, s6, $0xb8;
	[tilespmem:$0x10800] =	vst v63  }
0x2c: {  	s19 =	sadd.s32 $0x394E00, s28  }
0x2d: {  	[hbm4b:s19+s2] =	stream.linear.scatter [tilespmem:s9], [sflag:$0x4], $0x8000, $0x38;
	[tilespmem:$0x10800] =	vst v63  }
0x2e: {  	_ =	swait.ge [sflag:s8], $0x8000  }
0x2f: {  	[sflag:s8] =	ssyncset.done $0x0  }
0x30: {  	[sflag:s8] =	ssyncadd.s32 $0xFFFF8000  }
0x31: {  	_ =	swait.ge [sflag:s15], $0x8000  }
0x32: {  	[sflag:s15] =	ssyncset.done $0x0  }
0x33: {  	s20 =	simm.s32 $0x500;
	[sflag:s15] =	ssyncadd.s32 $0xFFFF8000  }
0x34: {  	[tilespmem:s9], [sflag:$0x2] =	stream.indirect.gather [hbm4b:s5+s6], $0x80, s20, s6, $0xb8;
	[tilespmem:$0x10800] =	vst v63  }
0x35: {  	s21 =	sadd.s32 $0x395E00, s28  }
0x36: {  	[hbm4b:s21+s2] =	stream.linear.scatter [tilespmem:s7], [sflag:$0x3], $0x8000, $0x38;
	[tilespmem:$0x10800] =	vst v63  }
0x37: {  	_ =	swait.ge [sflag:s11], $0x8000  }
0x38: {  	[sflag:s11] =	ssyncset.done $0x0  }
0x39: {  	[sflag:s11] =	ssyncadd.s32 $0xFFFF8000  }
0x3a: {  	_ =	swait.ge [sflag:s12], $0x8000  }
0x3b: {  	[sflag:s12] =	ssyncset.done $0x0  }
0x3c: {  	s22 =	simm.s32 $0x600;
	[sflag:s12] =	ssyncadd.s32 $0xFFFF8000  }
0x3d: {  	[tilespmem:s7], [sflag:$0x1] =	stream.indirect.gather [hbm4b:s5+s6], $0x80, s22, s6, $0xb8;
	[tilespmem:$0x10800] =	vst v63  }
0x3e: {  	s23 =	sadd.s32 $0x396E00, s28  }
0x3f: {  	[hbm4b:s23+s2] =	stream.linear.scatter [tilespmem:s9], [sflag:$0x4], $0x8000, $0x38;
	[tilespmem:$0x10800] =	vst v63  }
0x40: {  	_ =	swait.ge [sflag:s8], $0x8000  }
0x41: {  	[sflag:s8] =	ssyncset.done $0x0  }
0x42: {  	[sflag:s8] =	ssyncadd.s32 $0xFFFF8000  }
0x43: {  	_ =	swait.ge [sflag:s15], $0x8000  }
0x44: {  	[sflag:s15] =	ssyncset.done $0x0  }
0x45: {  	s24 =	simm.s32 $0x700;
	s29 =	ssub.s32 $0x2, s26;
	[sflag:s15] =	ssyncadd.s32 $0xFFFF8000  }
0x46: {  	[tilespmem:s9], [sflag:$0x2] =	stream.indirect.gather [hbm4b:s5+s6], $0x80, s24, s6, $0xb8;
	[tilespmem:$0x10800] =	vst v63  }
0x47: {  	s25 =	sadd.s32 $0x397E00, s28;
	s26 =	sadd.s32 $0x398E00, s28;
	s28 =	sshrl.u32 s29, $0x1  }
0x48: {  	[hbm4b:s25+s2] =	stream.linear.scatter [tilespmem:s7], [sflag:$0x3], $0x8000, $0x38;
	[tilespmem:$0x10800] =	vst v63  }
0x49: {  	s28 =	ssub.s32 s29, s28;
	_ =	swait.ge [sflag:s11], $0x8000  }
0x4a: {  	s28 =	smax.u32 s28, $0x1;
	[sflag:s11] =	ssyncset.done $0x0  }
0x4b: {  	p0 =	sne.s32 s28, $0x1;
	[sflag:s11] =	ssyncadd.s32 $0xFFFF8000  }
0x4c: {  	[hbm4b:s26+s2] =	stream.linear.scatter [tilespmem:s9], [sflag:$0x4], $0x8000, $0x38;
	[tilespmem:$0x10800] =	vst v63  }
.Ltmp0:
0x4d: {  	_ =	swait.ge [sflag:s15], $0x8000;
	(pc) =	sbr.rel @!p0 .LBB2_2-.Ltmp0, $4  }
0x4e: {  	[sflag:s15] =	ssyncset.done $0x0  }
0x4f: {  	[sflag:s15] =	ssyncadd.s32 $0xFFFF8000  }
0x50: {  	_ =	swait.ge [sflag:s12], $0x8000  }
0x51: {  	s28 =	sadd.s32 $0xFFFFFFFF, s28;
	[sflag:s12] =	ssyncset.done $0x0  }
.LBB2_1:
0x52: {  	p0 =	sne.s32 s28, $0x1;
	s28 =	sadd.s32 $0xFFFFFFFF, s28;
	[sflag:s12] =	ssyncadd.s32 $0xFFFF8000  }
0x53: {  	[tilespmem:s2], [sflag:$0x5] =	stream.linear.gather [hbm4b:s3+s2], $0x800, $0x38;
	[tilespmem:$0x10800] =	vst v63  }
0x54: {  	_ =	swait.ge [sflag:s4], $0x800  }
0x55: {  	[sflag:s4] =	ssyncset.done $0x0  }
0x56: {  	[sflag:s4] =	ssyncadd.s32 $0xFFFFF800  }
0x57: {  	[tilespmem:s7], [sflag:$0x1] =	stream.indirect.gather [hbm4b:s5+s6], $0x80, s2, s6, $0xb8;
	[tilespmem:$0x10800] =	vst v63  }
0x58: {  	_ =	swait.ge [sflag:s8], $0x8000  }
0x59: {  	[sflag:s8] =	ssyncset.done $0x0  }
0x5a: {  	[sflag:s8] =	ssyncadd.s32 $0xFFFF8000  }
0x5b: {  	[tilespmem:s9], [sflag:$0x2] =	stream.indirect.gather [hbm4b:s5+s6], $0x80, s6, s6, $0xb8;
	[tilespmem:$0x10800] =	vst v63  }
0x5c: {  	_ = 	snop  }
0x5d: {  	[hbm4b:s10+s2] =	stream.linear.scatter [tilespmem:s7], [sflag:$0x3], $0x8000, $0x38;
	[tilespmem:$0x10800] =	vst v63  }
0x5e: {  	_ =	swait.ge [sflag:s11], $0x8000  }
0x5f: {  	[sflag:s11] =	ssyncset.done $0x0  }
0x60: {  	[sflag:s11] =	ssyncadd.s32 $0xFFFF8000  }
0x61: {  	_ =	swait.ge [sflag:s12], $0x8000  }
0x62: {  	[sflag:s12] =	ssyncset.done $0x0  }
0x63: {  	[sflag:s12] =	ssyncadd.s32 $0xFFFF8000  }
0x64: {  	[tilespmem:s7], [sflag:$0x1] =	stream.indirect.gather [hbm4b:s5+s6], $0x80, s13, s6, $0xb8;
	[tilespmem:$0x10800] =	vst v63  }
0x65: {  	_ = 	snop  }
0x66: {  	[hbm4b:s14+s2] =	stream.linear.scatter [tilespmem:s9], [sflag:$0x4], $0x8000, $0x38;
	[tilespmem:$0x10800] =	vst v63  }
0x67: {  	_ =	swait.ge [sflag:s8], $0x8000  }
0x68: {  	[sflag:s8] =	ssyncset.done $0x0  }
0x69: {  	[sflag:s8] =	ssyncadd.s32 $0xFFFF8000  }
0x6a: {  	_ =	swait.ge [sflag:s15], $0x8000  }
0x6b: {  	[sflag:s15] =	ssyncset.done $0x0  }
0x6c: {  	[sflag:s15] =	ssyncadd.s32 $0xFFFF8000  }
0x6d: {  	[tilespmem:s9], [sflag:$0x2] =	stream.indirect.gather [hbm4b:s5+s6], $0x80, s16, s6, $0xb8;
	[tilespmem:$0x10800] =	vst v63  }
0x6e: {  	_ = 	snop  }
0x6f: {  	[hbm4b:s17+s2] =	stream.linear.scatter [tilespmem:s7], [sflag:$0x3], $0x8000, $0x38;
	[tilespmem:$0x10800] =	vst v63  }
0x70: {  	_ =	swait.ge [sflag:s11], $0x8000  }
0x71: {  	[sflag:s11] =	ssyncset.done $0x0  }
0x72: {  	[sflag:s11] =	ssyncadd.s32 $0xFFFF8000  }
0x73: {  	_ =	swait.ge [sflag:s12], $0x8000  }
0x74: {  	[sflag:s12] =	ssyncset.done $0x0  }
0x75: {  	[sflag:s12] =	ssyncadd.s32 $0xFFFF8000  }
0x76: {  	[tilespmem:s7], [sflag:$0x1] =	stream.indirect.gather [hbm4b:s5+s6], $0x80, s18, s6, $0xb8;
	[tilespmem:$0x10800] =	vst v63  }
0x77: {  	_ = 	snop  }
0x78: {  	[hbm4b:s19+s2] =	stream.linear.scatter [tilespmem:s9], [sflag:$0x4], $0x8000, $0x38;
	[tilespmem:$0x10800] =	vst v63  }
0x79: {  	_ =	swait.ge [sflag:s8], $0x8000  }
0x7a: {  	[sflag:s8] =	ssyncset.done $0x0  }
0x7b: {  	[sflag:s8] =	ssyncadd.s32 $0xFFFF8000  }
0x7c: {  	_ =	swait.ge [sflag:s15], $0x8000  }
0x7d: {  	[sflag:s15] =	ssyncset.done $0x0  }
0x7e: {  	[sflag:s15] =	ssyncadd.s32 $0xFFFF8000  }
0x7f: {  	[tilespmem:s9], [sflag:$0x2] =	stream.indirect.gather [hbm4b:s5+s6], $0x80, s20, s6, $0xb8;
	[tilespmem:$0x10800] =	vst v63  }
0x80: {  	_ = 	snop  }
0x81: {  	[hbm4b:s21+s2] =	stream.linear.scatter [tilespmem:s7], [sflag:$0x3], $0x8000, $0x38;
	[tilespmem:$0x10800] =	vst v63  }
0x82: {  	_ =	swait.ge [sflag:s11], $0x8000  }
0x83: {  	[sflag:s11] =	ssyncset.done $0x0  }
0x84: {  	[sflag:s11] =	ssyncadd.s32 $0xFFFF8000  }
0x85: {  	_ =	swait.ge [sflag:s12], $0x8000  }
0x86: {  	[sflag:s12] =	ssyncset.done $0x0  }
0x87: {  	[sflag:s12] =	ssyncadd.s32 $0xFFFF8000  }
0x88: {  	[tilespmem:s7], [sflag:$0x1] =	stream.indirect.gather [hbm4b:s5+s6], $0x80, s22, s6, $0xb8;
	[tilespmem:$0x10800] =	vst v63  }
0x89: {  	_ = 	snop  }
0x8a: {  	[hbm4b:s23+s2] =	stream.linear.scatter [tilespmem:s9], [sflag:$0x4], $0x8000, $0x38;
	[tilespmem:$0x10800] =	vst v63  }
0x8b: {  	_ =	swait.ge [sflag:s8], $0x8000  }
0x8c: {  	[sflag:s8] =	ssyncset.done $0x0  }
0x8d: {  	[sflag:s8] =	ssyncadd.s32 $0xFFFF8000  }
0x8e: {  	_ =	swait.ge [sflag:s15], $0x8000  }
0x8f: {  	[sflag:s15] =	ssyncset.done $0x0  }
0x90: {  	[sflag:s15] =	ssyncadd.s32 $0xFFFF8000  }
0x91: {  	[tilespmem:s9], [sflag:$0x2] =	stream.indirect.gather [hbm4b:s5+s6], $0x80, s24, s6, $0xb8;
	[tilespmem:$0x10800] =	vst v63  }
0x92: {  	_ = 	snop  }
0x93: {  	[hbm4b:s25+s2] =	stream.linear.scatter [tilespmem:s7], [sflag:$0x3], $0x8000, $0x38;
	[tilespmem:$0x10800] =	vst v63  }
0x94: {  	_ =	swait.ge [sflag:s11], $0x8000  }
0x95: {  	[sflag:s11] =	ssyncset.done $0x0  }
0x96: {  	[sflag:s11] =	ssyncadd.s32 $0xFFFF8000  }
0x97: {  	[hbm4b:s26+s2] =	stream.linear.scatter [tilespmem:s9], [sflag:$0x4], $0x8000, $0x38;
	[tilespmem:$0x10800] =	vst v63  }
.Ltmp1:
0x98: {  	_ =	swait.ge [sflag:s15], $0x8000;
	(pc) =	sbr.rel @p0 .LBB2_1-.Ltmp1, $4  }
0x99: {  	[sflag:s15] =	ssyncset.done $0x0  }
0x9a: {  	[sflag:s15] =	ssyncadd.s32 $0xFFFF8000  }
0x9b: {  	_ =	swait.ge [sflag:s12], $0x8000  }
0x9c: {  	[sflag:s12] =	ssyncset.done $0x0  }
.LBB2_2:
0x9d: {  	[sflag:s12] =	ssyncadd.s32 $0xFFFF8000  }
0x9e: {  	_ =	sfence.sel $0x180000  }
0x9f: {  	[bflag:$0x0] =	sbarrier.arrive $0xFFFF  }
0xa0: {  	p0 =	sne.s32 s0, $0x0;
	_ =	strace $0x90000050  }
0xa1: {  	s0 =	sadd.s32 @!p0 $0x100000, s1;
	[bflag:$0x2] =	sbarrier.arrive $0xFFFF  }
0xa2: {  	[sflag:s0] =	ssyncadd.tile.s32 @!p0 $0x1;
	_ =	shalt  }
.Lfunc_end2:
_tile_overlayer_lowered:
.L_overlay_start_2:
0xa3: {  	(tag) =	ssettag $0x2  }
0xa4: {  	s0 =	rddreg [dreg:$0x0];
	s2 =	stileid.u32  }
0xa5: {  	s1 =	rddreg [dreg:$0x1];
	p0 =	sne.s32 s2, $0x0  }
0xa6: {  	s3 =	rddreg [dreg:$0x2];
	[bflag:$0x3] =	sbarrier.arrive $0xFFFF;
	s2 =	simm.s32 @!p0 $0x1C05  }
0xa7: {  	[timem:s3], [sflag:s2] =	dma.local @!p0 [hbm:s0], s1  }
0xa8: {  	s0 =	simm.s32 @!p0 $0x5  }
0xa9: {  	_ =	swait.ge @!p0 [sflag:s0], s1  }
0xaa: {  	s1 =	ssub.s32 @!p0 $0x0, s1;
	[sflag:s0] =	ssyncset.done @!p0 $0x0  }
0xab: {  	[sflag:s0] =	ssyncadd.s32 @!p0 s1  }
0xac: {  	[bflag:$0x3] =	sbarrier.arrive $0xFFFF  }
0xad: {  	_ =	shalt  }

// kernel: kernel.34.cloned.1.call-start
scs
__scs_entry_jumppad:
0x0: {  	(pc) =	sbr.rel $0x88, $3  }
0x1: {  	(tag) =	ssettag $0x0;
	lr =	simm.s32 $0x1  }
0x2: {  	[smem:$0x3F94] =	sst lr;
	_ =	strace $0xD0000000  }
0x3: {  	_ = 	snop  }
0x4: {  	_ = 	snop  }
0x5: {  	_ = 	snop  }
0x6: {  	_ = 	snop  }
0x7: {  	_ = 	snop  }
__scs_overlays_trampoline_lowered:
0x8: {  	[smem:$0x3FA3] =	sst s0  }
0x9: {  	[smem:$0x3FA4] =	sst s1  }
0xa: {  	[smem:$0x3FA5] =	sst s2  }
0xb: {  	[smem:$0x3FA6] =	sst s3  }
0xc: {  	[smem:$0x3FA7] =	sst s4  }
0xd: {  	[smem:$0x3FA8] =	sst s5  }
0xe: {  	[smem:$0x3FA9] =	sst s6  }
0xf: {  	[smem:$0x3FAA] =	sst s7  }
0x10: {  	[smem:$0x3FAB] =	sst s8  }
0x11: {  	[smem:$0x3FAC] =	sst s9;
	s0 =	simm.s32 @!p0 $0x0  }
0x12: {  	s1 =	sld [smem:$0x3F92];
	s0 =	simm.s32 @p0 $0x1  }
0x13: {  	[smem:$0x3FAD] =	sst s0;
	s0 =	simm.s32 @!p1 $0x0  }
0x14: {  	s2 =	sld [smem:$0x3F91];
	s0 =	simm.s32 @p1 $0x1  }
0x15: {  	[smem:$0x3FAE] =	sst s0;
	s0 =	simm.s32 @!p2 $0x0  }
0x16: {  	s3 =	sld [smem:$0x3FDB];
	s0 =	simm.s32 @p2 $0x1  }
0x17: {  	s4 =	simm.s32 $0x1BF5;
	[smem:$0x3FB0] =	sst s0  }
0x18: {  	s0 =	sld [smem:$0x3F93];
	_ =	swait.ge [sflag:s4], $0x0  }
0x19: {  	s7 =	sld [smem:$0x3F94]  }
0x1a: {  	s8 =	sadd.s32 $0xFFFFE003, lr  }
0x1b: {  	s9 =	sadd.s32 $0xFFFFFEF7, lr;
	s5 =	simm.s32 $0xFFFFFFFF;
	p2 =	slt.u32 s8, $0xFFFFF086  }
0x1c: {  	p1 =	slt.u32 s9, $0xF7A;
	s5 =	simm.s32 @!p2 $0x0  }
0x1d: {  	s5 =	simm.s32 @p1 $0x1;
	p0 =	seq.s32 s7, s2  }
0x1e: {  	s7 =	smul.u32 @!p0 $0xF7A, s2;
	p2 =	seq.s32 @!p0 s5, $0x0  }
0x1f: {  	s9 =	smul.u32 $0xF7A, s1;
	s8 =	simm.s32 @!p0 $0x1BF5;
	p2 =	por !p2, p0  }
0x20: {  	[sflag:s8] =	ssyncset.s32 @!p0 $0xFFFFF086;
	s6 =	sadd.s32 @!p0 s3, s7;
	s7 =	simm.s32 @!p0 $0x108  }
0x21: {  	s3 =	sadd.s32 s3, s9;
	s6 =	sadd.s32 @!p0 $0x88, s6;
	s7 =	simm.s32 @p2 $0x1082  }
0x22: {  	[simem:s7], [sflag:s8] =	dma.local @!p0 [hbm:s6], $0xF7A  }
0x23: {  	s9 =	sor.u32 $0xD0000000, s2;
	s6 =	simm.s32 $0x108;
	_ =	swait.ge @!p0 [sflag:s8], $0x0  }
0x24: {  	s3 =	sadd.s32 $0x88, s3;
	s6 =	simm.s32 @!p1 $0x1082;
	[sflag:s4] =	ssyncset.s32 $0xFFFFF086  }
0x25: {  	[simem:s6], [sflag:s4] =	dma.local [hbm:s3], $0xF7A  }
0x26: {  	[smem:$0x3F94] =	sst s1;
	(tag) =	ssettag s2;
	_ =	strace s9  }
0x27: {  	s1 =	sld [smem:$0x3FA4]  }
0x28: {  	s2 =	sld [smem:$0x3FA5]  }
0x29: {  	s4 =	sld [smem:$0x3FA7]  }
0x2a: {  	p0 =	seq.s32 s5, $0x0;
	s5 =	sld [smem:$0x3FA8]  }
0x2b: {  	s6 =	sld [smem:$0x3FA9]  }
0x2c: {  	s7 =	sld [smem:$0x3FAA]  }
0x2d: {  	s3 =	simm.s32 $0x108;
	s8 =	sld [smem:$0x3FAB]  }
0x2e: {  	s3 =	simm.s32 @!p0 $0x1082;
	s9 =	sld [smem:$0x3FAC]  }
0x2f: {  	lr =	sadd.s32 s0, s3;
	s0 =	sld [smem:$0x3FA3]  }
0x30: {  	s3 =	sld [smem:$0x3FA6]  }
0x31: {  	[smem:$0x3FAF] =	sst s10  }
0x32: {  	s10 =	sld [smem:$0x3FAD];
	_ =	sdelay $0x3  }
0x33: {  	p0 =	seq.s32 s10, $0x1;
	s10 =	sld [smem:$0x3FAF];
	_ =	sdelay $0x3  }
0x34: {  	[smem:$0x3FAF] =	sst s10  }
0x35: {  	s10 =	sld [smem:$0x3FAE];
	_ =	sdelay $0x3  }
0x36: {  	p1 =	seq.s32 s10, $0x1;
	s10 =	sld [smem:$0x3FAF];
	_ =	sdelay $0x3  }
0x37: {  	[smem:$0x3FAF] =	sst s10  }
0x38: {  	s10 =	sld [smem:$0x3FB0]  }
0x39: {  	_ = 	snop;
	(pc) =	sbr.ind lr, $3  }
0x3a: {  	_ = 	snop  }
0x3b: {  	_ = 	snop  }
0x3c: {  	p2 =	seq.s32 s10, $0x1;
	s10 =	sld [smem:$0x3FAF]  }
0x3d: {  	_ =	shalt  }
0x3e: {  	_ =	shalt  }
0x3f: {  	_ =	shalt  }
0x40: {  	_ =	shalt  }
0x41: {  	_ =	shalt  }
0x42: {  	_ =	shalt  }
0x43: {  	_ =	shalt  }
0x44: {  	_ =	shalt  }
0x45: {  	_ =	shalt  }
0x46: {  	_ =	shalt  }
0x47: {  	_ =	shalt  }
0x48: {  	_ =	shalt  }
0x49: {  	_ =	shalt  }
0x4a: {  	_ =	shalt  }
0x4b: {  	_ =	shalt  }
0x4c: {  	_ =	shalt  }
0x4d: {  	_ =	shalt  }
0x4e: {  	_ =	shalt  }
0x4f: {  	_ =	shalt  }
0x50: {  	_ =	shalt  }
0x51: {  	_ =	shalt  }
0x52: {  	_ =	shalt  }
0x53: {  	_ =	shalt  }
0x54: {  	_ =	shalt  }
0x55: {  	_ =	shalt  }
0x56: {  	_ =	shalt  }
0x57: {  	_ =	shalt  }
0x58: {  	_ =	shalt  }
0x59: {  	_ =	shalt  }
0x5a: {  	_ =	shalt  }
0x5b: {  	_ =	shalt  }
0x5c: {  	_ =	shalt  }
0x5d: {  	_ =	shalt  }
0x5e: {  	_ =	shalt  }
0x5f: {  	_ =	shalt  }
0x60: {  	_ =	shalt  }
0x61: {  	_ =	shalt  }
0x62: {  	_ =	shalt  }
0x63: {  	_ =	shalt  }
0x64: {  	_ =	shalt  }
0x65: {  	_ =	shalt  }
0x66: {  	_ =	shalt  }
0x67: {  	_ =	shalt  }
0x68: {  	_ =	shalt  }
0x69: {  	_ =	shalt  }
0x6a: {  	_ =	shalt  }
0x6b: {  	_ =	shalt  }
0x6c: {  	_ =	shalt  }
0x6d: {  	_ =	shalt  }
0x6e: {  	_ =	shalt  }
0x6f: {  	_ =	shalt  }
0x70: {  	_ =	shalt  }
0x71: {  	_ =	shalt  }
0x72: {  	_ =	shalt  }
0x73: {  	_ =	shalt  }
0x74: {  	_ =	shalt  }
0x75: {  	_ =	shalt  }
0x76: {  	_ =	shalt  }
0x77: {  	_ =	shalt  }
0x78: {  	_ =	shalt  }
0x79: {  	_ =	shalt  }
0x7a: {  	_ =	shalt  }
0x7b: {  	_ =	shalt  }
0x7c: {  	_ =	shalt  }
0x7d: {  	_ =	shalt  }
0x7e: {  	_ =	shalt  }
0x7f: {  	_ =	shalt  }
0x80: {  	_ =	shalt  }
0x81: {  	_ =	shalt  }
0x82: {  	_ =	shalt  }
0x83: {  	_ =	shalt  }
0x84: {  	_ =	shalt  }
0x85: {  	_ =	shalt  }
0x86: {  	_ =	shalt  }
0x87: {  	_ =	shalt  }
.Lfunc_end0:
.L_simem_size_0:
called_computation.5_lowered:
.L_overlay_start_0:
0x88: {  	s2 =	sld [smem:$0x3FD9]  }
0x89: {  	s3 =	sld [smem:$0x3FFE];
	_ =	sdelay $0x1  }
0x8a: {  	s1 =	srdreg.scid  }
0x8b: {  	s0 =	sand.u32 $0x1, s1  }
0x8c: {  	s17 =	sshll.u32 s0, $0xA;
	s2 =	sadd.s32 s3, s2  }
0x8d: {  	s2 =	sadd.s32 s2, s17  }
0x8e: {  	[smem:$0x3FBB] =	sst s2  }
0x8f: {  	_ = 	snop  }
0x90: {  	(tm) =	ssettm $0x1  }
0x91: {  	s18 =	sld [smem:$0x3FFB];
	_ =	sdelay $0x3  }
0x92: {  	_ =	strace s18  }
0x93: {  	s2 =	sld [smem:$0x3FFC];
	_ =	sdelay $0x3  }
0x94: {  	_ =	strace s2  }
0x95: {  	s2 =	sld [smem:$0x3FFD];
	_ =	sdelay $0x3  }
0x96: {  	_ =	strace s2  }
0x97: {  	_ =	strace $0x8FFFFFFF  }
0x98: {  	s19 =	sld [smem:$0x3FDB];
	_ =	sdelay $0x1  }
0x99: {  	s20 =	simm.s32 $_scs_section_size  }
0x9a: {  	s4 =	simm.s32 $_size__tile_overlayer_lowered;
	s5 =	simm.s32 $_tile_overlayer_lowered  }
0x9b: {  	s6 =	simm.s32 $0x1BFF;
	s21 =	sshll.u32 s5, $0x1;
	s3 =	sadd.s32 s20, s19  }
0x9c: {  	s22 =	simm.s32 $0x0;
	s4 =	sshll.u32 s4, $0x1;
	s5 =	sadd.s32 s21, s3  }
0x9d: {  	[timem:s22], [sflag:s6] =	dma.local [hbm:s5], s4  }
0x9e: {  	_ =	swait.ge [sflag:s6], s4  }
0x9f: {  	s4 =	ssub.s32 $0x0, s4;
	[sflag:s6] =	ssyncset.done $0x0  }
0xa0: {  	[sflag:s6] =	ssyncadd.s32 s4;
	_ =	sdelay $0x1  }
0xa1: {  	s23 =	simm.s32 $0x1B8B  }
0xa2: {  	_ =	swait.ge [sflag:s23], $0x1  }
0xa3: {  	[sflag:s23] =	ssyncset.done $0x0  }
0xa4: {  	[sflag:s23] =	ssyncadd.s32 $0xFFFFFFFF  }
0xa5: {  	s4 =	sld [smem:$0x0]  }
0xa6: {  	s5 =	sand.u32 $0xFFFFFFFE, s1  }
0xa7: {  	p0 =	sne.s32 s1, s5  }
0xa8: {  	s5 =	sshll.u32 @p0 s5, $0xE  }
0xa9: {  	s5 =	sadd.s32 @p0 $0x11B8D, s5;
	s6 =	sshll.u32 @p0 s4, $0x11  }
0xaa: {  	s5 =	sor.u32 @p0 s6, s5  }
0xab: {  	[sflag:s5] =	ssyncadd.remote.s32 @p0 $0x1;
	_ =	sdelay $0x1  }
0xac: {  	s5 =	simm.s32 @p0 $0x1B8D  }
0xad: {  	_ =	swait.eq @p0 [sflag:s5], $0x1  }
0xae: {  	[sflag:s5] =	ssyncadd.s32 @p0 $0xFFFFFFFF  }
0xaf: {  	s6 =	sshll.u32 @!p0 s1, $0xE  }
0xb0: {  	s6 =	sor.u32 @!p0 $0x4000, s6;
	s5 =	simm.s32 @!p0 $0x1B8D  }
0xb1: {  	s4 =	sshll.u32 @!p0 s4, $0x11;
	s6 =	sadd.s32 @!p0 $0x11B8D, s6;
	_ =	swait.eq @!p0 [sflag:s5], $0x1  }
0xb2: {  	s4 =	sor.u32 @!p0 s4, s6;
	[sflag:s5] =	ssyncadd.s32 @!p0 $0xFFFFFFFF  }
0xb3: {  	s25 =	simm.s32 $0x1B8E;
	s24 =	sld [smem:$0x3FFE];
	[sflag:s4] =	ssyncadd.remote.s32 @!p0 $0x1  }
0xb4: {  	s26 =	simm.s32 $execute0_lowered;
	[smem:$0x3FD2] =	sst s25  }
0xb5: {  	s5 =	sshll.u32 s26, $0x1;
	_ =	strace $0x8000004C;
	[dreg:$0x1] =	wrdreg $0xFFFFFFFF  }
0xb6: {  	s28 =	simm.s32 $_size_execute0_lowered;
	s3 =	sadd.s32 s3, s5;
	[dreg:$0x0] =	wrdreg $0x0  }
0xb7: {  	s5 =	sshll.u32 s28, $0x1;
	[dreg:$0x2] =	wrdreg s3  }
0xb8: {  	[dreg:$0x3] =	wrdreg s5  }
0xb9: {  	[dreg:$0x4] =	wrdreg $0xC0  }
0xba: {  	_ =	task [dreg:s22], $0x5FFFF  }
0xbb: {  	[dreg:$0x1] =	wrdreg $0xFFFFFFFF  }
0xbc: {  	[dreg:$0x0] =	wrdreg $0x60  }
0xbd: {  	[dreg:$0x2] =	wrdreg s24  }
0xbe: {  	[dreg:$0x3] =	wrdreg $0xE  }
0xbf: {  	_ =	task.clear_ibuf [dreg:s22], $0x4FFFF;
	_ =	strace $0x9000004C  }
0xc0: {  	s29 =	simm.s32 $0xE;
	_ =	strace $0x8000004E  }
0xc1: {  	_ =	swait.ge [sflag:s29], $0x1  }
0xc2: {  	[sflag:s29] =	ssyncadd.s32 $0xFFFFFFFF  }
0xc3: {  	_ =	strace $0x9000004E  }
0xc4: {  	_ =	sfence  }
0xc5: {  	s30 =	sld [smem:$0x0];
	_ =	sdelay $0x2  }
0xc6: {  	s31 =	sshll.u32 s1, $0xD;
	s1 =	sshrl.u32 s1, $0x2  }
0xc7: {  	s4 =	sand.u32 $0x4000, s31;
	s1 =	sadd.s32 s1, s30  }
0xc8: {  	s0 =	sor.u32 s4, s0;
	s1 =	sshll.u32 s1, $0x11  }
0xc9: {  	s0 =	sor.u32 s1, s0  }
0xca: {  	s0 =	sadd.s32 $0x8F2B, s0  }
0xcb: {  	[sflag:s0] =	ssyncadd.remote.s32 $0x1  }
0xcc: {  	_ =	sfence.sel $0xFFFF  }
0xcd: {  	[dreg:$0x0] =	wrdreg $0xFFFFFFFF;
	(pc) =	sbr.abs _section_cstart, $3  }
0xce: {  	[dreg:$0x1] =	wrdreg $0xFFFFFFFF  }
0xcf: {  	_ =	task.clear_ibuf [dreg:s22], $0x2FFFF;
	_ =	strace $0x9FFFFFFF  }
0xd0: {  	(tm) =	ssettm $0x7FFFFFFF  }
0xd1: {  	_ =	shalt  }
tec
execute0_lowered:
.L_overlay_start_1:
0x0: {  	(tag) =	ssettag $0x1  }
0x1: {  	s1 =	srdreg.scid  }
0x2: {  	s0 =	stileid.u32;
	s26 =	sand.u32 $0x1, s1  }
0x3: {  	s31 =	sshll.u32 s0, $0xC;
	s2 =	sshll.u32 s26, $0xB  }
0x4: {  	s10 =	sor.u32 s2, s31  }
0x5: {  	s9 =	rddreg [dreg:$0x0];
	s2 =	simm.s32 $0x0;
	s3 =	sshrl.u32 s10, $0x3  }
0x6: {  	s4 =	simm.s32 $0x5;
	[smem:$0x7FF] =	sst s2;
	s3 =	sadd.s32 s3, s9  }
0x7: {  	s1 =	rddreg [dreg:$0x1];
	_ =	strace $0x8000004D;
	s3 =	sadd.s32 $0x87E00, s3  }
0x8: {  	[tilespmem:s2], [sflag:$0x5] =	stream.linear.gather [hbm4b:s3+s2], $0x800, $0x38;
	[tilespmem:$0x10800] =	vst v63  }
0x9: {  	_ =	swait.ge [sflag:s4], $0x800  }
0xa: {  	s6 =	simm.s32 $0x100;
	s7 =	simm.s32 $0x800;
	[sflag:s4] =	ssyncset.done $0x0  }
0xb: {  	s8 =	simm.s32 $0x1;
	s5 =	sadd.s32 $0x3E00, s9;
	[sflag:s4] =	ssyncadd.s32 $0xFFFFF800  }
0xc: {  	[tilespmem:s7], [sflag:$0x1] =	stream.indirect.gather [hbm4b:s5+s6], $0x80, s2, s6, $0xb8;
	[tilespmem:$0x10800] =	vst v63  }
0xd: {  	_ =	swait.ge [sflag:s8], $0x8000  }
0xe: {  	s10 =	sshll.u32 s10, $0x4;
	[sflag:s8] =	ssyncset.done $0x0  }
0xf: {  	s28 =	sadd.s32 s10, s9;
	s9 =	simm.s32 $0x8800;
	[sflag:s8] =	ssyncadd.s32 $0xFFFF8000  }
0x10: {  	[tilespmem:s9], [sflag:$0x2] =	stream.indirect.gather [hbm4b:s5+s6], $0x80, s6, s6, $0xb8;
	[tilespmem:$0x10800] =	vst v63  }
0x11: {  	s11 =	simm.s32 $0x2;
	s10 =	sadd.s32 $0x291E00, s28  }
0x12: {  	[hbm4b:s10+s2] =	stream.linear.scatter [tilespmem:s7], [sflag:$0x3], $0x8000, $0x38;
	[tilespmem:$0x10800] =	vst v63  }
0x13: {  	_ =	swait.ge [sflag:s11], $0x8000  }
0x14: {  	[sflag:s11] =	ssyncset.done $0x0  }
0x15: {  	s12 =	simm.s32 $0x3;
	[sflag:s11] =	ssyncadd.s32 $0xFFFF8000  }
0x16: {  	_ =	swait.ge [sflag:s12], $0x8000  }
0x17: {  	[sflag:s12] =	ssyncset.done $0x0  }
0x18: {  	s13 =	simm.s32 $0x200;
	[sflag:s12] =	ssyncadd.s32 $0xFFFF8000  }
0x19: {  	[tilespmem:s7], [sflag:$0x1] =	stream.indirect.gather [hbm4b:s5+s6], $0x80, s13, s6, $0xb8;
	[tilespmem:$0x10800] =	vst v63  }
0x1a: {  	s14 =	sadd.s32 $0x292E00, s28  }
0x1b: {  	[hbm4b:s14+s2] =	stream.linear.scatter [tilespmem:s9], [sflag:$0x4], $0x8000, $0x38;
	[tilespmem:$0x10800] =	vst v63  }
0x1c: {  	_ =	swait.ge [sflag:s8], $0x8000  }
0x1d: {  	[sflag:s8] =	ssyncset.done $0x0  }
0x1e: {  	s15 =	simm.s32 $0x4;
	[sflag:s8] =	ssyncadd.s32 $0xFFFF8000  }
0x1f: {  	_ =	swait.ge [sflag:s15], $0x8000  }
0x20: {  	[sflag:s15] =	ssyncset.done $0x0  }
0x21: {  	s16 =	simm.s32 $0x300;
	[sflag:s15] =	ssyncadd.s32 $0xFFFF8000  }
0x22: {  	[tilespmem:s9], [sflag:$0x2] =	stream.indirect.gather [hbm4b:s5+s6], $0x80, s16, s6, $0xb8;
	[tilespmem:$0x10800] =	vst v63  }
0x23: {  	s17 =	sadd.s32 $0x293E00, s28  }
0x24: {  	[hbm4b:s17+s2] =	stream.linear.scatter [tilespmem:s7], [sflag:$0x3], $0x8000, $0x38;
	[tilespmem:$0x10800] =	vst v63  }
0x25: {  	_ =	swait.ge [sflag:s11], $0x8000  }
0x26: {  	[sflag:s11] =	ssyncset.done $0x0  }
0x27: {  	[sflag:s11] =	ssyncadd.s32 $0xFFFF8000  }
0x28: {  	_ =	swait.ge [sflag:s12], $0x8000  }
0x29: {  	[sflag:s12] =	ssyncset.done $0x0  }
0x2a: {  	s18 =	simm.s32 $0x400;
	[sflag:s12] =	ssyncadd.s32 $0xFFFF8000  }
0x2b: {  	[tilespmem:s7], [sflag:$0x1] =	stream.indirect.gather [hbm4b:s5+s6], $0x80, s18, s6, $0xb8;
	[tilespmem:$0x10800] =	vst v63  }
0x2c: {  	s19 =	sadd.s32 $0x294E00, s28  }
0x2d: {  	[hbm4b:s19+s2] =	stream.linear.scatter [tilespmem:s9], [sflag:$0x4], $0x8000, $0x38;
	[tilespmem:$0x10800] =	vst v63  }
0x2e: {  	_ =	swait.ge [sflag:s8], $0x8000  }
0x2f: {  	[sflag:s8] =	ssyncset.done $0x0  }
0x30: {  	[sflag:s8] =	ssyncadd.s32 $0xFFFF8000  }
0x31: {  	_ =	swait.ge [sflag:s15], $0x8000  }
0x32: {  	[sflag:s15] =	ssyncset.done $0x0  }
0x33: {  	s20 =	simm.s32 $0x500;
	[sflag:s15] =	ssyncadd.s32 $0xFFFF8000  }
0x34: {  	[tilespmem:s9], [sflag:$0x2] =	stream.indirect.gather [hbm4b:s5+s6], $0x80, s20, s6, $0xb8;
	[tilespmem:$0x10800] =	vst v63  }
0x35: {  	s21 =	sadd.s32 $0x295E00, s28  }
0x36: {  	[hbm4b:s21+s2] =	stream.linear.scatter [tilespmem:s7], [sflag:$0x3], $0x8000, $0x38;
	[tilespmem:$0x10800] =	vst v63  }
0x37: {  	_ =	swait.ge [sflag:s11], $0x8000  }
0x38: {  	[sflag:s11] =	ssyncset.done $0x0  }
0x39: {  	[sflag:s11] =	ssyncadd.s32 $0xFFFF8000  }
0x3a: {  	_ =	swait.ge [sflag:s12], $0x8000  }
0x3b: {  	[sflag:s12] =	ssyncset.done $0x0  }
0x3c: {  	s22 =	simm.s32 $0x600;
	[sflag:s12] =	ssyncadd.s32 $0xFFFF8000  }
0x3d: {  	[tilespmem:s7], [sflag:$0x1] =	stream.indirect.gather [hbm4b:s5+s6], $0x80, s22, s6, $0xb8;
	[tilespmem:$0x10800] =	vst v63  }
0x3e: {  	s23 =	sadd.s32 $0x296E00, s28  }
0x3f: {  	[hbm4b:s23+s2] =	stream.linear.scatter [tilespmem:s9], [sflag:$0x4], $0x8000, $0x38;
	[tilespmem:$0x10800] =	vst v63  }
0x40: {  	_ =	swait.ge [sflag:s8], $0x8000  }
0x41: {  	[sflag:s8] =	ssyncset.done $0x0  }
0x42: {  	[sflag:s8] =	ssyncadd.s32 $0xFFFF8000  }
0x43: {  	_ =	swait.ge [sflag:s15], $0x8000  }
0x44: {  	[sflag:s15] =	ssyncset.done $0x0  }
0x45: {  	s24 =	simm.s32 $0x700;
	s29 =	ssub.s32 $0x2, s26;
	[sflag:s15] =	ssyncadd.s32 $0xFFFF8000  }
0x46: {  	[tilespmem:s9], [sflag:$0x2] =	stream.indirect.gather [hbm4b:s5+s6], $0x80, s24, s6, $0xb8;
	[tilespmem:$0x10800] =	vst v63  }
0x47: {  	s25 =	sadd.s32 $0x297E00, s28;
	s26 =	sadd.s32 $0x298E00, s28;
	s28 =	sshrl.u32 s29, $0x1  }
0x48: {  	[hbm4b:s25+s2] =	stream.linear.scatter [tilespmem:s7], [sflag:$0x3], $0x8000, $0x38;
	[tilespmem:$0x10800] =	vst v63  }
0x49: {  	s28 =	ssub.s32 s29, s28;
	_ =	swait.ge [sflag:s11], $0x8000  }
0x4a: {  	s28 =	smax.u32 s28, $0x1;
	[sflag:s11] =	ssyncset.done $0x0  }
0x4b: {  	p0 =	sne.s32 s28, $0x1;
	[sflag:s11] =	ssyncadd.s32 $0xFFFF8000  }
0x4c: {  	[hbm4b:s26+s2] =	stream.linear.scatter [tilespmem:s9], [sflag:$0x4], $0x8000, $0x38;
	[tilespmem:$0x10800] =	vst v63  }
.Ltmp0:
0x4d: {  	_ =	swait.ge [sflag:s15], $0x8000;
	(pc) =	sbr.rel @!p0 .LBB2_2-.Ltmp0, $4  }
0x4e: {  	[sflag:s15] =	ssyncset.done $0x0  }
0x4f: {  	[sflag:s15] =	ssyncadd.s32 $0xFFFF8000  }
0x50: {  	_ =	swait.ge [sflag:s12], $0x8000  }
0x51: {  	s28 =	sadd.s32 $0xFFFFFFFF, s28;
	[sflag:s12] =	ssyncset.done $0x0  }
.LBB2_1:
0x52: {  	p0 =	sne.s32 s28, $0x1;
	s28 =	sadd.s32 $0xFFFFFFFF, s28;
	[sflag:s12] =	ssyncadd.s32 $0xFFFF8000  }
0x53: {  	[tilespmem:s2], [sflag:$0x5] =	stream.linear.gather [hbm4b:s3+s2], $0x800, $0x38;
	[tilespmem:$0x10800] =	vst v63  }
0x54: {  	_ =	swait.ge [sflag:s4], $0x800  }
0x55: {  	[sflag:s4] =	ssyncset.done $0x0  }
0x56: {  	[sflag:s4] =	ssyncadd.s32 $0xFFFFF800  }
0x57: {  	[tilespmem:s7], [sflag:$0x1] =	stream.indirect.gather [hbm4b:s5+s6], $0x80, s2, s6, $0xb8;
	[tilespmem:$0x10800] =	vst v63  }
0x58: {  	_ =	swait.ge [sflag:s8], $0x8000  }
0x59: {  	[sflag:s8] =	ssyncset.done $0x0  }
0x5a: {  	[sflag:s8] =	ssyncadd.s32 $0xFFFF8000  }
0x5b: {  	[tilespmem:s9], [sflag:$0x2] =	stream.indirect.gather [hbm4b:s5+s6], $0x80, s6, s6, $0xb8;
	[tilespmem:$0x10800] =	vst v63  }
0x5c: {  	_ = 	snop  }
0x5d: {  	[hbm4b:s10+s2] =	stream.linear.scatter [tilespmem:s7], [sflag:$0x3], $0x8000, $0x38;
	[tilespmem:$0x10800] =	vst v63  }
0x5e: {  	_ =	swait.ge [sflag:s11], $0x8000  }
0x5f: {  	[sflag:s11] =	ssyncset.done $0x0  }
0x60: {  	[sflag:s11] =	ssyncadd.s32 $0xFFFF8000  }
0x61: {  	_ =	swait.ge [sflag:s12], $0x8000  }
0x62: {  	[sflag:s12] =	ssyncset.done $0x0  }
0x63: {  	[sflag:s12] =	ssyncadd.s32 $0xFFFF8000  }
0x64: {  	[tilespmem:s7], [sflag:$0x1] =	stream.indirect.gather [hbm4b:s5+s6], $0x80, s13, s6, $0xb8;
	[tilespmem:$0x10800] =	vst v63  }
0x65: {  	_ = 	snop  }
0x66: {  	[hbm4b:s14+s2] =	stream.linear.scatter [tilespmem:s9], [sflag:$0x4], $0x8000, $0x38;
	[tilespmem:$0x10800] =	vst v63  }
0x67: {  	_ =	swait.ge [sflag:s8], $0x8000  }
0x68: {  	[sflag:s8] =	ssyncset.done $0x0  }
0x69: {  	[sflag:s8] =	ssyncadd.s32 $0xFFFF8000  }
0x6a: {  	_ =	swait.ge [sflag:s15], $0x8000  }
0x6b: {  	[sflag:s15] =	ssyncset.done $0x0  }
0x6c: {  	[sflag:s15] =	ssyncadd.s32 $0xFFFF8000  }
0x6d: {  	[tilespmem:s9], [sflag:$0x2] =	stream.indirect.gather [hbm4b:s5+s6], $0x80, s16, s6, $0xb8;
	[tilespmem:$0x10800] =	vst v63  }
0x6e: {  	_ = 	snop  }
0x6f: {  	[hbm4b:s17+s2] =	stream.linear.scatter [tilespmem:s7], [sflag:$0x3], $0x8000, $0x38;
	[tilespmem:$0x10800] =	vst v63  }
0x70: {  	_ =	swait.ge [sflag:s11], $0x8000  }
0x71: {  	[sflag:s11] =	ssyncset.done $0x0  }
0x72: {  	[sflag:s11] =	ssyncadd.s32 $0xFFFF8000  }
0x73: {  	_ =	swait.ge [sflag:s12], $0x8000  }
0x74: {  	[sflag:s12] =	ssyncset.done $0x0  }
0x75: {  	[sflag:s12] =	ssyncadd.s32 $0xFFFF8000  }
0x76: {  	[tilespmem:s7], [sflag:$0x1] =	stream.indirect.gather [hbm4b:s5+s6], $0x80, s18, s6, $0xb8;
	[tilespmem:$0x10800] =	vst v63  }
0x77: {  	_ = 	snop  }
0x78: {  	[hbm4b:s19+s2] =	stream.linear.scatter [tilespmem:s9], [sflag:$0x4], $0x8000, $0x38;
	[tilespmem:$0x10800] =	vst v63  }
0x79: {  	_ =	swait.ge [sflag:s8], $0x8000  }
0x7a: {  	[sflag:s8] =	ssyncset.done $0x0  }
0x7b: {  	[sflag:s8] =	ssyncadd.s32 $0xFFFF8000  }
0x7c: {  	_ =	swait.ge [sflag:s15], $0x8000  }
0x7d: {  	[sflag:s15] =	ssyncset.done $0x0  }
0x7e: {  	[sflag:s15] =	ssyncadd.s32 $0xFFFF8000  }
0x7f: {  	[tilespmem:s9], [sflag:$0x2] =	stream.indirect.gather [hbm4b:s5+s6], $0x80, s20, s6, $0xb8;
	[tilespmem:$0x10800] =	vst v63  }
0x80: {  	_ = 	snop  }
0x81: {  	[hbm4b:s21+s2] =	stream.linear.scatter [tilespmem:s7], [sflag:$0x3], $0x8000, $0x38;
	[tilespmem:$0x10800] =	vst v63  }
0x82: {  	_ =	swait.ge [sflag:s11], $0x8000  }
0x83: {  	[sflag:s11] =	ssyncset.done $0x0  }
0x84: {  	[sflag:s11] =	ssyncadd.s32 $0xFFFF8000  }
0x85: {  	_ =	swait.ge [sflag:s12], $0x8000  }
0x86: {  	[sflag:s12] =	ssyncset.done $0x0  }
0x87: {  	[sflag:s12] =	ssyncadd.s32 $0xFFFF8000  }
0x88: {  	[tilespmem:s7], [sflag:$0x1] =	stream.indirect.gather [hbm4b:s5+s6], $0x80, s22, s6, $0xb8;
	[tilespmem:$0x10800] =	vst v63  }
0x89: {  	_ = 	snop  }
0x8a: {  	[hbm4b:s23+s2] =	stream.linear.scatter [tilespmem:s9], [sflag:$0x4], $0x8000, $0x38;
	[tilespmem:$0x10800] =	vst v63  }
0x8b: {  	_ =	swait.ge [sflag:s8], $0x8000  }
0x8c: {  	[sflag:s8] =	ssyncset.done $0x0  }
0x8d: {  	[sflag:s8] =	ssyncadd.s32 $0xFFFF8000  }
0x8e: {  	_ =	swait.ge [sflag:s15], $0x8000  }
0x8f: {  	[sflag:s15] =	ssyncset.done $0x0  }
0x90: {  	[sflag:s15] =	ssyncadd.s32 $0xFFFF8000  }
0x91: {  	[tilespmem:s9], [sflag:$0x2] =	stream.indirect.gather [hbm4b:s5+s6], $0x80, s24, s6, $0xb8;
	[tilespmem:$0x10800] =	vst v63  }
0x92: {  	_ = 	snop  }
0x93: {  	[hbm4b:s25+s2] =	stream.linear.scatter [tilespmem:s7], [sflag:$0x3], $0x8000, $0x38;
	[tilespmem:$0x10800] =	vst v63  }
0x94: {  	_ =	swait.ge [sflag:s11], $0x8000  }
0x95: {  	[sflag:s11] =	ssyncset.done $0x0  }
0x96: {  	[sflag:s11] =	ssyncadd.s32 $0xFFFF8000  }
0x97: {  	[hbm4b:s26+s2] =	stream.linear.scatter [tilespmem:s9], [sflag:$0x4], $0x8000, $0x38;
	[tilespmem:$0x10800] =	vst v63  }
.Ltmp1:
0x98: {  	_ =	swait.ge [sflag:s15], $0x8000;
	(pc) =	sbr.rel @p0 .LBB2_1-.Ltmp1, $4  }
0x99: {  	[sflag:s15] =	ssyncset.done $0x0  }
0x9a: {  	[sflag:s15] =	ssyncadd.s32 $0xFFFF8000  }
0x9b: {  	_ =	swait.ge [sflag:s12], $0x8000  }
0x9c: {  	[sflag:s12] =	ssyncset.done $0x0  }
.LBB2_2:
0x9d: {  	[sflag:s12] =	ssyncadd.s32 $0xFFFF8000  }
0x9e: {  	_ =	sfence.sel $0x180000  }
0x9f: {  	[bflag:$0x0] =	sbarrier.arrive $0xFFFF  }
0xa0: {  	p0 =	sne.s32 s0, $0x0;
	_ =	strace $0x9000004D  }
0xa1: {  	s0 =	sadd.s32 @!p0 $0x100000, s1;
	[bflag:$0x2] =	sbarrier.arrive $0xFFFF  }
0xa2: {  	[sflag:s0] =	ssyncadd.tile.s32 @!p0 $0x1;
	_ =	shalt  }
.Lfunc_end2:
_tile_overlayer_lowered:
.L_overlay_start_2:
0xa3: {  	(tag) =	ssettag $0x2  }
0xa4: {  	s0 =	rddreg [dreg:$0x0];
	s2 =	stileid.u32  }
0xa5: {  	s1 =	rddreg [dreg:$0x1];
	p0 =	sne.s32 s2, $0x0  }
0xa6: {  	s3 =	rddreg [dreg:$0x2];
	[bflag:$0x3] =	sbarrier.arrive $0xFFFF;
	s2 =	simm.s32 @!p0 $0x1C05  }
0xa7: {  	[timem:s3], [sflag:s2] =	dma.local @!p0 [hbm:s0], s1  }
0xa8: {  	s0 =	simm.s32 @!p0 $0x5  }
0xa9: {  	_ =	swait.ge @!p0 [sflag:s0], s1  }
0xaa: {  	s1 =	ssub.s32 @!p0 $0x0, s1;
	[sflag:s0] =	ssyncset.done @!p0 $0x0  }
0xab: {  	[sflag:s0] =	ssyncadd.s32 @!p0 s1  }
0xac: {  	[bflag:$0x3] =	sbarrier.arrive $0xFFFF  }
0xad: {  	_ =	shalt  }

// kernel: kernel.37.cloned.1.call-start
scs
__scs_entry_jumppad:
0x0: {  	(pc) =	sbr.rel $0x88, $3  }
0x1: {  	(tag) =	ssettag $0x0;
	lr =	simm.s32 $0x1  }
0x2: {  	[smem:$0x3F94] =	sst lr;
	_ =	strace $0xD0000000  }
0x3: {  	_ = 	snop  }
0x4: {  	_ = 	snop  }
0x5: {  	_ = 	snop  }
0x6: {  	_ = 	snop  }
0x7: {  	_ = 	snop  }
__scs_overlays_trampoline_lowered:
0x8: {  	[smem:$0x3FA3] =	sst s0  }
0x9: {  	[smem:$0x3FA4] =	sst s1  }
0xa: {  	[smem:$0x3FA5] =	sst s2  }
0xb: {  	[smem:$0x3FA6] =	sst s3  }
0xc: {  	[smem:$0x3FA7] =	sst s4  }
0xd: {  	[smem:$0x3FA8] =	sst s5  }
0xe: {  	[smem:$0x3FA9] =	sst s6  }
0xf: {  	[smem:$0x3FAA] =	sst s7  }
0x10: {  	[smem:$0x3FAB] =	sst s8  }
0x11: {  	[smem:$0x3FAC] =	sst s9;
	s0 =	simm.s32 @!p0 $0x0  }
0x12: {  	s1 =	sld [smem:$0x3F92];
	s0 =	simm.s32 @p0 $0x1  }
0x13: {  	[smem:$0x3FAD] =	sst s0;
	s0 =	simm.s32 @!p1 $0x0  }
0x14: {  	s2 =	sld [smem:$0x3F91];
	s0 =	simm.s32 @p1 $0x1  }
0x15: {  	[smem:$0x3FAE] =	sst s0;
	s0 =	simm.s32 @!p2 $0x0  }
0x16: {  	s3 =	sld [smem:$0x3FDB];
	s0 =	simm.s32 @p2 $0x1  }
0x17: {  	s4 =	simm.s32 $0x1BF5;
	[smem:$0x3FB0] =	sst s0  }
0x18: {  	s0 =	sld [smem:$0x3F93];
	_ =	swait.ge [sflag:s4], $0x0  }
0x19: {  	s7 =	sld [smem:$0x3F94]  }
0x1a: {  	s8 =	sadd.s32 $0xFFFFE003, lr  }
0x1b: {  	s9 =	sadd.s32 $0xFFFFFEF7, lr;
	s5 =	simm.s32 $0xFFFFFFFF;
	p2 =	slt.u32 s8, $0xFFFFF086  }
0x1c: {  	p1 =	slt.u32 s9, $0xF7A;
	s5 =	simm.s32 @!p2 $0x0  }
0x1d: {  	s5 =	simm.s32 @p1 $0x1;
	p0 =	seq.s32 s7, s2  }
0x1e: {  	s7 =	smul.u32 @!p0 $0xF7A, s2;
	p2 =	seq.s32 @!p0 s5, $0x0  }
0x1f: {  	s9 =	smul.u32 $0xF7A, s1;
	s8 =	simm.s32 @!p0 $0x1BF5;
	p2 =	por !p2, p0  }
0x20: {  	[sflag:s8] =	ssyncset.s32 @!p0 $0xFFFFF086;
	s6 =	sadd.s32 @!p0 s3, s7;
	s7 =	simm.s32 @!p0 $0x108  }
0x21: {  	s3 =	sadd.s32 s3, s9;
	s6 =	sadd.s32 @!p0 $0x88, s6;
	s7 =	simm.s32 @p2 $0x1082  }
0x22: {  	[simem:s7], [sflag:s8] =	dma.local @!p0 [hbm:s6], $0xF7A  }
0x23: {  	s9 =	sor.u32 $0xD0000000, s2;
	s6 =	simm.s32 $0x108;
	_ =	swait.ge @!p0 [sflag:s8], $0x0  }
0x24: {  	s3 =	sadd.s32 $0x88, s3;
	s6 =	simm.s32 @!p1 $0x1082;
	[sflag:s4] =	ssyncset.s32 $0xFFFFF086  }
0x25: {  	[simem:s6], [sflag:s4] =	dma.local [hbm:s3], $0xF7A  }
0x26: {  	[smem:$0x3F94] =	sst s1;
	(tag) =	ssettag s2;
	_ =	strace s9  }
0x27: {  	s1 =	sld [smem:$0x3FA4]  }
0x28: {  	s2 =	sld [smem:$0x3FA5]  }
0x29: {  	s4 =	sld [smem:$0x3FA7]  }
0x2a: {  	p0 =	seq.s32 s5, $0x0;
	s5 =	sld [smem:$0x3FA8]  }
0x2b: {  	s6 =	sld [smem:$0x3FA9]  }
0x2c: {  	s7 =	sld [smem:$0x3FAA]  }
0x2d: {  	s3 =	simm.s32 $0x108;
	s8 =	sld [smem:$0x3FAB]  }
0x2e: {  	s3 =	simm.s32 @!p0 $0x1082;
	s9 =	sld [smem:$0x3FAC]  }
0x2f: {  	lr =	sadd.s32 s0, s3;
	s0 =	sld [smem:$0x3FA3]  }
0x30: {  	s3 =	sld [smem:$0x3FA6]  }
0x31: {  	[smem:$0x3FAF] =	sst s10  }
0x32: {  	s10 =	sld [smem:$0x3FAD];
	_ =	sdelay $0x3  }
0x33: {  	p0 =	seq.s32 s10, $0x1;
	s10 =	sld [smem:$0x3FAF];
	_ =	sdelay $0x3  }
0x34: {  	[smem:$0x3FAF] =	sst s10  }
0x35: {  	s10 =	sld [smem:$0x3FAE];
	_ =	sdelay $0x3  }
0x36: {  	p1 =	seq.s32 s10, $0x1;
	s10 =	sld [smem:$0x3FAF];
	_ =	sdelay $0x3  }
0x37: {  	[smem:$0x3FAF] =	sst s10  }
0x38: {  	s10 =	sld [smem:$0x3FB0]  }
0x39: {  	_ = 	snop;
	(pc) =	sbr.ind lr, $3  }
0x3a: {  	_ = 	snop  }
0x3b: {  	_ = 	snop  }
0x3c: {  	p2 =	seq.s32 s10, $0x1;
	s10 =	sld [smem:$0x3FAF]  }
0x3d: {  	_ =	shalt  }
0x3e: {  	_ =	shalt  }
0x3f: {  	_ =	shalt  }
0x40: {  	_ =	shalt  }
0x41: {  	_ =	shalt  }
0x42: {  	_ =	shalt  }
0x43: {  	_ =	shalt  }
0x44: {  	_ =	shalt  }
0x45: {  	_ =	shalt  }
0x46: {  	_ =	shalt  }
0x47: {  	_ =	shalt  }
0x48: {  	_ =	shalt  }
0x49: {  	_ =	shalt  }
0x4a: {  	_ =	shalt  }
0x4b: {  	_ =	shalt  }
0x4c: {  	_ =	shalt  }
0x4d: {  	_ =	shalt  }
0x4e: {  	_ =	shalt  }
0x4f: {  	_ =	shalt  }
0x50: {  	_ =	shalt  }
0x51: {  	_ =	shalt  }
0x52: {  	_ =	shalt  }
0x53: {  	_ =	shalt  }
0x54: {  	_ =	shalt  }
0x55: {  	_ =	shalt  }
0x56: {  	_ =	shalt  }
0x57: {  	_ =	shalt  }
0x58: {  	_ =	shalt  }
0x59: {  	_ =	shalt  }
0x5a: {  	_ =	shalt  }
0x5b: {  	_ =	shalt  }
0x5c: {  	_ =	shalt  }
0x5d: {  	_ =	shalt  }
0x5e: {  	_ =	shalt  }
0x5f: {  	_ =	shalt  }
0x60: {  	_ =	shalt  }
0x61: {  	_ =	shalt  }
0x62: {  	_ =	shalt  }
0x63: {  	_ =	shalt  }
0x64: {  	_ =	shalt  }
0x65: {  	_ =	shalt  }
0x66: {  	_ =	shalt  }
0x67: {  	_ =	shalt  }
0x68: {  	_ =	shalt  }
0x69: {  	_ =	shalt  }
0x6a: {  	_ =	shalt  }
0x6b: {  	_ =	shalt  }
0x6c: {  	_ =	shalt  }
0x6d: {  	_ =	shalt  }
0x6e: {  	_ =	shalt  }
0x6f: {  	_ =	shalt  }
0x70: {  	_ =	shalt  }
0x71: {  	_ =	shalt  }
0x72: {  	_ =	shalt  }
0x73: {  	_ =	shalt  }
0x74: {  	_ =	shalt  }
0x75: {  	_ =	shalt  }
0x76: {  	_ =	shalt  }
0x77: {  	_ =	shalt  }
0x78: {  	_ =	shalt  }
0x79: {  	_ =	shalt  }
0x7a: {  	_ =	shalt  }
0x7b: {  	_ =	shalt  }
0x7c: {  	_ =	shalt  }
0x7d: {  	_ =	shalt  }
0x7e: {  	_ =	shalt  }
0x7f: {  	_ =	shalt  }
0x80: {  	_ =	shalt  }
0x81: {  	_ =	shalt  }
0x82: {  	_ =	shalt  }
0x83: {  	_ =	shalt  }
0x84: {  	_ =	shalt  }
0x85: {  	_ =	shalt  }
0x86: {  	_ =	shalt  }
0x87: {  	_ =	shalt  }
.Lfunc_end0:
.L_simem_size_0:
called_computation.6_lowered:
.L_overlay_start_0:
0x88: {  	s2 =	sld [smem:$0x3FD9]  }
0x89: {  	s3 =	sld [smem:$0x3FFE];
	_ =	sdelay $0x1  }
0x8a: {  	s1 =	srdreg.scid  }
0x8b: {  	s0 =	sand.u32 $0x1, s1  }
0x8c: {  	s16 =	sshll.u32 s0, $0xA;
	s2 =	sadd.s32 s3, s2  }
0x8d: {  	s2 =	sadd.s32 s2, s16  }
0x8e: {  	[smem:$0x3FBB] =	sst s2  }
0x8f: {  	_ = 	snop  }
0x90: {  	(tm) =	ssettm $0x1  }
0x91: {  	s17 =	sld [smem:$0x3FFB];
	_ =	sdelay $0x3  }
0x92: {  	_ =	strace s17  }
0x93: {  	s2 =	sld [smem:$0x3FFC];
	_ =	sdelay $0x3  }
0x94: {  	_ =	strace s2  }
0x95: {  	s2 =	sld [smem:$0x3FFD];
	_ =	sdelay $0x3  }
0x96: {  	_ =	strace s2  }
0x97: {  	_ =	strace $0x8FFFFFFF  }
0x98: {  	s18 =	sld [smem:$0x3FDB];
	_ =	sdelay $0x1  }
0x99: {  	s19 =	simm.s32 $_scs_section_size  }
0x9a: {  	s4 =	simm.s32 $_size__tile_overlayer_lowered;
	s5 =	simm.s32 $_tile_overlayer_lowered  }
0x9b: {  	s22 =	simm.s32 $0x1BFF;
	s21 =	sshll.u32 s5, $0x1;
	s2 =	sadd.s32 s19, s18  }
0x9c: {  	s6 =	simm.s32 $0x0;
	s20 =	sshll.u32 s4, $0x1;
	s4 =	sadd.s32 s21, s2  }
0x9d: {  	[timem:s6], [sflag:s22] =	dma.local [hbm:s4], s20  }
0x9e: {  	_ =	swait.ge [sflag:s22], s20  }
0x9f: {  	s3 =	ssub.s32 $0x0, s20;
	[sflag:s22] =	ssyncset.done $0x0  }
0xa0: {  	[sflag:s22] =	ssyncadd.s32 s3;
	_ =	sdelay $0x1  }
0xa1: {  	s23 =	simm.s32 $0x1B8B  }
0xa2: {  	_ =	swait.ge [sflag:s23], $0x1  }
0xa3: {  	[sflag:s23] =	ssyncset.done $0x0  }
0xa4: {  	s25 =	simm.s32 $0x1B8E;
	s24 =	sld [smem:$0x3FFE];
	[sflag:s23] =	ssyncadd.s32 $0xFFFFFFFF  }
0xa5: {  	s26 =	simm.s32 $execute0_lowered;
	[smem:$0x3FD2] =	sst s25  }
0xa6: {  	s4 =	sshll.u32 s26, $0x1;
	_ =	strace $0x80000046;
	[dreg:$0x1] =	wrdreg $0xFFFFFFFF  }
0xa7: {  	s28 =	simm.s32 $_size_execute0_lowered;
	s2 =	sadd.s32 s2, s4;
	[dreg:$0x0] =	wrdreg $0x0  }
0xa8: {  	s4 =	sshll.u32 s28, $0x1;
	[dreg:$0x2] =	wrdreg s2  }
0xa9: {  	[dreg:$0x3] =	wrdreg s4  }
0xaa: {  	[dreg:$0x4] =	wrdreg $0xC0  }
0xab: {  	_ =	task [dreg:s6], $0x5FFFF  }
0xac: {  	[dreg:$0x1] =	wrdreg $0xFFFFFFFF  }
0xad: {  	[dreg:$0x0] =	wrdreg $0x60  }
0xae: {  	[dreg:$0x2] =	wrdreg s24  }
0xaf: {  	[dreg:$0x3] =	wrdreg $0xF  }
0xb0: {  	_ =	task.clear_ibuf [dreg:s6], $0x4FFFF;
	_ =	strace $0x90000046  }
0xb1: {  	s29 =	simm.s32 $0xF;
	_ =	strace $0x80000048  }
0xb2: {  	_ =	swait.ge [sflag:s29], $0x1  }
0xb3: {  	[sflag:s29] =	ssyncadd.s32 $0xFFFFFFFF  }
0xb4: {  	_ =	strace $0x90000048  }
0xb5: {  	_ =	sfence  }
0xb6: {  	s30 =	sld [smem:$0x0];
	_ =	sdelay $0x2  }
0xb7: {  	s31 =	sshll.u32 s1, $0xD;
	s1 =	sshrl.u32 s1, $0x2  }
0xb8: {  	s3 =	sand.u32 $0x4000, s31;
	s1 =	sadd.s32 s1, s30  }
0xb9: {  	s0 =	sor.u32 s3, s0;
	s1 =	sshll.u32 s1, $0x11  }
0xba: {  	s0 =	sor.u32 s1, s0  }
0xbb: {  	s0 =	sadd.s32 $0x8F2B, s0  }
0xbc: {  	[sflag:s0] =	ssyncadd.remote.s32 $0x1  }
0xbd: {  	_ =	sfence.sel $0xFFFF  }
0xbe: {  	[dreg:$0x0] =	wrdreg $0xFFFFFFFF;
	(pc) =	sbr.abs _section_cstart, $3  }
0xbf: {  	[dreg:$0x1] =	wrdreg $0xFFFFFFFF  }
0xc0: {  	_ =	task.clear_ibuf [dreg:s6], $0x2FFFF;
	_ =	strace $0x9FFFFFFF  }
0xc1: {  	(tm) =	ssettm $0x7FFFFFFF  }
tec
execute0_lowered:
.L_overlay_start_1:
0x0: {  	(tag) =	ssettag $0x1  }
0x1: {  	s1 =	srdreg.scid  }
0x2: {  	s0 =	stileid.u32;
	s26 =	sand.u32 $0x1, s1  }
0x3: {  	s31 =	sshll.u32 s0, $0xC;
	s2 =	sshll.u32 s26, $0xB  }
0x4: {  	s10 =	sor.u32 s2, s31  }
0x5: {  	s9 =	rddreg [dreg:$0x0];
	s2 =	simm.s32 $0x0;
	s3 =	sshrl.u32 s10, $0x3  }
0x6: {  	s4 =	simm.s32 $0x5;
	[smem:$0x7FF] =	sst s2;
	s3 =	sadd.s32 s3, s9  }
0x7: {  	s1 =	rddreg [dreg:$0x1];
	_ =	strace $0x80000047;
	s3 =	sadd.s32 $0x83E00, s3  }
0x8: {  	[tilespmem:s2], [sflag:$0x5] =	stream.linear.gather [hbm4b:s3+s2], $0x800, $0x38;
	[tilespmem:$0x10800] =	vst v63  }
0x9: {  	_ =	swait.ge [sflag:s4], $0x800  }
0xa: {  	s6 =	simm.s32 $0x100;
	s7 =	simm.s32 $0x800;
	[sflag:s4] =	ssyncset.done $0x0  }
0xb: {  	s8 =	simm.s32 $0x1;
	s5 =	sadd.s32 $0x3E00, s9;
	[sflag:s4] =	ssyncadd.s32 $0xFFFFF800  }
0xc: {  	[tilespmem:s7], [sflag:$0x1] =	stream.indirect.gather [hbm4b:s5+s6], $0x80, s2, s6, $0xb8;
	[tilespmem:$0x10800] =	vst v63  }
0xd: {  	_ =	swait.ge [sflag:s8], $0x8000  }
0xe: {  	s10 =	sshll.u32 s10, $0x4;
	[sflag:s8] =	ssyncset.done $0x0  }
0xf: {  	s28 =	sadd.s32 s10, s9;
	s9 =	simm.s32 $0x8800;
	[sflag:s8] =	ssyncadd.s32 $0xFFFF8000  }
0x10: {  	[tilespmem:s9], [sflag:$0x2] =	stream.indirect.gather [hbm4b:s5+s6], $0x80, s6, s6, $0xb8;
	[tilespmem:$0x10800] =	vst v63  }
0x11: {  	s11 =	simm.s32 $0x2;
	s10 =	sadd.s32 $0x91E00, s28  }
0x12: {  	[hbm4b:s10+s2] =	stream.linear.scatter [tilespmem:s7], [sflag:$0x3], $0x8000, $0x38;
	[tilespmem:$0x10800] =	vst v63  }
0x13: {  	_ =	swait.ge [sflag:s11], $0x8000  }
0x14: {  	[sflag:s11] =	ssyncset.done $0x0  }
0x15: {  	s12 =	simm.s32 $0x3;
	[sflag:s11] =	ssyncadd.s32 $0xFFFF8000  }
0x16: {  	_ =	swait.ge [sflag:s12], $0x8000  }
0x17: {  	[sflag:s12] =	ssyncset.done $0x0  }
0x18: {  	s13 =	simm.s32 $0x200;
	[sflag:s12] =	ssyncadd.s32 $0xFFFF8000  }
0x19: {  	[tilespmem:s7], [sflag:$0x1] =	stream.indirect.gather [hbm4b:s5+s6], $0x80, s13, s6, $0xb8;
	[tilespmem:$0x10800] =	vst v63  }
0x1a: {  	s14 =	sadd.s32 $0x92E00, s28  }
0x1b: {  	[hbm4b:s14+s2] =	stream.linear.scatter [tilespmem:s9], [sflag:$0x4], $0x8000, $0x38;
	[tilespmem:$0x10800] =	vst v63  }
0x1c: {  	_ =	swait.ge [sflag:s8], $0x8000  }
0x1d: {  	[sflag:s8] =	ssyncset.done $0x0  }
0x1e: {  	s15 =	simm.s32 $0x4;
	[sflag:s8] =	ssyncadd.s32 $0xFFFF8000  }
0x1f: {  	_ =	swait.ge [sflag:s15], $0x8000  }
0x20: {  	[sflag:s15] =	ssyncset.done $0x0  }
0x21: {  	s16 =	simm.s32 $0x300;
	[sflag:s15] =	ssyncadd.s32 $0xFFFF8000  }
0x22: {  	[tilespmem:s9], [sflag:$0x2] =	stream.indirect.gather [hbm4b:s5+s6], $0x80, s16, s6, $0xb8;
	[tilespmem:$0x10800] =	vst v63  }
0x23: {  	s17 =	sadd.s32 $0x93E00, s28  }
0x24: {  	[hbm4b:s17+s2] =	stream.linear.scatter [tilespmem:s7], [sflag:$0x3], $0x8000, $0x38;
	[tilespmem:$0x10800] =	vst v63  }
0x25: {  	_ =	swait.ge [sflag:s11], $0x8000  }
0x26: {  	[sflag:s11] =	ssyncset.done $0x0  }
0x27: {  	[sflag:s11] =	ssyncadd.s32 $0xFFFF8000  }
0x28: {  	_ =	swait.ge [sflag:s12], $0x8000  }
0x29: {  	[sflag:s12] =	ssyncset.done $0x0  }
0x2a: {  	s18 =	simm.s32 $0x400;
	[sflag:s12] =	ssyncadd.s32 $0xFFFF8000  }
0x2b: {  	[tilespmem:s7], [sflag:$0x1] =	stream.indirect.gather [hbm4b:s5+s6], $0x80, s18, s6, $0xb8;
	[tilespmem:$0x10800] =	vst v63  }
0x2c: {  	s19 =	sadd.s32 $0x94E00, s28  }
0x2d: {  	[hbm4b:s19+s2] =	stream.linear.scatter [tilespmem:s9], [sflag:$0x4], $0x8000, $0x38;
	[tilespmem:$0x10800] =	vst v63  }
0x2e: {  	_ =	swait.ge [sflag:s8], $0x8000  }
0x2f: {  	[sflag:s8] =	ssyncset.done $0x0  }
0x30: {  	[sflag:s8] =	ssyncadd.s32 $0xFFFF8000  }
0x31: {  	_ =	swait.ge [sflag:s15], $0x8000  }
0x32: {  	[sflag:s15] =	ssyncset.done $0x0  }
0x33: {  	s20 =	simm.s32 $0x500;
	[sflag:s15] =	ssyncadd.s32 $0xFFFF8000  }
0x34: {  	[tilespmem:s9], [sflag:$0x2] =	stream.indirect.gather [hbm4b:s5+s6], $0x80, s20, s6, $0xb8;
	[tilespmem:$0x10800] =	vst v63  }
0x35: {  	s21 =	sadd.s32 $0x95E00, s28  }
0x36: {  	[hbm4b:s21+s2] =	stream.linear.scatter [tilespmem:s7], [sflag:$0x3], $0x8000, $0x38;
	[tilespmem:$0x10800] =	vst v63  }
0x37: {  	_ =	swait.ge [sflag:s11], $0x8000  }
0x38: {  	[sflag:s11] =	ssyncset.done $0x0  }
0x39: {  	[sflag:s11] =	ssyncadd.s32 $0xFFFF8000  }
0x3a: {  	_ =	swait.ge [sflag:s12], $0x8000  }
0x3b: {  	[sflag:s12] =	ssyncset.done $0x0  }
0x3c: {  	s22 =	simm.s32 $0x600;
	[sflag:s12] =	ssyncadd.s32 $0xFFFF8000  }
0x3d: {  	[tilespmem:s7], [sflag:$0x1] =	stream.indirect.gather [hbm4b:s5+s6], $0x80, s22, s6, $0xb8;
	[tilespmem:$0x10800] =	vst v63  }
0x3e: {  	s23 =	sadd.s32 $0x96E00, s28  }
0x3f: {  	[hbm4b:s23+s2] =	stream.linear.scatter [tilespmem:s9], [sflag:$0x4], $0x8000, $0x38;
	[tilespmem:$0x10800] =	vst v63  }
0x40: {  	_ =	swait.ge [sflag:s8], $0x8000  }
0x41: {  	[sflag:s8] =	ssyncset.done $0x0  }
0x42: {  	[sflag:s8] =	ssyncadd.s32 $0xFFFF8000  }
0x43: {  	_ =	swait.ge [sflag:s15], $0x8000  }
0x44: {  	[sflag:s15] =	ssyncset.done $0x0  }
0x45: {  	s24 =	simm.s32 $0x700;
	s29 =	ssub.s32 $0x2, s26;
	[sflag:s15] =	ssyncadd.s32 $0xFFFF8000  }
0x46: {  	[tilespmem:s9], [sflag:$0x2] =	stream.indirect.gather [hbm4b:s5+s6], $0x80, s24, s6, $0xb8;
	[tilespmem:$0x10800] =	vst v63  }
0x47: {  	s25 =	sadd.s32 $0x97E00, s28;
	s26 =	sadd.s32 $0x98E00, s28;
	s28 =	sshrl.u32 s29, $0x1  }
0x48: {  	[hbm4b:s25+s2] =	stream.linear.scatter [tilespmem:s7], [sflag:$0x3], $0x8000, $0x38;
	[tilespmem:$0x10800] =	vst v63  }
0x49: {  	s28 =	ssub.s32 s29, s28;
	_ =	swait.ge [sflag:s11], $0x8000  }
0x4a: {  	s28 =	smax.u32 s28, $0x1;
	[sflag:s11] =	ssyncset.done $0x0  }
0x4b: {  	p0 =	sne.s32 s28, $0x1;
	[sflag:s11] =	ssyncadd.s32 $0xFFFF8000  }
0x4c: {  	[hbm4b:s26+s2] =	stream.linear.scatter [tilespmem:s9], [sflag:$0x4], $0x8000, $0x38;
	[tilespmem:$0x10800] =	vst v63  }
.Ltmp0:
0x4d: {  	_ =	swait.ge [sflag:s15], $0x8000;
	(pc) =	sbr.rel @!p0 .LBB2_2-.Ltmp0, $4  }
0x4e: {  	[sflag:s15] =	ssyncset.done $0x0  }
0x4f: {  	[sflag:s15] =	ssyncadd.s32 $0xFFFF8000  }
0x50: {  	_ =	swait.ge [sflag:s12], $0x8000  }
0x51: {  	s28 =	sadd.s32 $0xFFFFFFFF, s28;
	[sflag:s12] =	ssyncset.done $0x0  }
.LBB2_1:
0x52: {  	p0 =	sne.s32 s28, $0x1;
	s28 =	sadd.s32 $0xFFFFFFFF, s28;
	[sflag:s12] =	ssyncadd.s32 $0xFFFF8000  }
0x53: {  	[tilespmem:s2], [sflag:$0x5] =	stream.linear.gather [hbm4b:s3+s2], $0x800, $0x38;
	[tilespmem:$0x10800] =	vst v63  }
0x54: {  	_ =	swait.ge [sflag:s4], $0x800  }
0x55: {  	[sflag:s4] =	ssyncset.done $0x0  }
0x56: {  	[sflag:s4] =	ssyncadd.s32 $0xFFFFF800  }
0x57: {  	[tilespmem:s7], [sflag:$0x1] =	stream.indirect.gather [hbm4b:s5+s6], $0x80, s2, s6, $0xb8;
	[tilespmem:$0x10800] =	vst v63  }
0x58: {  	_ =	swait.ge [sflag:s8], $0x8000  }
0x59: {  	[sflag:s8] =	ssyncset.done $0x0  }
0x5a: {  	[sflag:s8] =	ssyncadd.s32 $0xFFFF8000  }
0x5b: {  	[tilespmem:s9], [sflag:$0x2] =	stream.indirect.gather [hbm4b:s5+s6], $0x80, s6, s6, $0xb8;
	[tilespmem:$0x10800] =	vst v63  }
0x5c: {  	_ = 	snop  }
0x5d: {  	[hbm4b:s10+s2] =	stream.linear.scatter [tilespmem:s7], [sflag:$0x3], $0x8000, $0x38;
	[tilespmem:$0x10800] =	vst v63  }
0x5e: {  	_ =	swait.ge [sflag:s11], $0x8000  }
0x5f: {  	[sflag:s11] =	ssyncset.done $0x0  }
0x60: {  	[sflag:s11] =	ssyncadd.s32 $0xFFFF8000  }
0x61: {  	_ =	swait.ge [sflag:s12], $0x8000  }
0x62: {  	[sflag:s12] =	ssyncset.done $0x0  }
0x63: {  	[sflag:s12] =	ssyncadd.s32 $0xFFFF8000  }
0x64: {  	[tilespmem:s7], [sflag:$0x1] =	stream.indirect.gather [hbm4b:s5+s6], $0x80, s13, s6, $0xb8;
	[tilespmem:$0x10800] =	vst v63  }
0x65: {  	_ = 	snop  }
0x66: {  	[hbm4b:s14+s2] =	stream.linear.scatter [tilespmem:s9], [sflag:$0x4], $0x8000, $0x38;
	[tilespmem:$0x10800] =	vst v63  }
0x67: {  	_ =	swait.ge [sflag:s8], $0x8000  }
0x68: {  	[sflag:s8] =	ssyncset.done $0x0  }
0x69: {  	[sflag:s8] =	ssyncadd.s32 $0xFFFF8000  }
0x6a: {  	_ =	swait.ge [sflag:s15], $0x8000  }
0x6b: {  	[sflag:s15] =	ssyncset.done $0x0  }
0x6c: {  	[sflag:s15] =	ssyncadd.s32 $0xFFFF8000  }
0x6d: {  	[tilespmem:s9], [sflag:$0x2] =	stream.indirect.gather [hbm4b:s5+s6], $0x80, s16, s6, $0xb8;
	[tilespmem:$0x10800] =	vst v63  }
0x6e: {  	_ = 	snop  }
0x6f: {  	[hbm4b:s17+s2] =	stream.linear.scatter [tilespmem:s7], [sflag:$0x3], $0x8000, $0x38;
	[tilespmem:$0x10800] =	vst v63  }
0x70: {  	_ =	swait.ge [sflag:s11], $0x8000  }
0x71: {  	[sflag:s11] =	ssyncset.done $0x0  }
0x72: {  	[sflag:s11] =	ssyncadd.s32 $0xFFFF8000  }
0x73: {  	_ =	swait.ge [sflag:s12], $0x8000  }
0x74: {  	[sflag:s12] =	ssyncset.done $0x0  }
0x75: {  	[sflag:s12] =	ssyncadd.s32 $0xFFFF8000  }
0x76: {  	[tilespmem:s7], [sflag:$0x1] =	stream.indirect.gather [hbm4b:s5+s6], $0x80, s18, s6, $0xb8;
	[tilespmem:$0x10800] =	vst v63  }
0x77: {  	_ = 	snop  }
0x78: {  	[hbm4b:s19+s2] =	stream.linear.scatter [tilespmem:s9], [sflag:$0x4], $0x8000, $0x38;
	[tilespmem:$0x10800] =	vst v63  }
0x79: {  	_ =	swait.ge [sflag:s8], $0x8000  }
0x7a: {  	[sflag:s8] =	ssyncset.done $0x0  }
0x7b: {  	[sflag:s8] =	ssyncadd.s32 $0xFFFF8000  }
0x7c: {  	_ =	swait.ge [sflag:s15], $0x8000  }
0x7d: {  	[sflag:s15] =	ssyncset.done $0x0  }
0x7e: {  	[sflag:s15] =	ssyncadd.s32 $0xFFFF8000  }
0x7f: {  	[tilespmem:s9], [sflag:$0x2] =	stream.indirect.gather [hbm4b:s5+s6], $0x80, s20, s6, $0xb8;
	[tilespmem:$0x10800] =	vst v63  }
0x80: {  	_ = 	snop  }
0x81: {  	[hbm4b:s21+s2] =	stream.linear.scatter [tilespmem:s7], [sflag:$0x3], $0x8000, $0x38;
	[tilespmem:$0x10800] =	vst v63  }
0x82: {  	_ =	swait.ge [sflag:s11], $0x8000  }
0x83: {  	[sflag:s11] =	ssyncset.done $0x0  }
0x84: {  	[sflag:s11] =	ssyncadd.s32 $0xFFFF8000  }
0x85: {  	_ =	swait.ge [sflag:s12], $0x8000  }
0x86: {  	[sflag:s12] =	ssyncset.done $0x0  }
0x87: {  	[sflag:s12] =	ssyncadd.s32 $0xFFFF8000  }
0x88: {  	[tilespmem:s7], [sflag:$0x1] =	stream.indirect.gather [hbm4b:s5+s6], $0x80, s22, s6, $0xb8;
	[tilespmem:$0x10800] =	vst v63  }
0x89: {  	_ = 	snop  }
0x8a: {  	[hbm4b:s23+s2] =	stream.linear.scatter [tilespmem:s9], [sflag:$0x4], $0x8000, $0x38;
	[tilespmem:$0x10800] =	vst v63  }
0x8b: {  	_ =	swait.ge [sflag:s8], $0x8000  }
0x8c: {  	[sflag:s8] =	ssyncset.done $0x0  }
0x8d: {  	[sflag:s8] =	ssyncadd.s32 $0xFFFF8000  }
0x8e: {  	_ =	swait.ge [sflag:s15], $0x8000  }
0x8f: {  	[sflag:s15] =	ssyncset.done $0x0  }
0x90: {  	[sflag:s15] =	ssyncadd.s32 $0xFFFF8000  }
0x91: {  	[tilespmem:s9], [sflag:$0x2] =	stream.indirect.gather [hbm4b:s5+s6], $0x80, s24, s6, $0xb8;
	[tilespmem:$0x10800] =	vst v63  }
0x92: {  	_ = 	snop  }
0x93: {  	[hbm4b:s25+s2] =	stream.linear.scatter [tilespmem:s7], [sflag:$0x3], $0x8000, $0x38;
	[tilespmem:$0x10800] =	vst v63  }
0x94: {  	_ =	swait.ge [sflag:s11], $0x8000  }
0x95: {  	[sflag:s11] =	ssyncset.done $0x0  }
0x96: {  	[sflag:s11] =	ssyncadd.s32 $0xFFFF8000  }
0x97: {  	[hbm4b:s26+s2] =	stream.linear.scatter [tilespmem:s9], [sflag:$0x4], $0x8000, $0x38;
	[tilespmem:$0x10800] =	vst v63  }
.Ltmp1:
0x98: {  	_ =	swait.ge [sflag:s15], $0x8000;
	(pc) =	sbr.rel @p0 .LBB2_1-.Ltmp1, $4  }
0x99: {  	[sflag:s15] =	ssyncset.done $0x0  }
0x9a: {  	[sflag:s15] =	ssyncadd.s32 $0xFFFF8000  }
0x9b: {  	_ =	swait.ge [sflag:s12], $0x8000  }
0x9c: {  	[sflag:s12] =	ssyncset.done $0x0  }
.LBB2_2:
0x9d: {  	[sflag:s12] =	ssyncadd.s32 $0xFFFF8000  }
0x9e: {  	_ =	sfence.sel $0x180000  }
0x9f: {  	[bflag:$0x0] =	sbarrier.arrive $0xFFFF  }
0xa0: {  	p0 =	sne.s32 s0, $0x0;
	_ =	strace $0x90000047  }
0xa1: {  	s0 =	sadd.s32 @!p0 $0x100000, s1;
	[bflag:$0x2] =	sbarrier.arrive $0xFFFF  }
0xa2: {  	[sflag:s0] =	ssyncadd.tile.s32 @!p0 $0x1;
	_ =	shalt  }
.Lfunc_end2:
_tile_overlayer_lowered:
.L_overlay_start_2:
0xa3: {  	(tag) =	ssettag $0x2  }
0xa4: {  	s0 =	rddreg [dreg:$0x0];
	s2 =	stileid.u32  }
0xa5: {  	s1 =	rddreg [dreg:$0x1];
	p0 =	sne.s32 s2, $0x0  }
0xa6: {  	s3 =	rddreg [dreg:$0x2];
	[bflag:$0x3] =	sbarrier.arrive $0xFFFF;
	s2 =	simm.s32 @!p0 $0x1C05  }
0xa7: {  	[timem:s3], [sflag:s2] =	dma.local @!p0 [hbm:s0], s1  }
0xa8: {  	s0 =	simm.s32 @!p0 $0x5  }
0xa9: {  	_ =	swait.ge @!p0 [sflag:s0], s1  }
0xaa: {  	s1 =	ssub.s32 @!p0 $0x0, s1;
	[sflag:s0] =	ssyncset.done @!p0 $0x0  }
0xab: {  	[sflag:s0] =	ssyncadd.s32 @!p0 s1  }
0xac: {  	[bflag:$0x3] =	sbarrier.arrive $0xFFFF  }
0xad: {  	_ =	shalt  }

// kernel: kernel.40.cloned.1.call-start
scs
__scs_entry_jumppad:
0x0: {  	(pc) =	sbr.rel $0x88, $3  }
0x1: {  	(tag) =	ssettag $0x0;
	lr =	simm.s32 $0x1  }
0x2: {  	[smem:$0x3F94] =	sst lr;
	_ =	strace $0xD0000000  }
0x3: {  	_ = 	snop  }
0x4: {  	_ = 	snop  }
0x5: {  	_ = 	snop  }
0x6: {  	_ = 	snop  }
0x7: {  	_ = 	snop  }
__scs_overlays_trampoline_lowered:
0x8: {  	[smem:$0x3FA3] =	sst s0  }
0x9: {  	[smem:$0x3FA4] =	sst s1  }
0xa: {  	[smem:$0x3FA5] =	sst s2  }
0xb: {  	[smem:$0x3FA6] =	sst s3  }
0xc: {  	[smem:$0x3FA7] =	sst s4  }
0xd: {  	[smem:$0x3FA8] =	sst s5  }
0xe: {  	[smem:$0x3FA9] =	sst s6  }
0xf: {  	[smem:$0x3FAA] =	sst s7  }
0x10: {  	[smem:$0x3FAB] =	sst s8  }
0x11: {  	[smem:$0x3FAC] =	sst s9;
	s0 =	simm.s32 @!p0 $0x0  }
0x12: {  	s1 =	sld [smem:$0x3F92];
	s0 =	simm.s32 @p0 $0x1  }
0x13: {  	[smem:$0x3FAD] =	sst s0;
	s0 =	simm.s32 @!p1 $0x0  }
0x14: {  	s2 =	sld [smem:$0x3F91];
	s0 =	simm.s32 @p1 $0x1  }
0x15: {  	[smem:$0x3FAE] =	sst s0;
	s0 =	simm.s32 @!p2 $0x0  }
0x16: {  	s3 =	sld [smem:$0x3FDB];
	s0 =	simm.s32 @p2 $0x1  }
0x17: {  	s4 =	simm.s32 $0x1BF5;
	[smem:$0x3FB0] =	sst s0  }
0x18: {  	s0 =	sld [smem:$0x3F93];
	_ =	swait.ge [sflag:s4], $0x0  }
0x19: {  	s7 =	sld [smem:$0x3F94]  }
0x1a: {  	s8 =	sadd.s32 $0xFFFFE003, lr  }
0x1b: {  	s9 =	sadd.s32 $0xFFFFFEF7, lr;
	s5 =	simm.s32 $0xFFFFFFFF;
	p2 =	slt.u32 s8, $0xFFFFF086  }
0x1c: {  	p1 =	slt.u32 s9, $0xF7A;
	s5 =	simm.s32 @!p2 $0x0  }
0x1d: {  	s5 =	simm.s32 @p1 $0x1;
	p0 =	seq.s32 s7, s2  }
0x1e: {  	s7 =	smul.u32 @!p0 $0xF7A, s2;
	p2 =	seq.s32 @!p0 s5, $0x0  }
0x1f: {  	s9 =	smul.u32 $0xF7A, s1;
	s8 =	simm.s32 @!p0 $0x1BF5;
	p2 =	por !p2, p0  }
0x20: {  	[sflag:s8] =	ssyncset.s32 @!p0 $0xFFFFF086;
	s6 =	sadd.s32 @!p0 s3, s7;
	s7 =	simm.s32 @!p0 $0x108  }
0x21: {  	s3 =	sadd.s32 s3, s9;
	s6 =	sadd.s32 @!p0 $0x88, s6;
	s7 =	simm.s32 @p2 $0x1082  }
0x22: {  	[simem:s7], [sflag:s8] =	dma.local @!p0 [hbm:s6], $0xF7A  }
0x23: {  	s9 =	sor.u32 $0xD0000000, s2;
	s6 =	simm.s32 $0x108;
	_ =	swait.ge @!p0 [sflag:s8], $0x0  }
0x24: {  	s3 =	sadd.s32 $0x88, s3;
	s6 =	simm.s32 @!p1 $0x1082;
	[sflag:s4] =	ssyncset.s32 $0xFFFFF086  }
0x25: {  	[simem:s6], [sflag:s4] =	dma.local [hbm:s3], $0xF7A  }
0x26: {  	[smem:$0x3F94] =	sst s1;
	(tag) =	ssettag s2;
	_ =	strace s9  }
0x27: {  	s1 =	sld [smem:$0x3FA4]  }
0x28: {  	s2 =	sld [smem:$0x3FA5]  }
0x29: {  	s4 =	sld [smem:$0x3FA7]  }
0x2a: {  	p0 =	seq.s32 s5, $0x0;
	s5 =	sld [smem:$0x3FA8]  }
0x2b: {  	s6 =	sld [smem:$0x3FA9]  }
0x2c: {  	s7 =	sld [smem:$0x3FAA]  }
0x2d: {  	s3 =	simm.s32 $0x108;
	s8 =	sld [smem:$0x3FAB]  }
0x2e: {  	s3 =	simm.s32 @!p0 $0x1082;
	s9 =	sld [smem:$0x3FAC]  }
0x2f: {  	lr =	sadd.s32 s0, s3;
	s0 =	sld [smem:$0x3FA3]  }
0x30: {  	s3 =	sld [smem:$0x3FA6]  }
0x31: {  	[smem:$0x3FAF] =	sst s10  }
0x32: {  	s10 =	sld [smem:$0x3FAD];
	_ =	sdelay $0x3  }
0x33: {  	p0 =	seq.s32 s10, $0x1;
	s10 =	sld [smem:$0x3FAF];
	_ =	sdelay $0x3  }
0x34: {  	[smem:$0x3FAF] =	sst s10  }
0x35: {  	s10 =	sld [smem:$0x3FAE];
	_ =	sdelay $0x3  }
0x36: {  	p1 =	seq.s32 s10, $0x1;
	s10 =	sld [smem:$0x3FAF];
	_ =	sdelay $0x3  }
0x37: {  	[smem:$0x3FAF] =	sst s10  }
0x38: {  	s10 =	sld [smem:$0x3FB0]  }
0x39: {  	_ = 	snop;
	(pc) =	sbr.ind lr, $3  }
0x3a: {  	_ = 	snop  }
0x3b: {  	_ = 	snop  }
0x3c: {  	p2 =	seq.s32 s10, $0x1;
	s10 =	sld [smem:$0x3FAF]  }
0x3d: {  	_ =	shalt  }
0x3e: {  	_ =	shalt  }
0x3f: {  	_ =	shalt  }
0x40: {  	_ =	shalt  }
0x41: {  	_ =	shalt  }
0x42: {  	_ =	shalt  }
0x43: {  	_ =	shalt  }
0x44: {  	_ =	shalt  }
0x45: {  	_ =	shalt  }
0x46: {  	_ =	shalt  }
0x47: {  	_ =	shalt  }
0x48: {  	_ =	shalt  }
0x49: {  	_ =	shalt  }
0x4a: {  	_ =	shalt  }
0x4b: {  	_ =	shalt  }
0x4c: {  	_ =	shalt  }
0x4d: {  	_ =	shalt  }
0x4e: {  	_ =	shalt  }
0x4f: {  	_ =	shalt  }
0x50: {  	_ =	shalt  }
0x51: {  	_ =	shalt  }
0x52: {  	_ =	shalt  }
0x53: {  	_ =	shalt  }
0x54: {  	_ =	shalt  }
0x55: {  	_ =	shalt  }
0x56: {  	_ =	shalt  }
0x57: {  	_ =	shalt  }
0x58: {  	_ =	shalt  }
0x59: {  	_ =	shalt  }
0x5a: {  	_ =	shalt  }
0x5b: {  	_ =	shalt  }
0x5c: {  	_ =	shalt  }
0x5d: {  	_ =	shalt  }
0x5e: {  	_ =	shalt  }
0x5f: {  	_ =	shalt  }
0x60: {  	_ =	shalt  }
0x61: {  	_ =	shalt  }
0x62: {  	_ =	shalt  }
0x63: {  	_ =	shalt  }
0x64: {  	_ =	shalt  }
0x65: {  	_ =	shalt  }
0x66: {  	_ =	shalt  }
0x67: {  	_ =	shalt  }
0x68: {  	_ =	shalt  }
0x69: {  	_ =	shalt  }
0x6a: {  	_ =	shalt  }
0x6b: {  	_ =	shalt  }
0x6c: {  	_ =	shalt  }
0x6d: {  	_ =	shalt  }
0x6e: {  	_ =	shalt  }
0x6f: {  	_ =	shalt  }
0x70: {  	_ =	shalt  }
0x71: {  	_ =	shalt  }
0x72: {  	_ =	shalt  }
0x73: {  	_ =	shalt  }
0x74: {  	_ =	shalt  }
0x75: {  	_ =	shalt  }
0x76: {  	_ =	shalt  }
0x77: {  	_ =	shalt  }
0x78: {  	_ =	shalt  }
0x79: {  	_ =	shalt  }
0x7a: {  	_ =	shalt  }
0x7b: {  	_ =	shalt  }
0x7c: {  	_ =	shalt  }
0x7d: {  	_ =	shalt  }
0x7e: {  	_ =	shalt  }
0x7f: {  	_ =	shalt  }
0x80: {  	_ =	shalt  }
0x81: {  	_ =	shalt  }
0x82: {  	_ =	shalt  }
0x83: {  	_ =	shalt  }
0x84: {  	_ =	shalt  }
0x85: {  	_ =	shalt  }
0x86: {  	_ =	shalt  }
0x87: {  	_ =	shalt  }
.Lfunc_end0:
.L_simem_size_0:
called_computation.7_lowered:
.L_overlay_start_0:
0x88: {  	s2 =	sld [smem:$0x3FD9]  }
0x89: {  	s3 =	sld [smem:$0x3FFE];
	_ =	sdelay $0x1  }
0x8a: {  	s1 =	srdreg.scid  }
0x8b: {  	s0 =	sand.u32 $0x1, s1  }
0x8c: {  	s17 =	sshll.u32 s0, $0xA;
	s2 =	sadd.s32 s3, s2  }
0x8d: {  	s2 =	sadd.s32 s2, s17  }
0x8e: {  	[smem:$0x3FBB] =	sst s2  }
0x8f: {  	_ = 	snop  }
0x90: {  	(tm) =	ssettm $0x1  }
0x91: {  	s18 =	sld [smem:$0x3FFB];
	_ =	sdelay $0x3  }
0x92: {  	_ =	strace s18  }
0x93: {  	s2 =	sld [smem:$0x3FFC];
	_ =	sdelay $0x3  }
0x94: {  	_ =	strace s2  }
0x95: {  	s2 =	sld [smem:$0x3FFD];
	_ =	sdelay $0x3  }
0x96: {  	_ =	strace s2  }
0x97: {  	_ =	strace $0x8FFFFFFF  }
0x98: {  	s19 =	sld [smem:$0x3FDB];
	_ =	sdelay $0x1  }
0x99: {  	s20 =	simm.s32 $_scs_section_size  }
0x9a: {  	s4 =	simm.s32 $_size__tile_overlayer_lowered;
	s5 =	simm.s32 $_tile_overlayer_lowered  }
0x9b: {  	s6 =	simm.s32 $0x1BFF;
	s21 =	sshll.u32 s5, $0x1;
	s3 =	sadd.s32 s20, s19  }
0x9c: {  	s22 =	simm.s32 $0x0;
	s4 =	sshll.u32 s4, $0x1;
	s5 =	sadd.s32 s21, s3  }
0x9d: {  	[timem:s22], [sflag:s6] =	dma.local [hbm:s5], s4  }
0x9e: {  	_ =	swait.ge [sflag:s6], s4  }
0x9f: {  	s4 =	ssub.s32 $0x0, s4;
	[sflag:s6] =	ssyncset.done $0x0  }
0xa0: {  	[sflag:s6] =	ssyncadd.s32 s4;
	_ =	sdelay $0x1  }
0xa1: {  	s23 =	simm.s32 $0x1B8B  }
0xa2: {  	_ =	swait.ge [sflag:s23], $0x1  }
0xa3: {  	[sflag:s23] =	ssyncset.done $0x0  }
0xa4: {  	[sflag:s23] =	ssyncadd.s32 $0xFFFFFFFF  }
0xa5: {  	s4 =	sld [smem:$0x0]  }
0xa6: {  	s5 =	sand.u32 $0xFFFFFFFE, s1  }
0xa7: {  	p0 =	sne.s32 s1, s5  }
0xa8: {  	s5 =	sshll.u32 @p0 s5, $0xE  }
0xa9: {  	s5 =	sadd.s32 @p0 $0x11B8D, s5;
	s6 =	sshll.u32 @p0 s4, $0x11  }
0xaa: {  	s5 =	sor.u32 @p0 s6, s5  }
0xab: {  	[sflag:s5] =	ssyncadd.remote.s32 @p0 $0x1;
	_ =	sdelay $0x1  }
0xac: {  	s5 =	simm.s32 @p0 $0x1B8D  }
0xad: {  	_ =	swait.eq @p0 [sflag:s5], $0x1  }
0xae: {  	[sflag:s5] =	ssyncadd.s32 @p0 $0xFFFFFFFF  }
0xaf: {  	s6 =	sshll.u32 @!p0 s1, $0xE  }
0xb0: {  	s6 =	sor.u32 @!p0 $0x4000, s6;
	s5 =	simm.s32 @!p0 $0x1B8D  }
0xb1: {  	s4 =	sshll.u32 @!p0 s4, $0x11;
	s6 =	sadd.s32 @!p0 $0x11B8D, s6;
	_ =	swait.eq @!p0 [sflag:s5], $0x1  }
0xb2: {  	s4 =	sor.u32 @!p0 s4, s6;
	[sflag:s5] =	ssyncadd.s32 @!p0 $0xFFFFFFFF  }
0xb3: {  	s25 =	simm.s32 $0x1B8E;
	s24 =	sld [smem:$0x3FFE];
	[sflag:s4] =	ssyncadd.remote.s32 @!p0 $0x1  }
0xb4: {  	s26 =	simm.s32 $execute0_lowered;
	[smem:$0x3FD2] =	sst s25  }
0xb5: {  	s5 =	sshll.u32 s26, $0x1;
	_ =	strace $0x80000049;
	[dreg:$0x1] =	wrdreg $0xFFFFFFFF  }
0xb6: {  	s28 =	simm.s32 $_size_execute0_lowered;
	s3 =	sadd.s32 s3, s5;
	[dreg:$0x0] =	wrdreg $0x0  }
0xb7: {  	s5 =	sshll.u32 s28, $0x1;
	[dreg:$0x2] =	wrdreg s3  }
0xb8: {  	[dreg:$0x3] =	wrdreg s5  }
0xb9: {  	[dreg:$0x4] =	wrdreg $0xC0  }
0xba: {  	_ =	task [dreg:s22], $0x5FFFF  }
0xbb: {  	[dreg:$0x1] =	wrdreg $0xFFFFFFFF  }
0xbc: {  	[dreg:$0x0] =	wrdreg $0x60  }
0xbd: {  	[dreg:$0x2] =	wrdreg s24  }
0xbe: {  	[dreg:$0x3] =	wrdreg $0x10  }
0xbf: {  	_ =	task.clear_ibuf [dreg:s22], $0x4FFFF;
	_ =	strace $0x90000049  }
0xc0: {  	s29 =	simm.s32 $0x10;
	_ =	strace $0x8000004B  }
0xc1: {  	_ =	swait.ge [sflag:s29], $0x1  }
0xc2: {  	[sflag:s29] =	ssyncadd.s32 $0xFFFFFFFF  }
0xc3: {  	_ =	strace $0x9000004B  }
0xc4: {  	_ =	sfence  }
0xc5: {  	s30 =	sld [smem:$0x0];
	_ =	sdelay $0x2  }
0xc6: {  	s31 =	sshll.u32 s1, $0xD;
	s1 =	sshrl.u32 s1, $0x2  }
0xc7: {  	s4 =	sand.u32 $0x4000, s31;
	s1 =	sadd.s32 s1, s30  }
0xc8: {  	s0 =	sor.u32 s4, s0;
	s1 =	sshll.u32 s1, $0x11  }
0xc9: {  	s0 =	sor.u32 s1, s0  }
0xca: {  	s0 =	sadd.s32 $0x8F2B, s0  }
0xcb: {  	[sflag:s0] =	ssyncadd.remote.s32 $0x1  }
0xcc: {  	_ =	sfence.sel $0xFFFF  }
0xcd: {  	[dreg:$0x0] =	wrdreg $0xFFFFFFFF;
	(pc) =	sbr.abs _section_cstart, $3  }
0xce: {  	[dreg:$0x1] =	wrdreg $0xFFFFFFFF  }
0xcf: {  	_ =	task.clear_ibuf [dreg:s22], $0x2FFFF;
	_ =	strace $0x9FFFFFFF  }
0xd0: {  	(tm) =	ssettm $0x7FFFFFFF  }
0xd1: {  	_ =	shalt  }
tec
execute0_lowered:
.L_overlay_start_1:
0x0: {  	(tag) =	ssettag $0x1  }
0x1: {  	s1 =	srdreg.scid  }
0x2: {  	s0 =	stileid.u32;
	s26 =	sand.u32 $0x1, s1  }
0x3: {  	s31 =	sshll.u32 s0, $0xC;
	s2 =	sshll.u32 s26, $0xB  }
0x4: {  	s10 =	sor.u32 s2, s31  }
0x5: {  	s9 =	rddreg [dreg:$0x0];
	s2 =	simm.s32 $0x0;
	s3 =	sshrl.u32 s10, $0x3  }
0x6: {  	s4 =	simm.s32 $0x5;
	[smem:$0x7FF] =	sst s2;
	s3 =	sadd.s32 s3, s9  }
0x7: {  	s1 =	rddreg [dreg:$0x1];
	_ =	strace $0x8000004A;
	s3 =	sadd.s32 $0x85E00, s3  }
0x8: {  	[tilespmem:s2], [sflag:$0x5] =	stream.linear.gather [hbm4b:s3+s2], $0x800, $0x38;
	[tilespmem:$0x10800] =	vst v63  }
0x9: {  	_ =	swait.ge [sflag:s4], $0x800  }
0xa: {  	s6 =	simm.s32 $0x100;
	s7 =	simm.s32 $0x800;
	[sflag:s4] =	ssyncset.done $0x0  }
0xb: {  	s8 =	simm.s32 $0x1;
	s5 =	sadd.s32 $0x3E00, s9;
	[sflag:s4] =	ssyncadd.s32 $0xFFFFF800  }
0xc: {  	[tilespmem:s7], [sflag:$0x1] =	stream.indirect.gather [hbm4b:s5+s6], $0x80, s2, s6, $0xb8;
	[tilespmem:$0x10800] =	vst v63  }
0xd: {  	_ =	swait.ge [sflag:s8], $0x8000  }
0xe: {  	s10 =	sshll.u32 s10, $0x4;
	[sflag:s8] =	ssyncset.done $0x0  }
0xf: {  	s28 =	sadd.s32 s10, s9;
	s9 =	simm.s32 $0x8800;
	[sflag:s8] =	ssyncadd.s32 $0xFFFF8000  }
0x10: {  	[tilespmem:s9], [sflag:$0x2] =	stream.indirect.gather [hbm4b:s5+s6], $0x80, s6, s6, $0xb8;
	[tilespmem:$0x10800] =	vst v63  }
0x11: {  	s11 =	simm.s32 $0x2;
	s10 =	sadd.s32 $0x191E00, s28  }
0x12: {  	[hbm4b:s10+s2] =	stream.linear.scatter [tilespmem:s7], [sflag:$0x3], $0x8000, $0x38;
	[tilespmem:$0x10800] =	vst v63  }
0x13: {  	_ =	swait.ge [sflag:s11], $0x8000  }
0x14: {  	[sflag:s11] =	ssyncset.done $0x0  }
0x15: {  	s12 =	simm.s32 $0x3;
	[sflag:s11] =	ssyncadd.s32 $0xFFFF8000  }
0x16: {  	_ =	swait.ge [sflag:s12], $0x8000  }
0x17: {  	[sflag:s12] =	ssyncset.done $0x0  }
0x18: {  	s13 =	simm.s32 $0x200;
	[sflag:s12] =	ssyncadd.s32 $0xFFFF8000  }
0x19: {  	[tilespmem:s7], [sflag:$0x1] =	stream.indirect.gather [hbm4b:s5+s6], $0x80, s13, s6, $0xb8;
	[tilespmem:$0x10800] =	vst v63  }
0x1a: {  	s14 =	sadd.s32 $0x192E00, s28  }
0x1b: {  	[hbm4b:s14+s2] =	stream.linear.scatter [tilespmem:s9], [sflag:$0x4], $0x8000, $0x38;
	[tilespmem:$0x10800] =	vst v63  }
0x1c: {  	_ =	swait.ge [sflag:s8], $0x8000  }
0x1d: {  	[sflag:s8] =	ssyncset.done $0x0  }
0x1e: {  	s15 =	simm.s32 $0x4;
	[sflag:s8] =	ssyncadd.s32 $0xFFFF8000  }
0x1f: {  	_ =	swait.ge [sflag:s15], $0x8000  }
0x20: {  	[sflag:s15] =	ssyncset.done $0x0  }
0x21: {  	s16 =	simm.s32 $0x300;
	[sflag:s15] =	ssyncadd.s32 $0xFFFF8000  }
0x22: {  	[tilespmem:s9], [sflag:$0x2] =	stream.indirect.gather [hbm4b:s5+s6], $0x80, s16, s6, $0xb8;
	[tilespmem:$0x10800] =	vst v63  }
0x23: {  	s17 =	sadd.s32 $0x193E00, s28  }
0x24: {  	[hbm4b:s17+s2] =	stream.linear.scatter [tilespmem:s7], [sflag:$0x3], $0x8000, $0x38;
	[tilespmem:$0x10800] =	vst v63  }
0x25: {  	_ =	swait.ge [sflag:s11], $0x8000  }
0x26: {  	[sflag:s11] =	ssyncset.done $0x0  }
0x27: {  	[sflag:s11] =	ssyncadd.s32 $0xFFFF8000  }
0x28: {  	_ =	swait.ge [sflag:s12], $0x8000  }
0x29: {  	[sflag:s12] =	ssyncset.done $0x0  }
0x2a: {  	s18 =	simm.s32 $0x400;
	[sflag:s12] =	ssyncadd.s32 $0xFFFF8000  }
0x2b: {  	[tilespmem:s7], [sflag:$0x1] =	stream.indirect.gather [hbm4b:s5+s6], $0x80, s18, s6, $0xb8;
	[tilespmem:$0x10800] =	vst v63  }
0x2c: {  	s19 =	sadd.s32 $0x194E00, s28  }
0x2d: {  	[hbm4b:s19+s2] =	stream.linear.scatter [tilespmem:s9], [sflag:$0x4], $0x8000, $0x38;
	[tilespmem:$0x10800] =	vst v63  }
0x2e: {  	_ =	swait.ge [sflag:s8], $0x8000  }
0x2f: {  	[sflag:s8] =	ssyncset.done $0x0  }
0x30: {  	[sflag:s8] =	ssyncadd.s32 $0xFFFF8000  }
0x31: {  	_ =	swait.ge [sflag:s15], $0x8000  }
0x32: {  	[sflag:s15] =	ssyncset.done $0x0  }
0x33: {  	s20 =	simm.s32 $0x500;
	[sflag:s15] =	ssyncadd.s32 $0xFFFF8000  }
0x34: {  	[tilespmem:s9], [sflag:$0x2] =	stream.indirect.gather [hbm4b:s5+s6], $0x80, s20, s6, $0xb8;
	[tilespmem:$0x10800] =	vst v63  }
0x35: {  	s21 =	sadd.s32 $0x195E00, s28  }
0x36: {  	[hbm4b:s21+s2] =	stream.linear.scatter [tilespmem:s7], [sflag:$0x3], $0x8000, $0x38;
	[tilespmem:$0x10800] =	vst v63  }
0x37: {  	_ =	swait.ge [sflag:s11], $0x8000  }
0x38: {  	[sflag:s11] =	ssyncset.done $0x0  }
0x39: {  	[sflag:s11] =	ssyncadd.s32 $0xFFFF8000  }
0x3a: {  	_ =	swait.ge [sflag:s12], $0x8000  }
0x3b: {  	[sflag:s12] =	ssyncset.done $0x0  }
0x3c: {  	s22 =	simm.s32 $0x600;
	[sflag:s12] =	ssyncadd.s32 $0xFFFF8000  }
0x3d: {  	[tilespmem:s7], [sflag:$0x1] =	stream.indirect.gather [hbm4b:s5+s6], $0x80, s22, s6, $0xb8;
	[tilespmem:$0x10800] =	vst v63  }
0x3e: {  	s23 =	sadd.s32 $0x196E00, s28  }
0x3f: {  	[hbm4b:s23+s2] =	stream.linear.scatter [tilespmem:s9], [sflag:$0x4], $0x8000, $0x38;
	[tilespmem:$0x10800] =	vst v63  }
0x40: {  	_ =	swait.ge [sflag:s8], $0x8000  }
0x41: {  	[sflag:s8] =	ssyncset.done $0x0  }
0x42: {  	[sflag:s8] =	ssyncadd.s32 $0xFFFF8000  }
0x43: {  	_ =	swait.ge [sflag:s15], $0x8000  }
0x44: {  	[sflag:s15] =	ssyncset.done $0x0  }
0x45: {  	s24 =	simm.s32 $0x700;
	s29 =	ssub.s32 $0x2, s26;
	[sflag:s15] =	ssyncadd.s32 $0xFFFF8000  }
0x46: {  	[tilespmem:s9], [sflag:$0x2] =	stream.indirect.gather [hbm4b:s5+s6], $0x80, s24, s6, $0xb8;
	[tilespmem:$0x10800] =	vst v63  }
0x47: {  	s25 =	sadd.s32 $0x197E00, s28;
	s26 =	sadd.s32 $0x198E00, s28;
	s28 =	sshrl.u32 s29, $0x1  }
0x48: {  	[hbm4b:s25+s2] =	stream.linear.scatter [tilespmem:s7], [sflag:$0x3], $0x8000, $0x38;
	[tilespmem:$0x10800] =	vst v63  }
0x49: {  	s28 =	ssub.s32 s29, s28;
	_ =	swait.ge [sflag:s11], $0x8000  }
0x4a: {  	s28 =	smax.u32 s28, $0x1;
	[sflag:s11] =	ssyncset.done $0x0  }
0x4b: {  	p0 =	sne.s32 s28, $0x1;
	[sflag:s11] =	ssyncadd.s32 $0xFFFF8000  }
0x4c: {  	[hbm4b:s26+s2] =	stream.linear.scatter [tilespmem:s9], [sflag:$0x4], $0x8000, $0x38;
	[tilespmem:$0x10800] =	vst v63  }
.Ltmp0:
0x4d: {  	_ =	swait.ge [sflag:s15], $0x8000;
	(pc) =	sbr.rel @!p0 .LBB2_2-.Ltmp0, $4  }
0x4e: {  	[sflag:s15] =	ssyncset.done $0x0  }
0x4f: {  	[sflag:s15] =	ssyncadd.s32 $0xFFFF8000  }
0x50: {  	_ =	swait.ge [sflag:s12], $0x8000  }
0x51: {  	s28 =	sadd.s32 $0xFFFFFFFF, s28;
	[sflag:s12] =	ssyncset.done $0x0  }
.LBB2_1:
0x52: {  	p0 =	sne.s32 s28, $0x1;
	s28 =	sadd.s32 $0xFFFFFFFF, s28;
	[sflag:s12] =	ssyncadd.s32 $0xFFFF8000  }
0x53: {  	[tilespmem:s2], [sflag:$0x5] =	stream.linear.gather [hbm4b:s3+s2], $0x800, $0x38;
	[tilespmem:$0x10800] =	vst v63  }
0x54: {  	_ =	swait.ge [sflag:s4], $0x800  }
0x55: {  	[sflag:s4] =	ssyncset.done $0x0  }
0x56: {  	[sflag:s4] =	ssyncadd.s32 $0xFFFFF800  }
0x57: {  	[tilespmem:s7], [sflag:$0x1] =	stream.indirect.gather [hbm4b:s5+s6], $0x80, s2, s6, $0xb8;
	[tilespmem:$0x10800] =	vst v63  }
0x58: {  	_ =	swait.ge [sflag:s8], $0x8000  }
0x59: {  	[sflag:s8] =	ssyncset.done $0x0  }
0x5a: {  	[sflag:s8] =	ssyncadd.s32 $0xFFFF8000  }
0x5b: {  	[tilespmem:s9], [sflag:$0x2] =	stream.indirect.gather [hbm4b:s5+s6], $0x80, s6, s6, $0xb8;
	[tilespmem:$0x10800] =	vst v63  }
0x5c: {  	_ = 	snop  }
0x5d: {  	[hbm4b:s10+s2] =	stream.linear.scatter [tilespmem:s7], [sflag:$0x3], $0x8000, $0x38;
	[tilespmem:$0x10800] =	vst v63  }
0x5e: {  	_ =	swait.ge [sflag:s11], $0x8000  }
0x5f: {  	[sflag:s11] =	ssyncset.done $0x0  }
0x60: {  	[sflag:s11] =	ssyncadd.s32 $0xFFFF8000  }
0x61: {  	_ =	swait.ge [sflag:s12], $0x8000  }
0x62: {  	[sflag:s12] =	ssyncset.done $0x0  }
0x63: {  	[sflag:s12] =	ssyncadd.s32 $0xFFFF8000  }
0x64: {  	[tilespmem:s7], [sflag:$0x1] =	stream.indirect.gather [hbm4b:s5+s6], $0x80, s13, s6, $0xb8;
	[tilespmem:$0x10800] =	vst v63  }
0x65: {  	_ = 	snop  }
0x66: {  	[hbm4b:s14+s2] =	stream.linear.scatter [tilespmem:s9], [sflag:$0x4], $0x8000, $0x38;
	[tilespmem:$0x10800] =	vst v63  }
0x67: {  	_ =	swait.ge [sflag:s8], $0x8000  }
0x68: {  	[sflag:s8] =	ssyncset.done $0x0  }
0x69: {  	[sflag:s8] =	ssyncadd.s32 $0xFFFF8000  }
0x6a: {  	_ =	swait.ge [sflag:s15], $0x8000  }
0x6b: {  	[sflag:s15] =	ssyncset.done $0x0  }
0x6c: {  	[sflag:s15] =	ssyncadd.s32 $0xFFFF8000  }
0x6d: {  	[tilespmem:s9], [sflag:$0x2] =	stream.indirect.gather [hbm4b:s5+s6], $0x80, s16, s6, $0xb8;
	[tilespmem:$0x10800] =	vst v63  }
0x6e: {  	_ = 	snop  }
0x6f: {  	[hbm4b:s17+s2] =	stream.linear.scatter [tilespmem:s7], [sflag:$0x3], $0x8000, $0x38;
	[tilespmem:$0x10800] =	vst v63  }
0x70: {  	_ =	swait.ge [sflag:s11], $0x8000  }
0x71: {  	[sflag:s11] =	ssyncset.done $0x0  }
0x72: {  	[sflag:s11] =	ssyncadd.s32 $0xFFFF8000  }
0x73: {  	_ =	swait.ge [sflag:s12], $0x8000  }
0x74: {  	[sflag:s12] =	ssyncset.done $0x0  }
0x75: {  	[sflag:s12] =	ssyncadd.s32 $0xFFFF8000  }
0x76: {  	[tilespmem:s7], [sflag:$0x1] =	stream.indirect.gather [hbm4b:s5+s6], $0x80, s18, s6, $0xb8;
	[tilespmem:$0x10800] =	vst v63  }
0x77: {  	_ = 	snop  }
0x78: {  	[hbm4b:s19+s2] =	stream.linear.scatter [tilespmem:s9], [sflag:$0x4], $0x8000, $0x38;
	[tilespmem:$0x10800] =	vst v63  }
0x79: {  	_ =	swait.ge [sflag:s8], $0x8000  }
0x7a: {  	[sflag:s8] =	ssyncset.done $0x0  }
0x7b: {  	[sflag:s8] =	ssyncadd.s32 $0xFFFF8000  }
0x7c: {  	_ =	swait.ge [sflag:s15], $0x8000  }
0x7d: {  	[sflag:s15] =	ssyncset.done $0x0  }
0x7e: {  	[sflag:s15] =	ssyncadd.s32 $0xFFFF8000  }
0x7f: {  	[tilespmem:s9], [sflag:$0x2] =	stream.indirect.gather [hbm4b:s5+s6], $0x80, s20, s6, $0xb8;
	[tilespmem:$0x10800] =	vst v63  }
0x80: {  	_ = 	snop  }
0x81: {  	[hbm4b:s21+s2] =	stream.linear.scatter [tilespmem:s7], [sflag:$0x3], $0x8000, $0x38;
	[tilespmem:$0x10800] =	vst v63  }
0x82: {  	_ =	swait.ge [sflag:s11], $0x8000  }
0x83: {  	[sflag:s11] =	ssyncset.done $0x0  }
0x84: {  	[sflag:s11] =	ssyncadd.s32 $0xFFFF8000  }
0x85: {  	_ =	swait.ge [sflag:s12], $0x8000  }
0x86: {  	[sflag:s12] =	ssyncset.done $0x0  }
0x87: {  	[sflag:s12] =	ssyncadd.s32 $0xFFFF8000  }
0x88: {  	[tilespmem:s7], [sflag:$0x1] =	stream.indirect.gather [hbm4b:s5+s6], $0x80, s22, s6, $0xb8;
	[tilespmem:$0x10800] =	vst v63  }
0x89: {  	_ = 	snop  }
0x8a: {  	[hbm4b:s23+s2] =	stream.linear.scatter [tilespmem:s9], [sflag:$0x4], $0x8000, $0x38;
	[tilespmem:$0x10800] =	vst v63  }
0x8b: {  	_ =	swait.ge [sflag:s8], $0x8000  }
0x8c: {  	[sflag:s8] =	ssyncset.done $0x0  }
0x8d: {  	[sflag:s8] =	ssyncadd.s32 $0xFFFF8000  }
0x8e: {  	_ =	swait.ge [sflag:s15], $0x8000  }
0x8f: {  	[sflag:s15] =	ssyncset.done $0x0  }
0x90: {  	[sflag:s15] =	ssyncadd.s32 $0xFFFF8000  }
0x91: {  	[tilespmem:s9], [sflag:$0x2] =	stream.indirect.gather [hbm4b:s5+s6], $0x80, s24, s6, $0xb8;
	[tilespmem:$0x10800] =	vst v63  }
0x92: {  	_ = 	snop  }
0x93: {  	[hbm4b:s25+s2] =	stream.linear.scatter [tilespmem:s7], [sflag:$0x3], $0x8000, $0x38;
	[tilespmem:$0x10800] =	vst v63  }
0x94: {  	_ =	swait.ge [sflag:s11], $0x8000  }
0x95: {  	[sflag:s11] =	ssyncset.done $0x0  }
0x96: {  	[sflag:s11] =	ssyncadd.s32 $0xFFFF8000  }
0x97: {  	[hbm4b:s26+s2] =	stream.linear.scatter [tilespmem:s9], [sflag:$0x4], $0x8000, $0x38;
	[tilespmem:$0x10800] =	vst v63  }
.Ltmp1:
0x98: {  	_ =	swait.ge [sflag:s15], $0x8000;
	(pc) =	sbr.rel @p0 .LBB2_1-.Ltmp1, $4  }
0x99: {  	[sflag:s15] =	ssyncset.done $0x0  }
0x9a: {  	[sflag:s15] =	ssyncadd.s32 $0xFFFF8000  }
0x9b: {  	_ =	swait.ge [sflag:s12], $0x8000  }
0x9c: {  	[sflag:s12] =	ssyncset.done $0x0  }
.LBB2_2:
0x9d: {  	[sflag:s12] =	ssyncadd.s32 $0xFFFF8000  }
0x9e: {  	_ =	sfence.sel $0x180000  }
0x9f: {  	[bflag:$0x0] =	sbarrier.arrive $0xFFFF  }
0xa0: {  	p0 =	sne.s32 s0, $0x0;
	_ =	strace $0x9000004A  }
0xa1: {  	s0 =	sadd.s32 @!p0 $0x100000, s1;
	[bflag:$0x2] =	sbarrier.arrive $0xFFFF  }
0xa2: {  	[sflag:s0] =	ssyncadd.tile.s32 @!p0 $0x1;
	_ =	shalt  }
.Lfunc_end2:
_tile_overlayer_lowered:
.L_overlay_start_2:
0xa3: {  	(tag) =	ssettag $0x2  }
0xa4: {  	s0 =	rddreg [dreg:$0x0];
	s2 =	stileid.u32  }
0xa5: {  	s1 =	rddreg [dreg:$0x1];
	p0 =	sne.s32 s2, $0x0  }
0xa6: {  	s3 =	rddreg [dreg:$0x2];
	[bflag:$0x3] =	sbarrier.arrive $0xFFFF;
	s2 =	simm.s32 @!p0 $0x1C05  }
0xa7: {  	[timem:s3], [sflag:s2] =	dma.local @!p0 [hbm:s0], s1  }
0xa8: {  	s0 =	simm.s32 @!p0 $0x5  }
0xa9: {  	_ =	swait.ge @!p0 [sflag:s0], s1  }
0xaa: {  	s1 =	ssub.s32 @!p0 $0x0, s1;
	[sflag:s0] =	ssyncset.done @!p0 $0x0  }
0xab: {  	[sflag:s0] =	ssyncadd.s32 @!p0 s1  }
0xac: {  	[bflag:$0x3] =	sbarrier.arrive $0xFFFF  }
0xad: {  	_ =	shalt  }

</sc_bundles>
